<compile_context>
chip_gen: v7x
topology: tpu7x:2x2x1
jax: 0.10.2.dev20260603
libtpu: 0.0.44.dev20260713+nightly
codegen_flags: <defaults>
</compile_context>

<pallas_src>
import functools

import jax
import jax.numpy as jnp
from jax import lax
from jax.experimental import pallas as pl
from jax.experimental.pallas import tpu as pltpu
from jax.experimental.pallas import tpu_sc as plsc

NC = 2
NS = 16
NW = NC * NS

S_SEGMENTS = 2048


def _chunk_size(n, cap=128):
    for k in range(cap, 7, -8):
        if n % k == 0:
            return k
    raise ValueError(f"no chunk size for {n}")


def _segment_sum_sc(h, src2, dst2, zeros_nd):
    Nn, D = h.shape
    _, n_chunks, K = src2.shape
    RPS = (Nn // NS) // 8 * 8
    RTAIL = Nn - RPS * NS
    assert RTAIL % 8 == 0

    mesh = plsc.VectorSubcoreMesh(core_axis_name="c", subcore_axis_name="s")

    @functools.partial(
        pl.kernel,
        out_type=jax.ShapeDtypeStruct((NC, Nn, D), jnp.float32),
        mesh=mesh,
        scratch_types=[
            pltpu.VMEM((n_chunks, K), jnp.int32),
            pltpu.VMEM((n_chunks, K), jnp.int32),
            pltpu.VMEM((K, D), jnp.float32),
            pltpu.VMEM_SHARED((Nn, D), jnp.float32),
            pltpu.SemaphoreType.DMA,
        ],
    )
    def k(h_hbm, src_hbm, dst_hbm, z_hbm, out_hbm, src_v, dst_v, rows_a,
          acc_sh, sem_a):
        c = lax.axis_index("c")
        s = lax.axis_index("s")
        wid = s * NC + c
        r0 = s * RPS
        pltpu.sync_copy(src_hbm.at[wid], src_v)
        pltpu.sync_copy(dst_hbm.at[wid], dst_v)
        pltpu.sync_copy(z_hbm.at[pl.ds(r0, RPS)], acc_sh.at[pl.ds(r0, RPS)])
        if RTAIL:
            @pl.when(s == 0)
            def _():
                t0 = RPS * NS
                pltpu.sync_copy(z_hbm.at[pl.ds(t0, RTAIL)],
                                acc_sh.at[pl.ds(t0, RTAIL)])
        plsc.subcore_barrier()

        def body(i, carry):
            pltpu.async_copy(h_hbm.at[src_v.at[i]], rows_a, sem_a).wait()
            pltpu.sync_copy(rows_a, acc_sh.at[dst_v.at[i]], add=True)
            return carry

        lax.fori_loop(0, n_chunks, body, 0)
        plsc.subcore_barrier()
        pltpu.sync_copy(acc_sh.at[pl.ds(r0, RPS)],
                        out_hbm.at[c, pl.ds(r0, RPS)])
        if RTAIL:
            @pl.when(s == 0)
            def _():
                t0 = RPS * NS
                pltpu.sync_copy(acc_sh.at[pl.ds(t0, RTAIL)],
                                out_hbm.at[c, pl.ds(t0, RTAIL)])

    return k(h, src2, dst2, zeros_nd)


def _mlp_tc(h, agg, w1, b1, w2, b2, eps1p):
    Nn, D = h.shape

    def body(h_ref, a_ref, w1_ref, b1_ref, w2_ref, b2_ref, e_ref, o_ref):
        z = h_ref[...] * e_ref[0, 0] + a_ref[0] + a_ref[1]
        z = jnp.dot(z, w1_ref[...], preferred_element_type=jnp.float32)
        z = jnp.maximum(z + b1_ref[...], 0.0)
        z = jnp.dot(z, w2_ref[...], preferred_element_type=jnp.float32)
        o_ref[...] = z + b2_ref[...]

    return pl.pallas_call(
        body,
        out_shape=jax.ShapeDtypeStruct((Nn, D), jnp.float32),
    )(h, agg, w1, b1.reshape(1, -1), w2, b2.reshape(1, -1), eps1p)


def _bn_tc(z2, mu, var, g, be, relu_out):
    Nn, D = z2.shape

    def body(z_ref, mu_ref, var_ref, g_ref, be_ref, o_ref):
        z = (z_ref[...] - mu_ref[...]) / jnp.sqrt(var_ref[...] + 1e-5)
        z = z * g_ref[...] + be_ref[...]
        if relu_out:
            z = jnp.maximum(z, 0.0)
        o_ref[...] = z

    return pl.pallas_call(
        body,
        out_shape=jax.ShapeDtypeStruct((Nn, D), jnp.float32),
    )(z2, mu.reshape(1, -1), var.reshape(1, -1), g.reshape(1, -1),
      be.reshape(1, -1))


def _pool_sc(h, sb, zeros_sd, zeros_s, ones_k):
    Nn, D = h.shape
    S = S_SEGMENTS
    RW = (Nn // NW) // 8 * 8
    KC = _chunk_size(RW)
    TAIL = Nn - RW * NW
    assert TAIL % 8 == 0 and TAIL <= 128 and S % NS == 0
    SR = S // NS

    mesh = plsc.VectorSubcoreMesh(core_axis_name="c", subcore_axis_name="s")

    scratch = [
        pltpu.VMEM((KC,), jnp.int32),
        pltpu.VMEM((KC, D), jnp.float32),
        pltpu.VMEM((KC,), jnp.float32),
        pltpu.VMEM_SHARED((S, D), jnp.float32),
        pltpu.VMEM_SHARED((S,), jnp.float32),
        pltpu.SemaphoreType.DMA,
    ]
    if TAIL:
        scratch += [
            pltpu.VMEM((TAIL,), jnp.int32),
            pltpu.VMEM((TAIL, D), jnp.float32),
            pltpu.VMEM((TAIL,), jnp.float32),
        ]

    @functools.partial(
        pl.kernel,
        out_type=(jax.ShapeDtypeStruct((NC, S, D), jnp.float32),
                  jax.ShapeDtypeStruct((NC, S), jnp.float32)),
        mesh=mesh,
        scratch_types=scratch,
    )
    def k(h_hbm, sb_hbm, zsd_hbm, zs_hbm, ones_hbm, sums_hbm, cnt_hbm,
          idx_v, rows_v, ones_v, sums_sh, cnt_sh, sem, *tail_scratch):
        c = lax.axis_index("c")
        s = lax.axis_index("s")
        wid = s * NC + c
        r0 = s * SR
        pltpu.sync_copy(zsd_hbm.at[pl.ds(r0, SR)], sums_sh.at[pl.ds(r0, SR)])
        pltpu.sync_copy(zs_hbm.at[pl.ds(r0, SR)], cnt_sh.at[pl.ds(r0, SR)])
        pltpu.sync_copy(ones_hbm.at[pl.ds(0, KC)], ones_v)
        plsc.subcore_barrier()
        base = wid * RW
        for j in range(RW // KC):
            off = base + j * KC
            pltpu.sync_copy(sb_hbm.at[pl.ds(off, KC)], idx_v)
            pltpu.sync_copy(h_hbm.at[pl.ds(off, KC)], rows_v)
            pltpu.sync_copy(rows_v, sums_sh.at[idx_v], add=True)
            pltpu.sync_copy(ones_v, cnt_sh.at[idx_v], add=True)
        if TAIL:
            tidx_v, trows_v, tones_v = tail_scratch
            toff = RW * NW

            @pl.when(wid == 0)
            def _():
                pltpu.sync_copy(sb_hbm.at[pl.ds(toff, TAIL)], tidx_v)
                pltpu.sync_copy(h_hbm.at[pl.ds(toff, TAIL)], trows_v)
                pltpu.sync_copy(ones_hbm.at[pl.ds(0, TAIL)], tones_v)
                pltpu.sync_copy(trows_v, sums_sh.at[tidx_v], add=True)
                pltpu.sync_copy(tones_v, cnt_sh.at[tidx_v], add=True)

        plsc.subcore_barrier()
        pltpu.sync_copy(sums_sh.at[pl.ds(r0, SR)],
                        sums_hbm.at[c, pl.ds(r0, SR)])
        pltpu.sync_copy(cnt_sh.at[pl.ds(r0, SR)],
                        cnt_hbm.at[c, pl.ds(r0, SR)])

    return k(h, sb, zeros_sd, zeros_s, ones_k)


def _combine_divide_tc(sums2, cnt2):
    _, S, D = sums2.shape

    def body(s_ref, c_ref, o_ref):
        cnt = jnp.maximum(c_ref[0] + c_ref[1], 1.0)
        o_ref[...] = (s_ref[0] + s_ref[1]) / cnt

    return pl.pallas_call(
        body,
        out_shape=jax.ShapeDtypeStruct((S, D), jnp.float32),
    )(sums2, cnt2)


def kernel(x, edge_index, batch, num_subgraphs, subgraph_batch,
           W1, b1, W2, b2, gamma, beta, eps_gin):
    Nn, D = x.shape
    L = W1.shape[0]
    src = edge_index[0]
    dst = edge_index[1]

    K_REF = 3
    zeros_nd = jnp.zeros((Nn, D), jnp.float32)
    E = src.shape[0]
    EPW = E // NW
    KCH = _chunk_size(EPW)
    src2 = src.reshape(NW, EPW // KCH, KCH)
    dst2 = dst.reshape(NW, EPW // KCH, KCH)
    h = x
    for l in range(L):
        if l < K_REF:
            agg = jax.ops.segment_sum(h[src], dst, num_segments=Nn)
            z = (1.0 + eps_gin[l]) * h + agg
            z = z @ W1[l] + b1[l]
            z = jax.nn.relu(z)
            z = z @ W2[l] + b2[l]
            mu = jnp.mean(z, axis=0)
            var = jnp.var(z, axis=0)
            z = (z - mu) / jnp.sqrt(var + 1e-5) * gamma[l] + beta[l]
            if l != L - 1:
                z = jax.nn.relu(z)
            h = z
        else:
            agg2 = _segment_sum_sc(h, src2, dst2, zeros_nd)
            eps1p = (1.0 + eps_gin[l]).reshape(1, 1)
            z2 = _mlp_tc(h, agg2, W1[l], b1[l], W2[l], b2[l], eps1p)
            mu = jnp.mean(z2, axis=0)
            var = jnp.var(z2, axis=0)
            h = _bn_tc(z2, mu, var, gamma[l], beta[l], relu_out=(l != L - 1))

    S = S_SEGMENTS
    zeros_sd = jnp.zeros((S, D), jnp.float32)
    zeros_s = jnp.zeros((S,), jnp.float32)
    ones_k = jnp.ones((128,), jnp.float32)
    sums2, cnt2 = _pool_sc(h, subgraph_batch, zeros_sd, zeros_s, ones_k)
    return _combine_divide_tc(sums2, cnt2.reshape(NC, S, 1))

# --- scband reference (transcript-rebuilt; emitter-appended) ---
"""Pipeline reference for scband-gnn-9990093931035 (READ-ONLY COPY).

The authoritative reference and input builder live on the scoring server;
editing this copy changes nothing except your own understanding.
"""

import jax, jax.numpy as jnp
import numpy as np

N = 10000   # nodes
E = 320000  # edges
D = 128     # in_dim == emb_dim
L = 5       # num_layer
G = 64      # num graphs in batch
S = 2048    # total number of subgraphs (pool output segments)
DFF = 2 * D # GIN MLP hidden


def setup_inputs(seed: int = 0) -> dict:
    key = jax.random.key(seed)
    ks = jax.random.split(key, 16)
    x = jax.random.normal(ks[0], (N, D), dtype=jnp.float32)
    edge_index = jax.random.randint(ks[1], (2, E), 0, N, dtype=jnp.int32)
    batch = jnp.sort(jax.random.randint(ks[2], (N,), 0, G, dtype=jnp.int32))
    num_subgraphs = jax.random.randint(ks[3], (G,), 0, 32, dtype=jnp.int32)
    subgraph_batch = jnp.sort(jax.random.randint(ks[4], (N,), 0, S, dtype=jnp.int32))
    # learned parameters: per-layer GIN MLP (Linear(D,2D) -> ReLU -> Linear(2D,D)), BN affine, GIN eps
    W1 = jax.random.normal(ks[5], (L, D, DFF), dtype=jnp.float32) * (1.0 / np.sqrt(D))
    b1 = jnp.zeros((L, DFF), dtype=jnp.float32)
    W2 = jax.random.normal(ks[6], (L, DFF, D), dtype=jnp.float32) * (1.0 / np.sqrt(DFF))
    b2 = jnp.zeros((L, D), dtype=jnp.float32)
    gamma = jnp.ones((L, D), dtype=jnp.float32)
    beta = jnp.zeros((L, D), dtype=jnp.float32)
    eps_gin = jnp.zeros((L,), dtype=jnp.float32)
    return {"x": x, "edge_index": edge_index, "batch": batch,
            "num_subgraphs": num_subgraphs, "subgraph_batch": subgraph_batch,
            "W1": W1, "b1": b1, "W2": W2, "b2": b2,
            "gamma": gamma, "beta": beta, "eps_gin": eps_gin}


def reference(x, edge_index, batch, num_subgraphs, subgraph_batch,
              W1, b1, W2, b2, gamma, beta, eps_gin):
    src = edge_index[0]
    dst = edge_index[1]
    # ---- GNN_node: stack of GIN convs (OGB style), eval mode (dropout off) ----
    h = x
    for l in range(L):
        # GINConv: aggregate neighbor messages (scatter-add), then MLP((1+eps)*h + aggr)
        agg = jax.ops.segment_sum(h[src], dst, num_segments=N)
        z = (1.0 + eps_gin[l]) * h + agg
        z = z @ W1[l] + b1[l]
        z = jax.nn.relu(z)
        z = z @ W2[l] + b2[l]
        # BatchNorm1d (batch statistics)
        mu = jnp.mean(z, axis=0)
        var = jnp.var(z, axis=0)
        z = (z - mu) / jnp.sqrt(var + 1e-5) * gamma[l] + beta[l]
        if l != L - 1:
            z = jax.nn.relu(z)
        h = z  # JK == 'last'
    h_node = h
    # ---- subgraph_pool with global_mean_pool ----
    tmp = jnp.concatenate([jnp.zeros((1,), dtype=num_subgraphs.dtype),
                           jnp.cumsum(num_subgraphs)])
    graph_offset = tmp[batch]  # computed as in original code (unused downstream)
    subgraph_idx = subgraph_batch
    sums = jax.ops.segment_sum(h_node, subgraph_idx, num_segments=S)
    counts = jax.ops.segment_sum(jnp.ones((N,), dtype=jnp.float32), subgraph_idx, num_segments=S)
    h_graph = sums / jnp.clip(counts, 1.0)[:, None]
    return h_graph

if __name__ == "__main__":
    import jax
    _d = setup_inputs()
    print(jax.jit(kernel)(*tuple(_d.values())))

</pallas_src>

<mosaic_0001>
#map = affine_map<(d0, d1) -> (0, 0)>
#map1 = affine_map<(d0, d1) -> (0, 0, 0)>
module attributes {stable_mosaic.version = 14 : i64} {
  func.func @k(%arg0: i32, %arg1: i32, %arg2: memref<10000x128xf32, #tpu.memory_space<hbm>>, %arg3: memref<32x125x80xi32, #tpu.memory_space<hbm>>, %arg4: memref<32x125x80xi32, #tpu.memory_space<hbm>>, %arg5: memref<10000x128xf32, #tpu.memory_space<hbm>>, %arg6: memref<2x10000x128xf32, #tpu.memory_space<hbm>>, %arg7: memref<125x80xi32, #tpu.memory_space<vmem>>, %arg8: memref<125x80xi32, #tpu.memory_space<vmem>>, %arg9: memref<80x128xf32, #tpu.memory_space<vmem>>, %arg10: memref<10000x128xf32, #tpu.memory_space<vmem_shared>>, %arg11: memref<!tpu.dma_semaphore, #tpu.memory_space<semaphore_mem>>) attributes {dimension_semantics = [#tpu.dimension_semantics<core_parallel>, #tpu.dimension_semantics<subcore_parallel>], iteration_bounds = array<i64: 2, 16>, scalar_prefetch = 0 : i64, scratch_operands = 5 : i64, tpu.core_type = #tpu.core_type<sc_vector_subcore>, window_params = [{transform_indices = #map}, {transform_indices = #map1}, {transform_indices = #map1}, {transform_indices = #map}, {transform_indices = #map1}]} {
    %mul3A = arith.constant 2 : i32
    %mul3A_0 = arith.muli %arg1, %mul3A : i32
    %add3A = arith.addi %mul3A_0, %arg0 : i32
    %mul3A_1 = arith.constant 624 : i32
    %mul3A_2 = arith.muli %arg1, %mul3A_1 : i32
    "tpu.region"() ({
      %run_scoped3A = tpu.sem_alloc : memref<!tpu.dma_semaphore, #tpu.memory_space<semaphore_mem>>
      %dma_start3A = arith.constant 0 : i32
      %dma_start3A_16 = arith.constant 0 : i32
      %dma_start3A_17 = tpu.memref_slice %arg3[%add3A, %dma_start3A, %dma_start3A_16] : memref<32x125x80xi32, #tpu.memory_space<hbm>> -> memref<1x125x80xi32, #tpu.memory_space<hbm>>
      %dma_start3A_18 = tpu.memref_squeeze %dma_start3A_17 : memref<1x125x80xi32, #tpu.memory_space<hbm>> -> memref<125x80xi32, #tpu.memory_space<hbm>>
      %dma_start3A_19 = arith.constant 0 : i32
      %dma_start3A_20 = arith.constant 0 : i32
      %dma_start3A_21 = tpu.memref_slice %arg3[%add3A, %dma_start3A_19, %dma_start3A_20] : memref<32x125x80xi32, #tpu.memory_space<hbm>> -> memref<1x125x80xi32, #tpu.memory_space<hbm>>
      %dma_start3A_22 = tpu.memref_squeeze %dma_start3A_21 : memref<1x125x80xi32, #tpu.memory_space<hbm>> -> memref<125x80xi32, #tpu.memory_space<hbm>>
      tpu.enqueue_dma source(%dma_start3A_22 : memref<125x80xi32, #tpu.memory_space<hbm>>) target(%arg7 : memref<125x80xi32, #tpu.memory_space<vmem>>) target_semaphore(%run_scoped3A : memref<!tpu.dma_semaphore, #tpu.memory_space<semaphore_mem>>)
      %dma_wait3A = arith.constant 0 : i32
      %dma_wait3A_23 = arith.constant 0 : i32
      %dma_wait3A_24 = tpu.memref_slice %arg3[%add3A, %dma_wait3A, %dma_wait3A_23] : memref<32x125x80xi32, #tpu.memory_space<hbm>> -> memref<1x125x80xi32, #tpu.memory_space<hbm>>
      %dma_wait3A_25 = tpu.memref_squeeze %dma_wait3A_24 : memref<1x125x80xi32, #tpu.memory_space<hbm>> -> memref<125x80xi32, #tpu.memory_space<hbm>>
      %dma_wait3A_26 = arith.constant 0 : i32
      %dma_wait3A_27 = arith.constant 0 : i32
      %dma_wait3A_28 = tpu.memref_slice %arg3[%add3A, %dma_wait3A_26, %dma_wait3A_27] : memref<32x125x80xi32, #tpu.memory_space<hbm>> -> memref<1x125x80xi32, #tpu.memory_space<hbm>>
      %dma_wait3A_29 = tpu.memref_squeeze %dma_wait3A_28 : memref<1x125x80xi32, #tpu.memory_space<hbm>> -> memref<125x80xi32, #tpu.memory_space<hbm>>
      tpu.wait_dma2 semaphore(%run_scoped3A : memref<!tpu.dma_semaphore, #tpu.memory_space<semaphore_mem>>) src(%dma_wait3A_29 : memref<125x80xi32, #tpu.memory_space<hbm>>) dst(%arg7 : memref<125x80xi32, #tpu.memory_space<vmem>>)
      tpu.yield
    }) : () -> ()
    "tpu.region"() ({
      %run_scoped3A = tpu.sem_alloc : memref<!tpu.dma_semaphore, #tpu.memory_space<semaphore_mem>>
      %dma_start3A = arith.constant 0 : i32
      %dma_start3A_16 = arith.constant 0 : i32
      %dma_start3A_17 = tpu.memref_slice %arg4[%add3A, %dma_start3A, %dma_start3A_16] : memref<32x125x80xi32, #tpu.memory_space<hbm>> -> memref<1x125x80xi32, #tpu.memory_space<hbm>>
      %dma_start3A_18 = tpu.memref_squeeze %dma_start3A_17 : memref<1x125x80xi32, #tpu.memory_space<hbm>> -> memref<125x80xi32, #tpu.memory_space<hbm>>
      %dma_start3A_19 = arith.constant 0 : i32
      %dma_start3A_20 = arith.constant 0 : i32
      %dma_start3A_21 = tpu.memref_slice %arg4[%add3A, %dma_start3A_19, %dma_start3A_20] : memref<32x125x80xi32, #tpu.memory_space<hbm>> -> memref<1x125x80xi32, #tpu.memory_space<hbm>>
      %dma_start3A_22 = tpu.memref_squeeze %dma_start3A_21 : memref<1x125x80xi32, #tpu.memory_space<hbm>> -> memref<125x80xi32, #tpu.memory_space<hbm>>
      tpu.enqueue_dma source(%dma_start3A_22 : memref<125x80xi32, #tpu.memory_space<hbm>>) target(%arg8 : memref<125x80xi32, #tpu.memory_space<vmem>>) target_semaphore(%run_scoped3A : memref<!tpu.dma_semaphore, #tpu.memory_space<semaphore_mem>>)
      %dma_wait3A = arith.constant 0 : i32
      %dma_wait3A_23 = arith.constant 0 : i32
      %dma_wait3A_24 = tpu.memref_slice %arg4[%add3A, %dma_wait3A, %dma_wait3A_23] : memref<32x125x80xi32, #tpu.memory_space<hbm>> -> memref<1x125x80xi32, #tpu.memory_space<hbm>>
      %dma_wait3A_25 = tpu.memref_squeeze %dma_wait3A_24 : memref<1x125x80xi32, #tpu.memory_space<hbm>> -> memref<125x80xi32, #tpu.memory_space<hbm>>
      %dma_wait3A_26 = arith.constant 0 : i32
      %dma_wait3A_27 = arith.constant 0 : i32
      %dma_wait3A_28 = tpu.memref_slice %arg4[%add3A, %dma_wait3A_26, %dma_wait3A_27] : memref<32x125x80xi32, #tpu.memory_space<hbm>> -> memref<1x125x80xi32, #tpu.memory_space<hbm>>
      %dma_wait3A_29 = tpu.memref_squeeze %dma_wait3A_28 : memref<1x125x80xi32, #tpu.memory_space<hbm>> -> memref<125x80xi32, #tpu.memory_space<hbm>>
      tpu.wait_dma2 semaphore(%run_scoped3A : memref<!tpu.dma_semaphore, #tpu.memory_space<semaphore_mem>>) src(%dma_wait3A_29 : memref<125x80xi32, #tpu.memory_space<hbm>>) dst(%arg8 : memref<125x80xi32, #tpu.memory_space<vmem>>)
      tpu.yield
    }) : () -> ()
    "tpu.region"() ({
      %run_scoped3A = tpu.sem_alloc : memref<!tpu.dma_semaphore, #tpu.memory_space<semaphore_mem>>
      %dma_start3A = arith.constant 0 : i32
      %dma_start3A_16 = tpu.memref_slice %arg10[%mul3A_2, %dma_start3A] : memref<10000x128xf32, #tpu.memory_space<vmem_shared>> -> memref<624x128xf32, #tpu.memory_space<vmem_shared>>
      %dma_start3A_17 = arith.constant 0 : i32
      %dma_start3A_18 = tpu.memref_slice %arg5[%mul3A_2, %dma_start3A_17] : memref<10000x128xf32, #tpu.memory_space<hbm>> -> memref<624x128xf32, #tpu.memory_space<hbm>>
      tpu.enqueue_dma source(%dma_start3A_18 : memref<624x128xf32, #tpu.memory_space<hbm>>) target(%dma_start3A_16 : memref<624x128xf32, #tpu.memory_space<vmem_shared>>) target_semaphore(%run_scoped3A : memref<!tpu.dma_semaphore, #tpu.memory_space<semaphore_mem>>)
      %dma_wait3A = arith.constant 0 : i32
      %dma_wait3A_19 = tpu.memref_slice %arg10[%mul3A_2, %dma_wait3A] : memref<10000x128xf32, #tpu.memory_space<vmem_shared>> -> memref<624x128xf32, #tpu.memory_space<vmem_shared>>
      %dma_wait3A_20 = arith.constant 0 : i32
      %dma_wait3A_21 = tpu.memref_slice %arg5[%mul3A_2, %dma_wait3A_20] : memref<10000x128xf32, #tpu.memory_space<hbm>> -> memref<624x128xf32, #tpu.memory_space<hbm>>
      tpu.wait_dma2 semaphore(%run_scoped3A : memref<!tpu.dma_semaphore, #tpu.memory_space<semaphore_mem>>) src(%dma_wait3A_21 : memref<624x128xf32, #tpu.memory_space<hbm>>) dst(%dma_wait3A_19 : memref<624x128xf32, #tpu.memory_space<vmem_shared>>)
      tpu.yield
    }) : () -> ()
    %eq3A = arith.constant 0 : i32
    %eq3A_3 = arith.cmpi eq, %arg1, %eq3A : i32
    %convert_element_type3A = arith.extui %eq3A_3 : i1 to i32
    %cond3A = arith.constant 0 : i32
    %cond3A_4 = arith.cmpi ne, %convert_element_type3A, %cond3A : i32
    scf.if %cond3A_4 {
      "tpu.region"() ({
        %run_scoped3A = tpu.sem_alloc : memref<!tpu.dma_semaphore, #tpu.memory_space<semaphore_mem>>
        %dma_start3A = arith.constant 9984 : i32
        %dma_start3A_16 = arith.constant 0 : i32
        %dma_start3A_17 = tpu.memref_slice %arg10[%dma_start3A, %dma_start3A_16] : memref<10000x128xf32, #tpu.memory_space<vmem_shared>> -> memref<16x128xf32, #tpu.memory_space<vmem_shared>>
        %dma_start3A_18 = arith.constant 9984 : i32
        %dma_start3A_19 = arith.constant 0 : i32
        %dma_start3A_20 = tpu.memref_slice %arg5[%dma_start3A_18, %dma_start3A_19] : memref<10000x128xf32, #tpu.memory_space<hbm>> -> memref<16x128xf32, #tpu.memory_space<hbm>>
        tpu.enqueue_dma source(%dma_start3A_20 : memref<16x128xf32, #tpu.memory_space<hbm>>) target(%dma_start3A_17 : memref<16x128xf32, #tpu.memory_space<vmem_shared>>) target_semaphore(%run_scoped3A : memref<!tpu.dma_semaphore, #tpu.memory_space<semaphore_mem>>)
        %dma_wait3A = arith.constant 9984 : i32
        %dma_wait3A_21 = arith.constant 0 : i32
        %dma_wait3A_22 = tpu.memref_slice %arg10[%dma_wait3A, %dma_wait3A_21] : memref<10000x128xf32, #tpu.memory_space<vmem_shared>> -> memref<16x128xf32, #tpu.memory_space<vmem_shared>>
        %dma_wait3A_23 = arith.constant 9984 : i32
        %dma_wait3A_24 = arith.constant 0 : i32
        %dma_wait3A_25 = tpu.memref_slice %arg5[%dma_wait3A_23, %dma_wait3A_24] : memref<10000x128xf32, #tpu.memory_space<hbm>> -> memref<16x128xf32, #tpu.memory_space<hbm>>
        tpu.wait_dma2 semaphore(%run_scoped3A : memref<!tpu.dma_semaphore, #tpu.memory_space<semaphore_mem>>) src(%dma_wait3A_25 : memref<16x128xf32, #tpu.memory_space<hbm>>) dst(%dma_wait3A_22 : memref<16x128xf32, #tpu.memory_space<vmem_shared>>)
        tpu.yield
      }) : () -> ()
    } else {
    }
    %barrier3A = arith.constant 0 : index
    tpu.barrier barrier_id(%barrier3A)
    %scan3A = arith.constant 0 : i32
    %scan3A_5 = arith.constant 0 : i32
    %scan3A_6 = arith.constant 125 : i32
    %scan3A_7 = arith.addi %scan3A_5, %scan3A_6 : i32
    %scan3A_8 = arith.constant 1 : i32
    scf.for %scan3A_16 = %scan3A_5 to %scan3A_7 step %scan3A_8  : i32 {
      %dma_start3A = arith.constant 0 : i32
      %dma_start3A_17 = tpu.memref_slice %arg7[%scan3A_16, %dma_start3A] : memref<125x80xi32, #tpu.memory_space<vmem>> -> memref<1x80xi32, #tpu.memory_space<vmem>>
      %dma_start3A_18 = tpu.memref_squeeze %dma_start3A_17 : memref<1x80xi32, #tpu.memory_space<vmem>> -> memref<80xi32, #tpu.memory_space<vmem>>
      %dma_start3A_19 = arith.constant 0 : i32
      %dma_start3A_20 = arith.constant 0 : i32
      %dma_start3A_21 = tpu.memref_slice %arg2[%dma_start3A_19, %dma_start3A_20] : memref<10000x128xf32, #tpu.memory_space<hbm>> -> memref<10000x128xf32, #tpu.memory_space<hbm>>
      tpu.enqueue_indirect_dma source(%dma_start3A_21 : memref<10000x128xf32, #tpu.memory_space<hbm>>) target(%arg9 : memref<80x128xf32, #tpu.memory_space<vmem>>) offsets(%dma_start3A_18 : memref<80xi32, #tpu.memory_space<vmem>>) semaphore(%arg11 : memref<!tpu.dma_semaphore, #tpu.memory_space<semaphore_mem>>)
      %dma_wait3A = arith.constant 0 : i32
      %dma_wait3A_22 = tpu.memref_slice %arg7[%scan3A_16, %dma_wait3A] : memref<125x80xi32, #tpu.memory_space<vmem>> -> memref<1x80xi32, #tpu.memory_space<vmem>>
      %dma_wait3A_23 = tpu.memref_squeeze %dma_wait3A_22 : memref<1x80xi32, #tpu.memory_space<vmem>> -> memref<80xi32, #tpu.memory_space<vmem>>
      %dma_wait3A_24 = arith.constant 0 : i32
      %dma_wait3A_25 = arith.constant 0 : i32
      %dma_wait3A_26 = tpu.memref_slice %arg2[%dma_wait3A_24, %dma_wait3A_25] : memref<10000x128xf32, #tpu.memory_space<hbm>> -> memref<10000x128xf32, #tpu.memory_space<hbm>>
      tpu.wait_indirect_dma semaphore(%arg11 : memref<!tpu.dma_semaphore, #tpu.memory_space<semaphore_mem>>) src(%dma_wait3A_26 : memref<10000x128xf32, #tpu.memory_space<hbm>>) dst(%arg9 : memref<80x128xf32, #tpu.memory_space<vmem>>)
      "tpu.region"() ({
        %run_scoped3A = tpu.sem_alloc : memref<!tpu.dma_semaphore, #tpu.memory_space<semaphore_mem>>
        %dma_start3A_27 = arith.constant 0 : i32
        %dma_start3A_28 = tpu.memref_slice %arg8[%scan3A_16, %dma_start3A_27] : memref<125x80xi32, #tpu.memory_space<vmem>> -> memref<1x80xi32, #tpu.memory_space<vmem>>
        %dma_start3A_29 = tpu.memref_squeeze %dma_start3A_28 : memref<1x80xi32, #tpu.memory_space<vmem>> -> memref<80xi32, #tpu.memory_space<vmem>>
        %dma_start3A_30 = arith.constant 0 : i32
        %dma_start3A_31 = arith.constant 0 : i32
        %dma_start3A_32 = tpu.memref_slice %arg10[%dma_start3A_30, %dma_start3A_31] : memref<10000x128xf32, #tpu.memory_space<vmem_shared>> -> memref<10000x128xf32, #tpu.memory_space<vmem_shared>>
        tpu.enqueue_indirect_dma source(%arg9 : memref<80x128xf32, #tpu.memory_space<vmem>>) target(%dma_start3A_32 : memref<10000x128xf32, #tpu.memory_space<vmem_shared>>) offsets(%dma_start3A_29 : memref<80xi32, #tpu.memory_space<vmem>>) semaphore(%run_scoped3A : memref<!tpu.dma_semaphore, #tpu.memory_space<semaphore_mem>>) {add = true}
        %dma_wait3A_33 = arith.constant 0 : i32
        %dma_wait3A_34 = tpu.memref_slice %arg8[%scan3A_16, %dma_wait3A_33] : memref<125x80xi32, #tpu.memory_space<vmem>> -> memref<1x80xi32, #tpu.memory_space<vmem>>
        %dma_wait3A_35 = tpu.memref_squeeze %dma_wait3A_34 : memref<1x80xi32, #tpu.memory_space<vmem>> -> memref<80xi32, #tpu.memory_space<vmem>>
        %dma_wait3A_36 = arith.constant 0 : i32
        %dma_wait3A_37 = arith.constant 0 : i32
        %dma_wait3A_38 = tpu.memref_slice %arg10[%dma_wait3A_36, %dma_wait3A_37] : memref<10000x128xf32, #tpu.memory_space<vmem_shared>> -> memref<10000x128xf32, #tpu.memory_space<vmem_shared>>
        tpu.wait_indirect_dma semaphore(%run_scoped3A : memref<!tpu.dma_semaphore, #tpu.memory_space<semaphore_mem>>) src(%arg9 : memref<80x128xf32, #tpu.memory_space<vmem>>) dst(%dma_wait3A_38 : memref<10000x128xf32, #tpu.memory_space<vmem_shared>>)
        tpu.yield
      }) : () -> ()
    }
    %scan3A_9 = arith.constant 125 : i32
    %barrier3A_10 = arith.constant 0 : index
    tpu.barrier barrier_id(%barrier3A_10)
    "tpu.region"() ({
      %run_scoped3A = tpu.sem_alloc : memref<!tpu.dma_semaphore, #tpu.memory_space<semaphore_mem>>
      %dma_start3A = arith.constant 0 : i32
      %dma_start3A_16 = tpu.memref_slice %arg6[%arg0, %mul3A_2, %dma_start3A] : memref<2x10000x128xf32, #tpu.memory_space<hbm>> -> memref<1x624x128xf32, #tpu.memory_space<hbm>>
      %dma_start3A_17 = tpu.memref_squeeze %dma_start3A_16 : memref<1x624x128xf32, #tpu.memory_space<hbm>> -> memref<624x128xf32, #tpu.memory_space<hbm>>
      %dma_start3A_18 = arith.constant 0 : i32
      %dma_start3A_19 = tpu.memref_slice %arg10[%mul3A_2, %dma_start3A_18] : memref<10000x128xf32, #tpu.memory_space<vmem_shared>> -> memref<624x128xf32, #tpu.memory_space<vmem_shared>>
      tpu.enqueue_dma source(%dma_start3A_19 : memref<624x128xf32, #tpu.memory_space<vmem_shared>>) target(%dma_start3A_17 : memref<624x128xf32, #tpu.memory_space<hbm>>) target_semaphore(%run_scoped3A : memref<!tpu.dma_semaphore, #tpu.memory_space<semaphore_mem>>)
      %dma_wait3A = arith.constant 0 : i32
      %dma_wait3A_20 = tpu.memref_slice %arg6[%arg0, %mul3A_2, %dma_wait3A] : memref<2x10000x128xf32, #tpu.memory_space<hbm>> -> memref<1x624x128xf32, #tpu.memory_space<hbm>>
      %dma_wait3A_21 = tpu.memref_squeeze %dma_wait3A_20 : memref<1x624x128xf32, #tpu.memory_space<hbm>> -> memref<624x128xf32, #tpu.memory_space<hbm>>
      %dma_wait3A_22 = arith.constant 0 : i32
      %dma_wait3A_23 = tpu.memref_slice %arg10[%mul3A_2, %dma_wait3A_22] : memref<10000x128xf32, #tpu.memory_space<vmem_shared>> -> memref<624x128xf32, #tpu.memory_space<vmem_shared>>
      tpu.wait_dma2 semaphore(%run_scoped3A : memref<!tpu.dma_semaphore, #tpu.memory_space<semaphore_mem>>) src(%dma_wait3A_23 : memref<624x128xf32, #tpu.memory_space<vmem_shared>>) dst(%dma_wait3A_21 : memref<624x128xf32, #tpu.memory_space<hbm>>)
      tpu.yield
    }) : () -> ()
    %eq3A_11 = arith.constant 0 : i32
    %eq3A_12 = arith.cmpi eq, %arg1, %eq3A_11 : i32
    %convert_element_type3A_13 = arith.extui %eq3A_12 : i1 to i32
    %cond3A_14 = arith.constant 0 : i32
    %cond3A_15 = arith.cmpi ne, %convert_element_type3A_13, %cond3A_14 : i32
    scf.if %cond3A_15 {
      "tpu.region"() ({
        %run_scoped3A = tpu.sem_alloc : memref<!tpu.dma_semaphore, #tpu.memory_space<semaphore_mem>>
        %dma_start3A = arith.constant 9984 : i32
        %dma_start3A_16 = arith.constant 0 : i32
        %dma_start3A_17 = tpu.memref_slice %arg6[%arg0, %dma_start3A, %dma_start3A_16] : memref<2x10000x128xf32, #tpu.memory_space<hbm>> -> memref<1x16x128xf32, #tpu.memory_space<hbm>>
        %dma_start3A_18 = tpu.memref_squeeze %dma_start3A_17 : memref<1x16x128xf32, #tpu.memory_space<hbm>> -> memref<16x128xf32, #tpu.memory_space<hbm>>
        %dma_start3A_19 = arith.constant 9984 : i32
        %dma_start3A_20 = arith.constant 0 : i32
        %dma_start3A_21 = tpu.memref_slice %arg10[%dma_start3A_19, %dma_start3A_20] : memref<10000x128xf32, #tpu.memory_space<vmem_shared>> -> memref<16x128xf32, #tpu.memory_space<vmem_shared>>
        tpu.enqueue_dma source(%dma_start3A_21 : memref<16x128xf32, #tpu.memory_space<vmem_shared>>) target(%dma_start3A_18 : memref<16x128xf32, #tpu.memory_space<hbm>>) target_semaphore(%run_scoped3A : memref<!tpu.dma_semaphore, #tpu.memory_space<semaphore_mem>>)
        %dma_wait3A = arith.constant 9984 : i32
        %dma_wait3A_22 = arith.constant 0 : i32
        %dma_wait3A_23 = tpu.memref_slice %arg6[%arg0, %dma_wait3A, %dma_wait3A_22] : memref<2x10000x128xf32, #tpu.memory_space<hbm>> -> memref<1x16x128xf32, #tpu.memory_space<hbm>>
        %dma_wait3A_24 = tpu.memref_squeeze %dma_wait3A_23 : memref<1x16x128xf32, #tpu.memory_space<hbm>> -> memref<16x128xf32, #tpu.memory_space<hbm>>
        %dma_wait3A_25 = arith.constant 9984 : i32
        %dma_wait3A_26 = arith.constant 0 : i32
        %dma_wait3A_27 = tpu.memref_slice %arg10[%dma_wait3A_25, %dma_wait3A_26] : memref<10000x128xf32, #tpu.memory_space<vmem_shared>> -> memref<16x128xf32, #tpu.memory_space<vmem_shared>>
        tpu.wait_dma2 semaphore(%run_scoped3A : memref<!tpu.dma_semaphore, #tpu.memory_space<semaphore_mem>>) src(%dma_wait3A_27 : memref<16x128xf32, #tpu.memory_space<vmem_shared>>) dst(%dma_wait3A_24 : memref<16x128xf32, #tpu.memory_space<hbm>>)
        tpu.yield
      }) : () -> ()
    } else {
    }
    return
  }
}

#map = affine_map<(d0, d1) -> (0, 0)>
#map1 = affine_map<(d0, d1) -> (0, 0, 0)>
module attributes {stable_mosaic.version = 14 : i64} {
  func.func @k(%arg0: i32, %arg1: i32, %arg2: memref<10000x128xf32, #tpu.memory_space<hbm>>, %arg3: memref<32x125x80xi32, #tpu.memory_space<hbm>>, %arg4: memref<32x125x80xi32, #tpu.memory_space<hbm>>, %arg5: memref<10000x128xf32, #tpu.memory_space<hbm>>, %arg6: memref<2x10000x128xf32, #tpu.memory_space<hbm>>, %arg7: memref<125x80xi32, #tpu.memory_space<vmem>>, %arg8: memref<125x80xi32, #tpu.memory_space<vmem>>, %arg9: memref<80x128xf32, #tpu.memory_space<vmem>>, %arg10: memref<10000x128xf32, #tpu.memory_space<vmem_shared>>, %arg11: memref<!tpu.dma_semaphore, #tpu.memory_space<semaphore_mem>>) attributes {dimension_semantics = [#tpu.dimension_semantics<core_parallel>, #tpu.dimension_semantics<subcore_parallel>], iteration_bounds = array<i64: 2, 16>, scalar_prefetch = 0 : i64, scratch_operands = 5 : i64, tpu.core_type = #tpu.core_type<sc_vector_subcore>, window_params = [{transform_indices = #map}, {transform_indices = #map1}, {transform_indices = #map1}, {transform_indices = #map}, {transform_indices = #map1}]} {
    %mul3A = arith.constant 2 : i32
    %mul3A_0 = arith.muli %arg1, %mul3A : i32
    %add3A = arith.addi %mul3A_0, %arg0 : i32
    %mul3A_1 = arith.constant 624 : i32
    %mul3A_2 = arith.muli %arg1, %mul3A_1 : i32
    "tpu.region"() ({
      %run_scoped3A = tpu.sem_alloc : memref<!tpu.dma_semaphore, #tpu.memory_space<semaphore_mem>>
      %dma_start3A = arith.constant 0 : i32
      %dma_start3A_16 = arith.constant 0 : i32
      %dma_start3A_17 = tpu.memref_slice %arg3[%add3A, %dma_start3A, %dma_start3A_16] : memref<32x125x80xi32, #tpu.memory_space<hbm>> -> memref<1x125x80xi32, #tpu.memory_space<hbm>>
      %dma_start3A_18 = tpu.memref_squeeze %dma_start3A_17 : memref<1x125x80xi32, #tpu.memory_space<hbm>> -> memref<125x80xi32, #tpu.memory_space<hbm>>
      %dma_start3A_19 = arith.constant 0 : i32
      %dma_start3A_20 = arith.constant 0 : i32
      %dma_start3A_21 = tpu.memref_slice %arg3[%add3A, %dma_start3A_19, %dma_start3A_20] : memref<32x125x80xi32, #tpu.memory_space<hbm>> -> memref<1x125x80xi32, #tpu.memory_space<hbm>>
      %dma_start3A_22 = tpu.memref_squeeze %dma_start3A_21 : memref<1x125x80xi32, #tpu.memory_space<hbm>> -> memref<125x80xi32, #tpu.memory_space<hbm>>
      tpu.enqueue_dma source(%dma_start3A_22 : memref<125x80xi32, #tpu.memory_space<hbm>>) target(%arg7 : memref<125x80xi32, #tpu.memory_space<vmem>>) target_semaphore(%run_scoped3A : memref<!tpu.dma_semaphore, #tpu.memory_space<semaphore_mem>>)
      %dma_wait3A = arith.constant 0 : i32
      %dma_wait3A_23 = arith.constant 0 : i32
      %dma_wait3A_24 = tpu.memref_slice %arg3[%add3A, %dma_wait3A, %dma_wait3A_23] : memref<32x125x80xi32, #tpu.memory_space<hbm>> -> memref<1x125x80xi32, #tpu.memory_space<hbm>>
      %dma_wait3A_25 = tpu.memref_squeeze %dma_wait3A_24 : memref<1x125x80xi32, #tpu.memory_space<hbm>> -> memref<125x80xi32, #tpu.memory_space<hbm>>
      %dma_wait3A_26 = arith.constant 0 : i32
      %dma_wait3A_27 = arith.constant 0 : i32
      %dma_wait3A_28 = tpu.memref_slice %arg3[%add3A, %dma_wait3A_26, %dma_wait3A_27] : memref<32x125x80xi32, #tpu.memory_space<hbm>> -> memref<1x125x80xi32, #tpu.memory_space<hbm>>
      %dma_wait3A_29 = tpu.memref_squeeze %dma_wait3A_28 : memref<1x125x80xi32, #tpu.memory_space<hbm>> -> memref<125x80xi32, #tpu.memory_space<hbm>>
      tpu.wait_dma2 semaphore(%run_scoped3A : memref<!tpu.dma_semaphore, #tpu.memory_space<semaphore_mem>>) src(%dma_wait3A_29 : memref<125x80xi32, #tpu.memory_space<hbm>>) dst(%arg7 : memref<125x80xi32, #tpu.memory_space<vmem>>)
      tpu.yield
    }) : () -> ()
    "tpu.region"() ({
      %run_scoped3A = tpu.sem_alloc : memref<!tpu.dma_semaphore, #tpu.memory_space<semaphore_mem>>
      %dma_start3A = arith.constant 0 : i32
      %dma_start3A_16 = arith.constant 0 : i32
      %dma_start3A_17 = tpu.memref_slice %arg4[%add3A, %dma_start3A, %dma_start3A_16] : memref<32x125x80xi32, #tpu.memory_space<hbm>> -> memref<1x125x80xi32, #tpu.memory_space<hbm>>
      %dma_start3A_18 = tpu.memref_squeeze %dma_start3A_17 : memref<1x125x80xi32, #tpu.memory_space<hbm>> -> memref<125x80xi32, #tpu.memory_space<hbm>>
      %dma_start3A_19 = arith.constant 0 : i32
      %dma_start3A_20 = arith.constant 0 : i32
      %dma_start3A_21 = tpu.memref_slice %arg4[%add3A, %dma_start3A_19, %dma_start3A_20] : memref<32x125x80xi32, #tpu.memory_space<hbm>> -> memref<1x125x80xi32, #tpu.memory_space<hbm>>
      %dma_start3A_22 = tpu.memref_squeeze %dma_start3A_21 : memref<1x125x80xi32, #tpu.memory_space<hbm>> -> memref<125x80xi32, #tpu.memory_space<hbm>>
      tpu.enqueue_dma source(%dma_start3A_22 : memref<125x80xi32, #tpu.memory_space<hbm>>) target(%arg8 : memref<125x80xi32, #tpu.memory_space<vmem>>) target_semaphore(%run_scoped3A : memref<!tpu.dma_semaphore, #tpu.memory_space<semaphore_mem>>)
      %dma_wait3A = arith.constant 0 : i32
      %dma_wait3A_23 = arith.constant 0 : i32
      %dma_wait3A_24 = tpu.memref_slice %arg4[%add3A, %dma_wait3A, %dma_wait3A_23] : memref<32x125x80xi32, #tpu.memory_space<hbm>> -> memref<1x125x80xi32, #tpu.memory_space<hbm>>
      %dma_wait3A_25 = tpu.memref_squeeze %dma_wait3A_24 : memref<1x125x80xi32, #tpu.memory_space<hbm>> -> memref<125x80xi32, #tpu.memory_space<hbm>>
      %dma_wait3A_26 = arith.constant 0 : i32
      %dma_wait3A_27 = arith.constant 0 : i32
      %dma_wait3A_28 = tpu.memref_slice %arg4[%add3A, %dma_wait3A_26, %dma_wait3A_27] : memref<32x125x80xi32, #tpu.memory_space<hbm>> -> memref<1x125x80xi32, #tpu.memory_space<hbm>>
      %dma_wait3A_29 = tpu.memref_squeeze %dma_wait3A_28 : memref<1x125x80xi32, #tpu.memory_space<hbm>> -> memref<125x80xi32, #tpu.memory_space<hbm>>
      tpu.wait_dma2 semaphore(%run_scoped3A : memref<!tpu.dma_semaphore, #tpu.memory_space<semaphore_mem>>) src(%dma_wait3A_29 : memref<125x80xi32, #tpu.memory_space<hbm>>) dst(%arg8 : memref<125x80xi32, #tpu.memory_space<vmem>>)
      tpu.yield
    }) : () -> ()
    "tpu.region"() ({
      %run_scoped3A = tpu.sem_alloc : memref<!tpu.dma_semaphore, #tpu.memory_space<semaphore_mem>>
      %dma_start3A = arith.constant 0 : i32
      %dma_start3A_16 = tpu.memref_slice %arg10[%mul3A_2, %dma_start3A] : memref<10000x128xf32, #tpu.memory_space<vmem_shared>> -> memref<624x128xf32, #tpu.memory_space<vmem_shared>>
      %dma_start3A_17 = arith.constant 0 : i32
      %dma_start3A_18 = tpu.memref_slice %arg5[%mul3A_2, %dma_start3A_17] : memref<10000x128xf32, #tpu.memory_space<hbm>> -> memref<624x128xf32, #tpu.memory_space<hbm>>
      tpu.enqueue_dma source(%dma_start3A_18 : memref<624x128xf32, #tpu.memory_space<hbm>>) target(%dma_start3A_16 : memref<624x128xf32, #tpu.memory_space<vmem_shared>>) target_semaphore(%run_scoped3A : memref<!tpu.dma_semaphore, #tpu.memory_space<semaphore_mem>>)
      %dma_wait3A = arith.constant 0 : i32
      %dma_wait3A_19 = tpu.memref_slice %arg10[%mul3A_2, %dma_wait3A] : memref<10000x128xf32, #tpu.memory_space<vmem_shared>> -> memref<624x128xf32, #tpu.memory_space<vmem_shared>>
      %dma_wait3A_20 = arith.constant 0 : i32
      %dma_wait3A_21 = tpu.memref_slice %arg5[%mul3A_2, %dma_wait3A_20] : memref<10000x128xf32, #tpu.memory_space<hbm>> -> memref<624x128xf32, #tpu.memory_space<hbm>>
      tpu.wait_dma2 semaphore(%run_scoped3A : memref<!tpu.dma_semaphore, #tpu.memory_space<semaphore_mem>>) src(%dma_wait3A_21 : memref<624x128xf32, #tpu.memory_space<hbm>>) dst(%dma_wait3A_19 : memref<624x128xf32, #tpu.memory_space<vmem_shared>>)
      tpu.yield
    }) : () -> ()
    %eq3A = arith.constant 0 : i32
    %eq3A_3 = arith.cmpi eq, %arg1, %eq3A : i32
    %convert_element_type3A = arith.extui %eq3A_3 : i1 to i32
    %cond3A = arith.constant 0 : i32
    %cond3A_4 = arith.cmpi ne, %convert_element_type3A, %cond3A : i32
    scf.if %cond3A_4 {
      "tpu.region"() ({
        %run_scoped3A = tpu.sem_alloc : memref<!tpu.dma_semaphore, #tpu.memory_space<semaphore_mem>>
        %dma_start3A = arith.constant 9984 : i32
        %dma_start3A_16 = arith.constant 0 : i32
        %dma_start3A_17 = tpu.memref_slice %arg10[%dma_start3A, %dma_start3A_16] : memref<10000x128xf32, #tpu.memory_space<vmem_shared>> -> memref<16x128xf32, #tpu.memory_space<vmem_shared>>
        %dma_start3A_18 = arith.constant 9984 : i32
        %dma_start3A_19 = arith.constant 0 : i32
        %dma_start3A_20 = tpu.memref_slice %arg5[%dma_start3A_18, %dma_start3A_19] : memref<10000x128xf32, #tpu.memory_space<hbm>> -> memref<16x128xf32, #tpu.memory_space<hbm>>
        tpu.enqueue_dma source(%dma_start3A_20 : memref<16x128xf32, #tpu.memory_space<hbm>>) target(%dma_start3A_17 : memref<16x128xf32, #tpu.memory_space<vmem_shared>>) target_semaphore(%run_scoped3A : memref<!tpu.dma_semaphore, #tpu.memory_space<semaphore_mem>>)
        %dma_wait3A = arith.constant 9984 : i32
        %dma_wait3A_21 = arith.constant 0 : i32
        %dma_wait3A_22 = tpu.memref_slice %arg10[%dma_wait3A, %dma_wait3A_21] : memref<10000x128xf32, #tpu.memory_space<vmem_shared>> -> memref<16x128xf32, #tpu.memory_space<vmem_shared>>
        %dma_wait3A_23 = arith.constant 9984 : i32
        %dma_wait3A_24 = arith.constant 0 : i32
        %dma_wait3A_25 = tpu.memref_slice %arg5[%dma_wait3A_23, %dma_wait3A_24] : memref<10000x128xf32, #tpu.memory_space<hbm>> -> memref<16x128xf32, #tpu.memory_space<hbm>>
        tpu.wait_dma2 semaphore(%run_scoped3A : memref<!tpu.dma_semaphore, #tpu.memory_space<semaphore_mem>>) src(%dma_wait3A_25 : memref<16x128xf32, #tpu.memory_space<hbm>>) dst(%dma_wait3A_22 : memref<16x128xf32, #tpu.memory_space<vmem_shared>>)
        tpu.yield
      }) : () -> ()
    } else {
    }
    %barrier3A = arith.constant 0 : index
    tpu.barrier barrier_id(%barrier3A)
    %scan3A = arith.constant 0 : i32
    %scan3A_5 = arith.constant 0 : i32
    %scan3A_6 = arith.constant 125 : i32
    %scan3A_7 = arith.addi %scan3A_5, %scan3A_6 : i32
    %scan3A_8 = arith.constant 1 : i32
    scf.for %scan3A_16 = %scan3A_5 to %scan3A_7 step %scan3A_8  : i32 {
      %dma_start3A = arith.constant 0 : i32
      %dma_start3A_17 = tpu.memref_slice %arg7[%scan3A_16, %dma_start3A] : memref<125x80xi32, #tpu.memory_space<vmem>> -> memref<1x80xi32, #tpu.memory_space<vmem>>
      %dma_start3A_18 = tpu.memref_squeeze %dma_start3A_17 : memref<1x80xi32, #tpu.memory_space<vmem>> -> memref<80xi32, #tpu.memory_space<vmem>>
      %dma_start3A_19 = arith.constant 0 : i32
      %dma_start3A_20 = arith.constant 0 : i32
      %dma_start3A_21 = tpu.memref_slice %arg2[%dma_start3A_19, %dma_start3A_20] : memref<10000x128xf32, #tpu.memory_space<hbm>> -> memref<10000x128xf32, #tpu.memory_space<hbm>>
      tpu.enqueue_indirect_dma source(%dma_start3A_21 : memref<10000x128xf32, #tpu.memory_space<hbm>>) target(%arg9 : memref<80x128xf32, #tpu.memory_space<vmem>>) offsets(%dma_start3A_18 : memref<80xi32, #tpu.memory_space<vmem>>) semaphore(%arg11 : memref<!tpu.dma_semaphore, #tpu.memory_space<semaphore_mem>>)
      %dma_wait3A = arith.constant 0 : i32
      %dma_wait3A_22 = tpu.memref_slice %arg7[%scan3A_16, %dma_wait3A] : memref<125x80xi32, #tpu.memory_space<vmem>> -> memref<1x80xi32, #tpu.memory_space<vmem>>
      %dma_wait3A_23 = tpu.memref_squeeze %dma_wait3A_22 : memref<1x80xi32, #tpu.memory_space<vmem>> -> memref<80xi32, #tpu.memory_space<vmem>>
      %dma_wait3A_24 = arith.constant 0 : i32
      %dma_wait3A_25 = arith.constant 0 : i32
      %dma_wait3A_26 = tpu.memref_slice %arg2[%dma_wait3A_24, %dma_wait3A_25] : memref<10000x128xf32, #tpu.memory_space<hbm>> -> memref<10000x128xf32, #tpu.memory_space<hbm>>
      tpu.wait_indirect_dma semaphore(%arg11 : memref<!tpu.dma_semaphore, #tpu.memory_space<semaphore_mem>>) src(%dma_wait3A_26 : memref<10000x128xf32, #tpu.memory_space<hbm>>) dst(%arg9 : memref<80x128xf32, #tpu.memory_space<vmem>>)
      "tpu.region"() ({
        %run_scoped3A = tpu.sem_alloc : memref<!tpu.dma_semaphore, #tpu.memory_space<semaphore_mem>>
        %dma_start3A_27 = arith.constant 0 : i32
        %dma_start3A_28 = tpu.memref_slice %arg8[%scan3A_16, %dma_start3A_27] : memref<125x80xi32, #tpu.memory_space<vmem>> -> memref<1x80xi32, #tpu.memory_space<vmem>>
        %dma_start3A_29 = tpu.memref_squeeze %dma_start3A_28 : memref<1x80xi32, #tpu.memory_space<vmem>> -> memref<80xi32, #tpu.memory_space<vmem>>
        %dma_start3A_30 = arith.constant 0 : i32
        %dma_start3A_31 = arith.constant 0 : i32
        %dma_start3A_32 = tpu.memref_slice %arg10[%dma_start3A_30, %dma_start3A_31] : memref<10000x128xf32, #tpu.memory_space<vmem_shared>> -> memref<10000x128xf32, #tpu.memory_space<vmem_shared>>
        tpu.enqueue_indirect_dma source(%arg9 : memref<80x128xf32, #tpu.memory_space<vmem>>) target(%dma_start3A_32 : memref<10000x128xf32, #tpu.memory_space<vmem_shared>>) offsets(%dma_start3A_29 : memref<80xi32, #tpu.memory_space<vmem>>) semaphore(%run_scoped3A : memref<!tpu.dma_semaphore, #tpu.memory_space<semaphore_mem>>) {add = true}
        %dma_wait3A_33 = arith.constant 0 : i32
        %dma_wait3A_34 = tpu.memref_slice %arg8[%scan3A_16, %dma_wait3A_33] : memref<125x80xi32, #tpu.memory_space<vmem>> -> memref<1x80xi32, #tpu.memory_space<vmem>>
        %dma_wait3A_35 = tpu.memref_squeeze %dma_wait3A_34 : memref<1x80xi32, #tpu.memory_space<vmem>> -> memref<80xi32, #tpu.memory_space<vmem>>
        %dma_wait3A_36 = arith.constant 0 : i32
        %dma_wait3A_37 = arith.constant 0 : i32
        %dma_wait3A_38 = tpu.memref_slice %arg10[%dma_wait3A_36, %dma_wait3A_37] : memref<10000x128xf32, #tpu.memory_space<vmem_shared>> -> memref<10000x128xf32, #tpu.memory_space<vmem_shared>>
        tpu.wait_indirect_dma semaphore(%run_scoped3A : memref<!tpu.dma_semaphore, #tpu.memory_space<semaphore_mem>>) src(%arg9 : memref<80x128xf32, #tpu.memory_space<vmem>>) dst(%dma_wait3A_38 : memref<10000x128xf32, #tpu.memory_space<vmem_shared>>)
        tpu.yield
      }) : () -> ()
    }
    %scan3A_9 = arith.constant 125 : i32
    %barrier3A_10 = arith.constant 0 : index
    tpu.barrier barrier_id(%barrier3A_10)
    "tpu.region"() ({
      %run_scoped3A = tpu.sem_alloc : memref<!tpu.dma_semaphore, #tpu.memory_space<semaphore_mem>>
      %dma_start3A = arith.constant 0 : i32
      %dma_start3A_16 = tpu.memref_slice %arg6[%arg0, %mul3A_2, %dma_start3A] : memref<2x10000x128xf32, #tpu.memory_space<hbm>> -> memref<1x624x128xf32, #tpu.memory_space<hbm>>
      %dma_start3A_17 = tpu.memref_squeeze %dma_start3A_16 : memref<1x624x128xf32, #tpu.memory_space<hbm>> -> memref<624x128xf32, #tpu.memory_space<hbm>>
      %dma_start3A_18 = arith.constant 0 : i32
      %dma_start3A_19 = tpu.memref_slice %arg10[%mul3A_2, %dma_start3A_18] : memref<10000x128xf32, #tpu.memory_space<vmem_shared>> -> memref<624x128xf32, #tpu.memory_space<vmem_shared>>
      tpu.enqueue_dma source(%dma_start3A_19 : memref<624x128xf32, #tpu.memory_space<vmem_shared>>) target(%dma_start3A_17 : memref<624x128xf32, #tpu.memory_space<hbm>>) target_semaphore(%run_scoped3A : memref<!tpu.dma_semaphore, #tpu.memory_space<semaphore_mem>>)
      %dma_wait3A = arith.constant 0 : i32
      %dma_wait3A_20 = tpu.memref_slice %arg6[%arg0, %mul3A_2, %dma_wait3A] : memref<2x10000x128xf32, #tpu.memory_space<hbm>> -> memref<1x624x128xf32, #tpu.memory_space<hbm>>
      %dma_wait3A_21 = tpu.memref_squeeze %dma_wait3A_20 : memref<1x624x128xf32, #tpu.memory_space<hbm>> -> memref<624x128xf32, #tpu.memory_space<hbm>>
      %dma_wait3A_22 = arith.constant 0 : i32
      %dma_wait3A_23 = tpu.memref_slice %arg10[%mul3A_2, %dma_wait3A_22] : memref<10000x128xf32, #tpu.memory_space<vmem_shared>> -> memref<624x128xf32, #tpu.memory_space<vmem_shared>>
      tpu.wait_dma2 semaphore(%run_scoped3A : memref<!tpu.dma_semaphore, #tpu.memory_space<semaphore_mem>>) src(%dma_wait3A_23 : memref<624x128xf32, #tpu.memory_space<vmem_shared>>) dst(%dma_wait3A_21 : memref<624x128xf32, #tpu.memory_space<hbm>>)
      tpu.yield
    }) : () -> ()
    %eq3A_11 = arith.constant 0 : i32
    %eq3A_12 = arith.cmpi eq, %arg1, %eq3A_11 : i32
    %convert_element_type3A_13 = arith.extui %eq3A_12 : i1 to i32
    %cond3A_14 = arith.constant 0 : i32
    %cond3A_15 = arith.cmpi ne, %convert_element_type3A_13, %cond3A_14 : i32
    scf.if %cond3A_15 {
      "tpu.region"() ({
        %run_scoped3A = tpu.sem_alloc : memref<!tpu.dma_semaphore, #tpu.memory_space<semaphore_mem>>
        %dma_start3A = arith.constant 9984 : i32
        %dma_start3A_16 = arith.constant 0 : i32
        %dma_start3A_17 = tpu.memref_slice %arg6[%arg0, %dma_start3A, %dma_start3A_16] : memref<2x10000x128xf32, #tpu.memory_space<hbm>> -> memref<1x16x128xf32, #tpu.memory_space<hbm>>
        %dma_start3A_18 = tpu.memref_squeeze %dma_start3A_17 : memref<1x16x128xf32, #tpu.memory_space<hbm>> -> memref<16x128xf32, #tpu.memory_space<hbm>>
        %dma_start3A_19 = arith.constant 9984 : i32
        %dma_start3A_20 = arith.constant 0 : i32
        %dma_start3A_21 = tpu.memref_slice %arg10[%dma_start3A_19, %dma_start3A_20] : memref<10000x128xf32, #tpu.memory_space<vmem_shared>> -> memref<16x128xf32, #tpu.memory_space<vmem_shared>>
        tpu.enqueue_dma source(%dma_start3A_21 : memref<16x128xf32, #tpu.memory_space<vmem_shared>>) target(%dma_start3A_18 : memref<16x128xf32, #tpu.memory_space<hbm>>) target_semaphore(%run_scoped3A : memref<!tpu.dma_semaphore, #tpu.memory_space<semaphore_mem>>)
        %dma_wait3A = arith.constant 9984 : i32
        %dma_wait3A_22 = arith.constant 0 : i32
        %dma_wait3A_23 = tpu.memref_slice %arg6[%arg0, %dma_wait3A, %dma_wait3A_22] : memref<2x10000x128xf32, #tpu.memory_space<hbm>> -> memref<1x16x128xf32, #tpu.memory_space<hbm>>
        %dma_wait3A_24 = tpu.memref_squeeze %dma_wait3A_23 : memref<1x16x128xf32, #tpu.memory_space<hbm>> -> memref<16x128xf32, #tpu.memory_space<hbm>>
        %dma_wait3A_25 = arith.constant 9984 : i32
        %dma_wait3A_26 = arith.constant 0 : i32
        %dma_wait3A_27 = tpu.memref_slice %arg10[%dma_wait3A_25, %dma_wait3A_26] : memref<10000x128xf32, #tpu.memory_space<vmem_shared>> -> memref<16x128xf32, #tpu.memory_space<vmem_shared>>
        tpu.wait_dma2 semaphore(%run_scoped3A : memref<!tpu.dma_semaphore, #tpu.memory_space<semaphore_mem>>) src(%dma_wait3A_27 : memref<16x128xf32, #tpu.memory_space<vmem_shared>>) dst(%dma_wait3A_24 : memref<16x128xf32, #tpu.memory_space<hbm>>)
        tpu.yield
      }) : () -> ()
    } else {
    }
    return
  }
}

#map = affine_map<(d0, d1) -> (0, 0)>
#map1 = affine_map<(d0, d1) -> (0)>
#map2 = affine_map<(d0, d1) -> (0, 0, 0)>
module attributes {stable_mosaic.version = 14 : i64} {
  func.func @k(%arg0: i32, %arg1: i32, %arg2: memref<10000x128xf32, #tpu.memory_space<hbm>>, %arg3: memref<10000xi32, #tpu.memory_space<hbm>>, %arg4: memref<2048x128xf32, #tpu.memory_space<hbm>>, %arg5: memref<2048xf32, #tpu.memory_space<hbm>>, %arg6: memref<128xf32, #tpu.memory_space<hbm>>, %arg7: memref<2x2048x128xf32, #tpu.memory_space<hbm>>, %arg8: memref<2x2048xf32, #tpu.memory_space<hbm>>, %arg9: memref<104xi32, #tpu.memory_space<vmem>>, %arg10: memref<104x128xf32, #tpu.memory_space<vmem>>, %arg11: memref<104xf32, #tpu.memory_space<vmem>>, %arg12: memref<2048x128xf32, #tpu.memory_space<vmem_shared>>, %arg13: memref<2048xf32, #tpu.memory_space<vmem_shared>>, %arg14: memref<!tpu.dma_semaphore, #tpu.memory_space<semaphore_mem>>, %arg15: memref<16xi32, #tpu.memory_space<vmem>>, %arg16: memref<16x128xf32, #tpu.memory_space<vmem>>, %arg17: memref<16xf32, #tpu.memory_space<vmem>>) attributes {dimension_semantics = [#tpu.dimension_semantics<core_parallel>, #tpu.dimension_semantics<subcore_parallel>], iteration_bounds = array<i64: 2, 16>, scalar_prefetch = 0 : i64, scratch_operands = 9 : i64, tpu.core_type = #tpu.core_type<sc_vector_subcore>, window_params = [{transform_indices = #map}, {transform_indices = #map1}, {transform_indices = #map}, {transform_indices = #map1}, {transform_indices = #map1}, {transform_indices = #map2}, {transform_indices = #map}]} {
    %mul3A = arith.constant 2 : i32
    %mul3A_0 = arith.muli %arg1, %mul3A : i32
    %add3A = arith.addi %mul3A_0, %arg0 : i32
    %mul3A_1 = arith.constant 128 : i32
    %mul3A_2 = arith.muli %arg1, %mul3A_1 : i32
    "tpu.region"() ({
      %run_scoped3A = tpu.sem_alloc : memref<!tpu.dma_semaphore, #tpu.memory_space<semaphore_mem>>
      %dma_start3A = arith.constant 0 : i32
      %dma_start3A_14 = tpu.memref_slice %arg12[%mul3A_2, %dma_start3A] : memref<2048x128xf32, #tpu.memory_space<vmem_shared>> -> memref<128x128xf32, #tpu.memory_space<vmem_shared>>
      %dma_start3A_15 = arith.constant 0 : i32
      %dma_start3A_16 = tpu.memref_slice %arg4[%mul3A_2, %dma_start3A_15] : memref<2048x128xf32, #tpu.memory_space<hbm>> -> memref<128x128xf32, #tpu.memory_space<hbm>>
      tpu.enqueue_dma source(%dma_start3A_16 : memref<128x128xf32, #tpu.memory_space<hbm>>) target(%dma_start3A_14 : memref<128x128xf32, #tpu.memory_space<vmem_shared>>) target_semaphore(%run_scoped3A : memref<!tpu.dma_semaphore, #tpu.memory_space<semaphore_mem>>)
      %dma_wait3A = arith.constant 0 : i32
      %dma_wait3A_17 = tpu.memref_slice %arg12[%mul3A_2, %dma_wait3A] : memref<2048x128xf32, #tpu.memory_space<vmem_shared>> -> memref<128x128xf32, #tpu.memory_space<vmem_shared>>
      %dma_wait3A_18 = arith.constant 0 : i32
      %dma_wait3A_19 = tpu.memref_slice %arg4[%mul3A_2, %dma_wait3A_18] : memref<2048x128xf32, #tpu.memory_space<hbm>> -> memref<128x128xf32, #tpu.memory_space<hbm>>
      tpu.wait_dma2 semaphore(%run_scoped3A : memref<!tpu.dma_semaphore, #tpu.memory_space<semaphore_mem>>) src(%dma_wait3A_19 : memref<128x128xf32, #tpu.memory_space<hbm>>) dst(%dma_wait3A_17 : memref<128x128xf32, #tpu.memory_space<vmem_shared>>)
      tpu.yield
    }) : () -> ()
    "tpu.region"() ({
      %run_scoped3A = tpu.sem_alloc : memref<!tpu.dma_semaphore, #tpu.memory_space<semaphore_mem>>
      %dma_start3A = tpu.memref_slice %arg13[%mul3A_2] : memref<2048xf32, #tpu.memory_space<vmem_shared>> -> memref<128xf32, #tpu.memory_space<vmem_shared>>
      %dma_start3A_14 = tpu.memref_slice %arg5[%mul3A_2] : memref<2048xf32, #tpu.memory_space<hbm>> -> memref<128xf32, #tpu.memory_space<hbm>>
      tpu.enqueue_dma source(%dma_start3A_14 : memref<128xf32, #tpu.memory_space<hbm>>) target(%dma_start3A : memref<128xf32, #tpu.memory_space<vmem_shared>>) target_semaphore(%run_scoped3A : memref<!tpu.dma_semaphore, #tpu.memory_space<semaphore_mem>>)
      %dma_wait3A = tpu.memref_slice %arg13[%mul3A_2] : memref<2048xf32, #tpu.memory_space<vmem_shared>> -> memref<128xf32, #tpu.memory_space<vmem_shared>>
      %dma_wait3A_15 = tpu.memref_slice %arg5[%mul3A_2] : memref<2048xf32, #tpu.memory_space<hbm>> -> memref<128xf32, #tpu.memory_space<hbm>>
      tpu.wait_dma2 semaphore(%run_scoped3A : memref<!tpu.dma_semaphore, #tpu.memory_space<semaphore_mem>>) src(%dma_wait3A_15 : memref<128xf32, #tpu.memory_space<hbm>>) dst(%dma_wait3A : memref<128xf32, #tpu.memory_space<vmem_shared>>)
      tpu.yield
    }) : () -> ()
    "tpu.region"() ({
      %run_scoped3A = tpu.sem_alloc : memref<!tpu.dma_semaphore, #tpu.memory_space<semaphore_mem>>
      %dma_start3A = arith.constant 0 : i32
      %dma_start3A_14 = tpu.memref_slice %arg6[%dma_start3A] : memref<128xf32, #tpu.memory_space<hbm>> -> memref<104xf32, #tpu.memory_space<hbm>>
      %dma_start3A_15 = arith.constant 0 : i32
      %dma_start3A_16 = tpu.memref_slice %arg6[%dma_start3A_15] : memref<128xf32, #tpu.memory_space<hbm>> -> memref<104xf32, #tpu.memory_space<hbm>>
      tpu.enqueue_dma source(%dma_start3A_16 : memref<104xf32, #tpu.memory_space<hbm>>) target(%arg11 : memref<104xf32, #tpu.memory_space<vmem>>) target_semaphore(%run_scoped3A : memref<!tpu.dma_semaphore, #tpu.memory_space<semaphore_mem>>)
      %dma_wait3A = arith.constant 0 : i32
      %dma_wait3A_17 = tpu.memref_slice %arg6[%dma_wait3A] : memref<128xf32, #tpu.memory_space<hbm>> -> memref<104xf32, #tpu.memory_space<hbm>>
      %dma_wait3A_18 = arith.constant 0 : i32
      %dma_wait3A_19 = tpu.memref_slice %arg6[%dma_wait3A_18] : memref<128xf32, #tpu.memory_space<hbm>> -> memref<104xf32, #tpu.memory_space<hbm>>
      tpu.wait_dma2 semaphore(%run_scoped3A : memref<!tpu.dma_semaphore, #tpu.memory_space<semaphore_mem>>) src(%dma_wait3A_19 : memref<104xf32, #tpu.memory_space<hbm>>) dst(%arg11 : memref<104xf32, #tpu.memory_space<vmem>>)
      tpu.yield
    }) : () -> ()
    %barrier3A = arith.constant 0 : index
    tpu.barrier barrier_id(%barrier3A)
    %mul3A_3 = arith.constant 312 : i32
    %mul3A_4 = arith.muli %add3A, %mul3A_3 : i32
    %add3A_5 = arith.constant 0 : i32
    %add3A_6 = arith.addi %mul3A_4, %add3A_5 : i32
    "tpu.region"() ({
      %run_scoped3A = tpu.sem_alloc : memref<!tpu.dma_semaphore, #tpu.memory_space<semaphore_mem>>
      %dma_start3A = tpu.memref_slice %arg3[%add3A_6] : memref<10000xi32, #tpu.memory_space<hbm>> -> memref<104xi32, #tpu.memory_space<hbm>>
      %dma_start3A_14 = tpu.memref_slice %arg3[%add3A_6] : memref<10000xi32, #tpu.memory_space<hbm>> -> memref<104xi32, #tpu.memory_space<hbm>>
      tpu.enqueue_dma source(%dma_start3A_14 : memref<104xi32, #tpu.memory_space<hbm>>) target(%arg9 : memref<104xi32, #tpu.memory_space<vmem>>) target_semaphore(%run_scoped3A : memref<!tpu.dma_semaphore, #tpu.memory_space<semaphore_mem>>)
      %dma_wait3A = tpu.memref_slice %arg3[%add3A_6] : memref<10000xi32, #tpu.memory_space<hbm>> -> memref<104xi32, #tpu.memory_space<hbm>>
      %dma_wait3A_15 = tpu.memref_slice %arg3[%add3A_6] : memref<10000xi32, #tpu.memory_space<hbm>> -> memref<104xi32, #tpu.memory_space<hbm>>
      tpu.wait_dma2 semaphore(%run_scoped3A : memref<!tpu.dma_semaphore, #tpu.memory_space<semaphore_mem>>) src(%dma_wait3A_15 : memref<104xi32, #tpu.memory_space<hbm>>) dst(%arg9 : memref<104xi32, #tpu.memory_space<vmem>>)
      tpu.yield
    }) : () -> ()
    "tpu.region"() ({
      %run_scoped3A = tpu.sem_alloc : memref<!tpu.dma_semaphore, #tpu.memory_space<semaphore_mem>>
      %dma_start3A = arith.constant 0 : i32
      %dma_start3A_14 = tpu.memref_slice %arg2[%add3A_6, %dma_start3A] : memref<10000x128xf32, #tpu.memory_space<hbm>> -> memref<104x128xf32, #tpu.memory_space<hbm>>
      %dma_start3A_15 = arith.constant 0 : i32
      %dma_start3A_16 = tpu.memref_slice %arg2[%add3A_6, %dma_start3A_15] : memref<10000x128xf32, #tpu.memory_space<hbm>> -> memref<104x128xf32, #tpu.memory_space<hbm>>
      tpu.enqueue_dma source(%dma_start3A_16 : memref<104x128xf32, #tpu.memory_space<hbm>>) target(%arg10 : memref<104x128xf32, #tpu.memory_space<vmem>>) target_semaphore(%run_scoped3A : memref<!tpu.dma_semaphore, #tpu.memory_space<semaphore_mem>>)
      %dma_wait3A = arith.constant 0 : i32
      %dma_wait3A_17 = tpu.memref_slice %arg2[%add3A_6, %dma_wait3A] : memref<10000x128xf32, #tpu.memory_space<hbm>> -> memref<104x128xf32, #tpu.memory_space<hbm>>
      %dma_wait3A_18 = arith.constant 0 : i32
      %dma_wait3A_19 = tpu.memref_slice %arg2[%add3A_6, %dma_wait3A_18] : memref<10000x128xf32, #tpu.memory_space<hbm>> -> memref<104x128xf32, #tpu.memory_space<hbm>>
      tpu.wait_dma2 semaphore(%run_scoped3A : memref<!tpu.dma_semaphore, #tpu.memory_space<semaphore_mem>>) src(%dma_wait3A_19 : memref<104x128xf32, #tpu.memory_space<hbm>>) dst(%arg10 : memref<104x128xf32, #tpu.memory_space<vmem>>)
      tpu.yield
    }) : () -> ()
    "tpu.region"() ({
      %run_scoped3A = tpu.sem_alloc : memref<!tpu.dma_semaphore, #tpu.memory_space<semaphore_mem>>
      %dma_start3A = arith.constant 0 : i32
      %dma_start3A_14 = arith.constant 0 : i32
      %dma_start3A_15 = tpu.memref_slice %arg12[%dma_start3A, %dma_start3A_14] : memref<2048x128xf32, #tpu.memory_space<vmem_shared>> -> memref<2048x128xf32, #tpu.memory_space<vmem_shared>>
      tpu.enqueue_indirect_dma source(%arg10 : memref<104x128xf32, #tpu.memory_space<vmem>>) target(%dma_start3A_15 : memref<2048x128xf32, #tpu.memory_space<vmem_shared>>) offsets(%arg9 : memref<104xi32, #tpu.memory_space<vmem>>) semaphore(%run_scoped3A : memref<!tpu.dma_semaphore, #tpu.memory_space<semaphore_mem>>) {add = true}
      %dma_wait3A = arith.constant 0 : i32
      %dma_wait3A_16 = arith.constant 0 : i32
      %dma_wait3A_17 = tpu.memref_slice %arg12[%dma_wait3A, %dma_wait3A_16] : memref<2048x128xf32, #tpu.memory_space<vmem_shared>> -> memref<2048x128xf32, #tpu.memory_space<vmem_shared>>
      tpu.wait_indirect_dma semaphore(%run_scoped3A : memref<!tpu.dma_semaphore, #tpu.memory_space<semaphore_mem>>) src(%arg10 : memref<104x128xf32, #tpu.memory_space<vmem>>) dst(%dma_wait3A_17 : memref<2048x128xf32, #tpu.memory_space<vmem_shared>>)
      tpu.yield
    }) : () -> ()
    "tpu.region"() ({
      %run_scoped3A = tpu.sem_alloc : memref<!tpu.dma_semaphore, #tpu.memory_space<semaphore_mem>>
      %dma_start3A = arith.constant 0 : i32
      %dma_start3A_14 = tpu.memref_slice %arg13[%dma_start3A] : memref<2048xf32, #tpu.memory_space<vmem_shared>> -> memref<2048xf32, #tpu.memory_space<vmem_shared>>
      tpu.enqueue_indirect_dma source(%arg11 : memref<104xf32, #tpu.memory_space<vmem>>) target(%dma_start3A_14 : memref<2048xf32, #tpu.memory_space<vmem_shared>>) offsets(%arg9 : memref<104xi32, #tpu.memory_space<vmem>>) semaphore(%run_scoped3A : memref<!tpu.dma_semaphore, #tpu.memory_space<semaphore_mem>>) {add = true}
      %dma_wait3A = arith.constant 0 : i32
      %dma_wait3A_15 = tpu.memref_slice %arg13[%dma_wait3A] : memref<2048xf32, #tpu.memory_space<vmem_shared>> -> memref<2048xf32, #tpu.memory_space<vmem_shared>>
      tpu.wait_indirect_dma semaphore(%run_scoped3A : memref<!tpu.dma_semaphore, #tpu.memory_space<semaphore_mem>>) src(%arg11 : memref<104xf32, #tpu.memory_space<vmem>>) dst(%dma_wait3A_15 : memref<2048xf32, #tpu.memory_space<vmem_shared>>)
      tpu.yield
    }) : () -> ()
    %add3A_7 = arith.constant 104 : i32
    %add3A_8 = arith.addi %mul3A_4, %add3A_7 : i32
    "tpu.region"() ({
      %run_scoped3A = tpu.sem_alloc : memref<!tpu.dma_semaphore, #tpu.memory_space<semaphore_mem>>
      %dma_start3A = tpu.memref_slice %arg3[%add3A_8] : memref<10000xi32, #tpu.memory_space<hbm>> -> memref<104xi32, #tpu.memory_space<hbm>>
      %dma_start3A_14 = tpu.memref_slice %arg3[%add3A_8] : memref<10000xi32, #tpu.memory_space<hbm>> -> memref<104xi32, #tpu.memory_space<hbm>>
      tpu.enqueue_dma source(%dma_start3A_14 : memref<104xi32, #tpu.memory_space<hbm>>) target(%arg9 : memref<104xi32, #tpu.memory_space<vmem>>) target_semaphore(%run_scoped3A : memref<!tpu.dma_semaphore, #tpu.memory_space<semaphore_mem>>)
      %dma_wait3A = tpu.memref_slice %arg3[%add3A_8] : memref<10000xi32, #tpu.memory_space<hbm>> -> memref<104xi32, #tpu.memory_space<hbm>>
      %dma_wait3A_15 = tpu.memref_slice %arg3[%add3A_8] : memref<10000xi32, #tpu.memory_space<hbm>> -> memref<104xi32, #tpu.memory_space<hbm>>
      tpu.wait_dma2 semaphore(%run_scoped3A : memref<!tpu.dma_semaphore, #tpu.memory_space<semaphore_mem>>) src(%dma_wait3A_15 : memref<104xi32, #tpu.memory_space<hbm>>) dst(%arg9 : memref<104xi32, #tpu.memory_space<vmem>>)
      tpu.yield
    }) : () -> ()
    "tpu.region"() ({
      %run_scoped3A = tpu.sem_alloc : memref<!tpu.dma_semaphore, #tpu.memory_space<semaphore_mem>>
      %dma_start3A = arith.constant 0 : i32
      %dma_start3A_14 = tpu.memref_slice %arg2[%add3A_8, %dma_start3A] : memref<10000x128xf32, #tpu.memory_space<hbm>> -> memref<104x128xf32, #tpu.memory_space<hbm>>
      %dma_start3A_15 = arith.constant 0 : i32
      %dma_start3A_16 = tpu.memref_slice %arg2[%add3A_8, %dma_start3A_15] : memref<10000x128xf32, #tpu.memory_space<hbm>> -> memref<104x128xf32, #tpu.memory_space<hbm>>
      tpu.enqueue_dma source(%dma_start3A_16 : memref<104x128xf32, #tpu.memory_space<hbm>>) target(%arg10 : memref<104x128xf32, #tpu.memory_space<vmem>>) target_semaphore(%run_scoped3A : memref<!tpu.dma_semaphore, #tpu.memory_space<semaphore_mem>>)
      %dma_wait3A = arith.constant 0 : i32
      %dma_wait3A_17 = tpu.memref_slice %arg2[%add3A_8, %dma_wait3A] : memref<10000x128xf32, #tpu.memory_space<hbm>> -> memref<104x128xf32, #tpu.memory_space<hbm>>
      %dma_wait3A_18 = arith.constant 0 : i32
      %dma_wait3A_19 = tpu.memref_slice %arg2[%add3A_8, %dma_wait3A_18] : memref<10000x128xf32, #tpu.memory_space<hbm>> -> memref<104x128xf32, #tpu.memory_space<hbm>>
      tpu.wait_dma2 semaphore(%run_scoped3A : memref<!tpu.dma_semaphore, #tpu.memory_space<semaphore_mem>>) src(%dma_wait3A_19 : memref<104x128xf32, #tpu.memory_space<hbm>>) dst(%arg10 : memref<104x128xf32, #tpu.memory_space<vmem>>)
      tpu.yield
    }) : () -> ()
    "tpu.region"() ({
      %run_scoped3A = tpu.sem_alloc : memref<!tpu.dma_semaphore, #tpu.memory_space<semaphore_mem>>
      %dma_start3A = arith.constant 0 : i32
      %dma_start3A_14 = arith.constant 0 : i32
      %dma_start3A_15 = tpu.memref_slice %arg12[%dma_start3A, %dma_start3A_14] : memref<2048x128xf32, #tpu.memory_space<vmem_shared>> -> memref<2048x128xf32, #tpu.memory_space<vmem_shared>>
      tpu.enqueue_indirect_dma source(%arg10 : memref<104x128xf32, #tpu.memory_space<vmem>>) target(%dma_start3A_15 : memref<2048x128xf32, #tpu.memory_space<vmem_shared>>) offsets(%arg9 : memref<104xi32, #tpu.memory_space<vmem>>) semaphore(%run_scoped3A : memref<!tpu.dma_semaphore, #tpu.memory_space<semaphore_mem>>) {add = true}
      %dma_wait3A = arith.constant 0 : i32
      %dma_wait3A_16 = arith.constant 0 : i32
      %dma_wait3A_17 = tpu.memref_slice %arg12[%dma_wait3A, %dma_wait3A_16] : memref<2048x128xf32, #tpu.memory_space<vmem_shared>> -> memref<2048x128xf32, #tpu.memory_space<vmem_shared>>
      tpu.wait_indirect_dma semaphore(%run_scoped3A : memref<!tpu.dma_semaphore, #tpu.memory_space<semaphore_mem>>) src(%arg10 : memref<104x128xf32, #tpu.memory_space<vmem>>) dst(%dma_wait3A_17 : memref<2048x128xf32, #tpu.memory_space<vmem_shared>>)
      tpu.yield
    }) : () -> ()
    "tpu.region"() ({
      %run_scoped3A = tpu.sem_alloc : memref<!tpu.dma_semaphore, #tpu.memory_space<semaphore_mem>>
      %dma_start3A = arith.constant 0 : i32
      %dma_start3A_14 = tpu.memref_slice %arg13[%dma_start3A] : memref<2048xf32, #tpu.memory_space<vmem_shared>> -> memref<2048xf32, #tpu.memory_space<vmem_shared>>
      tpu.enqueue_indirect_dma source(%arg11 : memref<104xf32, #tpu.memory_space<vmem>>) target(%dma_start3A_14 : memref<2048xf32, #tpu.memory_space<vmem_shared>>) offsets(%arg9 : memref<104xi32, #tpu.memory_space<vmem>>) semaphore(%run_scoped3A : memref<!tpu.dma_semaphore, #tpu.memory_space<semaphore_mem>>) {add = true}
      %dma_wait3A = arith.constant 0 : i32
      %dma_wait3A_15 = tpu.memref_slice %arg13[%dma_wait3A] : memref<2048xf32, #tpu.memory_space<vmem_shared>> -> memref<2048xf32, #tpu.memory_space<vmem_shared>>
      tpu.wait_indirect_dma semaphore(%run_scoped3A : memref<!tpu.dma_semaphore, #tpu.memory_space<semaphore_mem>>) src(%arg11 : memref<104xf32, #tpu.memory_space<vmem>>) dst(%dma_wait3A_15 : memref<2048xf32, #tpu.memory_space<vmem_shared>>)
      tpu.yield
    }) : () -> ()
    %add3A_9 = arith.constant 208 : i32
    %add3A_10 = arith.addi %mul3A_4, %add3A_9 : i32
    "tpu.region"() ({
      %run_scoped3A = tpu.sem_alloc : memref<!tpu.dma_semaphore, #tpu.memory_space<semaphore_mem>>
      %dma_start3A = tpu.memref_slice %arg3[%add3A_10] : memref<10000xi32, #tpu.memory_space<hbm>> -> memref<104xi32, #tpu.memory_space<hbm>>
      %dma_start3A_14 = tpu.memref_slice %arg3[%add3A_10] : memref<10000xi32, #tpu.memory_space<hbm>> -> memref<104xi32, #tpu.memory_space<hbm>>
      tpu.enqueue_dma source(%dma_start3A_14 : memref<104xi32, #tpu.memory_space<hbm>>) target(%arg9 : memref<104xi32, #tpu.memory_space<vmem>>) target_semaphore(%run_scoped3A : memref<!tpu.dma_semaphore, #tpu.memory_space<semaphore_mem>>)
      %dma_wait3A = tpu.memref_slice %arg3[%add3A_10] : memref<10000xi32, #tpu.memory_space<hbm>> -> memref<104xi32, #tpu.memory_space<hbm>>
      %dma_wait3A_15 = tpu.memref_slice %arg3[%add3A_10] : memref<10000xi32, #tpu.memory_space<hbm>> -> memref<104xi32, #tpu.memory_space<hbm>>
      tpu.wait_dma2 semaphore(%run_scoped3A : memref<!tpu.dma_semaphore, #tpu.memory_space<semaphore_mem>>) src(%dma_wait3A_15 : memref<104xi32, #tpu.memory_space<hbm>>) dst(%arg9 : memref<104xi32, #tpu.memory_space<vmem>>)
      tpu.yield
    }) : () -> ()
    "tpu.region"() ({
      %run_scoped3A = tpu.sem_alloc : memref<!tpu.dma_semaphore, #tpu.memory_space<semaphore_mem>>
      %dma_start3A = arith.constant 0 : i32
      %dma_start3A_14 = tpu.memref_slice %arg2[%add3A_10, %dma_start3A] : memref<10000x128xf32, #tpu.memory_space<hbm>> -> memref<104x128xf32, #tpu.memory_space<hbm>>
      %dma_start3A_15 = arith.constant 0 : i32
      %dma_start3A_16 = tpu.memref_slice %arg2[%add3A_10, %dma_start3A_15] : memref<10000x128xf32, #tpu.memory_space<hbm>> -> memref<104x128xf32, #tpu.memory_space<hbm>>
      tpu.enqueue_dma source(%dma_start3A_16 : memref<104x128xf32, #tpu.memory_space<hbm>>) target(%arg10 : memref<104x128xf32, #tpu.memory_space<vmem>>) target_semaphore(%run_scoped3A : memref<!tpu.dma_semaphore, #tpu.memory_space<semaphore_mem>>)
      %dma_wait3A = arith.constant 0 : i32
      %dma_wait3A_17 = tpu.memref_slice %arg2[%add3A_10, %dma_wait3A] : memref<10000x128xf32, #tpu.memory_space<hbm>> -> memref<104x128xf32, #tpu.memory_space<hbm>>
      %dma_wait3A_18 = arith.constant 0 : i32
      %dma_wait3A_19 = tpu.memref_slice %arg2[%add3A_10, %dma_wait3A_18] : memref<10000x128xf32, #tpu.memory_space<hbm>> -> memref<104x128xf32, #tpu.memory_space<hbm>>
      tpu.wait_dma2 semaphore(%run_scoped3A : memref<!tpu.dma_semaphore, #tpu.memory_space<semaphore_mem>>) src(%dma_wait3A_19 : memref<104x128xf32, #tpu.memory_space<hbm>>) dst(%arg10 : memref<104x128xf32, #tpu.memory_space<vmem>>)
      tpu.yield
    }) : () -> ()
    "tpu.region"() ({
      %run_scoped3A = tpu.sem_alloc : memref<!tpu.dma_semaphore, #tpu.memory_space<semaphore_mem>>
      %dma_start3A = arith.constant 0 : i32
      %dma_start3A_14 = arith.constant 0 : i32
      %dma_start3A_15 = tpu.memref_slice %arg12[%dma_start3A, %dma_start3A_14] : memref<2048x128xf32, #tpu.memory_space<vmem_shared>> -> memref<2048x128xf32, #tpu.memory_space<vmem_shared>>
      tpu.enqueue_indirect_dma source(%arg10 : memref<104x128xf32, #tpu.memory_space<vmem>>) target(%dma_start3A_15 : memref<2048x128xf32, #tpu.memory_space<vmem_shared>>) offsets(%arg9 : memref<104xi32, #tpu.memory_space<vmem>>) semaphore(%run_scoped3A : memref<!tpu.dma_semaphore, #tpu.memory_space<semaphore_mem>>) {add = true}
      %dma_wait3A = arith.constant 0 : i32
      %dma_wait3A_16 = arith.constant 0 : i32
      %dma_wait3A_17 = tpu.memref_slice %arg12[%dma_wait3A, %dma_wait3A_16] : memref<2048x128xf32, #tpu.memory_space<vmem_shared>> -> memref<2048x128xf32, #tpu.memory_space<vmem_shared>>
      tpu.wait_indirect_dma semaphore(%run_scoped3A : memref<!tpu.dma_semaphore, #tpu.memory_space<semaphore_mem>>) src(%arg10 : memref<104x128xf32, #tpu.memory_space<vmem>>) dst(%dma_wait3A_17 : memref<2048x128xf32, #tpu.memory_space<vmem_shared>>)
      tpu.yield
    }) : () -> ()
    "tpu.region"() ({
      %run_scoped3A = tpu.sem_alloc : memref<!tpu.dma_semaphore, #tpu.memory_space<semaphore_mem>>
      %dma_start3A = arith.constant 0 : i32
      %dma_start3A_14 = tpu.memref_slice %arg13[%dma_start3A] : memref<2048xf32, #tpu.memory_space<vmem_shared>> -> memref<2048xf32, #tpu.memory_space<vmem_shared>>
      tpu.enqueue_indirect_dma source(%arg11 : memref<104xf32, #tpu.memory_space<vmem>>) target(%dma_start3A_14 : memref<2048xf32, #tpu.memory_space<vmem_shared>>) offsets(%arg9 : memref<104xi32, #tpu.memory_space<vmem>>) semaphore(%run_scoped3A : memref<!tpu.dma_semaphore, #tpu.memory_space<semaphore_mem>>) {add = true}
      %dma_wait3A = arith.constant 0 : i32
      %dma_wait3A_15 = tpu.memref_slice %arg13[%dma_wait3A] : memref<2048xf32, #tpu.memory_space<vmem_shared>> -> memref<2048xf32, #tpu.memory_space<vmem_shared>>
      tpu.wait_indirect_dma semaphore(%run_scoped3A : memref<!tpu.dma_semaphore, #tpu.memory_space<semaphore_mem>>) src(%arg11 : memref<104xf32, #tpu.memory_space<vmem>>) dst(%dma_wait3A_15 : memref<2048xf32, #tpu.memory_space<vmem_shared>>)
      tpu.yield
    }) : () -> ()
    %eq3A = arith.constant 0 : i32
    %eq3A_11 = arith.cmpi eq, %add3A, %eq3A : i32
    %convert_element_type3A = arith.extui %eq3A_11 : i1 to i32
    %cond3A = arith.constant 0 : i32
    %cond3A_12 = arith.cmpi ne, %convert_element_type3A, %cond3A : i32
    scf.if %cond3A_12 {
      "tpu.region"() ({
        %run_scoped3A = tpu.sem_alloc : memref<!tpu.dma_semaphore, #tpu.memory_space<semaphore_mem>>
        %dma_start3A = arith.constant 9984 : i32
        %dma_start3A_14 = tpu.memref_slice %arg3[%dma_start3A] : memref<10000xi32, #tpu.memory_space<hbm>> -> memref<16xi32, #tpu.memory_space<hbm>>
        %dma_start3A_15 = arith.constant 9984 : i32
        %dma_start3A_16 = tpu.memref_slice %arg3[%dma_start3A_15] : memref<10000xi32, #tpu.memory_space<hbm>> -> memref<16xi32, #tpu.memory_space<hbm>>
        tpu.enqueue_dma source(%dma_start3A_16 : memref<16xi32, #tpu.memory_space<hbm>>) target(%arg15 : memref<16xi32, #tpu.memory_space<vmem>>) target_semaphore(%run_scoped3A : memref<!tpu.dma_semaphore, #tpu.memory_space<semaphore_mem>>)
        %dma_wait3A = arith.constant 9984 : i32
        %dma_wait3A_17 = tpu.memref_slice %arg3[%dma_wait3A] : memref<10000xi32, #tpu.memory_space<hbm>> -> memref<16xi32, #tpu.memory_space<hbm>>
        %dma_wait3A_18 = arith.constant 9984 : i32
        %dma_wait3A_19 = tpu.memref_slice %arg3[%dma_wait3A_18] : memref<10000xi32, #tpu.memory_space<hbm>> -> memref<16xi32, #tpu.memory_space<hbm>>
        tpu.wait_dma2 semaphore(%run_scoped3A : memref<!tpu.dma_semaphore, #tpu.memory_space<semaphore_mem>>) src(%dma_wait3A_19 : memref<16xi32, #tpu.memory_space<hbm>>) dst(%arg15 : memref<16xi32, #tpu.memory_space<vmem>>)
        tpu.yield
      }) : () -> ()
      "tpu.region"() ({
        %run_scoped3A = tpu.sem_alloc : memref<!tpu.dma_semaphore, #tpu.memory_space<semaphore_mem>>
        %dma_start3A = arith.constant 9984 : i32
        %dma_start3A_14 = arith.constant 0 : i32
        %dma_start3A_15 = tpu.memref_slice %arg2[%dma_start3A, %dma_start3A_14] : memref<10000x128xf32, #tpu.memory_space<hbm>> -> memref<16x128xf32, #tpu.memory_space<hbm>>
        %dma_start3A_16 = arith.constant 9984 : i32
        %dma_start3A_17 = arith.constant 0 : i32
        %dma_start3A_18 = tpu.memref_slice %arg2[%dma_start3A_16, %dma_start3A_17] : memref<10000x128xf32, #tpu.memory_space<hbm>> -> memref<16x128xf32, #tpu.memory_space<hbm>>
        tpu.enqueue_dma source(%dma_start3A_18 : memref<16x128xf32, #tpu.memory_space<hbm>>) target(%arg16 : memref<16x128xf32, #tpu.memory_space<vmem>>) target_semaphore(%run_scoped3A : memref<!tpu.dma_semaphore, #tpu.memory_space<semaphore_mem>>)
        %dma_wait3A = arith.constant 9984 : i32
        %dma_wait3A_19 = arith.constant 0 : i32
        %dma_wait3A_20 = tpu.memref_slice %arg2[%dma_wait3A, %dma_wait3A_19] : memref<10000x128xf32, #tpu.memory_space<hbm>> -> memref<16x128xf32, #tpu.memory_space<hbm>>
        %dma_wait3A_21 = arith.constant 9984 : i32
        %dma_wait3A_22 = arith.constant 0 : i32
        %dma_wait3A_23 = tpu.memref_slice %arg2[%dma_wait3A_21, %dma_wait3A_22] : memref<10000x128xf32, #tpu.memory_space<hbm>> -> memref<16x128xf32, #tpu.memory_space<hbm>>
        tpu.wait_dma2 semaphore(%run_scoped3A : memref<!tpu.dma_semaphore, #tpu.memory_space<semaphore_mem>>) src(%dma_wait3A_23 : memref<16x128xf32, #tpu.memory_space<hbm>>) dst(%arg16 : memref<16x128xf32, #tpu.memory_space<vmem>>)
        tpu.yield
      }) : () -> ()
      "tpu.region"() ({
        %run_scoped3A = tpu.sem_alloc : memref<!tpu.dma_semaphore, #tpu.memory_space<semaphore_mem>>
        %dma_start3A = arith.constant 0 : i32
        %dma_start3A_14 = tpu.memref_slice %arg6[%dma_start3A] : memref<128xf32, #tpu.memory_space<hbm>> -> memref<16xf32, #tpu.memory_space<hbm>>
        %dma_start3A_15 = arith.constant 0 : i32
        %dma_start3A_16 = tpu.memref_slice %arg6[%dma_start3A_15] : memref<128xf32, #tpu.memory_space<hbm>> -> memref<16xf32, #tpu.memory_space<hbm>>
        tpu.enqueue_dma source(%dma_start3A_16 : memref<16xf32, #tpu.memory_space<hbm>>) target(%arg17 : memref<16xf32, #tpu.memory_space<vmem>>) target_semaphore(%run_scoped3A : memref<!tpu.dma_semaphore, #tpu.memory_space<semaphore_mem>>)
        %dma_wait3A = arith.constant 0 : i32
        %dma_wait3A_17 = tpu.memref_slice %arg6[%dma_wait3A] : memref<128xf32, #tpu.memory_space<hbm>> -> memref<16xf32, #tpu.memory_space<hbm>>
        %dma_wait3A_18 = arith.constant 0 : i32
        %dma_wait3A_19 = tpu.memref_slice %arg6[%dma_wait3A_18] : memref<128xf32, #tpu.memory_space<hbm>> -> memref<16xf32, #tpu.memory_space<hbm>>
        tpu.wait_dma2 semaphore(%run_scoped3A : memref<!tpu.dma_semaphore, #tpu.memory_space<semaphore_mem>>) src(%dma_wait3A_19 : memref<16xf32, #tpu.memory_space<hbm>>) dst(%arg17 : memref<16xf32, #tpu.memory_space<vmem>>)
        tpu.yield
      }) : () -> ()
      "tpu.region"() ({
        %run_scoped3A = tpu.sem_alloc : memref<!tpu.dma_semaphore, #tpu.memory_space<semaphore_mem>>
        %dma_start3A = arith.constant 0 : i32
        %dma_start3A_14 = arith.constant 0 : i32
        %dma_start3A_15 = tpu.memref_slice %arg12[%dma_start3A, %dma_start3A_14] : memref<2048x128xf32, #tpu.memory_space<vmem_shared>> -> memref<2048x128xf32, #tpu.memory_space<vmem_shared>>
        tpu.enqueue_indirect_dma source(%arg16 : memref<16x128xf32, #tpu.memory_space<vmem>>) target(%dma_start3A_15 : memref<2048x128xf32, #tpu.memory_space<vmem_shared>>) offsets(%arg15 : memref<16xi32, #tpu.memory_space<vmem>>) semaphore(%run_scoped3A : memref<!tpu.dma_semaphore, #tpu.memory_space<semaphore_mem>>) {add = true}
        %dma_wait3A = arith.constant 0 : i32
        %dma_wait3A_16 = arith.constant 0 : i32
        %dma_wait3A_17 = tpu.memref_slice %arg12[%dma_wait3A, %dma_wait3A_16] : memref<2048x128xf32, #tpu.memory_space<vmem_shared>> -> memref<2048x128xf32, #tpu.memory_space<vmem_shared>>
        tpu.wait_indirect_dma semaphore(%run_scoped3A : memref<!tpu.dma_semaphore, #tpu.memory_space<semaphore_mem>>) src(%arg16 : memref<16x128xf32, #tpu.memory_space<vmem>>) dst(%dma_wait3A_17 : memref<2048x128xf32, #tpu.memory_space<vmem_shared>>)
        tpu.yield
      }) : () -> ()
      "tpu.region"() ({
        %run_scoped3A = tpu.sem_alloc : memref<!tpu.dma_semaphore, #tpu.memory_space<semaphore_mem>>
        %dma_start3A = arith.constant 0 : i32
        %dma_start3A_14 = tpu.memref_slice %arg13[%dma_start3A] : memref<2048xf32, #tpu.memory_space<vmem_shared>> -> memref<2048xf32, #tpu.memory_space<vmem_shared>>
        tpu.enqueue_indirect_dma source(%arg17 : memref<16xf32, #tpu.memory_space<vmem>>) target(%dma_start3A_14 : memref<2048xf32, #tpu.memory_space<vmem_shared>>) offsets(%arg15 : memref<16xi32, #tpu.memory_space<vmem>>) semaphore(%run_scoped3A : memref<!tpu.dma_semaphore, #tpu.memory_space<semaphore_mem>>) {add = true}
        %dma_wait3A = arith.constant 0 : i32
        %dma_wait3A_15 = tpu.memref_slice %arg13[%dma_wait3A] : memref<2048xf32, #tpu.memory_space<vmem_shared>> -> memref<2048xf32, #tpu.memory_space<vmem_shared>>
        tpu.wait_indirect_dma semaphore(%run_scoped3A : memref<!tpu.dma_semaphore, #tpu.memory_space<semaphore_mem>>) src(%arg17 : memref<16xf32, #tpu.memory_space<vmem>>) dst(%dma_wait3A_15 : memref<2048xf32, #tpu.memory_space<vmem_shared>>)
        tpu.yield
      }) : () -> ()
    } else {
    }
    %barrier3A_13 = arith.constant 0 : index
    tpu.barrier barrier_id(%barrier3A_13)
    "tpu.region"() ({
      %run_scoped3A = tpu.sem_alloc : memref<!tpu.dma_semaphore, #tpu.memory_space<semaphore_mem>>
      %dma_start3A = arith.constant 0 : i32
      %dma_start3A_14 = tpu.memref_slice %arg7[%arg0, %mul3A_2, %dma_start3A] : memref<2x2048x128xf32, #tpu.memory_space<hbm>> -> memref<1x128x128xf32, #tpu.memory_space<hbm>>
      %dma_start3A_15 = tpu.memref_squeeze %dma_start3A_14 : memref<1x128x128xf32, #tpu.memory_space<hbm>> -> memref<128x128xf32, #tpu.memory_space<hbm>>
      %dma_start3A_16 = arith.constant 0 : i32
      %dma_start3A_17 = tpu.memref_slice %arg12[%mul3A_2, %dma_start3A_16] : memref<2048x128xf32, #tpu.memory_space<vmem_shared>> -> memref<128x128xf32, #tpu.memory_space<vmem_shared>>
      tpu.enqueue_dma source(%dma_start3A_17 : memref<128x128xf32, #tpu.memory_space<vmem_shared>>) target(%dma_start3A_15 : memref<128x128xf32, #tpu.memory_space<hbm>>) target_semaphore(%run_scoped3A : memref<!tpu.dma_semaphore, #tpu.memory_space<semaphore_mem>>)
      %dma_wait3A = arith.constant 0 : i32
      %dma_wait3A_18 = tpu.memref_slice %arg7[%arg0, %mul3A_2, %dma_wait3A] : memref<2x2048x128xf32, #tpu.memory_space<hbm>> -> memref<1x128x128xf32, #tpu.memory_space<hbm>>
      %dma_wait3A_19 = tpu.memref_squeeze %dma_wait3A_18 : memref<1x128x128xf32, #tpu.memory_space<hbm>> -> memref<128x128xf32, #tpu.memory_space<hbm>>
      %dma_wait3A_20 = arith.constant 0 : i32
      %dma_wait3A_21 = tpu.memref_slice %arg12[%mul3A_2, %dma_wait3A_20] : memref<2048x128xf32, #tpu.memory_space<vmem_shared>> -> memref<128x128xf32, #tpu.memory_space<vmem_shared>>
      tpu.wait_dma2 semaphore(%run_scoped3A : memref<!tpu.dma_semaphore, #tpu.memory_space<semaphore_mem>>) src(%dma_wait3A_21 : memref<128x128xf32, #tpu.memory_space<vmem_shared>>) dst(%dma_wait3A_19 : memref<128x128xf32, #tpu.memory_space<hbm>>)
      tpu.yield
    }) : () -> ()
    "tpu.region"() ({
      %run_scoped3A = tpu.sem_alloc : memref<!tpu.dma_semaphore, #tpu.memory_space<semaphore_mem>>
      %dma_start3A = tpu.memref_slice %arg8[%arg0, %mul3A_2] : memref<2x2048xf32, #tpu.memory_space<hbm>> -> memref<1x128xf32, #tpu.memory_space<hbm>>
      %dma_start3A_14 = tpu.memref_squeeze %dma_start3A : memref<1x128xf32, #tpu.memory_space<hbm>> -> memref<128xf32, #tpu.memory_space<hbm>>
      %dma_start3A_15 = tpu.memref_slice %arg13[%mul3A_2] : memref<2048xf32, #tpu.memory_space<vmem_shared>> -> memref<128xf32, #tpu.memory_space<vmem_shared>>
      tpu.enqueue_dma source(%dma_start3A_15 : memref<128xf32, #tpu.memory_space<vmem_shared>>) target(%dma_start3A_14 : memref<128xf32, #tpu.memory_space<hbm>>) target_semaphore(%run_scoped3A : memref<!tpu.dma_semaphore, #tpu.memory_space<semaphore_mem>>)
      %dma_wait3A = tpu.memref_slice %arg8[%arg0, %mul3A_2] : memref<2x2048xf32, #tpu.memory_space<hbm>> -> memref<1x128xf32, #tpu.memory_space<hbm>>
      %dma_wait3A_16 = tpu.memref_squeeze %dma_wait3A : memref<1x128xf32, #tpu.memory_space<hbm>> -> memref<128xf32, #tpu.memory_space<hbm>>
      %dma_wait3A_17 = tpu.memref_slice %arg13[%mul3A_2] : memref<2048xf32, #tpu.memory_space<vmem_shared>> -> memref<128xf32, #tpu.memory_space<vmem_shared>>
      tpu.wait_dma2 semaphore(%run_scoped3A : memref<!tpu.dma_semaphore, #tpu.memory_space<semaphore_mem>>) src(%dma_wait3A_17 : memref<128xf32, #tpu.memory_space<vmem_shared>>) dst(%dma_wait3A_16 : memref<128xf32, #tpu.memory_space<hbm>>)
      tpu.yield
    }) : () -> ()
    return
  }
}

module attributes {stable_mosaic.version = 14 : i64} {
  func.func @body(%arg0: memref<10000x128xf32, #tpu.memory_space<vmem>>, %arg1: memref<2x10000x128xf32, #tpu.memory_space<vmem>>, %arg2: memref<128x256xf32, #tpu.memory_space<vmem>>, %arg3: memref<1x256xf32, #tpu.memory_space<vmem>>, %arg4: memref<256x128xf32, #tpu.memory_space<vmem>>, %arg5: memref<1x128xf32, #tpu.memory_space<vmem>>, %arg6: memref<1x1xf32, #tpu.memory_space<vmem>>, %arg7: memref<10000x128xf32, #tpu.memory_space<vmem>>) attributes {dimension_semantics = [], scalar_prefetch = 0 : i64, scratch_operands = 0 : i64, tpu.core_type = #tpu.core_type<tc>} {
    %get3A = arith.constant 0 : index
    %get3A_0 = arith.constant 0 : index
    %get3A_1 = vector.load %arg0[%get3A, %get3A_0] : memref<10000x128xf32, #tpu.memory_space<vmem>>, vector<10000x128xf32>
    %get3A_2 = arith.constant 0 : index
    %get3A_3 = arith.constant 0 : index
    %get3A_4 = vector.load %arg6[%get3A_2, %get3A_3] : memref<1x1xf32, #tpu.memory_space<vmem>>, vector<1x1xf32>
    %get3A_5 = vector.extract %get3A_4[0, 0] : f32 from vector<1x1xf32>
    %mul3A = vector.broadcast %get3A_5 : f32 to vector<10000x128xf32>
    %mul3A_6 = arith.mulf %get3A_1, %mul3A : vector<10000x128xf32>
    %get3A_7 = arith.constant 0 : index
    %get3A_8 = arith.constant 0 : index
    %get3A_9 = arith.constant 0 : index
    %get3A_10 = vector.load %arg1[%get3A_7, %get3A_8, %get3A_9] : memref<2x10000x128xf32, #tpu.memory_space<vmem>>, vector<1x10000x128xf32>
    %get3A_11 = vector.shape_cast %get3A_10 : vector<1x10000x128xf32> to vector<10000x128xf32>
    %add3A = arith.addf %mul3A_6, %get3A_11 : vector<10000x128xf32>
    %get3A_12 = arith.constant 1 : index
    %get3A_13 = arith.constant 0 : index
    %get3A_14 = arith.constant 0 : index
    %get3A_15 = vector.load %arg1[%get3A_12, %get3A_13, %get3A_14] : memref<2x10000x128xf32, #tpu.memory_space<vmem>>, vector<1x10000x128xf32>
    %get3A_16 = vector.shape_cast %get3A_15 : vector<1x10000x128xf32> to vector<10000x128xf32>
    %add3A_17 = arith.addf %add3A, %get3A_16 : vector<10000x128xf32>
    %get3A_18 = arith.constant 0 : index
    %get3A_19 = arith.constant 0 : index
    %get3A_20 = vector.load %arg2[%get3A_18, %get3A_19] : memref<128x256xf32, #tpu.memory_space<vmem>>, vector<128x256xf32>
    %dot_general3A = arith.constant dense<0.000000e+00> : vector<10000x256xf32>
    %dot_general3A_21 = tpu.matmul %add3A_17, %get3A_20, %dot_general3A {dimension_numbers = #tpu.dot_dimension_numbers<[1], [0], [0], [1], [0, 0, 1, 1], [], []>, transpose_lhs_hint = false} : vector<10000x128xf32>, vector<128x256xf32>, vector<10000x256xf32> -> vector<10000x256xf32>
    %get3A_22 = arith.constant 0 : index
    %get3A_23 = arith.constant 0 : index
    %get3A_24 = vector.load %arg3[%get3A_22, %get3A_23] : memref<1x256xf32, #tpu.memory_space<vmem>>, vector<1x256xf32>
    %add3A_25 = vector.broadcast %get3A_24 : vector<1x256xf32> to vector<10000x256xf32>
    %add3A_26 = arith.addf %dot_general3A_21, %add3A_25 : vector<10000x256xf32>
    %max3A = arith.constant 0.000000e+00 : f32
    %max3A_27 = vector.broadcast %max3A : f32 to vector<10000x256xf32>
    %max3A_28 = arith.maximumf %add3A_26, %max3A_27 : vector<10000x256xf32>
    %get3A_29 = arith.constant 0 : index
    %get3A_30 = arith.constant 0 : index
    %get3A_31 = vector.load %arg4[%get3A_29, %get3A_30] : memref<256x128xf32, #tpu.memory_space<vmem>>, vector<256x128xf32>
    %dot_general3A_32 = arith.constant dense<0.000000e+00> : vector<10000x128xf32>
    %dot_general3A_33 = tpu.matmul %max3A_28, %get3A_31, %dot_general3A_32 {dimension_numbers = #tpu.dot_dimension_numbers<[1], [0], [0], [1], [0, 0, 1, 1], [], []>, transpose_lhs_hint = false} : vector<10000x256xf32>, vector<256x128xf32>, vector<10000x128xf32> -> vector<10000x128xf32>
    %get3A_34 = arith.constant 0 : index
    %get3A_35 = arith.constant 0 : index
    %get3A_36 = vector.load %arg5[%get3A_34, %get3A_35] : memref<1x128xf32, #tpu.memory_space<vmem>>, vector<1x128xf32>
    %add3A_37 = vector.broadcast %get3A_36 : vector<1x128xf32> to vector<10000x128xf32>
    %add3A_38 = arith.addf %dot_general3A_33, %add3A_37 : vector<10000x128xf32>
    %swap3A = arith.constant 0 : index
    %swap3A_39 = arith.constant 0 : index
    %swap3A_40 = vector.load %arg7[%swap3A, %swap3A_39] : memref<10000x128xf32, #tpu.memory_space<vmem>>, vector<10000x128xf32>
    tpu.vector_store %arg7[%swap3A, %swap3A_39], %add3A_38 {strides = array<i32>} : memref<10000x128xf32, #tpu.memory_space<vmem>>, vector<10000x128xf32>,
    return
  }
}

module attributes {stable_mosaic.version = 14 : i64} {
  func.func @body(%arg0: memref<10000x128xf32, #tpu.memory_space<vmem>>, %arg1: memref<1x128xf32, #tpu.memory_space<vmem>>, %arg2: memref<1x128xf32, #tpu.memory_space<vmem>>, %arg3: memref<1x128xf32, #tpu.memory_space<vmem>>, %arg4: memref<1x128xf32, #tpu.memory_space<vmem>>, %arg5: memref<10000x128xf32, #tpu.memory_space<vmem>>) attributes {dimension_semantics = [], scalar_prefetch = 0 : i64, scratch_operands = 0 : i64, tpu.core_type = #tpu.core_type<tc>} {
    %get3A = arith.constant 0 : index
    %get3A_0 = arith.constant 0 : index
    %get3A_1 = vector.load %arg0[%get3A, %get3A_0] : memref<10000x128xf32, #tpu.memory_space<vmem>>, vector<10000x128xf32>
    %get3A_2 = arith.constant 0 : index
    %get3A_3 = arith.constant 0 : index
    %get3A_4 = vector.load %arg1[%get3A_2, %get3A_3] : memref<1x128xf32, #tpu.memory_space<vmem>>, vector<1x128xf32>
    %sub3A = vector.broadcast %get3A_4 : vector<1x128xf32> to vector<10000x128xf32>
    %sub3A_5 = arith.subf %get3A_1, %sub3A : vector<10000x128xf32>
    %get3A_6 = arith.constant 0 : index
    %get3A_7 = arith.constant 0 : index
    %get3A_8 = vector.load %arg2[%get3A_6, %get3A_7] : memref<1x128xf32, #tpu.memory_space<vmem>>, vector<1x128xf32>
    %add3A = arith.constant 9.99999974E-6 : f32
    %add3A_9 = vector.broadcast %add3A : f32 to vector<1x128xf32>
    %add3A_10 = arith.addf %get3A_8, %add3A_9 : vector<1x128xf32>
    %sqrt3A = math.sqrt %add3A_10 : vector<1x128xf32>
    %div3A = vector.broadcast %sqrt3A : vector<1x128xf32> to vector<10000x128xf32>
    %div3A_11 = arith.divf %sub3A_5, %div3A : vector<10000x128xf32>
    %get3A_12 = arith.constant 0 : index
    %get3A_13 = arith.constant 0 : index
    %get3A_14 = vector.load %arg3[%get3A_12, %get3A_13] : memref<1x128xf32, #tpu.memory_space<vmem>>, vector<1x128xf32>
    %mul3A = vector.broadcast %get3A_14 : vector<1x128xf32> to vector<10000x128xf32>
    %mul3A_15 = arith.mulf %div3A_11, %mul3A : vector<10000x128xf32>
    %get3A_16 = arith.constant 0 : index
    %get3A_17 = arith.constant 0 : index
    %get3A_18 = vector.load %arg4[%get3A_16, %get3A_17] : memref<1x128xf32, #tpu.memory_space<vmem>>, vector<1x128xf32>
    %add3A_19 = vector.broadcast %get3A_18 : vector<1x128xf32> to vector<10000x128xf32>
    %add3A_20 = arith.addf %mul3A_15, %add3A_19 : vector<10000x128xf32>
    %max3A = arith.constant 0.000000e+00 : f32
    %max3A_21 = vector.broadcast %max3A : f32 to vector<10000x128xf32>
    %max3A_22 = arith.maximumf %add3A_20, %max3A_21 : vector<10000x128xf32>
    %swap3A = arith.constant 0 : index
    %swap3A_23 = arith.constant 0 : index
    %swap3A_24 = vector.load %arg5[%swap3A, %swap3A_23] : memref<10000x128xf32, #tpu.memory_space<vmem>>, vector<10000x128xf32>
    tpu.vector_store %arg5[%swap3A, %swap3A_23], %max3A_22 {strides = array<i32>} : memref<10000x128xf32, #tpu.memory_space<vmem>>, vector<10000x128xf32>,
    return
  }
}

module attributes {stable_mosaic.version = 14 : i64} {
  func.func @body(%arg0: memref<10000x128xf32, #tpu.memory_space<vmem>>, %arg1: memref<1x128xf32, #tpu.memory_space<vmem>>, %arg2: memref<1x128xf32, #tpu.memory_space<vmem>>, %arg3: memref<1x128xf32, #tpu.memory_space<vmem>>, %arg4: memref<1x128xf32, #tpu.memory_space<vmem>>, %arg5: memref<10000x128xf32, #tpu.memory_space<vmem>>) attributes {dimension_semantics = [], scalar_prefetch = 0 : i64, scratch_operands = 0 : i64, tpu.core_type = #tpu.core_type<tc>} {
    %get3A = arith.constant 0 : index
    %get3A_0 = arith.constant 0 : index
    %get3A_1 = vector.load %arg0[%get3A, %get3A_0] : memref<10000x128xf32, #tpu.memory_space<vmem>>, vector<10000x128xf32>
    %get3A_2 = arith.constant 0 : index
    %get3A_3 = arith.constant 0 : index
    %get3A_4 = vector.load %arg1[%get3A_2, %get3A_3] : memref<1x128xf32, #tpu.memory_space<vmem>>, vector<1x128xf32>
    %sub3A = vector.broadcast %get3A_4 : vector<1x128xf32> to vector<10000x128xf32>
    %sub3A_5 = arith.subf %get3A_1, %sub3A : vector<10000x128xf32>
    %get3A_6 = arith.constant 0 : index
    %get3A_7 = arith.constant 0 : index
    %get3A_8 = vector.load %arg2[%get3A_6, %get3A_7] : memref<1x128xf32, #tpu.memory_space<vmem>>, vector<1x128xf32>
    %add3A = arith.constant 9.99999974E-6 : f32
    %add3A_9 = vector.broadcast %add3A : f32 to vector<1x128xf32>
    %add3A_10 = arith.addf %get3A_8, %add3A_9 : vector<1x128xf32>
    %sqrt3A = math.sqrt %add3A_10 : vector<1x128xf32>
    %div3A = vector.broadcast %sqrt3A : vector<1x128xf32> to vector<10000x128xf32>
    %div3A_11 = arith.divf %sub3A_5, %div3A : vector<10000x128xf32>
    %get3A_12 = arith.constant 0 : index
    %get3A_13 = arith.constant 0 : index
    %get3A_14 = vector.load %arg3[%get3A_12, %get3A_13] : memref<1x128xf32, #tpu.memory_space<vmem>>, vector<1x128xf32>
    %mul3A = vector.broadcast %get3A_14 : vector<1x128xf32> to vector<10000x128xf32>
    %mul3A_15 = arith.mulf %div3A_11, %mul3A : vector<10000x128xf32>
    %get3A_16 = arith.constant 0 : index
    %get3A_17 = arith.constant 0 : index
    %get3A_18 = vector.load %arg4[%get3A_16, %get3A_17] : memref<1x128xf32, #tpu.memory_space<vmem>>, vector<1x128xf32>
    %add3A_19 = vector.broadcast %get3A_18 : vector<1x128xf32> to vector<10000x128xf32>
    %add3A_20 = arith.addf %mul3A_15, %add3A_19 : vector<10000x128xf32>
    %swap3A = arith.constant 0 : index
    %swap3A_21 = arith.constant 0 : index
    %swap3A_22 = vector.load %arg5[%swap3A, %swap3A_21] : memref<10000x128xf32, #tpu.memory_space<vmem>>, vector<10000x128xf32>
    tpu.vector_store %arg5[%swap3A, %swap3A_21], %add3A_20 {strides = array<i32>} : memref<10000x128xf32, #tpu.memory_space<vmem>>, vector<10000x128xf32>,
    return
  }
}

module attributes {stable_mosaic.version = 14 : i64} {
  func.func @body(%arg0: memref<2x2048x128xf32, #tpu.memory_space<vmem>>, %arg1: memref<2x2048x1xf32, #tpu.memory_space<vmem>>, %arg2: memref<2048x128xf32, #tpu.memory_space<vmem>>) attributes {dimension_semantics = [], scalar_prefetch = 0 : i64, scratch_operands = 0 : i64, tpu.core_type = #tpu.core_type<tc>} {
    %get3A = arith.constant 0 : index
    %get3A_0 = arith.constant 0 : index
    %get3A_1 = arith.constant 0 : index
    %get3A_2 = vector.load %arg1[%get3A, %get3A_0, %get3A_1] : memref<2x2048x1xf32, #tpu.memory_space<vmem>>, vector<1x2048x1xf32>
    %get3A_3 = vector.shape_cast %get3A_2 : vector<1x2048x1xf32> to vector<2048x1xf32>
    %get3A_4 = arith.constant 1 : index
    %get3A_5 = arith.constant 0 : index
    %get3A_6 = arith.constant 0 : index
    %get3A_7 = vector.load %arg1[%get3A_4, %get3A_5, %get3A_6] : memref<2x2048x1xf32, #tpu.memory_space<vmem>>, vector<1x2048x1xf32>
    %get3A_8 = vector.shape_cast %get3A_7 : vector<1x2048x1xf32> to vector<2048x1xf32>
    %add3A = arith.addf %get3A_3, %get3A_8 : vector<2048x1xf32>
    %max3A = arith.constant 1.000000e+00 : f32
    %max3A_9 = vector.broadcast %max3A : f32 to vector<2048x1xf32>
    %max3A_10 = arith.maximumf %add3A, %max3A_9 : vector<2048x1xf32>
    %get3A_11 = arith.constant 0 : index
    %get3A_12 = arith.constant 0 : index
    %get3A_13 = arith.constant 0 : index
    %get3A_14 = vector.load %arg0[%get3A_11, %get3A_12, %get3A_13] : memref<2x2048x128xf32, #tpu.memory_space<vmem>>, vector<1x2048x128xf32>
    %get3A_15 = vector.shape_cast %get3A_14 : vector<1x2048x128xf32> to vector<2048x128xf32>
    %get3A_16 = arith.constant 1 : index
    %get3A_17 = arith.constant 0 : index
    %get3A_18 = arith.constant 0 : index
    %get3A_19 = vector.load %arg0[%get3A_16, %get3A_17, %get3A_18] : memref<2x2048x128xf32, #tpu.memory_space<vmem>>, vector<1x2048x128xf32>
    %get3A_20 = vector.shape_cast %get3A_19 : vector<1x2048x128xf32> to vector<2048x128xf32>
    %add3A_21 = arith.addf %get3A_15, %get3A_20 : vector<2048x128xf32>
    %div3A = vector.broadcast %max3A_10 : vector<2048x1xf32> to vector<2048x128xf32>
    %div3A_22 = arith.divf %add3A_21, %div3A : vector<2048x128xf32>
    %swap3A = arith.constant 0 : index
    %swap3A_23 = arith.constant 0 : index
    %swap3A_24 = vector.load %arg2[%swap3A, %swap3A_23] : memref<2048x128xf32, #tpu.memory_space<vmem>>, vector<2048x128xf32>
    tpu.vector_store %arg2[%swap3A, %swap3A_23], %div3A_22 {strides = array<i32>} : memref<2048x128xf32, #tpu.memory_space<vmem>>, vector<2048x128xf32>,
    return
  }
}

</mosaic_0001>

<sc_bundles>
// kernel: kernel.10.cloned.1.call-start
scs
__scs_entry_jumppad:
0x0: {  	(pc) =	sbr.rel $0x88, $3  }
0x1: {  	(tag) =	ssettag $0x0;
	lr =	simm.s32 $0x1  }
0x2: {  	[smem:$0x3F97] =	sst lr;
	_ =	strace $0xD0000000  }
0x3: {  	_ = 	snop  }
0x4: {  	_ = 	snop  }
0x5: {  	_ = 	snop  }
0x6: {  	_ = 	snop  }
0x7: {  	_ = 	snop  }
__scs_overlays_trampoline_lowered:
0x8: {  	[smem:$0x3FA6] =	sst s0  }
0x9: {  	[smem:$0x3FA7] =	sst s1  }
0xa: {  	[smem:$0x3FA8] =	sst s2  }
0xb: {  	[smem:$0x3FA9] =	sst s3  }
0xc: {  	[smem:$0x3FAA] =	sst s4  }
0xd: {  	[smem:$0x3FAB] =	sst s5  }
0xe: {  	[smem:$0x3FAC] =	sst s6  }
0xf: {  	[smem:$0x3FAD] =	sst s7  }
0x10: {  	[smem:$0x3FAE] =	sst s8  }
0x11: {  	[smem:$0x3FAF] =	sst s9;
	s0 =	simm.s32 @!p0 $0x0  }
0x12: {  	s1 =	sld [smem:$0x3F95];
	s0 =	simm.s32 @p0 $0x1  }
0x13: {  	[smem:$0x3FB0] =	sst s0;
	s0 =	simm.s32 @!p1 $0x0  }
0x14: {  	s2 =	sld [smem:$0x3F94];
	s0 =	simm.s32 @p1 $0x1  }
0x15: {  	[smem:$0x3FB1] =	sst s0;
	s0 =	simm.s32 @!p2 $0x0  }
0x16: {  	s3 =	sld [smem:$0x3FDB];
	s0 =	simm.s32 @p2 $0x1  }
0x17: {  	s4 =	simm.s32 $0x1BF5;
	[smem:$0x3FB3] =	sst s0  }
0x18: {  	s0 =	sld [smem:$0x3F96];
	_ =	swait.ge [sflag:s4], $0x0  }
0x19: {  	s7 =	sld [smem:$0x3F97]  }
0x1a: {  	s8 =	sadd.s32 $0xFFFFE003, lr  }
0x1b: {  	s9 =	sadd.s32 $0xFFFFFEF7, lr;
	s5 =	simm.s32 $0xFFFFFFFF;
	p2 =	slt.u32 s8, $0xFFFFF086  }
0x1c: {  	p1 =	slt.u32 s9, $0xF7A;
	s5 =	simm.s32 @!p2 $0x0  }
0x1d: {  	s5 =	simm.s32 @p1 $0x1;
	p0 =	seq.s32 s7, s2  }
0x1e: {  	s7 =	smul.u32 @!p0 $0xF7A, s2;
	p2 =	seq.s32 @!p0 s5, $0x0  }
0x1f: {  	s9 =	smul.u32 $0xF7A, s1;
	s8 =	simm.s32 @!p0 $0x1BF5;
	p2 =	por !p2, p0  }
0x20: {  	[sflag:s8] =	ssyncset.s32 @!p0 $0xFFFFF086;
	s6 =	sadd.s32 @!p0 s3, s7;
	s7 =	simm.s32 @!p0 $0x108  }
0x21: {  	s3 =	sadd.s32 s3, s9;
	s6 =	sadd.s32 @!p0 $0x88, s6;
	s7 =	simm.s32 @p2 $0x1082  }
0x22: {  	[simem:s7], [sflag:s8] =	dma.local @!p0 [hbm:s6], $0xF7A  }
0x23: {  	s9 =	sor.u32 $0xD0000000, s2;
	s6 =	simm.s32 $0x108;
	_ =	swait.ge @!p0 [sflag:s8], $0x0  }
0x24: {  	s3 =	sadd.s32 $0x88, s3;
	s6 =	simm.s32 @!p1 $0x1082;
	[sflag:s4] =	ssyncset.s32 $0xFFFFF086  }
0x25: {  	[simem:s6], [sflag:s4] =	dma.local [hbm:s3], $0xF7A  }
0x26: {  	[smem:$0x3F97] =	sst s1;
	(tag) =	ssettag s2;
	_ =	strace s9  }
0x27: {  	s1 =	sld [smem:$0x3FA7]  }
0x28: {  	s2 =	sld [smem:$0x3FA8]  }
0x29: {  	s4 =	sld [smem:$0x3FAA]  }
0x2a: {  	p0 =	seq.s32 s5, $0x0;
	s5 =	sld [smem:$0x3FAB]  }
0x2b: {  	s6 =	sld [smem:$0x3FAC]  }
0x2c: {  	s7 =	sld [smem:$0x3FAD]  }
0x2d: {  	s3 =	simm.s32 $0x108;
	s8 =	sld [smem:$0x3FAE]  }
0x2e: {  	s3 =	simm.s32 @!p0 $0x1082;
	s9 =	sld [smem:$0x3FAF]  }
0x2f: {  	lr =	sadd.s32 s0, s3;
	s0 =	sld [smem:$0x3FA6]  }
0x30: {  	s3 =	sld [smem:$0x3FA9]  }
0x31: {  	[smem:$0x3FB2] =	sst s10  }
0x32: {  	s10 =	sld [smem:$0x3FB0];
	_ =	sdelay $0x3  }
0x33: {  	p0 =	seq.s32 s10, $0x1;
	s10 =	sld [smem:$0x3FB2];
	_ =	sdelay $0x3  }
0x34: {  	[smem:$0x3FB2] =	sst s10  }
0x35: {  	s10 =	sld [smem:$0x3FB1];
	_ =	sdelay $0x3  }
0x36: {  	p1 =	seq.s32 s10, $0x1;
	s10 =	sld [smem:$0x3FB2];
	_ =	sdelay $0x3  }
0x37: {  	[smem:$0x3FB2] =	sst s10  }
0x38: {  	s10 =	sld [smem:$0x3FB3]  }
0x39: {  	_ = 	snop;
	(pc) =	sbr.ind lr, $3  }
0x3a: {  	_ = 	snop  }
0x3b: {  	_ = 	snop  }
0x3c: {  	p2 =	seq.s32 s10, $0x1;
	s10 =	sld [smem:$0x3FB2]  }
0x3d: {  	_ =	shalt  }
0x3e: {  	_ =	shalt  }
0x3f: {  	_ =	shalt  }
0x40: {  	_ =	shalt  }
0x41: {  	_ =	shalt  }
0x42: {  	_ =	shalt  }
0x43: {  	_ =	shalt  }
0x44: {  	_ =	shalt  }
0x45: {  	_ =	shalt  }
0x46: {  	_ =	shalt  }
0x47: {  	_ =	shalt  }
0x48: {  	_ =	shalt  }
0x49: {  	_ =	shalt  }
0x4a: {  	_ =	shalt  }
0x4b: {  	_ =	shalt  }
0x4c: {  	_ =	shalt  }
0x4d: {  	_ =	shalt  }
0x4e: {  	_ =	shalt  }
0x4f: {  	_ =	shalt  }
0x50: {  	_ =	shalt  }
0x51: {  	_ =	shalt  }
0x52: {  	_ =	shalt  }
0x53: {  	_ =	shalt  }
0x54: {  	_ =	shalt  }
0x55: {  	_ =	shalt  }
0x56: {  	_ =	shalt  }
0x57: {  	_ =	shalt  }
0x58: {  	_ =	shalt  }
0x59: {  	_ =	shalt  }
0x5a: {  	_ =	shalt  }
0x5b: {  	_ =	shalt  }
0x5c: {  	_ =	shalt  }
0x5d: {  	_ =	shalt  }
0x5e: {  	_ =	shalt  }
0x5f: {  	_ =	shalt  }
0x60: {  	_ =	shalt  }
0x61: {  	_ =	shalt  }
0x62: {  	_ =	shalt  }
0x63: {  	_ =	shalt  }
0x64: {  	_ =	shalt  }
0x65: {  	_ =	shalt  }
0x66: {  	_ =	shalt  }
0x67: {  	_ =	shalt  }
0x68: {  	_ =	shalt  }
0x69: {  	_ =	shalt  }
0x6a: {  	_ =	shalt  }
0x6b: {  	_ =	shalt  }
0x6c: {  	_ =	shalt  }
0x6d: {  	_ =	shalt  }
0x6e: {  	_ =	shalt  }
0x6f: {  	_ =	shalt  }
0x70: {  	_ =	shalt  }
0x71: {  	_ =	shalt  }
0x72: {  	_ =	shalt  }
0x73: {  	_ =	shalt  }
0x74: {  	_ =	shalt  }
0x75: {  	_ =	shalt  }
0x76: {  	_ =	shalt  }
0x77: {  	_ =	shalt  }
0x78: {  	_ =	shalt  }
0x79: {  	_ =	shalt  }
0x7a: {  	_ =	shalt  }
0x7b: {  	_ =	shalt  }
0x7c: {  	_ =	shalt  }
0x7d: {  	_ =	shalt  }
0x7e: {  	_ =	shalt  }
0x7f: {  	_ =	shalt  }
0x80: {  	_ =	shalt  }
0x81: {  	_ =	shalt  }
0x82: {  	_ =	shalt  }
0x83: {  	_ =	shalt  }
0x84: {  	_ =	shalt  }
0x85: {  	_ =	shalt  }
0x86: {  	_ =	shalt  }
0x87: {  	_ =	shalt  }
.Lfunc_end0:
.L_simem_size_0:
called_computation.3_lowered:
.L_overlay_start_0:
0x88: {  	s2 =	sld [smem:$0x3FD9]  }
0x89: {  	s3 =	sld [smem:$0x3FFE];
	_ =	sdelay $0x1  }
0x8a: {  	s1 =	srdreg.scid  }
0x8b: {  	s0 =	sand.u32 $0x1, s1  }
0x8c: {  	s16 =	sshll.u32 s0, $0xA;
	s2 =	sadd.s32 s3, s2  }
0x8d: {  	s2 =	sadd.s32 s2, s16  }
0x8e: {  	[smem:$0x3FBE] =	sst s2  }
0x8f: {  	_ = 	snop  }
0x90: {  	(tm) =	ssettm $0x1  }
0x91: {  	s17 =	sld [smem:$0x3FFB];
	_ =	sdelay $0x3  }
0x92: {  	_ =	strace s17  }
0x93: {  	s2 =	sld [smem:$0x3FFC];
	_ =	sdelay $0x3  }
0x94: {  	_ =	strace s2  }
0x95: {  	s2 =	sld [smem:$0x3FFD];
	_ =	sdelay $0x3  }
0x96: {  	_ =	strace s2  }
0x97: {  	_ =	strace $0x8FFFFFFF  }
0x98: {  	s18 =	sld [smem:$0x3FDB];
	_ =	sdelay $0x1  }
0x99: {  	s19 =	simm.s32 $_scs_section_size  }
0x9a: {  	s4 =	simm.s32 $_size__tile_overlayer_lowered;
	s5 =	simm.s32 $_tile_overlayer_lowered  }
0x9b: {  	s22 =	simm.s32 $0x1BFF;
	s21 =	sshll.u32 s5, $0x1;
	s2 =	sadd.s32 s19, s18  }
0x9c: {  	s6 =	simm.s32 $0x0;
	s20 =	sshll.u32 s4, $0x1;
	s4 =	sadd.s32 s21, s2  }
0x9d: {  	[timem:s6], [sflag:s22] =	dma.local [hbm:s4], s20  }
0x9e: {  	_ =	swait.ge [sflag:s22], s20  }
0x9f: {  	s3 =	ssub.s32 $0x0, s20;
	[sflag:s22] =	ssyncset.done $0x0  }
0xa0: {  	[sflag:s22] =	ssyncadd.s32 s3;
	_ =	sdelay $0x1  }
0xa1: {  	s23 =	simm.s32 $0x1B8B  }
0xa2: {  	_ =	swait.ge [sflag:s23], $0x1  }
0xa3: {  	[sflag:s23] =	ssyncset.done $0x0  }
0xa4: {  	s25 =	simm.s32 $0x1B8E;
	s24 =	sld [smem:$0x3FFE];
	[sflag:s23] =	ssyncadd.s32 $0xFFFFFFFF  }
0xa5: {  	s26 =	simm.s32 $execute0_lowered;
	[smem:$0x3FD2] =	sst s25  }
0xa6: {  	s4 =	sshll.u32 s26, $0x1;
	_ =	strace $0x8000004F;
	[dreg:$0x1] =	wrdreg $0xFFFFFFFF  }
0xa7: {  	s28 =	simm.s32 $_size_execute0_lowered;
	s2 =	sadd.s32 s2, s4;
	[dreg:$0x0] =	wrdreg $0x0  }
0xa8: {  	s4 =	sshll.u32 s28, $0x1;
	[dreg:$0x2] =	wrdreg s2  }
0xa9: {  	[dreg:$0x3] =	wrdreg s4  }
0xaa: {  	[dreg:$0x4] =	wrdreg $0xC0  }
0xab: {  	_ =	task [dreg:s6], $0x5FFFF  }
0xac: {  	[dreg:$0x1] =	wrdreg $0xFFFFFFFF  }
0xad: {  	[dreg:$0x0] =	wrdreg $0x60  }
0xae: {  	[dreg:$0x2] =	wrdreg s24  }
0xaf: {  	[dreg:$0x3] =	wrdreg $0xA8000  }
0xb0: {  	[dreg:$0x4] =	wrdreg $0x9  }
0xb1: {  	_ =	task.clear_ibuf [dreg:s6], $0x5FFFF;
	_ =	strace $0x9000004F  }
0xb2: {  	s29 =	simm.s32 $0x9;
	_ =	strace $0x80000051  }
0xb3: {  	_ =	swait.ge [sflag:s29], $0x1  }
0xb4: {  	[sflag:s29] =	ssyncadd.s32 $0xFFFFFFFF  }
0xb5: {  	_ =	strace $0x90000051  }
0xb6: {  	_ =	sfence  }
0xb7: {  	s30 =	sld [smem:$0x0];
	_ =	sdelay $0x2  }
0xb8: {  	s31 =	sshll.u32 s1, $0xD;
	s1 =	sshrl.u32 s1, $0x2  }
0xb9: {  	s3 =	sand.u32 $0x4000, s31;
	s1 =	sadd.s32 s1, s30  }
0xba: {  	s0 =	sor.u32 s3, s0;
	s1 =	sshll.u32 s1, $0x11  }
0xbb: {  	s0 =	sor.u32 s1, s0  }
0xbc: {  	s0 =	sadd.s32 $0x8F2B, s0  }
0xbd: {  	[sflag:s0] =	ssyncadd.remote.s32 $0x1  }
0xbe: {  	_ =	sfence.sel $0xFFFF  }
0xbf: {  	[dreg:$0x0] =	wrdreg $0xFFFFFFFF;
	(pc) =	sbr.abs _section_cstart, $3  }
0xc0: {  	[dreg:$0x1] =	wrdreg $0xFFFFFFFF  }
0xc1: {  	_ =	task.clear_ibuf [dreg:s6], $0x2FFFF;
	_ =	strace $0x9FFFFFFF  }
0xc2: {  	(tm) =	ssettm $0x7FFFFFFF  }
0xc3: {  	_ =	shalt  }
tec
execute0_lowered:
.L_overlay_start_1:
0x0: {  	(tag) =	ssettag $0x1  }
0x1: {  	s7 =	rddreg [dreg:$0x0]  }
0x2: {  	s1 =	rddreg [dreg:$0x1];
	s2 =	srdreg.scid  }
0x3: {  	s0 =	rddreg [dreg:$0x2];
	s11 =	stileid.u32;
	s16 =	simm.s32 $0x50  }
0x4: {  	s17 =	simm.s32 $0x8000;
	s18 =	simm.s32 $0x1;
	s19 =	simm.s32 $0x0  }
0x5: {  	s4 =	sand.u32 $0x1, s2;
	s2 =	simm.s32 $0x0;
	s8 =	smul.u32 $0x13800, s11  }
0x6: {  	s3 =	sshll.u32 s11, $0xC;
	s10 =	smul.u32 $0x4E000, s11;
	s12 =	sadd.s32 $0x64600, s7  }
0x7: {  	s15 =	sadd.s32 $0x138000, s1;
	p0 =	sne.s32 s11, $0x0;
	s31 =	sshll.u32 s11, $0x6  }
0x8: {  	s11 =	simm.s32 $0x2;
	s5 =	sshll.u32 s4, $0xB;
	[smem:$0x7FF] =	sst s2  }
0x9: {  	s9 =	ssub.s32 $0x2, s4;
	s29 =	smul.u32 $0x138800, s4;
	s15 =	sshrl.u32 @!p0 s15, $0x3  }
0xa: {  	s5 =	sor.u32 s5, s3;
	_ =	strace $0x80000050;
	s3 =	sadd.s32 $0x16200, s7  }
0xb: {  	s6 =	sshrl.u32 s8, $0x3;
	s13 =	sshrl.u32 s9, $0x1;
	s28 =	sshrl.u32 s10, $0x2  }
0xc: {  	s5 =	sadd.s32 s5, s7;
	s6 =	sadd.s32 s6, s7;
	s13 =	ssub.s32 s9, s13  }
0xd: {  	s14 =	sadd.s32 s28, s1;
	s8 =	sadd.s32 s8, s29;
	s30 =	sshrl.u32 s29, $0x3  }
0xe: {  	s7 =	sadd.s32 $0x64400, s7;
	s4 =	sadd.s32 $0x1E00, s5;
	s5 =	sadd.s32 $0x53EC00, s5  }
0xf: {  	s6 =	sadd.s32 $0x3D400, s6;
	s8 =	sshrl.u32 s8, $0x3;
	s9 =	sadd.s32 s12, s30  }
0x10: {  	s10 =	smax.u32 s13, $0x1;
	s13 =	sor.u32 $0x1C02, s31;
	s14 =	sshrl.u32 s14, $0x3  }
0x11: {  	s8 =	sadd.s32 s12, s8;
	s9 =	sadd.s32 $0x27000, s9;
	s12 =	simm.s32 $0x4000  }
.LBB2_1:
0x12: {  	[tilespmem:s2], [sflag:$0x2] =	stream.linear.gather [hbm4b:s4+s2], $0x3E80, $0x38;
	[tilespmem:$0x1E080] =	vst v63  }
0x13: {  	_ =	swait.ge [sflag:s11], $0x3E80  }
0x14: {  	[sflag:s11] =	ssyncset.done $0x0  }
0x15: {  	[sflag:s11] =	ssyncadd.s32 $0xFFFFC180  }
0x16: {  	[tilespmem:s12], [sflag:$0x2] =	stream.linear.gather [hbm4b:s5+s2], $0x3E80, $0x38;
	[tilespmem:$0x1E080] =	vst v63  }
0x17: {  	_ =	swait.ge [sflag:s11], $0x3E80  }
0x18: {  	[sflag:s11] =	ssyncset.done $0x0  }
0x19: {  	[sflag:s11] =	ssyncadd.s32 $0xFFFFC180  }
0x1a: {  	[spmem:s14], [sflag:s13] =	dma.local [hbm:s6], $0x2700  }
0x1b: {  	_ =	swait.ge [sflag:s11], $0x2700  }
0x1c: {  	[sflag:s11] =	ssyncset.done $0x0  }
0x1d: {  	s20 =	simm.s32 @!p0 $0x2;
	[sflag:s11] =	ssyncadd.s32 $0xFFFFD900  }
0x1e: {  	[spmem:s15], [sflag:s13] =	dma.local @!p0 [hbm:s7], $0x100  }
0x1f: {  	_ =	swait.ge @!p0 [sflag:s20], $0x100  }
0x20: {  	[sflag:s20] =	ssyncset.done @!p0 $0x0  }
0x21: {  	[sflag:s20] =	ssyncadd.s32 @!p0 $0xFFFFFF00  }
0x22: {  	s30 =	simm.s32 $0x0;
	[bflag:$0x0] =	sbarrier.arrive $0xFFFF  }
0x23: {  	[tilespmem:s17], [sflag:$0x1] =	stream.indirect.gather [hbm4b:s3+s16], $0x80, s30, s16, $0xb8;
	[tilespmem:$0x1E080] =	vst v63  }
0x24: {  	_ =	swait.ge [sflag:s18], $0x2800  }
0x25: {  	[sflag:s18] =	ssyncset.done $0x0  }
0x26: {  	s31 =	simm.s32 $0x4000;
	[sflag:s18] =	ssyncadd.s32 $0xFFFFD800  }
0x27: {  	[spmem:s1] =	stream.indirect.scatter.add.f32 [tilespmem:s17], [sflag:$0x2], $0x80, s31, s16, $0xb8;
	[tilespmem:$0x1E080] =	vst v63  }
0x28: {  	_ =	swait.ge [sflag:s11], $0x2800  }
0x29: {  	s21 =	simm.s32 $0x400;
	s20 =	simm.s32 $0x200;
	[sflag:s11] =	ssyncset.done $0x0  }
.LBB2_2:
0x2a: {  	s22 =	sshra.s32 s20, $0x2  }
0x2b: {  	[sflag:s11] =	ssyncadd.s32 $0xFFFFD800;
	s20 =	smov.u32 s21;
	s23 =	sadd.s32 $0x200, s21  }
0x2c: {  	[tilespmem:s17], [sflag:$0x1] =	stream.indirect.gather [hbm4b:s3+s16], $0x80, s22, s16, $0xb8;
	[tilespmem:$0x1E080] =	vst v63  }
0x2d: {  	p1 =	sne.s32 s21, $0xF800;
	_ =	swait.ge [sflag:s18], $0x2800  }
.Ltmp0:
0x2e: {  	[sflag:s18] =	ssyncset.done $0x0;
	(pc) =	sbr.rel @p1 .LBB2_2-.Ltmp0, $4  }
0x2f: {  	s21 =	sadd.s32 $0x4000, s22;
	[sflag:s18] =	ssyncadd.s32 $0xFFFFD800  }
0x30: {  	[spmem:s1] =	stream.indirect.scatter.add.f32 [tilespmem:s17], [sflag:$0x2], $0x80, s21, s16, $0xb8;
	[tilespmem:$0x1E080] =	vst v63  }
0x31: {  	_ =	swait.ge [sflag:s11], $0x2800  }
0x32: {  	s21 =	smov.u32 s23;
	[sflag:s11] =	ssyncset.done $0x0  }
0x33: {  	s20 =	sshra.s32 s20, $0x2;
	[sflag:s11] =	ssyncadd.s32 $0xFFFFD800  }
0x34: {  	[tilespmem:s17], [sflag:$0x1] =	stream.indirect.gather [hbm4b:s3+s16], $0x80, s20, s16, $0xb8;
	[tilespmem:$0x1E080] =	vst v63  }
0x35: {  	_ =	swait.ge [sflag:s18], $0x2800  }
0x36: {  	[sflag:s18] =	ssyncset.done $0x0  }
0x37: {  	s20 =	sadd.s32 $0x4000, s20;
	[sflag:s18] =	ssyncadd.s32 $0xFFFFD800  }
0x38: {  	[spmem:s1] =	stream.indirect.scatter.add.f32 [tilespmem:s17], [sflag:$0x2], $0x80, s20, s16, $0xb8;
	[tilespmem:$0x1E080] =	vst v63  }
0x39: {  	_ =	swait.ge [sflag:s11], $0x2800  }
0x3a: {  	[sflag:s11] =	ssyncset.done $0x0  }
0x3b: {  	[sflag:s11] =	ssyncadd.s32 $0xFFFFD800  }
0x3c: {  	[bflag:$0x0] =	sbarrier.arrive $0xFFFF  }
0x3d: {  	[hbm:s8], [sflag:s13] =	dma.local [spmem:s14], $0x2700  }
0x3e: {  	s19 =	sadd.s32 $0x1, s19;
	_ =	swait.ge [sflag:s11], $0x2700  }
0x3f: {  	p1 =	sne.s32 s19, s10;
	[sflag:s11] =	ssyncset.done $0x0  }
.Ltmp1:
0x40: {  	s20 =	simm.s32 @!p0 $0x2;
	[sflag:s11] =	ssyncadd.s32 $0xFFFFD900;
	(pc) =	sbr.rel @p1 .LBB2_1-.Ltmp1, $4  }
0x41: {  	[hbm:s9], [sflag:s13] =	dma.local @!p0 [spmem:s15], $0x100  }
0x42: {  	_ =	swait.ge @!p0 [sflag:s20], $0x100  }
0x43: {  	[sflag:s20] =	ssyncset.done @!p0 $0x0  }
0x44: {  	[sflag:s20] =	ssyncadd.s32 @!p0 $0xFFFFFF00  }
0x45: {  	_ =	sfence.sel $0x180000  }
0x46: {  	[bflag:$0x0] =	sbarrier.arrive $0xFFFF  }
0x47: {  	_ =	strace $0x90000050  }
0x48: {  	s0 =	sadd.s32 @!p0 $0x100000, s0;
	[bflag:$0x2] =	sbarrier.arrive $0xFFFF  }
0x49: {  	[sflag:s0] =	ssyncadd.tile.s32 @!p0 $0x1;
	_ =	shalt  }
.Lfunc_end2:
_tile_overlayer_lowered:
.L_overlay_start_2:
0x4a: {  	(tag) =	ssettag $0x2  }
0x4b: {  	s0 =	rddreg [dreg:$0x0];
	s2 =	stileid.u32  }
0x4c: {  	s1 =	rddreg [dreg:$0x1];
	p0 =	sne.s32 s2, $0x0  }
0x4d: {  	s3 =	rddreg [dreg:$0x2];
	[bflag:$0x3] =	sbarrier.arrive $0xFFFF;
	s2 =	simm.s32 @!p0 $0x1C02  }
0x4e: {  	[timem:s3], [sflag:s2] =	dma.local @!p0 [hbm:s0], s1  }
0x4f: {  	s0 =	simm.s32 @!p0 $0x2  }
0x50: {  	_ =	swait.ge @!p0 [sflag:s0], s1  }
0x51: {  	s1 =	ssub.s32 @!p0 $0x0, s1;
	[sflag:s0] =	ssyncset.done @!p0 $0x0  }
0x52: {  	[sflag:s0] =	ssyncadd.s32 @!p0 s1  }
0x53: {  	[bflag:$0x3] =	sbarrier.arrive $0xFFFF  }
0x54: {  	_ =	shalt  }

// kernel: kernel.13.cloned.1.call-start
scs
__scs_entry_jumppad:
0x0: {  	(pc) =	sbr.rel $0x88, $3  }
0x1: {  	(tag) =	ssettag $0x0;
	lr =	simm.s32 $0x1  }
0x2: {  	[smem:$0x3F97] =	sst lr;
	_ =	strace $0xD0000000  }
0x3: {  	_ = 	snop  }
0x4: {  	_ = 	snop  }
0x5: {  	_ = 	snop  }
0x6: {  	_ = 	snop  }
0x7: {  	_ = 	snop  }
__scs_overlays_trampoline_lowered:
0x8: {  	[smem:$0x3FA6] =	sst s0  }
0x9: {  	[smem:$0x3FA7] =	sst s1  }
0xa: {  	[smem:$0x3FA8] =	sst s2  }
0xb: {  	[smem:$0x3FA9] =	sst s3  }
0xc: {  	[smem:$0x3FAA] =	sst s4  }
0xd: {  	[smem:$0x3FAB] =	sst s5  }
0xe: {  	[smem:$0x3FAC] =	sst s6  }
0xf: {  	[smem:$0x3FAD] =	sst s7  }
0x10: {  	[smem:$0x3FAE] =	sst s8  }
0x11: {  	[smem:$0x3FAF] =	sst s9;
	s0 =	simm.s32 @!p0 $0x0  }
0x12: {  	s1 =	sld [smem:$0x3F95];
	s0 =	simm.s32 @p0 $0x1  }
0x13: {  	[smem:$0x3FB0] =	sst s0;
	s0 =	simm.s32 @!p1 $0x0  }
0x14: {  	s2 =	sld [smem:$0x3F94];
	s0 =	simm.s32 @p1 $0x1  }
0x15: {  	[smem:$0x3FB1] =	sst s0;
	s0 =	simm.s32 @!p2 $0x0  }
0x16: {  	s3 =	sld [smem:$0x3FDB];
	s0 =	simm.s32 @p2 $0x1  }
0x17: {  	s4 =	simm.s32 $0x1BF5;
	[smem:$0x3FB3] =	sst s0  }
0x18: {  	s0 =	sld [smem:$0x3F96];
	_ =	swait.ge [sflag:s4], $0x0  }
0x19: {  	s7 =	sld [smem:$0x3F97]  }
0x1a: {  	s8 =	sadd.s32 $0xFFFFE003, lr  }
0x1b: {  	s9 =	sadd.s32 $0xFFFFFEF7, lr;
	s5 =	simm.s32 $0xFFFFFFFF;
	p2 =	slt.u32 s8, $0xFFFFF086  }
0x1c: {  	p1 =	slt.u32 s9, $0xF7A;
	s5 =	simm.s32 @!p2 $0x0  }
0x1d: {  	s5 =	simm.s32 @p1 $0x1;
	p0 =	seq.s32 s7, s2  }
0x1e: {  	s7 =	smul.u32 @!p0 $0xF7A, s2;
	p2 =	seq.s32 @!p0 s5, $0x0  }
0x1f: {  	s9 =	smul.u32 $0xF7A, s1;
	s8 =	simm.s32 @!p0 $0x1BF5;
	p2 =	por !p2, p0  }
0x20: {  	[sflag:s8] =	ssyncset.s32 @!p0 $0xFFFFF086;
	s6 =	sadd.s32 @!p0 s3, s7;
	s7 =	simm.s32 @!p0 $0x108  }
0x21: {  	s3 =	sadd.s32 s3, s9;
	s6 =	sadd.s32 @!p0 $0x88, s6;
	s7 =	simm.s32 @p2 $0x1082  }
0x22: {  	[simem:s7], [sflag:s8] =	dma.local @!p0 [hbm:s6], $0xF7A  }
0x23: {  	s9 =	sor.u32 $0xD0000000, s2;
	s6 =	simm.s32 $0x108;
	_ =	swait.ge @!p0 [sflag:s8], $0x0  }
0x24: {  	s3 =	sadd.s32 $0x88, s3;
	s6 =	simm.s32 @!p1 $0x1082;
	[sflag:s4] =	ssyncset.s32 $0xFFFFF086  }
0x25: {  	[simem:s6], [sflag:s4] =	dma.local [hbm:s3], $0xF7A  }
0x26: {  	[smem:$0x3F97] =	sst s1;
	(tag) =	ssettag s2;
	_ =	strace s9  }
0x27: {  	s1 =	sld [smem:$0x3FA7]  }
0x28: {  	s2 =	sld [smem:$0x3FA8]  }
0x29: {  	s4 =	sld [smem:$0x3FAA]  }
0x2a: {  	p0 =	seq.s32 s5, $0x0;
	s5 =	sld [smem:$0x3FAB]  }
0x2b: {  	s6 =	sld [smem:$0x3FAC]  }
0x2c: {  	s7 =	sld [smem:$0x3FAD]  }
0x2d: {  	s3 =	simm.s32 $0x108;
	s8 =	sld [smem:$0x3FAE]  }
0x2e: {  	s3 =	simm.s32 @!p0 $0x1082;
	s9 =	sld [smem:$0x3FAF]  }
0x2f: {  	lr =	sadd.s32 s0, s3;
	s0 =	sld [smem:$0x3FA6]  }
0x30: {  	s3 =	sld [smem:$0x3FA9]  }
0x31: {  	[smem:$0x3FB2] =	sst s10  }
0x32: {  	s10 =	sld [smem:$0x3FB0];
	_ =	sdelay $0x3  }
0x33: {  	p0 =	seq.s32 s10, $0x1;
	s10 =	sld [smem:$0x3FB2];
	_ =	sdelay $0x3  }
0x34: {  	[smem:$0x3FB2] =	sst s10  }
0x35: {  	s10 =	sld [smem:$0x3FB1];
	_ =	sdelay $0x3  }
0x36: {  	p1 =	seq.s32 s10, $0x1;
	s10 =	sld [smem:$0x3FB2];
	_ =	sdelay $0x3  }
0x37: {  	[smem:$0x3FB2] =	sst s10  }
0x38: {  	s10 =	sld [smem:$0x3FB3]  }
0x39: {  	_ = 	snop;
	(pc) =	sbr.ind lr, $3  }
0x3a: {  	_ = 	snop  }
0x3b: {  	_ = 	snop  }
0x3c: {  	p2 =	seq.s32 s10, $0x1;
	s10 =	sld [smem:$0x3FB2]  }
0x3d: {  	_ =	shalt  }
0x3e: {  	_ =	shalt  }
0x3f: {  	_ =	shalt  }
0x40: {  	_ =	shalt  }
0x41: {  	_ =	shalt  }
0x42: {  	_ =	shalt  }
0x43: {  	_ =	shalt  }
0x44: {  	_ =	shalt  }
0x45: {  	_ =	shalt  }
0x46: {  	_ =	shalt  }
0x47: {  	_ =	shalt  }
0x48: {  	_ =	shalt  }
0x49: {  	_ =	shalt  }
0x4a: {  	_ =	shalt  }
0x4b: {  	_ =	shalt  }
0x4c: {  	_ =	shalt  }
0x4d: {  	_ =	shalt  }
0x4e: {  	_ =	shalt  }
0x4f: {  	_ =	shalt  }
0x50: {  	_ =	shalt  }
0x51: {  	_ =	shalt  }
0x52: {  	_ =	shalt  }
0x53: {  	_ =	shalt  }
0x54: {  	_ =	shalt  }
0x55: {  	_ =	shalt  }
0x56: {  	_ =	shalt  }
0x57: {  	_ =	shalt  }
0x58: {  	_ =	shalt  }
0x59: {  	_ =	shalt  }
0x5a: {  	_ =	shalt  }
0x5b: {  	_ =	shalt  }
0x5c: {  	_ =	shalt  }
0x5d: {  	_ =	shalt  }
0x5e: {  	_ =	shalt  }
0x5f: {  	_ =	shalt  }
0x60: {  	_ =	shalt  }
0x61: {  	_ =	shalt  }
0x62: {  	_ =	shalt  }
0x63: {  	_ =	shalt  }
0x64: {  	_ =	shalt  }
0x65: {  	_ =	shalt  }
0x66: {  	_ =	shalt  }
0x67: {  	_ =	shalt  }
0x68: {  	_ =	shalt  }
0x69: {  	_ =	shalt  }
0x6a: {  	_ =	shalt  }
0x6b: {  	_ =	shalt  }
0x6c: {  	_ =	shalt  }
0x6d: {  	_ =	shalt  }
0x6e: {  	_ =	shalt  }
0x6f: {  	_ =	shalt  }
0x70: {  	_ =	shalt  }
0x71: {  	_ =	shalt  }
0x72: {  	_ =	shalt  }
0x73: {  	_ =	shalt  }
0x74: {  	_ =	shalt  }
0x75: {  	_ =	shalt  }
0x76: {  	_ =	shalt  }
0x77: {  	_ =	shalt  }
0x78: {  	_ =	shalt  }
0x79: {  	_ =	shalt  }
0x7a: {  	_ =	shalt  }
0x7b: {  	_ =	shalt  }
0x7c: {  	_ =	shalt  }
0x7d: {  	_ =	shalt  }
0x7e: {  	_ =	shalt  }
0x7f: {  	_ =	shalt  }
0x80: {  	_ =	shalt  }
0x81: {  	_ =	shalt  }
0x82: {  	_ =	shalt  }
0x83: {  	_ =	shalt  }
0x84: {  	_ =	shalt  }
0x85: {  	_ =	shalt  }
0x86: {  	_ =	shalt  }
0x87: {  	_ =	shalt  }
.Lfunc_end0:
.L_simem_size_0:
called_computation.4_lowered:
.L_overlay_start_0:
0x88: {  	s2 =	sld [smem:$0x3FD9]  }
0x89: {  	s3 =	sld [smem:$0x3FFE];
	_ =	sdelay $0x1  }
0x8a: {  	s1 =	srdreg.scid  }
0x8b: {  	s0 =	sand.u32 $0x1, s1  }
0x8c: {  	s16 =	sshll.u32 s0, $0xA;
	s2 =	sadd.s32 s3, s2  }
0x8d: {  	s2 =	sadd.s32 s2, s16  }
0x8e: {  	[smem:$0x3FBE] =	sst s2  }
0x8f: {  	_ = 	snop  }
0x90: {  	(tm) =	ssettm $0x1  }
0x91: {  	s17 =	sld [smem:$0x3FFB];
	_ =	sdelay $0x3  }
0x92: {  	_ =	strace s17  }
0x93: {  	s2 =	sld [smem:$0x3FFC];
	_ =	sdelay $0x3  }
0x94: {  	_ =	strace s2  }
0x95: {  	s2 =	sld [smem:$0x3FFD];
	_ =	sdelay $0x3  }
0x96: {  	_ =	strace s2  }
0x97: {  	_ =	strace $0x8FFFFFFF  }
0x98: {  	s18 =	sld [smem:$0x3FDB];
	_ =	sdelay $0x1  }
0x99: {  	s19 =	simm.s32 $_scs_section_size  }
0x9a: {  	s4 =	simm.s32 $_size__tile_overlayer_lowered;
	s5 =	simm.s32 $_tile_overlayer_lowered  }
0x9b: {  	s22 =	simm.s32 $0x1BFF;
	s21 =	sshll.u32 s5, $0x1;
	s2 =	sadd.s32 s19, s18  }
0x9c: {  	s6 =	simm.s32 $0x0;
	s20 =	sshll.u32 s4, $0x1;
	s4 =	sadd.s32 s21, s2  }
0x9d: {  	[timem:s6], [sflag:s22] =	dma.local [hbm:s4], s20  }
0x9e: {  	_ =	swait.ge [sflag:s22], s20  }
0x9f: {  	s3 =	ssub.s32 $0x0, s20;
	[sflag:s22] =	ssyncset.done $0x0  }
0xa0: {  	[sflag:s22] =	ssyncadd.s32 s3;
	_ =	sdelay $0x1  }
0xa1: {  	s23 =	simm.s32 $0x1B8B  }
0xa2: {  	_ =	swait.ge [sflag:s23], $0x1  }
0xa3: {  	[sflag:s23] =	ssyncset.done $0x0  }
0xa4: {  	s25 =	simm.s32 $0x1B8E;
	s24 =	sld [smem:$0x3FFE];
	[sflag:s23] =	ssyncadd.s32 $0xFFFFFFFF  }
0xa5: {  	s26 =	simm.s32 $execute0_lowered;
	[smem:$0x3FD2] =	sst s25  }
0xa6: {  	s4 =	sshll.u32 s26, $0x1;
	_ =	strace $0x80000052;
	[dreg:$0x1] =	wrdreg $0xFFFFFFFF  }
0xa7: {  	s28 =	simm.s32 $_size_execute0_lowered;
	s2 =	sadd.s32 s2, s4;
	[dreg:$0x0] =	wrdreg $0x0  }
0xa8: {  	s4 =	sshll.u32 s28, $0x1;
	[dreg:$0x2] =	wrdreg s2  }
0xa9: {  	[dreg:$0x3] =	wrdreg s4  }
0xaa: {  	[dreg:$0x4] =	wrdreg $0xC0  }
0xab: {  	_ =	task [dreg:s6], $0x5FFFF  }
0xac: {  	[dreg:$0x1] =	wrdreg $0xFFFFFFFF  }
0xad: {  	[dreg:$0x0] =	wrdreg $0x60  }
0xae: {  	[dreg:$0x2] =	wrdreg s24  }
0xaf: {  	[dreg:$0x3] =	wrdreg $0xA8000  }
0xb0: {  	[dreg:$0x4] =	wrdreg $0x9  }
0xb1: {  	_ =	task.clear_ibuf [dreg:s6], $0x5FFFF;
	_ =	strace $0x90000052  }
0xb2: {  	s29 =	simm.s32 $0x9;
	_ =	strace $0x80000054  }
0xb3: {  	_ =	swait.ge [sflag:s29], $0x1  }
0xb4: {  	[sflag:s29] =	ssyncadd.s32 $0xFFFFFFFF  }
0xb5: {  	_ =	strace $0x90000054  }
0xb6: {  	_ =	sfence  }
0xb7: {  	s30 =	sld [smem:$0x0];
	_ =	sdelay $0x2  }
0xb8: {  	s31 =	sshll.u32 s1, $0xD;
	s1 =	sshrl.u32 s1, $0x2  }
0xb9: {  	s3 =	sand.u32 $0x4000, s31;
	s1 =	sadd.s32 s1, s30  }
0xba: {  	s0 =	sor.u32 s3, s0;
	s1 =	sshll.u32 s1, $0x11  }
0xbb: {  	s0 =	sor.u32 s1, s0  }
0xbc: {  	s0 =	sadd.s32 $0x8F2B, s0  }
0xbd: {  	[sflag:s0] =	ssyncadd.remote.s32 $0x1  }
0xbe: {  	_ =	sfence.sel $0xFFFF  }
0xbf: {  	[dreg:$0x0] =	wrdreg $0xFFFFFFFF;
	(pc) =	sbr.abs _section_cstart, $3  }
0xc0: {  	[dreg:$0x1] =	wrdreg $0xFFFFFFFF  }
0xc1: {  	_ =	task.clear_ibuf [dreg:s6], $0x2FFFF;
	_ =	strace $0x9FFFFFFF  }
0xc2: {  	(tm) =	ssettm $0x7FFFFFFF  }
0xc3: {  	_ =	shalt  }
tec
execute0_lowered:
.L_overlay_start_1:
0x0: {  	(tag) =	ssettag $0x1  }
0x1: {  	s7 =	rddreg [dreg:$0x0]  }
0x2: {  	s1 =	rddreg [dreg:$0x1];
	s2 =	srdreg.scid  }
0x3: {  	s0 =	rddreg [dreg:$0x2];
	s11 =	stileid.u32;
	s16 =	simm.s32 $0x50  }
0x4: {  	s17 =	simm.s32 $0x8000;
	s18 =	simm.s32 $0x1;
	s19 =	simm.s32 $0x0  }
0x5: {  	s4 =	sand.u32 $0x1, s2;
	s2 =	simm.s32 $0x0;
	s8 =	smul.u32 $0x13800, s11  }
0x6: {  	s3 =	sshll.u32 s11, $0xC;
	s10 =	smul.u32 $0x4E000, s11;
	s12 =	sadd.s32 $0x64600, s7  }
0x7: {  	s15 =	sadd.s32 $0x138000, s1;
	p0 =	sne.s32 s11, $0x0;
	s31 =	sshll.u32 s11, $0x6  }
0x8: {  	s11 =	simm.s32 $0x2;
	s5 =	sshll.u32 s4, $0xB;
	[smem:$0x7FF] =	sst s2  }
0x9: {  	s9 =	ssub.s32 $0x2, s4;
	s29 =	smul.u32 $0x138800, s4;
	s15 =	sshrl.u32 @!p0 s15, $0x3  }
0xa: {  	s5 =	sor.u32 s5, s3;
	_ =	strace $0x80000053;
	s3 =	sadd.s32 $0x16200, s7  }
0xb: {  	s6 =	sshrl.u32 s8, $0x3;
	s13 =	sshrl.u32 s9, $0x1;
	s28 =	sshrl.u32 s10, $0x2  }
0xc: {  	s5 =	sadd.s32 s5, s7;
	s6 =	sadd.s32 s6, s7;
	s13 =	ssub.s32 s9, s13  }
0xd: {  	s14 =	sadd.s32 s28, s1;
	s8 =	sadd.s32 s8, s29;
	s30 =	sshrl.u32 s29, $0x3  }
0xe: {  	s7 =	sadd.s32 $0x64400, s7;
	s4 =	sadd.s32 $0x1E00, s5;
	s5 =	sadd.s32 $0x53EC00, s5  }
0xf: {  	s6 =	sadd.s32 $0x3D400, s6;
	s8 =	sshrl.u32 s8, $0x3;
	s9 =	sadd.s32 s12, s30  }
0x10: {  	s10 =	smax.u32 s13, $0x1;
	s13 =	sor.u32 $0x1C02, s31;
	s14 =	sshrl.u32 s14, $0x3  }
0x11: {  	s8 =	sadd.s32 s12, s8;
	s9 =	sadd.s32 $0x27000, s9;
	s12 =	simm.s32 $0x4000  }
.LBB2_1:
0x12: {  	[tilespmem:s2], [sflag:$0x2] =	stream.linear.gather [hbm4b:s4+s2], $0x3E80, $0x38;
	[tilespmem:$0x1E080] =	vst v63  }
0x13: {  	_ =	swait.ge [sflag:s11], $0x3E80  }
0x14: {  	[sflag:s11] =	ssyncset.done $0x0  }
0x15: {  	[sflag:s11] =	ssyncadd.s32 $0xFFFFC180  }
0x16: {  	[tilespmem:s12], [sflag:$0x2] =	stream.linear.gather [hbm4b:s5+s2], $0x3E80, $0x38;
	[tilespmem:$0x1E080] =	vst v63  }
0x17: {  	_ =	swait.ge [sflag:s11], $0x3E80  }
0x18: {  	[sflag:s11] =	ssyncset.done $0x0  }
0x19: {  	[sflag:s11] =	ssyncadd.s32 $0xFFFFC180  }
0x1a: {  	[spmem:s14], [sflag:s13] =	dma.local [hbm:s6], $0x2700  }
0x1b: {  	_ =	swait.ge [sflag:s11], $0x2700  }
0x1c: {  	[sflag:s11] =	ssyncset.done $0x0  }
0x1d: {  	s20 =	simm.s32 @!p0 $0x2;
	[sflag:s11] =	ssyncadd.s32 $0xFFFFD900  }
0x1e: {  	[spmem:s15], [sflag:s13] =	dma.local @!p0 [hbm:s7], $0x100  }
0x1f: {  	_ =	swait.ge @!p0 [sflag:s20], $0x100  }
0x20: {  	[sflag:s20] =	ssyncset.done @!p0 $0x0  }
0x21: {  	[sflag:s20] =	ssyncadd.s32 @!p0 $0xFFFFFF00  }
0x22: {  	s30 =	simm.s32 $0x0;
	[bflag:$0x0] =	sbarrier.arrive $0xFFFF  }
0x23: {  	[tilespmem:s17], [sflag:$0x1] =	stream.indirect.gather [hbm4b:s3+s16], $0x80, s30, s16, $0xb8;
	[tilespmem:$0x1E080] =	vst v63  }
0x24: {  	_ =	swait.ge [sflag:s18], $0x2800  }
0x25: {  	[sflag:s18] =	ssyncset.done $0x0  }
0x26: {  	s31 =	simm.s32 $0x4000;
	[sflag:s18] =	ssyncadd.s32 $0xFFFFD800  }
0x27: {  	[spmem:s1] =	stream.indirect.scatter.add.f32 [tilespmem:s17], [sflag:$0x2], $0x80, s31, s16, $0xb8;
	[tilespmem:$0x1E080] =	vst v63  }
0x28: {  	_ =	swait.ge [sflag:s11], $0x2800  }
0x29: {  	s21 =	simm.s32 $0x400;
	s20 =	simm.s32 $0x200;
	[sflag:s11] =	ssyncset.done $0x0  }
.LBB2_2:
0x2a: {  	s22 =	sshra.s32 s20, $0x2  }
0x2b: {  	[sflag:s11] =	ssyncadd.s32 $0xFFFFD800;
	s20 =	smov.u32 s21;
	s23 =	sadd.s32 $0x200, s21  }
0x2c: {  	[tilespmem:s17], [sflag:$0x1] =	stream.indirect.gather [hbm4b:s3+s16], $0x80, s22, s16, $0xb8;
	[tilespmem:$0x1E080] =	vst v63  }
0x2d: {  	p1 =	sne.s32 s21, $0xF800;
	_ =	swait.ge [sflag:s18], $0x2800  }
.Ltmp0:
0x2e: {  	[sflag:s18] =	ssyncset.done $0x0;
	(pc) =	sbr.rel @p1 .LBB2_2-.Ltmp0, $4  }
0x2f: {  	s21 =	sadd.s32 $0x4000, s22;
	[sflag:s18] =	ssyncadd.s32 $0xFFFFD800  }
0x30: {  	[spmem:s1] =	stream.indirect.scatter.add.f32 [tilespmem:s17], [sflag:$0x2], $0x80, s21, s16, $0xb8;
	[tilespmem:$0x1E080] =	vst v63  }
0x31: {  	_ =	swait.ge [sflag:s11], $0x2800  }
0x32: {  	s21 =	smov.u32 s23;
	[sflag:s11] =	ssyncset.done $0x0  }
0x33: {  	s20 =	sshra.s32 s20, $0x2;
	[sflag:s11] =	ssyncadd.s32 $0xFFFFD800  }
0x34: {  	[tilespmem:s17], [sflag:$0x1] =	stream.indirect.gather [hbm4b:s3+s16], $0x80, s20, s16, $0xb8;
	[tilespmem:$0x1E080] =	vst v63  }
0x35: {  	_ =	swait.ge [sflag:s18], $0x2800  }
0x36: {  	[sflag:s18] =	ssyncset.done $0x0  }
0x37: {  	s20 =	sadd.s32 $0x4000, s20;
	[sflag:s18] =	ssyncadd.s32 $0xFFFFD800  }
0x38: {  	[spmem:s1] =	stream.indirect.scatter.add.f32 [tilespmem:s17], [sflag:$0x2], $0x80, s20, s16, $0xb8;
	[tilespmem:$0x1E080] =	vst v63  }
0x39: {  	_ =	swait.ge [sflag:s11], $0x2800  }
0x3a: {  	[sflag:s11] =	ssyncset.done $0x0  }
0x3b: {  	[sflag:s11] =	ssyncadd.s32 $0xFFFFD800  }
0x3c: {  	[bflag:$0x0] =	sbarrier.arrive $0xFFFF  }
0x3d: {  	[hbm:s8], [sflag:s13] =	dma.local [spmem:s14], $0x2700  }
0x3e: {  	s19 =	sadd.s32 $0x1, s19;
	_ =	swait.ge [sflag:s11], $0x2700  }
0x3f: {  	p1 =	sne.s32 s19, s10;
	[sflag:s11] =	ssyncset.done $0x0  }
.Ltmp1:
0x40: {  	s20 =	simm.s32 @!p0 $0x2;
	[sflag:s11] =	ssyncadd.s32 $0xFFFFD900;
	(pc) =	sbr.rel @p1 .LBB2_1-.Ltmp1, $4  }
0x41: {  	[hbm:s9], [sflag:s13] =	dma.local @!p0 [spmem:s15], $0x100  }
0x42: {  	_ =	swait.ge @!p0 [sflag:s20], $0x100  }
0x43: {  	[sflag:s20] =	ssyncset.done @!p0 $0x0  }
0x44: {  	[sflag:s20] =	ssyncadd.s32 @!p0 $0xFFFFFF00  }
0x45: {  	_ =	sfence.sel $0x180000  }
0x46: {  	[bflag:$0x0] =	sbarrier.arrive $0xFFFF  }
0x47: {  	_ =	strace $0x90000053  }
0x48: {  	s0 =	sadd.s32 @!p0 $0x100000, s0;
	[bflag:$0x2] =	sbarrier.arrive $0xFFFF  }
0x49: {  	[sflag:s0] =	ssyncadd.tile.s32 @!p0 $0x1;
	_ =	shalt  }
.Lfunc_end2:
_tile_overlayer_lowered:
.L_overlay_start_2:
0x4a: {  	(tag) =	ssettag $0x2  }
0x4b: {  	s0 =	rddreg [dreg:$0x0];
	s2 =	stileid.u32  }
0x4c: {  	s1 =	rddreg [dreg:$0x1];
	p0 =	sne.s32 s2, $0x0  }
0x4d: {  	s3 =	rddreg [dreg:$0x2];
	[bflag:$0x3] =	sbarrier.arrive $0xFFFF;
	s2 =	simm.s32 @!p0 $0x1C02  }
0x4e: {  	[timem:s3], [sflag:s2] =	dma.local @!p0 [hbm:s0], s1  }
0x4f: {  	s0 =	simm.s32 @!p0 $0x2  }
0x50: {  	_ =	swait.ge @!p0 [sflag:s0], s1  }
0x51: {  	s1 =	ssub.s32 @!p0 $0x0, s1;
	[sflag:s0] =	ssyncset.done @!p0 $0x0  }
0x52: {  	[sflag:s0] =	ssyncadd.s32 @!p0 s1  }
0x53: {  	[bflag:$0x3] =	sbarrier.arrive $0xFFFF  }
0x54: {  	_ =	shalt  }

// kernel: kernel.16.cloned.1.call-start
scs
__scs_entry_jumppad:
0x0: {  	(pc) =	sbr.rel $0x88, $3  }
0x1: {  	(tag) =	ssettag $0x0;
	lr =	simm.s32 $0x1  }
0x2: {  	[smem:$0x3F97] =	sst lr;
	_ =	strace $0xD0000000  }
0x3: {  	_ = 	snop  }
0x4: {  	_ = 	snop  }
0x5: {  	_ = 	snop  }
0x6: {  	_ = 	snop  }
0x7: {  	_ = 	snop  }
__scs_overlays_trampoline_lowered:
0x8: {  	[smem:$0x3FA6] =	sst s0  }
0x9: {  	[smem:$0x3FA7] =	sst s1  }
0xa: {  	[smem:$0x3FA8] =	sst s2  }
0xb: {  	[smem:$0x3FA9] =	sst s3  }
0xc: {  	[smem:$0x3FAA] =	sst s4  }
0xd: {  	[smem:$0x3FAB] =	sst s5  }
0xe: {  	[smem:$0x3FAC] =	sst s6  }
0xf: {  	[smem:$0x3FAD] =	sst s7  }
0x10: {  	[smem:$0x3FAE] =	sst s8  }
0x11: {  	[smem:$0x3FAF] =	sst s9;
	s0 =	simm.s32 @!p0 $0x0  }
0x12: {  	s1 =	sld [smem:$0x3F95];
	s0 =	simm.s32 @p0 $0x1  }
0x13: {  	[smem:$0x3FB0] =	sst s0;
	s0 =	simm.s32 @!p1 $0x0  }
0x14: {  	s2 =	sld [smem:$0x3F94];
	s0 =	simm.s32 @p1 $0x1  }
0x15: {  	[smem:$0x3FB1] =	sst s0;
	s0 =	simm.s32 @!p2 $0x0  }
0x16: {  	s3 =	sld [smem:$0x3FDB];
	s0 =	simm.s32 @p2 $0x1  }
0x17: {  	s4 =	simm.s32 $0x1BF5;
	[smem:$0x3FB3] =	sst s0  }
0x18: {  	s0 =	sld [smem:$0x3F96];
	_ =	swait.ge [sflag:s4], $0x0  }
0x19: {  	s7 =	sld [smem:$0x3F97]  }
0x1a: {  	s8 =	sadd.s32 $0xFFFFE003, lr  }
0x1b: {  	s9 =	sadd.s32 $0xFFFFFEF7, lr;
	s5 =	simm.s32 $0xFFFFFFFF;
	p2 =	slt.u32 s8, $0xFFFFF086  }
0x1c: {  	p1 =	slt.u32 s9, $0xF7A;
	s5 =	simm.s32 @!p2 $0x0  }
0x1d: {  	s5 =	simm.s32 @p1 $0x1;
	p0 =	seq.s32 s7, s2  }
0x1e: {  	s7 =	smul.u32 @!p0 $0xF7A, s2;
	p2 =	seq.s32 @!p0 s5, $0x0  }
0x1f: {  	s9 =	smul.u32 $0xF7A, s1;
	s8 =	simm.s32 @!p0 $0x1BF5;
	p2 =	por !p2, p0  }
0x20: {  	[sflag:s8] =	ssyncset.s32 @!p0 $0xFFFFF086;
	s6 =	sadd.s32 @!p0 s3, s7;
	s7 =	simm.s32 @!p0 $0x108  }
0x21: {  	s3 =	sadd.s32 s3, s9;
	s6 =	sadd.s32 @!p0 $0x88, s6;
	s7 =	simm.s32 @p2 $0x1082  }
0x22: {  	[simem:s7], [sflag:s8] =	dma.local @!p0 [hbm:s6], $0xF7A  }
0x23: {  	s9 =	sor.u32 $0xD0000000, s2;
	s6 =	simm.s32 $0x108;
	_ =	swait.ge @!p0 [sflag:s8], $0x0  }
0x24: {  	s3 =	sadd.s32 $0x88, s3;
	s6 =	simm.s32 @!p1 $0x1082;
	[sflag:s4] =	ssyncset.s32 $0xFFFFF086  }
0x25: {  	[simem:s6], [sflag:s4] =	dma.local [hbm:s3], $0xF7A  }
0x26: {  	[smem:$0x3F97] =	sst s1;
	(tag) =	ssettag s2;
	_ =	strace s9  }
0x27: {  	s1 =	sld [smem:$0x3FA7]  }
0x28: {  	s2 =	sld [smem:$0x3FA8]  }
0x29: {  	s4 =	sld [smem:$0x3FAA]  }
0x2a: {  	p0 =	seq.s32 s5, $0x0;
	s5 =	sld [smem:$0x3FAB]  }
0x2b: {  	s6 =	sld [smem:$0x3FAC]  }
0x2c: {  	s7 =	sld [smem:$0x3FAD]  }
0x2d: {  	s3 =	simm.s32 $0x108;
	s8 =	sld [smem:$0x3FAE]  }
0x2e: {  	s3 =	simm.s32 @!p0 $0x1082;
	s9 =	sld [smem:$0x3FAF]  }
0x2f: {  	lr =	sadd.s32 s0, s3;
	s0 =	sld [smem:$0x3FA6]  }
0x30: {  	s3 =	sld [smem:$0x3FA9]  }
0x31: {  	[smem:$0x3FB2] =	sst s10  }
0x32: {  	s10 =	sld [smem:$0x3FB0];
	_ =	sdelay $0x3  }
0x33: {  	p0 =	seq.s32 s10, $0x1;
	s10 =	sld [smem:$0x3FB2];
	_ =	sdelay $0x3  }
0x34: {  	[smem:$0x3FB2] =	sst s10  }
0x35: {  	s10 =	sld [smem:$0x3FB1];
	_ =	sdelay $0x3  }
0x36: {  	p1 =	seq.s32 s10, $0x1;
	s10 =	sld [smem:$0x3FB2];
	_ =	sdelay $0x3  }
0x37: {  	[smem:$0x3FB2] =	sst s10  }
0x38: {  	s10 =	sld [smem:$0x3FB3]  }
0x39: {  	_ = 	snop;
	(pc) =	sbr.ind lr, $3  }
0x3a: {  	_ = 	snop  }
0x3b: {  	_ = 	snop  }
0x3c: {  	p2 =	seq.s32 s10, $0x1;
	s10 =	sld [smem:$0x3FB2]  }
0x3d: {  	_ =	shalt  }
0x3e: {  	_ =	shalt  }
0x3f: {  	_ =	shalt  }
0x40: {  	_ =	shalt  }
0x41: {  	_ =	shalt  }
0x42: {  	_ =	shalt  }
0x43: {  	_ =	shalt  }
0x44: {  	_ =	shalt  }
0x45: {  	_ =	shalt  }
0x46: {  	_ =	shalt  }
0x47: {  	_ =	shalt  }
0x48: {  	_ =	shalt  }
0x49: {  	_ =	shalt  }
0x4a: {  	_ =	shalt  }
0x4b: {  	_ =	shalt  }
0x4c: {  	_ =	shalt  }
0x4d: {  	_ =	shalt  }
0x4e: {  	_ =	shalt  }
0x4f: {  	_ =	shalt  }
0x50: {  	_ =	shalt  }
0x51: {  	_ =	shalt  }
0x52: {  	_ =	shalt  }
0x53: {  	_ =	shalt  }
0x54: {  	_ =	shalt  }
0x55: {  	_ =	shalt  }
0x56: {  	_ =	shalt  }
0x57: {  	_ =	shalt  }
0x58: {  	_ =	shalt  }
0x59: {  	_ =	shalt  }
0x5a: {  	_ =	shalt  }
0x5b: {  	_ =	shalt  }
0x5c: {  	_ =	shalt  }
0x5d: {  	_ =	shalt  }
0x5e: {  	_ =	shalt  }
0x5f: {  	_ =	shalt  }
0x60: {  	_ =	shalt  }
0x61: {  	_ =	shalt  }
0x62: {  	_ =	shalt  }
0x63: {  	_ =	shalt  }
0x64: {  	_ =	shalt  }
0x65: {  	_ =	shalt  }
0x66: {  	_ =	shalt  }
0x67: {  	_ =	shalt  }
0x68: {  	_ =	shalt  }
0x69: {  	_ =	shalt  }
0x6a: {  	_ =	shalt  }
0x6b: {  	_ =	shalt  }
0x6c: {  	_ =	shalt  }
0x6d: {  	_ =	shalt  }
0x6e: {  	_ =	shalt  }
0x6f: {  	_ =	shalt  }
0x70: {  	_ =	shalt  }
0x71: {  	_ =	shalt  }
0x72: {  	_ =	shalt  }
0x73: {  	_ =	shalt  }
0x74: {  	_ =	shalt  }
0x75: {  	_ =	shalt  }
0x76: {  	_ =	shalt  }
0x77: {  	_ =	shalt  }
0x78: {  	_ =	shalt  }
0x79: {  	_ =	shalt  }
0x7a: {  	_ =	shalt  }
0x7b: {  	_ =	shalt  }
0x7c: {  	_ =	shalt  }
0x7d: {  	_ =	shalt  }
0x7e: {  	_ =	shalt  }
0x7f: {  	_ =	shalt  }
0x80: {  	_ =	shalt  }
0x81: {  	_ =	shalt  }
0x82: {  	_ =	shalt  }
0x83: {  	_ =	shalt  }
0x84: {  	_ =	shalt  }
0x85: {  	_ =	shalt  }
0x86: {  	_ =	shalt  }
0x87: {  	_ =	shalt  }
.Lfunc_end0:
.L_simem_size_0:
called_computation.5_lowered:
.L_overlay_start_0:
0x88: {  	s2 =	sld [smem:$0x3FD9]  }
0x89: {  	s3 =	sld [smem:$0x3FFE];
	_ =	sdelay $0x1  }
0x8a: {  	s1 =	srdreg.scid  }
0x8b: {  	s0 =	sand.u32 $0x1, s1  }
0x8c: {  	s17 =	sshll.u32 s0, $0xA;
	s2 =	sadd.s32 s3, s2  }
0x8d: {  	s2 =	sadd.s32 s2, s17  }
0x8e: {  	[smem:$0x3FBE] =	sst s2  }
0x8f: {  	_ = 	snop  }
0x90: {  	s2 =	sld [smem:$0x3FC7]  }
0x91: {  	s18 =	sld [smem:$0x3FD0];
	(tm) =	ssettm $0x1  }
0x92: {  	s4 =	sld [smem:$0x3FFB];
	_ =	sdelay $0x3  }
0x93: {  	_ =	strace s4  }
0x94: {  	s4 =	sld [smem:$0x3FFC];
	_ =	sdelay $0x3  }
0x95: {  	_ =	strace s4  }
0x96: {  	s4 =	sld [smem:$0x3FFD];
	_ =	sdelay $0x3  }
0x97: {  	_ =	strace s4  }
0x98: {  	_ =	strace $0x8FFFFFFF  }
0x99: {  	s19 =	sld [smem:$0x3FDB];
	_ =	sdelay $0x1  }
0x9a: {  	s5 =	simm.s32 $_scs_section_size  }
0x9b: {  	s6 =	simm.s32 $_size__tile_overlayer_lowered;
	s7 =	simm.s32 $_tile_overlayer_lowered  }
0x9c: {  	s22 =	simm.s32 $0x1BFF;
	s21 =	sshll.u32 s7, $0x1;
	s4 =	sadd.s32 s5, s19  }
0x9d: {  	s8 =	simm.s32 $0x0;
	s20 =	sshll.u32 s6, $0x1;
	s6 =	sadd.s32 s21, s4  }
0x9e: {  	[timem:s8], [sflag:s22] =	dma.local [hbm:s6], s20  }
0x9f: {  	_ =	swait.ge [sflag:s22], s20  }
0xa0: {  	s5 =	ssub.s32 $0x0, s20;
	[sflag:s22] =	ssyncset.done $0x0  }
0xa1: {  	[sflag:s22] =	ssyncadd.s32 s5;
	_ =	sdelay $0x1  }
0xa2: {  	s23 =	simm.s32 $0x1B8B  }
0xa3: {  	_ =	swait.ge [sflag:s23], $0x1  }
0xa4: {  	[sflag:s23] =	ssyncset.done $0x0  }
0xa5: {  	s25 =	simm.s32 $0x1B8E;
	s24 =	sld [smem:$0x3FFE];
	[sflag:s23] =	ssyncadd.s32 $0xFFFFFFFF  }
0xa6: {  	s26 =	simm.s32 $execute0_lowered;
	[smem:$0x3FD2] =	sst s25  }
0xa7: {  	s6 =	sshll.u32 s26, $0x1;
	_ =	strace $0x80000055;
	[dreg:$0x1] =	wrdreg $0xFFFFFFFF  }
0xa8: {  	s28 =	simm.s32 $_size_execute0_lowered;
	s4 =	sadd.s32 s4, s6;
	[dreg:$0x0] =	wrdreg $0x0  }
0xa9: {  	s6 =	sshll.u32 s28, $0x1;
	[dreg:$0x2] =	wrdreg s4  }
0xaa: {  	[dreg:$0x3] =	wrdreg s6  }
0xab: {  	[dreg:$0x4] =	wrdreg $0xC0  }
0xac: {  	_ =	task [dreg:s8], $0x5FFFF  }
0xad: {  	[dreg:$0x1] =	wrdreg $0xFFFFFFFF  }
0xae: {  	[dreg:$0x0] =	wrdreg $0x60  }
0xaf: {  	[dreg:$0x2] =	wrdreg s24  }
0xb0: {  	[dreg:$0x3] =	wrdreg s2  }
0xb1: {  	[dreg:$0x4] =	wrdreg s18  }
0xb2: {  	[dreg:$0x5] =	wrdreg $0x35000  }
0xb3: {  	[dreg:$0x6] =	wrdreg $0x75000  }
0xb4: {  	[dreg:$0x7] =	wrdreg $0x9  }
0xb5: {  	_ =	task.clear_ibuf [dreg:s8], $0x8FFFF;
	_ =	strace $0x90000055  }
0xb6: {  	s29 =	simm.s32 $0x9;
	_ =	strace $0x80000057  }
0xb7: {  	_ =	swait.ge [sflag:s29], $0x1  }
0xb8: {  	[sflag:s29] =	ssyncadd.s32 $0xFFFFFFFF  }
0xb9: {  	_ =	strace $0x90000057  }
0xba: {  	_ =	sfence  }
0xbb: {  	s30 =	sld [smem:$0x0];
	_ =	sdelay $0x2  }
0xbc: {  	s31 =	sshll.u32 s1, $0xD;
	s1 =	sshrl.u32 s1, $0x2  }
0xbd: {  	s3 =	sand.u32 $0x4000, s31;
	s1 =	sadd.s32 s1, s30  }
0xbe: {  	s0 =	sor.u32 s3, s0;
	s1 =	sshll.u32 s1, $0x11  }
0xbf: {  	s0 =	sor.u32 s1, s0  }
0xc0: {  	s0 =	sadd.s32 $0x8F2B, s0  }
0xc1: {  	[sflag:s0] =	ssyncadd.remote.s32 $0x1  }
0xc2: {  	_ =	sfence.sel $0xFFFF  }
0xc3: {  	[dreg:$0x0] =	wrdreg $0xFFFFFFFF;
	(pc) =	sbr.abs _section_cstart, $3  }
0xc4: {  	[dreg:$0x1] =	wrdreg $0xFFFFFFFF  }
0xc5: {  	_ =	task.clear_ibuf [dreg:s8], $0x2FFFF;
	_ =	strace $0x9FFFFFFF  }
0xc6: {  	(tm) =	ssettm $0x7FFFFFFF  }
0xc7: {  	_ =	shalt  }
tec
execute0_lowered:
.L_overlay_start_1:
0x0: {  	(tag) =	ssettag $0x1  }
0x1: {  	s0 =	rddreg [dreg:$0x0]  }
0x2: {  	s20 =	rddreg [dreg:$0x1]  }
0x3: {  	s5 =	rddreg [dreg:$0x2]  }
0x4: {  	s2 =	rddreg [dreg:$0x3];
	s1 =	stileid.u32  }
0x5: {  	s3 =	rddreg [dreg:$0x4];
	s4 =	simm.s32 $0x0;
	s6 =	sshll.u32 s1, $0xE  }
0x6: {  	s25 =	stileid.u32;
	[smem:$0x7FF] =	sst s4;
	s6 =	sadd.s32 s6, s2  }
0x7: {  	s29 =	sshll.u32 s1, $0xB;
	_ =	strace $0x80000056;
	[dreg:$0x6] =	wrdreg s6  }
0x8: {  	s23 =	sshll.u32 s1, $0x6;
	s5 =	sadd.s32 s5, s29;
	s8 =	rddreg [dreg:$0x6]  }
0x9: {  	s7 =	sor.u32 $0x1C01, s23;
	s6 =	simm.s32 $0x1;
	s30 =	sshrl.u32 s8, $0x3  }
0xa: {  	[spmem:s30], [sflag:s7] =	dma.local [hbm:s5], $0x800  }
0xb: {  	s24 =	sshll.u32 s1, $0x4;
	s9 =	sshll.u32 s1, $0x7;
	_ =	swait.ge [sflag:s6], $0x800  }
0xc: {  	s9 =	sadd.s32 s9, s3;
	s8 =	sadd.s32 s24, s0;
	[sflag:s6] =	ssyncset.done $0x0  }
0xd: {  	s9 =	sshrl.u32 s9, $0x3;
	s8 =	sadd.s32 $0x29000, s8;
	[sflag:s6] =	ssyncadd.s32 $0xFFFFF800  }
0xe: {  	[spmem:s9], [sflag:s7] =	dma.local [hbm:s8], $0x10  }
0xf: {  	s11 =	srdreg.scid;
	s10 =	sadd.s32 $0x29200, s0;
	_ =	swait.ge [sflag:s6], $0x10  }
0x10: {  	s31 =	sand.u32 $0x1, s11;
	s26 =	sshll.u32 s25, $0x1;
	[sflag:s6] =	ssyncset.done $0x0  }
0x11: {  	s11 =	simm.s32 $0x3480;
	s21 =	sor.u32 s31, s26;
	[sflag:s6] =	ssyncadd.s32 $0xFFFFFFF0  }
0x12: {  	[tilespmem:s11], [sflag:$0x1] =	stream.linear.gather [hbm4b:s10+s4], $0x68, $0x38;
	[tilespmem:$0x7E80] =	vst v63  }
0x13: {  	s18 =	smul.u32 $0x138, s21;
	_ =	swait.ge [sflag:s6], $0x68  }
0x14: {  	[sflag:s6] =	ssyncset.done $0x0  }
0x15: {  	s12 =	sshrl.u32 s18, $0x3;
	[sflag:s6] =	ssyncadd.s32 $0xFFFFFF98  }
0x16: {  	s12 =	sadd.s32 s20, s12;
	[bflag:$0x0] =	sbarrier.arrive $0xFFFF  }
0x17: {  	[tilespmem:s4], [sflag:$0x1] =	stream.linear.gather [hbm4b:s12+s4], $0x68, $0x38;
	[tilespmem:$0x7E80] =	vst v63  }
0x18: {  	s13 =	smul.u32 $0x1380, s21;
	_ =	swait.ge [sflag:s6], $0x68  }
0x19: {  	s19 =	sadd.s32 $0x1E00, s0;
	[sflag:s6] =	ssyncset.done $0x0  }
0x1a: {  	s14 =	simm.s32 $0x80;
	s13 =	sadd.s32 s19, s13;
	[sflag:s6] =	ssyncadd.s32 $0xFFFFFF98  }
0x1b: {  	[tilespmem:s14], [sflag:$0x1] =	stream.linear.gather [hbm4b:s13+s4], $0x3400, $0x38;
	[tilespmem:$0x7E80] =	vst v63  }
0x1c: {  	_ =	swait.ge [sflag:s6], $0x3400  }
0x1d: {  	[sflag:s6] =	ssyncset.done $0x0  }
0x1e: {  	s15 =	simm.s32 $0x68;
	[sflag:s6] =	ssyncadd.s32 $0xFFFFCC00  }
0x1f: {  	[spmem:s2] =	stream.indirect.scatter.add.f32 [tilespmem:s14], [sflag:$0x1], $0x80, s4, s15, $0xb8;
	[tilespmem:$0x7E80] =	vst v63  }
0x20: {  	_ =	swait.ge [sflag:s6], $0x3400  }
0x21: {  	[sflag:s6] =	ssyncset.done $0x0  }
0x22: {  	[sflag:s6] =	ssyncadd.s32 $0xFFFFCC00  }
0x23: {  	[spmem:s3] =	stream.indirect.scatter.add.f32 [tilespmem:s11], [sflag:$0x1], $0x1, s4, s15, $0xb8;
	[tilespmem:$0x7E80] =	vst v63  }
0x24: {  	s17 =	sadd.s32 $0x68, s18;
	_ =	swait.ge [sflag:s6], $0x68  }
0x25: {  	s16 =	sshrl.u32 s17, $0x3;
	[sflag:s6] =	ssyncset.done $0x0  }
0x26: {  	s16 =	sadd.s32 s20, s16;
	[sflag:s6] =	ssyncadd.s32 $0xFFFFFF98  }
0x27: {  	[tilespmem:s4], [sflag:$0x1] =	stream.linear.gather [hbm4b:s16+s4], $0x68, $0x38;
	[tilespmem:$0x7E80] =	vst v63  }
0x28: {  	_ =	swait.ge [sflag:s6], $0x68  }
0x29: {  	s17 =	sshll.u32 s17, $0x4;
	[sflag:s6] =	ssyncset.done $0x0  }
0x2a: {  	s17 =	sadd.s32 s19, s17;
	[sflag:s6] =	ssyncadd.s32 $0xFFFFFF98  }
0x2b: {  	[tilespmem:s14], [sflag:$0x1] =	stream.linear.gather [hbm4b:s17+s4], $0x3400, $0x38;
	[tilespmem:$0x7E80] =	vst v63  }
0x2c: {  	_ =	swait.ge [sflag:s6], $0x3400  }
0x2d: {  	[sflag:s6] =	ssyncset.done $0x0  }
0x2e: {  	[sflag:s6] =	ssyncadd.s32 $0xFFFFCC00  }
0x2f: {  	[spmem:s2] =	stream.indirect.scatter.add.f32 [tilespmem:s14], [sflag:$0x1], $0x80, s4, s15, $0xb8;
	[tilespmem:$0x7E80] =	vst v63  }
0x30: {  	_ =	swait.ge [sflag:s6], $0x3400  }
0x31: {  	[sflag:s6] =	ssyncset.done $0x0  }
0x32: {  	[sflag:s6] =	ssyncadd.s32 $0xFFFFCC00  }
0x33: {  	[spmem:s3] =	stream.indirect.scatter.add.f32 [tilespmem:s11], [sflag:$0x1], $0x1, s4, s15, $0xb8;
	[tilespmem:$0x7E80] =	vst v63  }
0x34: {  	s22 =	sadd.s32 $0xD0, s18;
	_ =	swait.ge [sflag:s6], $0x68  }
0x35: {  	s18 =	sshrl.u32 s22, $0x3;
	[sflag:s6] =	ssyncset.done $0x0  }
0x36: {  	s18 =	sadd.s32 s20, s18;
	[sflag:s6] =	ssyncadd.s32 $0xFFFFFF98  }
0x37: {  	[tilespmem:s4], [sflag:$0x1] =	stream.linear.gather [hbm4b:s18+s4], $0x68, $0x38;
	[tilespmem:$0x7E80] =	vst v63  }
0x38: {  	_ =	swait.ge [sflag:s6], $0x68  }
0x39: {  	s22 =	sshll.u32 s22, $0x4;
	[sflag:s6] =	ssyncset.done $0x0  }
0x3a: {  	s19 =	sadd.s32 s19, s22;
	[sflag:s6] =	ssyncadd.s32 $0xFFFFFF98  }
0x3b: {  	[tilespmem:s14], [sflag:$0x1] =	stream.linear.gather [hbm4b:s19+s4], $0x3400, $0x38;
	[tilespmem:$0x7E80] =	vst v63  }
0x3c: {  	_ =	swait.ge [sflag:s6], $0x3400  }
0x3d: {  	[sflag:s6] =	ssyncset.done $0x0  }
0x3e: {  	[sflag:s6] =	ssyncadd.s32 $0xFFFFCC00  }
0x3f: {  	[spmem:s2] =	stream.indirect.scatter.add.f32 [tilespmem:s14], [sflag:$0x1], $0x80, s4, s15, $0xb8;
	[tilespmem:$0x7E80] =	vst v63  }
0x40: {  	_ =	swait.ge [sflag:s6], $0x3400  }
0x41: {  	[sflag:s6] =	ssyncset.done $0x0  }
0x42: {  	[sflag:s6] =	ssyncadd.s32 $0xFFFFCC00  }
0x43: {  	[spmem:s3] =	stream.indirect.scatter.add.f32 [tilespmem:s11], [sflag:$0x1], $0x1, s4, s15, $0xb8;
	[tilespmem:$0x7E80] =	vst v63  }
0x44: {  	p0 =	sne.s32 s21, $0x0;
	_ =	swait.ge [sflag:s6], $0x68  }
0x45: {  	s21 =	simm.s32 @!p0 $0x0;
	s23 =	simm.s32 @!p0 $0x1;
	[sflag:s6] =	ssyncset.done $0x0  }
0x46: {  	s20 =	sadd.s32 $0x4E0, s20;
	s22 =	simm.s32 @!p0 $0x7580;
	[sflag:s6] =	ssyncadd.s32 $0xFFFFFF98  }
0x47: {  	[tilespmem:s22], [sflag:$0x1] =	stream.linear.gather @!p0 [hbm4b:s20+s21], $0x10, $0x38;
	[tilespmem:$0x7E80] =	vst v63  }
0x48: {  	_ =	swait.ge @!p0 [sflag:s23], $0x10  }
0x49: {  	[sflag:s23] =	ssyncset.done @!p0 $0x0  }
0x4a: {  	s25 =	simm.s32 @!p0 $0x7600;
	s24 =	sadd.s32 $0x28E00, s0;
	[sflag:s23] =	ssyncadd.s32 @!p0 $0xFFFFFFF0  }
0x4b: {  	[tilespmem:s25], [sflag:$0x1] =	stream.linear.gather @!p0 [hbm4b:s24+s21], $0x800, $0x38;
	[tilespmem:$0x7E80] =	vst v63  }
0x4c: {  	_ =	swait.ge @!p0 [sflag:s23], $0x800  }
0x4d: {  	[sflag:s23] =	ssyncset.done @!p0 $0x0  }
0x4e: {  	s26 =	simm.s32 @!p0 $0x7E00;
	[sflag:s23] =	ssyncadd.s32 @!p0 $0xFFFFF800  }
0x4f: {  	[tilespmem:s26], [sflag:$0x1] =	stream.linear.gather @!p0 [hbm4b:s10+s21], $0x10, $0x38;
	[tilespmem:$0x7E80] =	vst v63  }
0x50: {  	_ =	swait.ge @!p0 [sflag:s23], $0x10  }
0x51: {  	[sflag:s23] =	ssyncset.done @!p0 $0x0  }
0x52: {  	s28 =	simm.s32 @!p0 $0x10;
	[sflag:s23] =	ssyncadd.s32 @!p0 $0xFFFFFFF0  }
0x53: {  	[spmem:s2] =	stream.indirect.scatter.add.f32 @!p0 [tilespmem:s25], [sflag:$0x1], $0x80, s22, s28, $0xb8;
	[tilespmem:$0x7E80] =	vst v63  }
0x54: {  	_ =	swait.ge @!p0 [sflag:s23], $0x800  }
0x55: {  	[sflag:s23] =	ssyncset.done @!p0 $0x0  }
0x56: {  	[sflag:s23] =	ssyncadd.s32 @!p0 $0xFFFFF800  }
0x57: {  	[spmem:s3] =	stream.indirect.scatter.add.f32 @!p0 [tilespmem:s26], [sflag:$0x1], $0x1, s22, s28, $0xb8;
	[tilespmem:$0x7E80] =	vst v63  }
0x58: {  	_ =	swait.ge @!p0 [sflag:s23], $0x10  }
0x59: {  	s29 =	sadd.s32 s29, s0;
	s1 =	sshll.u32 s31, $0xF;
	[sflag:s23] =	ssyncset.done @!p0 $0x0  }
0x5a: {  	s1 =	sadd.s32 s1, s29;
	[sflag:s23] =	ssyncadd.s32 @!p0 $0xFFFFFFF0  }
0x5b: {  	s29 =	sadd.s32 $0x29600, s1;
	[bflag:$0x0] =	sbarrier.arrive $0xFFFF  }
0x5c: {  	[hbm:s29], [sflag:s7] =	dma.local [spmem:s30], $0x800  }
0x5d: {  	s1 =	sshll.u32 s31, $0x4;
	s30 =	ssub.s32 $0x2, s31  }
0x5e: {  	s0 =	sadd.s32 s1, s0;
	s1 =	sshrl.u32 s30, $0x1  }
0x5f: {  	s1 =	ssub.s32 s30, s1  }
0x60: {  	s1 =	smax.u32 s1, $0x1  }
0x61: {  	s31 =	sadd.s32 $0xFFFFFFFF, s1  }
0x62: {  	s30 =	stileid.u32;
	p1 =	sne.s32 s31, $0x0  }
.Ltmp0:
0x63: {  	_ =	swait.ge [sflag:s6], $0x800;
	s30 =	sshll.u32 s30, $0x5;
	(pc) =	sbr.rel @!p1 .LBB2_2-.Ltmp0, $4  }
0x64: {  	[sflag:s6] =	ssyncset.done $0x0;
	s0 =	sadd.s32 s30, s0  }
0x65: {  	[sflag:s6] =	ssyncadd.s32 $0xFFFFF800;
	s30 =	sadd.s32 $0x29400, s0  }
0x66: {  	[hbm:s30], [sflag:s7] =	dma.local [spmem:s9], $0x10  }
0x67: {  	_ =	swait.ge [sflag:s6], $0x10  }
.LBB2_1:
0x68: {  	s0 =	rddreg [dreg:$0x6];
	[sflag:s6] =	ssyncset.done $0x0  }
0x69: {  	s0 =	sshrl.u32 s0, $0x3;
	[sflag:s6] =	ssyncadd.s32 $0xFFFFFFF0  }
0x6a: {  	[spmem:s0], [sflag:s7] =	dma.local [hbm:s5], $0x800  }
0x6b: {  	_ =	swait.ge [sflag:s6], $0x800  }
0x6c: {  	[sflag:s6] =	ssyncset.done $0x0  }
0x6d: {  	[sflag:s6] =	ssyncadd.s32 $0xFFFFF800  }
0x6e: {  	[spmem:s9], [sflag:s7] =	dma.local [hbm:s8], $0x10  }
0x6f: {  	_ =	swait.ge [sflag:s6], $0x10  }
0x70: {  	[sflag:s6] =	ssyncset.done $0x0  }
0x71: {  	[sflag:s6] =	ssyncadd.s32 $0xFFFFFFF0  }
0x72: {  	[tilespmem:s11], [sflag:$0x1] =	stream.linear.gather [hbm4b:s10+s4], $0x68, $0x38;
	[tilespmem:$0x7E80] =	vst v63  }
0x73: {  	_ =	swait.ge [sflag:s6], $0x68  }
0x74: {  	[sflag:s6] =	ssyncset.done $0x0  }
0x75: {  	[sflag:s6] =	ssyncadd.s32 $0xFFFFFF98  }
0x76: {  	[bflag:$0x0] =	sbarrier.arrive $0xFFFF  }
0x77: {  	[tilespmem:s4], [sflag:$0x1] =	stream.linear.gather [hbm4b:s12+s4], $0x68, $0x38;
	[tilespmem:$0x7E80] =	vst v63  }
0x78: {  	_ =	swait.ge [sflag:s6], $0x68  }
0x79: {  	[sflag:s6] =	ssyncset.done $0x0  }
0x7a: {  	[sflag:s6] =	ssyncadd.s32 $0xFFFFFF98  }
0x7b: {  	[tilespmem:s14], [sflag:$0x1] =	stream.linear.gather [hbm4b:s13+s4], $0x3400, $0x38;
	[tilespmem:$0x7E80] =	vst v63  }
0x7c: {  	_ =	swait.ge [sflag:s6], $0x3400  }
0x7d: {  	[sflag:s6] =	ssyncset.done $0x0  }
0x7e: {  	[sflag:s6] =	ssyncadd.s32 $0xFFFFCC00  }
0x7f: {  	[spmem:s2] =	stream.indirect.scatter.add.f32 [tilespmem:s14], [sflag:$0x1], $0x80, s4, s15, $0xb8;
	[tilespmem:$0x7E80] =	vst v63  }
0x80: {  	_ =	swait.ge [sflag:s6], $0x3400  }
0x81: {  	[sflag:s6] =	ssyncset.done $0x0  }
0x82: {  	[sflag:s6] =	ssyncadd.s32 $0xFFFFCC00  }
0x83: {  	[spmem:s3] =	stream.indirect.scatter.add.f32 [tilespmem:s11], [sflag:$0x1], $0x1, s4, s15, $0xb8;
	[tilespmem:$0x7E80] =	vst v63  }
0x84: {  	_ =	swait.ge [sflag:s6], $0x68  }
0x85: {  	[sflag:s6] =	ssyncset.done $0x0  }
0x86: {  	[sflag:s6] =	ssyncadd.s32 $0xFFFFFF98  }
0x87: {  	[tilespmem:s4], [sflag:$0x1] =	stream.linear.gather [hbm4b:s16+s4], $0x68, $0x38;
	[tilespmem:$0x7E80] =	vst v63  }
0x88: {  	_ =	swait.ge [sflag:s6], $0x68  }
0x89: {  	[sflag:s6] =	ssyncset.done $0x0  }
0x8a: {  	[sflag:s6] =	ssyncadd.s32 $0xFFFFFF98  }
0x8b: {  	[tilespmem:s14], [sflag:$0x1] =	stream.linear.gather [hbm4b:s17+s4], $0x3400, $0x38;
	[tilespmem:$0x7E80] =	vst v63  }
0x8c: {  	_ =	swait.ge [sflag:s6], $0x3400  }
0x8d: {  	[sflag:s6] =	ssyncset.done $0x0  }
0x8e: {  	[sflag:s6] =	ssyncadd.s32 $0xFFFFCC00  }
0x8f: {  	[spmem:s2] =	stream.indirect.scatter.add.f32 [tilespmem:s14], [sflag:$0x1], $0x80, s4, s15, $0xb8;
	[tilespmem:$0x7E80] =	vst v63  }
0x90: {  	_ =	swait.ge [sflag:s6], $0x3400  }
0x91: {  	[sflag:s6] =	ssyncset.done $0x0  }
0x92: {  	[sflag:s6] =	ssyncadd.s32 $0xFFFFCC00  }
0x93: {  	[spmem:s3] =	stream.indirect.scatter.add.f32 [tilespmem:s11], [sflag:$0x1], $0x1, s4, s15, $0xb8;
	[tilespmem:$0x7E80] =	vst v63  }
0x94: {  	_ =	swait.ge [sflag:s6], $0x68  }
0x95: {  	[sflag:s6] =	ssyncset.done $0x0  }
0x96: {  	[sflag:s6] =	ssyncadd.s32 $0xFFFFFF98  }
0x97: {  	[tilespmem:s4], [sflag:$0x1] =	stream.linear.gather [hbm4b:s18+s4], $0x68, $0x38;
	[tilespmem:$0x7E80] =	vst v63  }
0x98: {  	_ =	swait.ge [sflag:s6], $0x68  }
0x99: {  	[sflag:s6] =	ssyncset.done $0x0  }
0x9a: {  	[sflag:s6] =	ssyncadd.s32 $0xFFFFFF98  }
0x9b: {  	[tilespmem:s14], [sflag:$0x1] =	stream.linear.gather [hbm4b:s19+s4], $0x3400, $0x38;
	[tilespmem:$0x7E80] =	vst v63  }
0x9c: {  	_ =	swait.ge [sflag:s6], $0x3400  }
0x9d: {  	[sflag:s6] =	ssyncset.done $0x0  }
0x9e: {  	[sflag:s6] =	ssyncadd.s32 $0xFFFFCC00  }
0x9f: {  	[spmem:s2] =	stream.indirect.scatter.add.f32 [tilespmem:s14], [sflag:$0x1], $0x80, s4, s15, $0xb8;
	[tilespmem:$0x7E80] =	vst v63  }
0xa0: {  	_ =	swait.ge [sflag:s6], $0x3400  }
0xa1: {  	[sflag:s6] =	ssyncset.done $0x0  }
0xa2: {  	[sflag:s6] =	ssyncadd.s32 $0xFFFFCC00  }
0xa3: {  	[spmem:s3] =	stream.indirect.scatter.add.f32 [tilespmem:s11], [sflag:$0x1], $0x1, s4, s15, $0xb8;
	[tilespmem:$0x7E80] =	vst v63  }
0xa4: {  	_ =	swait.ge [sflag:s6], $0x68  }
0xa5: {  	[sflag:s6] =	ssyncset.done $0x0  }
0xa6: {  	[sflag:s6] =	ssyncadd.s32 $0xFFFFFF98  }
0xa7: {  	[tilespmem:s22], [sflag:$0x1] =	stream.linear.gather @!p0 [hbm4b:s20+s21], $0x10, $0x38;
	[tilespmem:$0x7E80] =	vst v63  }
0xa8: {  	_ =	swait.ge @!p0 [sflag:s23], $0x10  }
0xa9: {  	[sflag:s23] =	ssyncset.done @!p0 $0x0  }
0xaa: {  	[sflag:s23] =	ssyncadd.s32 @!p0 $0xFFFFFFF0  }
0xab: {  	[tilespmem:s25], [sflag:$0x1] =	stream.linear.gather @!p0 [hbm4b:s24+s21], $0x800, $0x38;
	[tilespmem:$0x7E80] =	vst v63  }
0xac: {  	_ =	swait.ge @!p0 [sflag:s23], $0x800  }
0xad: {  	[sflag:s23] =	ssyncset.done @!p0 $0x0  }
0xae: {  	[sflag:s23] =	ssyncadd.s32 @!p0 $0xFFFFF800  }
0xaf: {  	[tilespmem:s26], [sflag:$0x1] =	stream.linear.gather @!p0 [hbm4b:s10+s21], $0x10, $0x38;
	[tilespmem:$0x7E80] =	vst v63  }
0xb0: {  	_ =	swait.ge @!p0 [sflag:s23], $0x10  }
0xb1: {  	[sflag:s23] =	ssyncset.done @!p0 $0x0  }
0xb2: {  	[sflag:s23] =	ssyncadd.s32 @!p0 $0xFFFFFFF0  }
0xb3: {  	[spmem:s2] =	stream.indirect.scatter.add.f32 @!p0 [tilespmem:s25], [sflag:$0x1], $0x80, s22, s28, $0xb8;
	[tilespmem:$0x7E80] =	vst v63  }
0xb4: {  	_ =	swait.ge @!p0 [sflag:s23], $0x800  }
0xb5: {  	[sflag:s23] =	ssyncset.done @!p0 $0x0  }
0xb6: {  	[sflag:s23] =	ssyncadd.s32 @!p0 $0xFFFFF800  }
0xb7: {  	[spmem:s3] =	stream.indirect.scatter.add.f32 @!p0 [tilespmem:s26], [sflag:$0x1], $0x1, s22, s28, $0xb8;
	[tilespmem:$0x7E80] =	vst v63  }
0xb8: {  	_ =	swait.ge @!p0 [sflag:s23], $0x10  }
0xb9: {  	[sflag:s23] =	ssyncset.done @!p0 $0x0  }
0xba: {  	s31 =	sadd.s32 $0xFFFFFFFF, s31;
	[sflag:s23] =	ssyncadd.s32 @!p0 $0xFFFFFFF0  }
0xbb: {  	p1 =	sne.s32 s31, $0x0;
	[bflag:$0x0] =	sbarrier.arrive $0xFFFF  }
0xbc: {  	[hbm:s29], [sflag:s7] =	dma.local [spmem:s0], $0x800  }
.Ltmp1:
0xbd: {  	_ =	swait.ge [sflag:s6], $0x800;
	(pc) =	sbr.rel @p1 .LBB2_1-.Ltmp1, $4  }
0xbe: {  	[sflag:s6] =	ssyncset.done $0x0  }
0xbf: {  	[sflag:s6] =	ssyncadd.s32 $0xFFFFF800  }
0xc0: {  	[hbm:s30], [sflag:s7] =	dma.local [spmem:s9], $0x10  }
0xc1: {  	_ =	swait.ge [sflag:s6], $0x10  }
.LBB2_2:
0xc2: {  	[sflag:s6] =	ssyncset.done $0x0  }
0xc3: {  	[sflag:s6] =	ssyncadd.s32 $0xFFFFFFF0  }
0xc4: {  	_ =	sfence.sel $0x180000  }
0xc5: {  	[bflag:$0x0] =	sbarrier.arrive $0xFFFF  }
0xc6: {  	_ =	strace $0x90000056  }
0xc7: {  	s0 =	stileid.u32;
	[bflag:$0x2] =	sbarrier.arrive $0xFFFF  }
0xc8: {  	p0 =	sne.s32 s0, $0x0;
	s0 =	rddreg [dreg:$0x5]  }
0xc9: {  	s0 =	sadd.s32 @!p0 $0x100000, s0  }
0xca: {  	[sflag:s0] =	ssyncadd.tile.s32 @!p0 $0x1;
	_ =	shalt  }
.Lfunc_end2:
_tile_overlayer_lowered:
.L_overlay_start_2:
0xcb: {  	(tag) =	ssettag $0x2  }
0xcc: {  	s0 =	rddreg [dreg:$0x0];
	s2 =	stileid.u32  }
0xcd: {  	s1 =	rddreg [dreg:$0x1];
	p0 =	sne.s32 s2, $0x0  }
0xce: {  	s3 =	rddreg [dreg:$0x2];
	[bflag:$0x3] =	sbarrier.arrive $0xFFFF;
	s2 =	simm.s32 @!p0 $0x1C01  }
0xcf: {  	[timem:s3], [sflag:s2] =	dma.local @!p0 [hbm:s0], s1  }
0xd0: {  	s0 =	simm.s32 @!p0 $0x1  }
0xd1: {  	_ =	swait.ge @!p0 [sflag:s0], s1  }
0xd2: {  	s1 =	ssub.s32 @!p0 $0x0, s1;
	[sflag:s0] =	ssyncset.done @!p0 $0x0  }
0xd3: {  	[sflag:s0] =	ssyncadd.s32 @!p0 s1  }
0xd4: {  	[bflag:$0x3] =	sbarrier.arrive $0xFFFF  }
0xd5: {  	_ =	shalt  }

// kernel: scatter_offload_async_start.1
scs
__scs_entry_jumppad:
0x0: {  	(pc) =	sbr.rel $0x88, $3  }
0x1: {  	(tag) =	ssettag $0x0;
	lr =	simm.s32 $0x1  }
0x2: {  	[smem:$0x3F97] =	sst lr;
	_ =	strace $0xD0000000  }
0x3: {  	_ = 	snop  }
0x4: {  	_ = 	snop  }
0x5: {  	_ = 	snop  }
0x6: {  	_ = 	snop  }
0x7: {  	_ = 	snop  }
__scs_overlays_trampoline_lowered:
0x8: {  	[smem:$0x3FA6] =	sst s0  }
0x9: {  	[smem:$0x3FA7] =	sst s1  }
0xa: {  	[smem:$0x3FA8] =	sst s2  }
0xb: {  	[smem:$0x3FA9] =	sst s3  }
0xc: {  	[smem:$0x3FAA] =	sst s4  }
0xd: {  	[smem:$0x3FAB] =	sst s5  }
0xe: {  	[smem:$0x3FAC] =	sst s6  }
0xf: {  	[smem:$0x3FAD] =	sst s7  }
0x10: {  	[smem:$0x3FAE] =	sst s8  }
0x11: {  	[smem:$0x3FAF] =	sst s9;
	s0 =	simm.s32 @!p0 $0x0  }
0x12: {  	s1 =	sld [smem:$0x3F95];
	s0 =	simm.s32 @p0 $0x1  }
0x13: {  	[smem:$0x3FB0] =	sst s0;
	s0 =	simm.s32 @!p1 $0x0  }
0x14: {  	s2 =	sld [smem:$0x3F94];
	s0 =	simm.s32 @p1 $0x1  }
0x15: {  	[smem:$0x3FB1] =	sst s0;
	s0 =	simm.s32 @!p2 $0x0  }
0x16: {  	s3 =	sld [smem:$0x3FDB];
	s0 =	simm.s32 @p2 $0x1  }
0x17: {  	s4 =	simm.s32 $0x1BF5;
	[smem:$0x3FB3] =	sst s0  }
0x18: {  	s0 =	sld [smem:$0x3F96];
	_ =	swait.ge [sflag:s4], $0x0  }
0x19: {  	s7 =	sld [smem:$0x3F97]  }
0x1a: {  	s8 =	sadd.s32 $0xFFFFE003, lr  }
0x1b: {  	s9 =	sadd.s32 $0xFFFFFEF7, lr;
	s5 =	simm.s32 $0xFFFFFFFF;
	p2 =	slt.u32 s8, $0xFFFFF086  }
0x1c: {  	p1 =	slt.u32 s9, $0xF7A;
	s5 =	simm.s32 @!p2 $0x0  }
0x1d: {  	s5 =	simm.s32 @p1 $0x1;
	p0 =	seq.s32 s7, s2  }
0x1e: {  	s7 =	smul.u32 @!p0 $0xF7A, s2;
	p2 =	seq.s32 @!p0 s5, $0x0  }
0x1f: {  	s9 =	smul.u32 $0xF7A, s1;
	s8 =	simm.s32 @!p0 $0x1BF5;
	p2 =	por !p2, p0  }
0x20: {  	[sflag:s8] =	ssyncset.s32 @!p0 $0xFFFFF086;
	s6 =	sadd.s32 @!p0 s3, s7;
	s7 =	simm.s32 @!p0 $0x108  }
0x21: {  	s3 =	sadd.s32 s3, s9;
	s6 =	sadd.s32 @!p0 $0x88, s6;
	s7 =	simm.s32 @p2 $0x1082  }
0x22: {  	[simem:s7], [sflag:s8] =	dma.local @!p0 [hbm:s6], $0xF7A  }
0x23: {  	s9 =	sor.u32 $0xD0000000, s2;
	s6 =	simm.s32 $0x108;
	_ =	swait.ge @!p0 [sflag:s8], $0x0  }
0x24: {  	s3 =	sadd.s32 $0x88, s3;
	s6 =	simm.s32 @!p1 $0x1082;
	[sflag:s4] =	ssyncset.s32 $0xFFFFF086  }
0x25: {  	[simem:s6], [sflag:s4] =	dma.local [hbm:s3], $0xF7A  }
0x26: {  	[smem:$0x3F97] =	sst s1;
	(tag) =	ssettag s2;
	_ =	strace s9  }
0x27: {  	s1 =	sld [smem:$0x3FA7]  }
0x28: {  	s2 =	sld [smem:$0x3FA8]  }
0x29: {  	s4 =	sld [smem:$0x3FAA]  }
0x2a: {  	p0 =	seq.s32 s5, $0x0;
	s5 =	sld [smem:$0x3FAB]  }
0x2b: {  	s6 =	sld [smem:$0x3FAC]  }
0x2c: {  	s7 =	sld [smem:$0x3FAD]  }
0x2d: {  	s3 =	simm.s32 $0x108;
	s8 =	sld [smem:$0x3FAE]  }
0x2e: {  	s3 =	simm.s32 @!p0 $0x1082;
	s9 =	sld [smem:$0x3FAF]  }
0x2f: {  	lr =	sadd.s32 s0, s3;
	s0 =	sld [smem:$0x3FA6]  }
0x30: {  	s3 =	sld [smem:$0x3FA9]  }
0x31: {  	[smem:$0x3FB2] =	sst s10  }
0x32: {  	s10 =	sld [smem:$0x3FB0];
	_ =	sdelay $0x3  }
0x33: {  	p0 =	seq.s32 s10, $0x1;
	s10 =	sld [smem:$0x3FB2];
	_ =	sdelay $0x3  }
0x34: {  	[smem:$0x3FB2] =	sst s10  }
0x35: {  	s10 =	sld [smem:$0x3FB1];
	_ =	sdelay $0x3  }
0x36: {  	p1 =	seq.s32 s10, $0x1;
	s10 =	sld [smem:$0x3FB2];
	_ =	sdelay $0x3  }
0x37: {  	[smem:$0x3FB2] =	sst s10  }
0x38: {  	s10 =	sld [smem:$0x3FB3]  }
0x39: {  	_ = 	snop;
	(pc) =	sbr.ind lr, $3  }
0x3a: {  	_ = 	snop  }
0x3b: {  	_ = 	snop  }
0x3c: {  	p2 =	seq.s32 s10, $0x1;
	s10 =	sld [smem:$0x3FB2]  }
0x3d: {  	_ =	shalt  }
0x3e: {  	_ =	shalt  }
0x3f: {  	_ =	shalt  }
0x40: {  	_ =	shalt  }
0x41: {  	_ =	shalt  }
0x42: {  	_ =	shalt  }
0x43: {  	_ =	shalt  }
0x44: {  	_ =	shalt  }
0x45: {  	_ =	shalt  }
0x46: {  	_ =	shalt  }
0x47: {  	_ =	shalt  }
0x48: {  	_ =	shalt  }
0x49: {  	_ =	shalt  }
0x4a: {  	_ =	shalt  }
0x4b: {  	_ =	shalt  }
0x4c: {  	_ =	shalt  }
0x4d: {  	_ =	shalt  }
0x4e: {  	_ =	shalt  }
0x4f: {  	_ =	shalt  }
0x50: {  	_ =	shalt  }
0x51: {  	_ =	shalt  }
0x52: {  	_ =	shalt  }
0x53: {  	_ =	shalt  }
0x54: {  	_ =	shalt  }
0x55: {  	_ =	shalt  }
0x56: {  	_ =	shalt  }
0x57: {  	_ =	shalt  }
0x58: {  	_ =	shalt  }
0x59: {  	_ =	shalt  }
0x5a: {  	_ =	shalt  }
0x5b: {  	_ =	shalt  }
0x5c: {  	_ =	shalt  }
0x5d: {  	_ =	shalt  }
0x5e: {  	_ =	shalt  }
0x5f: {  	_ =	shalt  }
0x60: {  	_ =	shalt  }
0x61: {  	_ =	shalt  }
0x62: {  	_ =	shalt  }
0x63: {  	_ =	shalt  }
0x64: {  	_ =	shalt  }
0x65: {  	_ =	shalt  }
0x66: {  	_ =	shalt  }
0x67: {  	_ =	shalt  }
0x68: {  	_ =	shalt  }
0x69: {  	_ =	shalt  }
0x6a: {  	_ =	shalt  }
0x6b: {  	_ =	shalt  }
0x6c: {  	_ =	shalt  }
0x6d: {  	_ =	shalt  }
0x6e: {  	_ =	shalt  }
0x6f: {  	_ =	shalt  }
0x70: {  	_ =	shalt  }
0x71: {  	_ =	shalt  }
0x72: {  	_ =	shalt  }
0x73: {  	_ =	shalt  }
0x74: {  	_ =	shalt  }
0x75: {  	_ =	shalt  }
0x76: {  	_ =	shalt  }
0x77: {  	_ =	shalt  }
0x78: {  	_ =	shalt  }
0x79: {  	_ =	shalt  }
0x7a: {  	_ =	shalt  }
0x7b: {  	_ =	shalt  }
0x7c: {  	_ =	shalt  }
0x7d: {  	_ =	shalt  }
0x7e: {  	_ =	shalt  }
0x7f: {  	_ =	shalt  }
0x80: {  	_ =	shalt  }
0x81: {  	_ =	shalt  }
0x82: {  	_ =	shalt  }
0x83: {  	_ =	shalt  }
0x84: {  	_ =	shalt  }
0x85: {  	_ =	shalt  }
0x86: {  	_ =	shalt  }
0x87: {  	_ =	shalt  }
.Lfunc_end0:
.L_simem_size_0:
called_computation.1_lowered:
.L_overlay_start_0:
0x88: {  	s2 =	sld [smem:$0x3FD9]  }
0x89: {  	s3 =	sld [smem:$0x3FFE];
	_ =	sdelay $0x1  }
0x8a: {  	s1 =	srdreg.scid  }
0x8b: {  	s0 =	sand.u32 $0x1, s1  }
0x8c: {  	s15 =	sshll.u32 s0, $0xA;
	s2 =	sadd.s32 s3, s2  }
0x8d: {  	s2 =	sadd.s32 s2, s15  }
0x8e: {  	[smem:$0x3FBE] =	sst s2  }
0x8f: {  	_ = 	snop  }
0x90: {  	(tm) =	ssettm $0x1  }
0x91: {  	s16 =	sld [smem:$0x3FFB];
	_ =	sdelay $0x3  }
0x92: {  	_ =	strace s16  }
0x93: {  	s2 =	sld [smem:$0x3FFC];
	_ =	sdelay $0x3  }
0x94: {  	_ =	strace s2  }
0x95: {  	s2 =	sld [smem:$0x3FFD];
	_ =	sdelay $0x3  }
0x96: {  	_ =	strace s2  }
0x97: {  	_ =	strace $0x8FFFFFFF  }
0x98: {  	s17 =	sld [smem:$0x3FDB];
	_ =	sdelay $0x1  }
0x99: {  	s18 =	simm.s32 $_scs_section_size  }
0x9a: {  	s4 =	simm.s32 $_size__tile_overlayer_lowered;
	s5 =	simm.s32 $_tile_overlayer_lowered  }
0x9b: {  	s21 =	simm.s32 $0x1BFF;
	s20 =	sshll.u32 s5, $0x1;
	s2 =	sadd.s32 s18, s17  }
0x9c: {  	s6 =	simm.s32 $0x0;
	s19 =	sshll.u32 s4, $0x1;
	s4 =	sadd.s32 s20, s2  }
0x9d: {  	[timem:s6], [sflag:s21] =	dma.local [hbm:s4], s19  }
0x9e: {  	_ =	swait.ge [sflag:s21], s19  }
0x9f: {  	s3 =	ssub.s32 $0x0, s19;
	[sflag:s21] =	ssyncset.done $0x0  }
0xa0: {  	[sflag:s21] =	ssyncadd.s32 s3;
	_ =	sdelay $0x1  }
0xa1: {  	s22 =	simm.s32 $0x1B8B  }
0xa2: {  	_ =	swait.ge [sflag:s22], $0x1  }
0xa3: {  	[sflag:s22] =	ssyncset.done $0x0  }
0xa4: {  	s23 =	sld [smem:$0x3FFE];
	[sflag:s22] =	ssyncadd.s32 $0xFFFFFFFF  }
0xa5: {  	s25 =	simm.s32 $0x1B8E;
	s24 =	sld [smem:$0x0]  }
0xa6: {  	s26 =	simm.s32 $execute0_lowered;
	[smem:$0x3FD2] =	sst s25  }
0xa7: {  	s5 =	sshll.u32 s26, $0x1;
	_ =	strace $0x80000049;
	[dreg:$0x1] =	wrdreg $0xFFFFFFFF  }
0xa8: {  	s28 =	simm.s32 $_size_execute0_lowered;
	s2 =	sadd.s32 s2, s5;
	[dreg:$0x0] =	wrdreg $0x0  }
0xa9: {  	s5 =	sshll.u32 s28, $0x1;
	[dreg:$0x2] =	wrdreg s2  }
0xaa: {  	[dreg:$0x3] =	wrdreg s5  }
0xab: {  	[dreg:$0x4] =	wrdreg $0xC0  }
0xac: {  	_ =	task [dreg:s6], $0x5FFFF  }
0xad: {  	[dreg:$0x1] =	wrdreg $0xFFFFFFFF  }
0xae: {  	[dreg:$0x0] =	wrdreg $0x60  }
0xaf: {  	[dreg:$0x2] =	wrdreg s23  }
0xb0: {  	[dreg:$0x3] =	wrdreg s1  }
0xb1: {  	[dreg:$0x4] =	wrdreg s24  }
0xb2: {  	[dreg:$0x5] =	wrdreg $0x9  }
0xb3: {  	_ =	task.clear_ibuf [dreg:s6], $0x6FFFF;
	_ =	strace $0x90000049  }
0xb4: {  	s29 =	simm.s32 $0x9;
	_ =	strace $0x8000004B  }
0xb5: {  	_ =	swait.ge [sflag:s29], $0x1  }
0xb6: {  	[sflag:s29] =	ssyncadd.s32 $0xFFFFFFFF  }
0xb7: {  	_ =	strace $0x9000004B  }
0xb8: {  	_ =	sfence  }
0xb9: {  	s30 =	sld [smem:$0x0];
	_ =	sdelay $0x2  }
0xba: {  	s31 =	sshll.u32 s1, $0xD;
	s1 =	sshrl.u32 s1, $0x2  }
0xbb: {  	s3 =	sand.u32 $0x4000, s31;
	s1 =	sadd.s32 s1, s30  }
0xbc: {  	s0 =	sor.u32 s3, s0;
	s1 =	sshll.u32 s1, $0x11  }
0xbd: {  	s0 =	sor.u32 s1, s0  }
0xbe: {  	s0 =	sadd.s32 $0x8F2B, s0  }
0xbf: {  	[sflag:s0] =	ssyncadd.remote.s32 $0x1  }
0xc0: {  	_ =	sfence.sel $0xFFFF  }
0xc1: {  	[dreg:$0x0] =	wrdreg $0xFFFFFFFF;
	(pc) =	sbr.abs _section_cstart, $3  }
0xc2: {  	[dreg:$0x1] =	wrdreg $0xFFFFFFFF  }
0xc3: {  	_ =	task.clear_ibuf [dreg:s6], $0x2FFFF;
	_ =	strace $0x9FFFFFFF  }
0xc4: {  	(tm) =	ssettm $0x7FFFFFFF  }
0xc5: {  	_ =	shalt  }
tec
execute0_lowered:
.L_overlay_start_1:
0x0: {  	(tag) =	ssettag $0x1  }
0x1: {  	s2 =	rddreg [dreg:$0x0]  }
0x2: {  	s3 =	rddreg [dreg:$0x1];
	_ =	strace $0x8000004A;
	s0 =	simm.s32 $0x1  }
0x3: {  	v0 =	vimm.s32 $0x0;
	[sflag:s0] =	ssyncpa.u1 $0x0;
	s0 =	simm.s32 $0x108  }
0x4: {  	[tilespmem:s0+$0x70] =	vst v0  }
0x5: {  	[tilespmem:s0+$0x60] =	vst v0  }
0x6: {  	[tilespmem:s0+$0x50] =	vst v0  }
0x7: {  	[tilespmem:s0+$0x40] =	vst v0  }
0x8: {  	[tilespmem:s0+$0x30] =	vst v0  }
0x9: {  	s1 =	sadd.s32 $0x20000, s2;
	s15 =	sadd.s32 $0x529200, s2;
	s6 =	sadd.s32 $0x47200, s2;
	[tilespmem:s0+$0x20] =	vst v0  }
0xa: {  	s14 =	sadd.s32 $0x533000, s2;
	s5 =	sand.u32 $0x1, s3;
	s3 =	simm.s32 $0x40;
	[tilespmem:s0+$0x10] =	vst v0  }
.LBB2_1:
0xb: {  	s3 =	sadd.s32 $0x40, s3;
	[tilespmem:s0+$0x0] =	vst v0;
	s0 =	sadd.s32 $0x80, s0  }
0xc: {  	p0 =	slt.u32 s3, $0x3C40;
	[tilespmem:s0+$0x70] =	vst v0  }
0xd: {  	[tilespmem:s0+$0x60] =	vst v0  }
.Ltmp0:
0xe: {  	[tilespmem:s0+$0x50] =	vst v0;
	(pc) =	sbr.rel @p0 .LBB2_1-.Ltmp0, $4  }
0xf: {  	[tilespmem:s0+$0x40] =	vst v0  }
0x10: {  	[tilespmem:s0+$0x30] =	vst v0  }
0x11: {  	[tilespmem:s0+$0x20] =	vst v0  }
0x12: {  	[tilespmem:s0+$0x10] =	vst v0  }
0x13: {  	s9 =	stileid.u32  }
0x14: {  	s2 =	smul.u32 $0x29, s9  }
0x15: {  	s3 =	smin.u32 s9, $0xB  }
0x16: {  	s2 =	sadd.s32 s3, s2  }
0x17: {  	p0 =	slt.u32 s9, $0xB;
	s7 =	smul.u32 $0xF0, s2;
	s2 =	simm.s32 $0x2760  }
0x18: {  	s2 =	simm.s32 @!p0 $0x2670  }
0x19: {  	s2 =	sadd.s32 s2, s7  }
0x1a: {  	s8 =	smin.u32 s2, $0x27100  }
0x1b: {  	s2 =	ssub.s32 s8, s7  }
0x1c: {  	p0 =	sgt.s32 s2, $0x0  }
0x1d: {  	s29 =	simm.s32 $0x2;
	s10 =	simm.s32 $0x9;
	s2 =	simm.s32 @!p0 $0x0  }
0x1e: {  	s4 =	simm.s32 $0xA;
	s11 =	simm.s32 $0xB;
	s28 =	smulhi.u32 $0x88888889, s2  }
0x1f: {  	[dreg:$0x4] =	wrdreg s5;
	s31 =	smul.u32 $0x4E20, s5;
	s12 =	simm.s32 $0x1  }
0x20: {  	s22 =	simm.s32 $0x0;
	s18 =	simm.s32 $0xC;
	s30 =	sshrl.u32 s28, $0x7  }
0x21: {  	s20 =	simm.s32 $0x0;
	s21 =	simm.s32 $0x0;
	s3 =	smul.u32 $0xF0, s30  }
.Ltmp1:
0x22: {  	[tilespmem:s0+$0x0] =	vst v0;
	v0 =	vimm.s32 $0xFFFFFFFF;
	[sflag:s29] =	ssyncpa.u1 $0x0;
	s16 =	sshll.u32 s9, $0x8;
	(pc) =	sbr.rel .LBB2_3-.Ltmp1, $4  }
0x23: {  	[tilespmem:$0xF208] =	vst v0;
	[sflag:s10] =	ssyncpa.u1 $0x0;
	p0 =	sne.s32 s2, s3;
	s2 =	simm.s32 $0x1  }
0x24: {  	s14 =	sadd.s32 s31, s14;
	[sflag:s4] =	ssyncpa.u1 $0x0;
	s2 =	simm.s32 @!p0 $0x0  }
0x25: {  	s15 =	sadd.s32 s31, s15;
	[sflag:s11] =	ssyncpa.u1 $0x0;
	s13 =	sadd.s32 s2, s30  }
0x26: {  	v0 =	vlaneseq.u32;
	s19 =	smov.u32 s7;
	p0 =	por $0x0, $0x0;
	s17 =	sadd.s32 $0x1, s13  }
.LBB2_18:
0x27: {  	s0 =	sshrl.u32 s31, $0x2  }
.LBB2_20:
0x28: {  	_ =	swait.ge [sflag:s18], s0  }
0x29: {  	s31 =	ssub.s32 $0x0, s0;
	v1 =	vmov s24;
	vm0 =	veq.s32 v0, $0x0;
	[sflag:s18] =	ssyncset.done $0x0  }
0x2a: {  	vm15 =	veq.s32 v0, $0x2;
	v1 =	vsel vm0, s30, v1;
	[sflag:s18] =	ssyncadd.s32 s31  }
0x2b: {  	v1 =	vsel vm15, s22, v1;
	[sflag:s18] =	ssyncpa.u1 $0x1  }
0x2c: {  	[tilespmem:$0xF208] =	vst v1  }
.LBB2_21:
0x2d: {  	s0 =	sadd.s32 $0xF0, s19  }
0x2e: {  	s2 =	smov.u32 s7;
	p1 =	slt.s32 s0, s8  }
0x2f: {  	s2 =	smov.u32 @p1 s0;
	p1 =	sne.s32 s21, s17  }
.Ltmp2:
0x30: {  	_ = 	snop;
	(pc) =	sbr.rel @!p1 .LBB2_22-.Ltmp2, $3  }
0x31: {  	_ =	sdelay $0x1  }
0x32: {  	s22 =	smov.u32 s20;
	s31 =	sadd.s32 $0x1, s21;
	s20 =	smov.u32 s19  }
0x33: {  	p0 =	por !p0, !p0;
	s21 =	smov.u32 s31;
	s19 =	smov.u32 s2  }
.LBB2_3:
0x34: {  	p1 =	sge.u32 s21, s13  }
0x35: {  	s0 =	smulhi.u32 @!p1 $0xAAAAAAAB, s21  }
0x36: {  	s2 =	smov.u32 s19;
	p2 =	sgt.s32 @!p1 s19, $0x27010  }
0x37: {  	s3 =	sshra.s32 @!p1 s19, $0x1F;
	p2 =	por !p2, p1;
	s0 =	sshrl.u32 @!p1 s0, $0x1  }
0x38: {  	s3 =	sand.u32 @!p1 s3, s19;
	s2 =	simm.s32 @p2 $0x27010;
	s0 =	smul.u32 @!p1 $0x3, s0  }
0x39: {  	s2 =	ssub.s32 @!p1 s2, s3  }
0x3a: {  	s2 =	sadd.s32 @!p1 $0xFFFD8FF0, s2;
	s0 =	ssub.s32 @!p1 s21, s0  }
0x3b: {  	s3 =	sshll.u32 @!p1 s2, $0x2;
	p2 =	sgt.s32 @!p1 s2, $0xEF;
	s0 =	smul.u32 @!p1 $0x3C0, s0  }
0x3c: {  	s4 =	sand.u32 @!p1 $0x7, s19;
	s2 =	ssub.s32 @!p1 $0x3C0, s3;
	p2 =	por !p2, p1  }
0x3d: {  	s3 =	sshrl.u32 @!p1 s19, $0x3;
	s2 =	sshrl.u32 @!p1 s2, $0x2;
	s0 =	sshrl.u32 @!p1 s0, $0x2  }
0x3e: {  	s3 =	sadd.s32 @!p1 s3, s14;
	s2 =	simm.s32 @!p2 $0x0;
	s0 =	sadd.s32 @!p1 $0x10248, s0  }
0x3f: {  	[tilespmem:s0], [sflag:$0xA] =	stream.linear.gather @!p1 [hbm4b:s3+s4], s2, $0x38;
	[tilespmem:$0x1F6F8] =	vst v63  }
0x40: {  	s0 =	sadd.s32 $0xFFFFFFFF, s21  }
0x41: {  	p1 =	sge.u32 s0, s13  }
0x42: {  	p2 =	sgt.s32 @!p1 s20, $0x27010  }
0x43: {  	s2 =	smov.u32 s20;
	s3 =	sshra.s32 @!p1 s20, $0x1F;
	p2 =	por !p2, p1  }
0x44: {  	s3 =	sand.u32 @!p1 s3, s20;
	s2 =	simm.s32 @p2 $0x27010  }
0x45: {  	s2 =	ssub.s32 @!p1 s2, s3  }
0x46: {  	s2 =	sadd.s32 @!p1 $0xFFFD8FF0, s2  }
0x47: {  	s4 =	sand.u32 @!p1 $0x1, s0;
	s3 =	sshll.u32 @!p1 s2, $0x2  }
0x48: {  	p2 =	sgt.s32 @!p1 s2, $0xEF;
	s2 =	ssub.s32 @!p1 $0x3C0, s3;
	s3 =	smulhi.u32 @!p1 $0xAAAAAAAB, s0  }
0x49: {  	s23 =	smul.u32 @!p1 $0x3C0, s4;
	p2 =	por !p2, p1;
	s2 =	sshrl.u32 @!p1 s2, $0x2  }
0x4a: {  	s5 =	simm.s32 @!p1 $0xA;
	s2 =	simm.s32 @!p2 $0x0;
	s3 =	sshrl.u32 @!p1 s3, $0x1  }
0x4b: {  	s23 =	sshrl.u32 @!p1 s23, $0x2;
	_ =	swait.ge @!p1 [sflag:s5], s2;
	s3 =	smul.u32 @!p1 $0x3, s3  }
0x4c: {  	s23 =	sadd.s32 @!p1 $0x10518, s23;
	s24 =	ssub.s32 @!p1 $0x0, s2;
	[sflag:s5] =	ssyncset.done @!p1 $0x0  }
0x4d: {  	[sflag:s5] =	ssyncadd.s32 @!p1 s24;
	s5 =	sshrl.u32 @!p1 s20, $0x3;
	s0 =	ssub.s32 @!p1 s0, s3  }
0x4e: {  	s24 =	sand.u32 @!p1 $0x7, s20;
	s5 =	sadd.s32 @!p1 s5, s15;
	s0 =	smul.u32 @!p1 $0x3C0, s0  }
0x4f: {  	[tilespmem:s23], [sflag:$0xB] =	stream.linear.gather @!p1 [hbm4b:s5+s24], s2, $0x38;
	[tilespmem:$0x1F6F8] =	vst v63  }
0x50: {  	s3 =	ssub.s32 @!p1 $0x27100, s20;
	s2 =	smul.u32 @!p1 $0x1E000, s4  }
0x51: {  	p2 =	slt.s32 @!p1 s3, $0xF0  }
0x52: {  	p2 =	por !p2, p1;
	s0 =	sshrl.u32 @!p1 s0, $0x2;
	s2 =	sshrl.u32 @!p1 s2, $0x2  }
0x53: {  	s3 =	simm.s32 @p2 $0xF0;
	s0 =	sadd.s32 @!p1 $0x10248, s0;
	s2 =	sor.u32 @!p1 $0x106F8, s2  }
0x54: {  	[tilespmem:s2], [sflag:$0x9] =	stream.indirect.gather @!p1 [hbm4b:s6+s3], $0x80, s0, s3, $0xb8;
	[tilespmem:$0x1F6F8] =	vst v63  }
0x55: {  	p1 =	slt.u32 s21, $0x2  }
.Ltmp3:
0x56: {  	_ = 	snop;
	(pc) =	sbr.rel @p1 .LBB2_21-.Ltmp3, $1  }
0x57: {  	_ =	sdelay $0x3  }
0x58: {  	p1 =	sgt.s32 s22, $0x27010  }
0x59: {  	s0 =	smov.u32 s22;
	s2 =	sshra.s32 s22, $0x1F;
	s3 =	ssub.s32 $0x27100, s22  }
0x5a: {  	s0 =	simm.s32 @!p1 $0x27010;
	s2 =	sand.u32 s2, s22;
	p1 =	slt.s32 s3, $0xF0  }
0x5b: {  	s0 =	ssub.s32 s0, s2;
	s3 =	simm.s32 @!p1 $0xF0  }
0x5c: {  	s0 =	sadd.s32 $0xFFFD8FF0, s0;
	s25 =	sshll.u32 s3, $0x7  }
0x5d: {  	s26 =	sshll.u32 s0, $0x2;
	s2 =	sand.u32 $0x3FFFFF80, s25  }
0x5e: {  	p1 =	sgt.s32 s0, $0xEF;
	s29 =	ssub.s32 $0x3C0, s26;
	_ =	swait.ge [sflag:s10], s2  }
0x5f: {  	s2 =	ssub.s32 $0x0, s2;
	[sflag:s10] =	ssyncset.done $0x0;
	s0 =	sshrl.u32 s29, $0x2  }
0x60: {  	[sflag:s10] =	ssyncadd.s32 s2;
	s0 =	simm.s32 @p1 $0x0  }
0x61: {  	_ =	swait.ge [sflag:s11], s0  }
0x62: {  	s0 =	ssub.s32 $0x0, s0;
	[sflag:s11] =	ssyncset.done $0x0  }
0x63: {  	[sflag:s11] =	ssyncadd.s32 s0  }
0x64: {  	v1 =	vld [tilespmem:$0xF208];
	_ =	sdelay $0x4  }
0x65: {  	(v2sf) =	vpush v1, $0x0  }
0x66: {  	(v2sf) =	vpush v1, $0x1  }
0x67: {  	(v2sf) =	vpush v1, $0x2;
	_ =	sdelay $0x3  }
0x68: {  	s0 =	sadd.s32 $0xF0, s22  }
0x69: {  	s2 =	ssub.s32 $0x4E200, s22;
	p1 =	slt.s32 s8, s0  }
0x6a: {  	s0 =	smov.u32 @p1 s8;
	p1 =	sgt.s32 s2, $0x0  }
0x6b: {  	s26 =	ssub.s32 s0, s22;
	s2 =	simm.s32 @!p1 $0x0  }
0x6c: {  	p1 =	slt.s32 s2, s26  }
0x6d: {  	s26 =	smov.u32 @p1 s2  }
0x6e: {  	s25 =	simm.s32 $0x1;
	p1 =	slt.s32 s26, $0x1  }
.Ltmp4:
0x6f: {  	s25 =	simm.s32 @!p0 $0x0;
	(pc) =	sbr.rel @p1 .LBB2_8-.Ltmp4, $4  }
0x70: {  	s31 =	smul.u32 $0x3C0, s25  }
0x71: {  	s28 =	spop (v2sf)  }
0x72: {  	s0 =	sshrl.u32 s31, $0x2;
	s30 =	spop (v2sf)  }
0x73: {  	s23 =	sadd.s32 $0x10518, s0;
	s22 =	spop (v2sf)  }
0x74: {  	s0 =	smin.u32 s26, $0x10  }
0x75: {  	v1 =	vmov s0  }
0x76: {  	p2 =	sgt.s32 s26, $0x10;
	vm1 =	vgt.u32 v1, v0  }
.Ltmp5:
0x77: {  	_ = 	snop;
	(pc) =	sbr.rel @!p2 .LBB2_7-.Ltmp5, $2  }
0x78: {  	_ =	sdelay $0x2  }
0x79: {  	s4 =	simm.s32 $0x10;
	s24 =	sadd.s32 $0xFFFFFFF0, s26;
	s0 =	smov.u32 s23;
	vm0 =	vmmov vm1  }
.LBB2_6:
0x7a: {  	s2 =	smin.u32 s24, $0x10;
	s4 =	sadd.s32 $0x10, s4;
	v1 =	vld.msk [tilespmem:s0+$0x0 ss:$0x1], vm1  }
0x7b: {  	v2 =	vmov s2;
	p2 =	slt.s32 s4, s26  }
0x7c: {  	vm1 =	vgt.u32 v2, v0  }
.Ltmp6:
0x7d: {  	(pc) =	sbr.rel @p2 .LBB2_6-.Ltmp6, $3  }
0x7e: {  	_ =	sdelay $0x1  }
0x7f: {  	v1 =	vshll.u32 v1, $0x4  }
0x80: {  	s24 =	sadd.s32 $0xFFFFFFF0, s24;
	[tilespmem:s0+$0x0] =	vst.msk vm0, v1;
	s0 =	sadd.s32 $0x10, s0;
	vm0 =	vmmov vm1  }
.LBB2_7:
0x81: {  	_ =	sdelay $0x4  }
0x82: {  	v1 =	vld.msk [tilespmem:s0+$0x0 ss:$0x1], vm1;
	_ =	sdelay $0x4  }
0x83: {  	v1 =	vshll.u32 v1, $0x4  }
0x84: {  	[tilespmem:s0+$0x0] =	vst.msk vm0, v1  }
.LBB2_8:
0x85: {  	s0 =	sand.u32 $0x1, s21  }
0x86: {  	s0 =	smul.u32 $0xF0, s0  }
0x87: {  	p2 =	sne.s32 s30, $0xFFFFFFFF  }
0x88: {  	v1 =	vld.msk @!p2 [tilespmem:s0+$0x10518], $0x1;
	_ =	sdelay $0x4  }
0x89: {  	(v2sf) =	vpush @!p2 v1, $0x0;
	_ =	sdelay $0xc  }
.Ltmp7:
0x8a: {  	_ = 	snop;
	(pc) =	sbr.rel @p1 .LBB2_19-.Ltmp7, $4  }
0x8b: {  	_ = 	snop  }
0x8c: {  	s29 =	spop @!p2 (v2sf)  }
0x8d: {  	s22 =	simm.s32 @!p2 $0x0;
	s24 =	smov.u32 s29  }
0x8e: {  	[sflag:s18] =	ssyncpa.u1 $0x0;
	s29 =	smov.u32 @p2 s28;
	s24 =	smov.u32 @p2 s30  }
0x8f: {  	v1 =	vld.msk [tilespmem:s23+$0x0], $0x1;
	_ =	sdelay $0x4  }
0x90: {  	(v2sf) =	vpush v1, $0x0;
	_ =	sdelay $0xe  }
0x91: {  	s2 =	smul.u32 $0x1E000, s25;
	s0 =	spop (v2sf)  }
0x92: {  	s26 =	ssub.s32 $0x0, s26;
	p1 =	seq.s32 s29, s0  }
0x93: {  	s30 =	sadd.s32 $0x1, s26;
	s2 =	sshrl.u32 s2, $0x2;
	p2 =	sgt.s32 @!p1 s29, $0x0  }
0x94: {  	s25 =	sor.u32 $0x10738, s2;
	s2 =	smov.u32 s29;
	p2 =	por !p2, p1  }
0x95: {  	s2 =	simm.s32 @p2 $0x0;
	p2 =	seq.s32 s30, $0x0  }
.Ltmp8:
0x96: {  	_ = 	snop;
	(pc) =	sbr.rel @p2 .LBB2_11-.Ltmp8, $4  }
0x97: {  	_ = 	snop  }
0x98: {  	s28 =	simm.s32 $0x0;
	s31 =	sadd.s32 $0x1, s23;
	s2 =	smin.u32 @!p1 s2, $0x270F0  }
0x99: {  	s4 =	simm.s32 @!p1 $0x1;
	s5 =	simm.s32 @!p1 $0x7988;
	s3 =	sand.u32 @!p1 $0x3FFF8, s2  }
0x9a: {  	s4 =	smov.u32 @p1 s28;
	s2 =	sand.u32 @!p1 $0x7, s2;
	s3 =	sadd.s32 @!p1 s1, s3  }
.LBB2_10:
0x9b: {  	s9 =	smov.u32 s4  }
0x9c: {  	[tilespmem:s5], [sflag:$0x2] =	stream.linear.gather @!p1 [hbm4b:s3+s2], $0x80, $0x38;
	[tilespmem:$0x1F6F8] =	vst v63  }
0x9d: {  	s30 =	sadd.s32 $0x1, s30;
	s2 =	smov.u32 s0;
	v1 =	vld.msk [tilespmem:s31+$0x0], $0x1  }
0x9e: {  	p2 =	seq.s32 s30, $0x0;
	_ =	sdelay $0x3  }
0x9f: {  	(v2sf) =	vpush v1, $0x0;
	_ =	sdelay $0xe  }
0xa0: {  	s0 =	spop (v2sf)  }
0xa1: {  	p1 =	seq.s32 s2, s0  }
0xa2: {  	p3 =	sgt.s32 @!p1 s2, $0x0;
	s3 =	sshll.u32 @!p1 s4, $0x9;
	s4 =	sadd.s32 @!p1 $0x1, s4  }
.Ltmp9:
0xa3: {  	p3 =	por !p3, p1;
	s3 =	sshra.s32 @!p1 s3, $0x2;
	(pc) =	sbr.rel @!p2 .LBB2_10-.Ltmp9, $4  }
0xa4: {  	s4 =	smov.u32 @p1 s9;
	s2 =	simm.s32 @p3 $0x0;
	s5 =	sadd.s32 @!p1 $0x7988, s3  }
0xa5: {  	s2 =	smin.u32 @!p1 s2, $0x270F0  }
0xa6: {  	s3 =	sand.u32 @!p1 $0x3FFF8, s2;
	s2 =	sand.u32 @!p1 $0x7, s2  }
0xa7: {  	s31 =	sadd.s32 $0x1, s31;
	s3 =	sadd.s32 @!p1 s1, s3  }
.LBB2_11:
0xa8: {  	[tilespmem:s5], [sflag:$0x2] =	stream.linear.gather @!p1 [hbm4b:s3+s2], $0x80, $0x38;
	[tilespmem:$0x1F6F8] =	vst v63  }
.Ltmp10:
0xa9: {  	s0 =	sshll.u32 s4, $0x7;
	(pc) =	sbr.rel .LBB2_12-.Ltmp10, $4  }
0xaa: {  	s30 =	simm.s32 $0x2;
	s0 =	sand.u32 $0x3FFFFF80, s0  }
0xab: {  	_ =	swait.ge [sflag:s30], s0  }
0xac: {  	s0 =	ssub.s32 $0x0, s0;
	[sflag:s30] =	ssyncset.done $0x0  }
0xad: {  	s31 =	simm.s32 $0x0;
	[sflag:s30] =	ssyncadd.s32 s0  }
.LBB2_13:
0xae: {  	v1 =	vld [tilespmem:s25+$0xFFFFFFC0];
	_ =	sdelay $0x3  }
0xaf: {  	s0 =	sshra.s32 s0, $0x2  }
0xb0: {  	[tilespmem:s0+$0x108] =	vst.add.f32.msk $0xffff, v1  }
0xb1: {  	v1 =	vld [tilespmem:s25+$0xFFFFFFD0];
	_ =	sdelay $0x4  }
0xb2: {  	[tilespmem:s0+$0x118] =	vst.add.f32.msk $0xffff, v1  }
0xb3: {  	v1 =	vld [tilespmem:s25+$0xFFFFFFE0];
	_ =	sdelay $0x4  }
0xb4: {  	[tilespmem:s0+$0x128] =	vst.add.f32.msk $0xffff, v1  }
0xb5: {  	v1 =	vld [tilespmem:s25+$0xFFFFFFF0];
	_ =	sdelay $0x4  }
0xb6: {  	[tilespmem:s0+$0x138] =	vst.add.f32.msk $0xffff, v1  }
0xb7: {  	v1 =	vld [tilespmem:s25+$0x0];
	_ =	sdelay $0x4  }
0xb8: {  	[tilespmem:s0+$0x148] =	vst.add.f32.msk $0xffff, v1  }
0xb9: {  	v1 =	vld [tilespmem:s25+$0x10];
	_ =	sdelay $0x4  }
0xba: {  	[tilespmem:s0+$0x158] =	vst.add.f32.msk $0xffff, v1  }
0xbb: {  	v1 =	vld [tilespmem:s25+$0x20];
	_ =	sdelay $0x4  }
0xbc: {  	[tilespmem:s0+$0x168] =	vst.add.f32.msk $0xffff, v1  }
0xbd: {  	v1 =	vld [tilespmem:s25+$0x30];
	_ =	sdelay $0x4  }
0xbe: {  	[tilespmem:s0+$0x178] =	vst.add.f32.msk $0xffff, v1  }
.LBB2_17:
0xbf: {  	s26 =	sadd.s32 $0x1, s26  }
0xc0: {  	p1 =	seq.s32 s26, $0x0  }
.Ltmp11:
0xc1: {  	_ = 	snop;
	(pc) =	sbr.rel @p1 .LBB2_18-.Ltmp11, $2  }
0xc2: {  	_ =	sdelay $0x2  }
0xc3: {  	s23 =	sadd.s32 $0x1, s23;
	s25 =	sadd.s32 $0x80, s25;
	s29 =	smov.u32 s30  }
.LBB2_12:
0xc4: {  	v1 =	vld.msk [tilespmem:s23+$0x0], $0x1;
	_ =	sdelay $0x4  }
0xc5: {  	(v2sf) =	vpush v1, $0x0;
	_ =	sdelay $0xe  }
0xc6: {  	s30 =	spop (v2sf)  }
0xc7: {  	p1 =	sne.s32 s29, s30  }
.Ltmp12:
0xc8: {  	_ = 	snop;
	(pc) =	sbr.rel @!p1 .LBB2_13-.Ltmp12, $2  }
0xc9: {  	_ =	sdelay $0x2  }
0xca: {  	s0 =	sshll.u32 s22, $0x9  }
0xcb: {  	p1 =	seq.s32 s29, s24  }
.Ltmp13:
0xcc: {  	_ = 	snop;
	(pc) =	sbr.rel @!p1 .LBB2_15-.Ltmp13, $1  }
0xcd: {  	_ =	sdelay $0x3  }
0xce: {  	s0 =	sshra.s32 s0, $0x2  }
.Ltmp14:
0xcf: {  	s0 =	sadd.s32 $0x108, s0;
	(pc) =	sbr.rel .LBB2_16-.Ltmp14, $4  }
0xd0: {  	[spmem:s16] =	stream.linear.scatter [tilespmem:s0], [sflag:$0x1], $0x80, $0x38;
	[tilespmem:$0x1F6F8] =	vst v63  }
0xd1: {  	_ =	swait.ge [sflag:s12], $0x80  }
0xd2: {  	[sflag:s12] =	ssyncset.done $0x0  }
0xd3: {  	[sflag:s12] =	ssyncadd.s32 $0xFFFFFF80  }
.LBB2_15:
0xd4: {  	s2 =	sshll.u32 s28, $0x9  }
0xd5: {  	s2 =	sshra.s32 s2, $0x2  }
0xd6: {  	v1 =	vld [tilespmem:s2+$0x7988];
	_ =	sdelay $0x3  }
0xd7: {  	s0 =	sshra.s32 s0, $0x2  }
0xd8: {  	[tilespmem:s0+$0x108] =	vst.add.f32.msk $0xffff, v1  }
0xd9: {  	v1 =	vld [tilespmem:s2+$0x7998];
	_ =	sdelay $0x4  }
0xda: {  	[tilespmem:s0+$0x118] =	vst.add.f32.msk $0xffff, v1  }
0xdb: {  	v1 =	vld [tilespmem:s2+$0x79A8];
	_ =	sdelay $0x4  }
0xdc: {  	[tilespmem:s0+$0x128] =	vst.add.f32.msk $0xffff, v1  }
0xdd: {  	v1 =	vld [tilespmem:s2+$0x79B8];
	_ =	sdelay $0x4  }
0xde: {  	[tilespmem:s0+$0x138] =	vst.add.f32.msk $0xffff, v1  }
0xdf: {  	v1 =	vld [tilespmem:s2+$0x79C8];
	_ =	sdelay $0x4  }
0xe0: {  	[tilespmem:s0+$0x148] =	vst.add.f32.msk $0xffff, v1  }
0xe1: {  	v1 =	vld [tilespmem:s2+$0x79D8];
	_ =	sdelay $0x4  }
0xe2: {  	[tilespmem:s0+$0x158] =	vst.add.f32.msk $0xffff, v1  }
0xe3: {  	v1 =	vld [tilespmem:s2+$0x79E8];
	_ =	sdelay $0x4  }
0xe4: {  	[tilespmem:s0+$0x168] =	vst.add.f32.msk $0xffff, v1  }
0xe5: {  	v1 =	vld [tilespmem:s2+$0x79F8];
	_ =	sdelay $0x2  }
0xe6: {  	p1 =	sgt.u32 s29, $0x270F0  }
0xe7: {  	s2 =	sand.u32 @!p1 $0x3FFF8, s29  }
0xe8: {  	s3 =	sadd.s32 $0x108, s0;
	[tilespmem:s0+$0x178] =	vst.add.f32.msk $0xffff, v1;
	s0 =	sadd.s32 @!p1 s1, s2;
	s2 =	sand.u32 @!p1 $0x7, s29  }
0xe9: {  	[hbm4b:s0+s2] =	stream.linear.scatter @!p1 [tilespmem:s3], [sflag:$0xC], $0x80, $0x38;
	[tilespmem:$0x1F6F8] =	vst v63  }
0xea: {  	s0 =	simm.s32 $0x0  }
0xeb: {  	s0 =	simm.s32 @!p1 $0x200  }
0xec: {  	s31 =	sadd.s32 s0, s31  }
.LBB2_16:
0xed: {  	s0 =	sadd.s32 $0x1, s22  }
0xee: {  	s2 =	smulhi.u32 $0x88888889, s0;
	_ =	sdelay $0x1  }
0xef: {  	v1 =	vld [tilespmem:s25+$0xFFFFFFC0];
	s2 =	sshrl.u32 s2, $0x7  }
0xf0: {  	s2 =	smul.u32 $0xF0, s2;
	_ =	sdelay $0x1  }
0xf1: {  	s22 =	ssub.s32 s0, s2  }
0xf2: {  	s0 =	sshll.u32 s22, $0x7  }
0xf3: {  	[tilespmem:s0+$0x108] =	vst v1  }
0xf4: {  	v1 =	vld [tilespmem:s25+$0xFFFFFFD0];
	_ =	sdelay $0x4  }
0xf5: {  	[tilespmem:s0+$0x118] =	vst v1  }
0xf6: {  	v1 =	vld [tilespmem:s25+$0xFFFFFFE0];
	_ =	sdelay $0x4  }
0xf7: {  	[tilespmem:s0+$0x128] =	vst v1  }
0xf8: {  	v1 =	vld [tilespmem:s25+$0xFFFFFFF0];
	_ =	sdelay $0x4  }
0xf9: {  	[tilespmem:s0+$0x138] =	vst v1  }
0xfa: {  	v1 =	vld [tilespmem:s25+$0x0];
	_ =	sdelay $0x4  }
0xfb: {  	[tilespmem:s0+$0x148] =	vst v1  }
0xfc: {  	v1 =	vld [tilespmem:s25+$0x10];
	_ =	sdelay $0x4  }
0xfd: {  	[tilespmem:s0+$0x158] =	vst v1  }
0xfe: {  	v1 =	vld [tilespmem:s25+$0x20];
	_ =	sdelay $0x4  }
0xff: {  	[tilespmem:s0+$0x168] =	vst v1  }
0x100: {  	v1 =	vld [tilespmem:s25+$0x30]  }
.Ltmp15:
0x101: {  	_ = 	snop;
	(pc) =	sbr.rel .LBB2_17-.Ltmp15, $2  }
0x102: {  	_ =	sdelay $0x2  }
0x103: {  	s28 =	sadd.s32 $0x1, s28;
	[tilespmem:s0+$0x178] =	vst v1  }
.LBB2_19:
.Ltmp16:
0x104: {  	(pc) =	sbr.rel .LBB2_20-.Ltmp16, $4  }
0x105: {  	_ = 	snop  }
0x106: {  	s0 =	simm.s32 $0x2  }
0x107: {  	_ =	swait.ge [sflag:s0], $0x0  }
0x108: {  	s30 =	smov.u32 s29;
	[sflag:s0] =	ssyncset.done $0x0;
	s0 =	simm.s32 $0x0  }
.LBB2_22:
0x109: {  	_ =	sfence.sel $0x180000  }
0x10a: {  	s0 =	simm.s32 $0x9;
	[bflag:$0x0] =	sbarrier.arrive $0xFFFF  }
0x10b: {  	s24 =	simm.s32 $0xA;
	[sflag:s0] =	ssyncpa.u1 $0x1  }
0x10c: {  	s25 =	simm.s32 $0xB;
	[sflag:s24] =	ssyncpa.u1 $0x1  }
0x10d: {  	s26 =	simm.s32 $0x2;
	[sflag:s25] =	ssyncpa.u1 $0x1  }
0x10e: {  	[sflag:s26] =	ssyncpa.u1 $0x1  }
0x10f: {  	v0 =	vld [tilespmem:$0xF208];
	_ =	sdelay $0x4  }
0x110: {  	(v2sf) =	vpush v0, $0x0  }
0x111: {  	(v2sf) =	vpush v0, $0x1;
	_ =	sdelay $0x1  }
0x112: {  	(v2sf) =	vpush v0, $0x2;
	_ =	sdelay $0xb  }
0x113: {  	s0 =	spop (v2sf)  }
0x114: {  	s2 =	spop (v2sf)  }
0x115: {  	s3 =	smov.u32 s0;
	p0 =	sne.s32 s0, s2  }
0x116: {  	s4 =	spop (v2sf);
	s3 =	simm.s32 @!p0 $0xFFFFFFFF  }
0x117: {  	v2 =	vimm.s32 $0x1;
	v3 =	vlaneseq.u32;
	p0 =	seq.s32 s4, $0xFFFFFFFF;
	v1 =	vmov s3  }
0x118: {  	s16 =	stileid.u32;
	v0 =	vperm.xlane v0, v2;
	p1 =	sne.s32 @!p0 s0, s2;
	v1 =	vperm.xlane v1, v3  }
0x119: {  	vm0 =	vcmask $0x3F04;
	s6 =	simm.s32 $0xF208;
	s0 =	simm.s32 @!p0 $0x1;
	p1 =	por !p1, p0  }
0x11a: {  	s3 =	sshll.u32 s16, $0x1;
	s2 =	sshll.u32 @!p0 s4, $0x9;
	s0 =	simm.s32 @p1 $0x0;
	v0 =	vsel vm0, v1, v0  }
0x11b: {  	s5 =	sor.u32 $0x1000, s3;
	s2 =	sshra.s32 @!p0 s2, $0x2;
	s0 =	sor.u32 @!p0 s0, s3;
	[tilespmem:$0xF208] =	vst v0  }
0x11c: {  	[spmem:s5] =	stream.linear.scatter [tilespmem:s6], [sflag:$0x1], $0x2, $0x38;
	[tilespmem:$0x1F6F8] =	vst v63  }
0x11d: {  	s2 =	sadd.s32 @!p0 $0x108, s2;
	s0 =	sshll.u32 @!p0 s0, $0x7  }
0x11e: {  	[spmem:s0] =	stream.linear.scatter @!p0 [tilespmem:s2], [sflag:$0x1], $0x80, $0x38;
	[tilespmem:$0x1F6F8] =	vst v63  }
0x11f: {  	s0 =	simm.s32 @!p0 $0x82  }
0x120: {  	s28 =	simm.s32 $0x1;
	s0 =	simm.s32 @p0 $0x2  }
0x121: {  	_ =	swait.ge [sflag:s28], s0  }
0x122: {  	s0 =	ssub.s32 $0x0, s0;
	[sflag:s28] =	ssyncset.done $0x0  }
0x123: {  	p0 =	sne.s32 s16, $0x0;
	[sflag:s28] =	ssyncadd.s32 s0  }
.Ltmp17:
0x124: {  	_ =	sfence.stream.spmem;
	(pc) =	sbr.rel @p0 .LBB2_39-.Ltmp17, $4  }
0x125: {  	s29 =	simm.s32 $0x3;
	[bflag:$0x0] =	sbarrier.arrive $0xFFFF  }
0x126: {  	s30 =	simm.s32 $0x4;
	[sflag:s29] =	ssyncpa.u1 $0x1  }
0x127: {  	s31 =	simm.s32 $0x3C;
	[sflag:s30] =	ssyncpa.u1 $0x1  }
0x128: {  	s15 =	rddreg [dreg:$0x4];
	[sflag:s31] =	ssyncpa.u1 $0x1  }
0x129: {  	_ =	sfence.stream.spmem;
	s0 =	simm.s32 $0x5  }
0x12a: {  	s2 =	simm.s32 $0x1000;
	s3 =	simm.s32 $0xF218;
	[sflag:s0] =	ssyncpa.u1 $0x0  }
0x12b: {  	[tilespmem:s3], [sflag:$0x5] =	stream.linear.gather [spmem:s2], $0x20, $0x38;
	[tilespmem:$0x1F6F8] =	vst v63  }
0x12c: {  	s26 =	simm.s32 $0x0;
	s28 =	simm.s32 $0xF238  }
0x12d: {  	[tilespmem:s28], [sflag:$0x5] =	stream.linear.gather [spmem:s26], $0x1000, $0x38;
	[tilespmem:$0x1F6F8] =	vst v63  }
0x12e: {  	_ =	swait.ge [sflag:s0], $0x1020  }
0x12f: {  	[sflag:s0] =	ssyncset.done $0x0  }
0x130: {  	s29 =	simm.s32 $0x0;
	[sflag:s0] =	ssyncadd.s32 $0xFFFFEFE0  }
0x131: {  	v0 =	vld.msk [tilespmem:s29+$0xF218], $0x1;
	_ =	sdelay $0x1  }
0x132: {  	s30 =	simm.s32 $0x1  }
0x133: {  	v1 =	vld.msk [tilespmem:s30+$0xF218], $0x1;
	_ =	sdelay $0x1  }
0x134: {  	(v2sf) =	vpush v0, $0x0;
	_ =	sdelay $0x2  }
0x135: {  	(v2sf) =	vpush v1, $0x0;
	_ =	sdelay $0x2  }
0x136: {  	s31 =	simm.s32 $0x2  }
0x137: {  	v0 =	vld.msk [tilespmem:s31+$0xF218], $0x1;
	_ =	sdelay $0x2  }
0x138: {  	s4 =	simm.s32 $0xFFFFFFFF;
	s5 =	simm.s32 $0xFFFFFFFF;
	s0 =	simm.s32 $0xC  }
.LBB2_24:
0x139: {  	s2 =	smov.u32 s5;
	s3 =	smov.u32 s4  }
0x13a: {  	s4 =	sshra.s32 s0, $0x2;
	p1 =	sne.s32 s0, $0x7C;
	s0 =	sadd.s32 $0x4, s0;
	(v2sf) =	vpush v0, $0x0  }
0x13b: {  	v0 =	vld.msk [tilespmem:s4+$0xF218], $0x1  }
.Ltmp18:
0x13c: {  	(pc) =	sbr.rel @p1 .LBB2_24-.Ltmp18, $4  }
0x13d: {  	s5 =	spop (v2sf)  }
0x13e: {  	p2 =	sne.s32 s3, $0xFFFFFFFF;
	s4 =	smov.u32 s5  }
0x13f: {  	p3 =	seq.s32 s5, $0xFFFFFFFF;
	s4 =	smov.u32 @p2 s3  }
0x140: {  	s5 =	smov.u32 @p3 s2;
	s4 =	smov.u32 @p3 s3  }
0x141: {  	(v2sf) =	vpush v0, $0x0;
	_ =	sdelay $0x8  }
0x142: {  	s0 =	spop (v2sf)  }
0x143: {  	p1 =	sne.s32 s4, $0xFFFFFFFF;
	s2 =	smov.u32 s0  }
0x144: {  	s9 =	simm.s32 $0x6;
	p2 =	seq.s32 s0, $0xFFFFFFFF;
	s2 =	smov.u32 @p1 s4  }
0x145: {  	s6 =	simm.s32 $0x0;
	s2 =	smov.u32 @p2 s4;
	s3 =	spop (v2sf)  }
0x146: {  	s0 =	smov.u32 @p2 s5;
	p1 =	sne.s32 s2, $0xFFFFFFFF;
	s4 =	smov.u32 s3  }
.Ltmp19:
0x147: {  	p2 =	seq.s32 s3, $0xFFFFFFFF;
	s4 =	smov.u32 @p1 s2;
	(pc) =	sbr.rel .LBB2_26-.Ltmp19, $4  }
0x148: {  	s10 =	simm.s32 $0xF188;
	s4 =	smov.u32 @p2 s2;
	s7 =	spop (v2sf)  }
0x149: {  	s11 =	simm.s32 $0x0;
	p1 =	sne.s32 s4, $0xFFFFFFFF;
	s8 =	smov.u32 s7  }
0x14a: {  	s3 =	smov.u32 @p2 s0;
	p2 =	seq.s32 s7, $0xFFFFFFFF;
	s8 =	smov.u32 @p1 s4  }
0x14b: {  	[sflag:s9] =	ssyncpa.u1 $0x0;
	s7 =	smov.u32 @p2 s3;
	s8 =	smov.u32 @p2 s4  }
.LBB2_32:
0x14c: {  	p1 =	sgt.u32 s12, $0x270F0  }
0x14d: {  	p2 =	seq.s32 @!p1 s12, s8  }
0x14e: {  	p1 =	por p1, p2  }
0x14f: {  	p2 =	sne.s32 @!p1 s12, s7  }
0x150: {  	p1 =	por p1, !p2  }
0x151: {  	s0 =	sshll.u32 @p1 s11, $0x9  }
0x152: {  	s0 =	sand.u32 @!p1 $0x3FFF8, s12  }
0x153: {  	s2 =	sand.u32 @!p1 $0x7, s12;
	s0 =	sadd.s32 @!p1 s1, s0  }
0x154: {  	[tilespmem:s10], [sflag:$0x6] =	stream.linear.gather @!p1 [hbm4b:s0+s2], $0x80, $0x38;
	[tilespmem:$0x1F6F8] =	vst v63  }
0x155: {  	_ =	swait.ge @!p1 [sflag:s9], $0x80  }
0x156: {  	[sflag:s9] =	ssyncset.done @!p1 $0x0  }
0x157: {  	[sflag:s9] =	ssyncadd.s32 @!p1 $0xFFFFFF80  }
0x158: {  	v1 =	vld @!p1 [tilespmem:$0xF188];
	_ =	sdelay $0x2  }
0x159: {  	s0 =	sshll.u32 @!p1 s11, $0x9  }
0x15a: {  	s2 =	sshrl.u32 @!p1 s0, $0x2  }
0x15b: {  	[tilespmem:s2+$0xF238] =	vst.add.f32.msk @!p1 $0xffff, v1  }
0x15c: {  	v1 =	vld @!p1 [tilespmem:$0xF198];
	_ =	sdelay $0x4  }
0x15d: {  	[tilespmem:s2+$0xF248] =	vst.add.f32.msk @!p1 $0xffff, v1  }
0x15e: {  	v1 =	vld @!p1 [tilespmem:$0xF1A8];
	_ =	sdelay $0x4  }
0x15f: {  	[tilespmem:s2+$0xF258] =	vst.add.f32.msk @!p1 $0xffff, v1  }
0x160: {  	v1 =	vld @!p1 [tilespmem:$0xF1B8];
	_ =	sdelay $0x4  }
0x161: {  	[tilespmem:s2+$0xF268] =	vst.add.f32.msk @!p1 $0xffff, v1  }
0x162: {  	v1 =	vld @!p1 [tilespmem:$0xF1C8];
	_ =	sdelay $0x4  }
0x163: {  	[tilespmem:s2+$0xF278] =	vst.add.f32.msk @!p1 $0xffff, v1  }
0x164: {  	v1 =	vld @!p1 [tilespmem:$0xF1D8];
	_ =	sdelay $0x4  }
0x165: {  	[tilespmem:s2+$0xF288] =	vst.add.f32.msk @!p1 $0xffff, v1  }
0x166: {  	v1 =	vld @!p1 [tilespmem:$0xF1E8];
	_ =	sdelay $0x4  }
0x167: {  	[tilespmem:s2+$0xF298] =	vst.add.f32.msk @!p1 $0xffff, v1  }
0x168: {  	v1 =	vld @!p1 [tilespmem:$0xF1F8];
	_ =	sdelay $0x4  }
0x169: {  	[tilespmem:s2+$0xF2A8] =	vst.add.f32.msk @!p1 $0xffff, v1  }
0x16a: {  	s0 =	sshrl.u32 s0, $0x2;
	[tilespmem:s6+$0xF218] =	vst.msk $0x1, v0  }
0x16b: {  	v0 =	vld [tilespmem:s0+$0xF238];
	_ =	sdelay $0x2  }
0x16c: {  	s31 =	sshll.u32 s6, $0x9  }
0x16d: {  	s2 =	sshra.s32 s31, $0x2  }
0x16e: {  	[tilespmem:s2+$0xF238] =	vst v0  }
0x16f: {  	v0 =	vld [tilespmem:s0+$0xF248];
	_ =	sdelay $0x4  }
0x170: {  	[tilespmem:s2+$0xF248] =	vst v0  }
0x171: {  	v0 =	vld [tilespmem:s0+$0xF258];
	_ =	sdelay $0x4  }
0x172: {  	[tilespmem:s2+$0xF258] =	vst v0  }
0x173: {  	v0 =	vld [tilespmem:s0+$0xF268];
	_ =	sdelay $0x4  }
0x174: {  	[tilespmem:s2+$0xF268] =	vst v0  }
0x175: {  	v0 =	vld [tilespmem:s0+$0xF278];
	_ =	sdelay $0x4  }
0x176: {  	[tilespmem:s2+$0xF278] =	vst v0  }
0x177: {  	v0 =	vld [tilespmem:s0+$0xF288];
	_ =	sdelay $0x4  }
0x178: {  	[tilespmem:s2+$0xF288] =	vst v0  }
0x179: {  	v0 =	vld [tilespmem:s0+$0xF298];
	_ =	sdelay $0x4  }
0x17a: {  	[tilespmem:s2+$0xF298] =	vst v0  }
0x17b: {  	v0 =	vld [tilespmem:s0+$0xF2A8];
	_ =	sdelay $0x4  }
0x17c: {  	s6 =	sadd.s32 $0x1, s6;
	[tilespmem:s2+$0xF2A8] =	vst v0  }
.LBB2_33:
0x17d: {  	s11 =	sadd.s32 $0x1, s11  }
0x17e: {  	p1 =	sne.s32 s11, $0x20  }
.Ltmp20:
0x17f: {  	_ = 	snop;
	(pc) =	sbr.rel @!p1 .LBB2_34-.Ltmp20, $1  }
0x180: {  	_ =	sdelay $0x3  }
.LBB2_26:
0x181: {  	v0 =	vld.msk [tilespmem:s11+$0xF218], $0x1;
	_ =	sdelay $0x4  }
0x182: {  	(v2sf) =	vpush v0, $0x0;
	_ =	sdelay $0xe  }
0x183: {  	s12 =	spop (v2sf)  }
0x184: {  	p1 =	seq.s32 s12, $0xFFFFFFFF  }
.Ltmp21:
0x185: {  	_ = 	snop;
	(pc) =	sbr.rel @p1 .LBB2_33-.Ltmp21, $1  }
0x186: {  	_ =	sdelay $0x3  }
0x187: {  	p1 =	slt.s32 s6, $0x1  }
.Ltmp22:
0x188: {  	_ = 	snop;
	(pc) =	sbr.rel @p1 .LBB2_32-.Ltmp22, $1  }
0x189: {  	_ =	sdelay $0x3  }
0x18a: {  	s13 =	simm.s32 $0xF218;
	p1 =	por $0x0, $0x0  }
0x18b: {  	v1 =	vld.msk @!p1 [tilespmem:s13+$0x0], $0x1;
	_ =	sdelay $0x4  }
0x18c: {  	(v2sf) =	vpush @!p1 v1, $0x0;
	_ =	sdelay $0xd  }
0x18d: {  	p3 =	sne.s32 s6, $0x1  }
.Ltmp23:
0x18e: {  	s0 =	spop @!p1 (v2sf);
	(pc) =	sbr.rel @!p3 .LBB2_30-.Ltmp23, $4  }
0x18f: {  	p2 =	seq.s32 @!p1 s12, s0  }
0x190: {  	s14 =	simm.s32 $0x0;
	p2 =	por !p2, p1  }
0x191: {  	s2 =	simm.s32 $0xFFFFFFFF;
	s14 =	simm.s32 @p2 $0xFFFFFFFF  }
0x192: {  	s0 =	simm.s32 $0x1;
	s14 =	smov.u32 @p1 s2  }
.LBB2_29:
0x193: {  	s2 =	smov.u32 s14;
	p1 =	sne.s32 s14, $0xFFFFFFFF  }
0x194: {  	s13 =	sadd.s32 $0x1, s13;
	s14 =	smov.u32 s0;
	s0 =	sadd.s32 $0x1, s0  }
0x195: {  	p2 =	sne.s32 s6, s0;
	v1 =	vld.msk @!p1 [tilespmem:s13+$0x0], $0x1;
	_ =	sdelay $0x4  }
0x196: {  	(v2sf) =	vpush @!p1 v1, $0x0;
	_ =	sdelay $0xe  }
.Ltmp24:
0x197: {  	s3 =	spop @!p1 (v2sf);
	(pc) =	sbr.rel @p2 .LBB2_29-.Ltmp24, $4  }
0x198: {  	p3 =	seq.s32 @!p1 s12, s3  }
0x199: {  	p3 =	por !p3, p1  }
0x19a: {  	s14 =	simm.s32 @p3 $0xFFFFFFFF  }
0x19b: {  	s14 =	smov.u32 @p1 s2  }
.LBB2_30:
0x19c: {  	p1 =	seq.s32 s14, $0xFFFFFFFF  }
.Ltmp25:
0x19d: {  	_ = 	snop;
	(pc) =	sbr.rel @p1 .LBB2_32-.Ltmp25, $1  }
0x19e: {  	_ =	sdelay $0x3  }
0x19f: {  	s0 =	sshll.u32 s11, $0x7  }
0x1a0: {  	s0 =	sand.u32 $0x3FFFFF80, s0  }
0x1a1: {  	v0 =	vld [tilespmem:s0+$0xF238];
	_ =	sdelay $0x2  }
0x1a2: {  	s2 =	sshll.u32 s14, $0x9  }
0x1a3: {  	s2 =	sshra.s32 s2, $0x2  }
0x1a4: {  	[tilespmem:s2+$0xF238] =	vst.add.f32.msk $0xffff, v0  }
0x1a5: {  	v0 =	vld [tilespmem:s0+$0xF248];
	_ =	sdelay $0x4  }
0x1a6: {  	[tilespmem:s2+$0xF248] =	vst.add.f32.msk $0xffff, v0  }
0x1a7: {  	v0 =	vld [tilespmem:s0+$0xF258];
	_ =	sdelay $0x4  }
0x1a8: {  	[tilespmem:s2+$0xF258] =	vst.add.f32.msk $0xffff, v0  }
0x1a9: {  	v0 =	vld [tilespmem:s0+$0xF268];
	_ =	sdelay $0x4  }
0x1aa: {  	[tilespmem:s2+$0xF268] =	vst.add.f32.msk $0xffff, v0  }
0x1ab: {  	v0 =	vld [tilespmem:s0+$0xF278];
	_ =	sdelay $0x4  }
0x1ac: {  	[tilespmem:s2+$0xF278] =	vst.add.f32.msk $0xffff, v0  }
0x1ad: {  	v0 =	vld [tilespmem:s0+$0xF288];
	_ =	sdelay $0x4  }
0x1ae: {  	[tilespmem:s2+$0xF288] =	vst.add.f32.msk $0xffff, v0  }
0x1af: {  	v0 =	vld [tilespmem:s0+$0xF298];
	_ =	sdelay $0x4  }
0x1b0: {  	[tilespmem:s2+$0xF298] =	vst.add.f32.msk $0xffff, v0  }
0x1b1: {  	v0 =	vld [tilespmem:s0+$0xF2A8]  }
.Ltmp26:
0x1b2: {  	_ = 	snop;
	(pc) =	sbr.rel .LBB2_33-.Ltmp26, $2  }
0x1b3: {  	_ =	sdelay $0x2  }
0x1b4: {  	[tilespmem:s2+$0xF2A8] =	vst.add.f32.msk $0xffff, v0  }
.LBB2_34:
0x1b5: {  	s0 =	simm.s32 $0x6;
	p1 =	seq.s32 s6, $0x0  }
0x1b6: {  	[sflag:s0] =	ssyncpa.u1 $0x1;
	v0 =	vimm.s32 @p1 $0xFFFFFFFF  }
0x1b7: {  	s9 =	sadd.s32 $0xFFFFFFFF, s6;
	[tilespmem:$0x10238] =	vst @p1 v0  }
0x1b8: {  	v0 =	vld.msk @!p1 [tilespmem:s9+$0xF218], $0x1;
	_ =	sdelay $0x1  }
0x1b9: {  	v1 =	vld.msk @!p1 [tilespmem:$0xF218], $0x1;
	_ =	sdelay $0x2  }
0x1ba: {  	p2 =	seq.s32 @!p1 s9, $0x0;
	v0 =	vbroadcast @!p1 v0, $0x0  }
0x1bb: {  	vm0 =	vmmov @!p1 $0x1;
	p2 =	por !p2, p1  }
0x1bc: {  	v1 =	vnsel @!p1 vm0, $0xFFFFFFFF, v1;
	vm0 =	vcmask @!p1 $0x308;
	v0 =	vpsel !p2, $0xFFFFFFFF, v0  }
0x1bd: {  	p2 =	sne.s32 @!p1 s8, s7;
	v0 =	vsel @!p1 vm0, v1, v0  }
0x1be: {  	s0 =	simm.s32 @!p1 $0xF238;
	s2 =	simm.s32 @!p1 $0x0;
	p3 =	por !p2, p1;
	[tilespmem:$0x10238] =	vst @!p1 v0  }
0x1bf: {  	[spmem:s2] =	stream.linear.scatter @!p1 [tilespmem:s0], [sflag:$0x1], $0x80, $0x38;
	[tilespmem:$0x1F6F8] =	vst v63  }
0x1c0: {  	s0 =	sshll.u32 @!p3 s9, $0x9  }
0x1c1: {  	s0 =	sshra.s32 @!p3 s0, $0x2  }
0x1c2: {  	s2 =	simm.s32 @!p3 $0x80;
	s0 =	sadd.s32 @!p3 $0xF238, s0  }
0x1c3: {  	[spmem:s2] =	stream.linear.scatter @!p3 [tilespmem:s0], [sflag:$0x1], $0x80, $0x38;
	[tilespmem:$0x1F6F8] =	vst v63  }
0x1c4: {  	s0 =	simm.s32 @!p3 $0x1  }
0x1c5: {  	_ =	swait.ge @!p3 [sflag:s0], $0x100  }
0x1c6: {  	p1 =	por p2, p1;
	[sflag:s0] =	ssyncset.done @!p3 $0x0  }
0x1c7: {  	[sflag:s0] =	ssyncadd.s32 @!p3 $0xFFFFFF00;
	s0 =	simm.s32 @!p1 $0x1  }
0x1c8: {  	_ =	swait.ge @!p1 [sflag:s0], $0x80  }
0x1c9: {  	s29 =	simm.s32 $0x10238;
	[sflag:s0] =	ssyncset.done @!p1 $0x0  }
0x1ca: {  	s30 =	simm.s32 $0x1000;
	s31 =	simm.s32 $0x1;
	[sflag:s0] =	ssyncadd.s32 @!p1 $0xFFFFFF80  }
0x1cb: {  	[spmem:s30] =	stream.linear.scatter [tilespmem:s29], [sflag:$0x1], $0x10, $0x38;
	[tilespmem:$0x1F6F8] =	vst v63  }
0x1cc: {  	_ =	swait.ge [sflag:s31], $0x10  }
0x1cd: {  	[sflag:s31] =	ssyncset.done $0x0  }
0x1ce: {  	p1 =	seq.s32 s15, $0x0;
	s8 =	rddreg [dreg:$0x1];
	[sflag:s31] =	ssyncadd.s32 $0xFFFFFFF0  }
0x1cf: {  	s2 =	sshll.u32 @p1 s8, $0xE;
	s7 =	rddreg [dreg:$0x2]  }
0x1d0: {  	s0 =	sadd.s32 @p1 $0x15C3C, s2;
	s2 =	sshll.u32 @p1 s7, $0x11  }
0x1d1: {  	_ =	sfence.stream.spmem;
	s0 =	sor.u32 @p1 s2, s0  }
0x1d2: {  	[sflag:s0] =	ssyncadd.remote.s32 @p1 $0x1;
	s0 =	simm.s32 @p1 $0x4  }
0x1d3: {  	s3 =	simm.s32 @!p1 $0x3C;
	s2 =	sand.u32 $0xFFFFFFFE, s8;
	_ =	swait.ge @p1 [sflag:s0], $0x22  }
0x1d4: {  	s4 =	simm.s32 @!p1 $0x0;
	s2 =	sadd.s32 @!p1 $0x4, s2;
	[sflag:s0] =	ssyncset.done @p1 $0x0  }
0x1d5: {  	s5 =	simm.s32 @!p1 $0x100;
	[sflag:s0] =	ssyncadd.s32 @p1 $0xFFFFFFDE;
	s0 =	sshll.u32 @!p1 s2, $0x1A  }
0x1d6: {  	s2 =	sshll.u32 @!p1 s2, $0xD;
	s0 =	sor.u32 @!p1 s0, s7;
	_ =	swait.eq @!p1 [sflag:s3], $0x1  }
0x1d7: {  	s2 =	sor.u32 @!p1 $0x1C04, s2;
	s3 =	simm.s32 @!p1 $0x1C03;
	s0 =	sor.u32 @!p1 $0x80004000, s0  }
0x1d8: {  	[spmem:s5], [sflag:s2] =	dma.general @!p1 [spmem:s4], [sflag:s3], length:$0x20, [dreg:$0x0], stride_count:$0x0, ici_dest:s0, dma_misc:DstOpCode:WRITE  }
0x1d9: {  	p2 =	slt.s32 s9, $0x2;
	s4 =	simm.s32 @!p1 $0x200;
	s5 =	simm.s32 @!p1 $0x202  }
0x1da: {  	[spmem:s5], [sflag:s2] =	dma.general @!p1 [spmem:s4], [sflag:s3], length:$0x2, [dreg:$0x0], stride_count:$0x0, ici_dest:s0, dma_misc:DstOpCode:WRITE  }
.Ltmp27:
0x1db: {  	s0 =	simm.s32 @!p1 $0x3;
	(pc) =	sbr.rel @p2 .LBB2_38-.Ltmp27, $4  }
0x1dc: {  	s2 =	sshll.u32 @!p1 s8, $0xE;
	_ =	swait.ge @!p1 [sflag:s0], $0x22  }
0x1dd: {  	s3 =	sshll.u32 @!p1 s7, $0x11;
	s2 =	sadd.s32 @!p1 $0x11C3C, s2;
	[sflag:s0] =	ssyncset.done @!p1 $0x0  }
0x1de: {  	[sflag:s0] =	ssyncadd.s32 @!p1 $0xFFFFFFDE;
	s0 =	sor.u32 @!p1 s3, s2  }
0x1df: {  	[sflag:s0] =	ssyncadd.remote.s32 @!p1 $0xFFFFFFFF;
	s0 =	simm.s32 $0x0  }
0x1e0: {  	s0 =	simm.s32 $0xF219  }
0x1e1: {  	v0 =	vld.msk [tilespmem:s0+$0x0], $0x1;
	_ =	sdelay $0x4  }
0x1e2: {  	(v2sf) =	vpush v0, $0x0;
	_ =	sdelay $0xb  }
0x1e3: {  	s31 =	sadd.s32 $0xFFFFFFFE, s6  }
0x1e4: {  	s0 =	sadd.s32 $0xFFFFFFFF, s31  }
0x1e5: {  	p2 =	sne.s32 s0, $0x0  }
.Ltmp28:
0x1e6: {  	s2 =	spop (v2sf);
	(pc) =	sbr.rel @!p2 .LBB2_37-.Ltmp28, $4  }
0x1e7: {  	s4 =	simm.s32 $0xF2B8;
	s7 =	simm.s32 $0x0;
	p1 =	sgt.u32 s2, $0x270F0  }
0x1e8: {  	s5 =	simm.s32 $0x0;
	s6 =	simm.s32 $0xF21A;
	s3 =	sand.u32 @!p1 $0x3FFF8, s2  }
0x1e9: {  	s2 =	sand.u32 @!p1 $0x7, s2;
	s7 =	simm.s32 @!p1 $0x200;
	s3 =	sadd.s32 @!p1 s1, s3  }
0x1ea: {  	[hbm4b:s3+s2] =	stream.linear.scatter @!p1 [tilespmem:s4], [sflag:$0x5], $0x80, $0x38;
	[tilespmem:$0x1F6F8] =	vst v63  }
.LBB2_36:
0x1eb: {  	v0 =	vld.msk [tilespmem:s6+$0x0], $0x1;
	s0 =	sadd.s32 $0xFFFFFFFF, s0;
	s5 =	sadd.s32 s5, s7  }
0x1ec: {  	p1 =	sne.s32 s0, $0x0;
	_ =	sdelay $0x3  }
0x1ed: {  	(v2sf) =	vpush v0, $0x0;
	_ =	sdelay $0xe  }
.Ltmp29:
0x1ee: {  	s2 =	spop (v2sf);
	(pc) =	sbr.rel @p1 .LBB2_36-.Ltmp29, $4  }
0x1ef: {  	s7 =	simm.s32 $0x0;
	p2 =	sgt.u32 s2, $0x270F0  }
0x1f0: {  	s4 =	sadd.s32 $0x80, s4;
	s7 =	simm.s32 @!p2 $0x200;
	s3 =	sand.u32 @!p2 $0x3FFF8, s2  }
0x1f1: {  	s6 =	sadd.s32 $0x1, s6;
	s2 =	sand.u32 @!p2 $0x7, s2;
	s3 =	sadd.s32 @!p2 s1, s3  }
0x1f2: {  	[hbm4b:s3+s2] =	stream.linear.scatter @!p2 [tilespmem:s4], [sflag:$0x5], $0x80, $0x38;
	[tilespmem:$0x1F6F8] =	vst v63  }
.LBB2_37:
0x1f3: {  	s0 =	sadd.s32 s5, s7  }
0x1f4: {  	s0 =	sshrl.u32 s0, $0x2  }
.LBB2_38:
0x1f5: {  	s2 =	simm.s32 $0x5  }
0x1f6: {  	_ =	swait.ge [sflag:s2], s0  }
0x1f7: {  	s31 =	ssub.s32 $0x0, s0;
	[sflag:s2] =	ssyncset.done $0x0  }
0x1f8: {  	[sflag:s2] =	ssyncadd.s32 s31  }
0x1f9: {  	[sflag:s2] =	ssyncpa.u1 $0x1  }
.LBB2_39:
0x1fa: {  	s0 =	sor.u32 s15, s16  }
0x1fb: {  	p1 =	sne.s32 s0, $0x0  }
.Ltmp30:
0x1fc: {  	_ = 	snop;
	(pc) =	sbr.rel @p1 .LBB2_54-.Ltmp30, $3  }
0x1fd: {  	_ =	sdelay $0x1  }
0x1fe: {  	[bflag:$0x0] =	sbarrier.arrive $0xFFFF  }
0x1ff: {  	_ =	sfence  }
0x200: {  	s0 =	simm.s32 $0x7  }
0x201: {  	s2 =	simm.s32 $0x1000;
	s3 =	simm.s32 $0xF218;
	[sflag:s0] =	ssyncpa.u1 $0x0  }
0x202: {  	[tilespmem:s3], [sflag:$0x7] =	stream.linear.gather [spmem:s2], $0x20, $0x38;
	[tilespmem:$0x1F6F8] =	vst v63  }
0x203: {  	s30 =	simm.s32 $0xF238;
	s2 =	simm.s32 $0x0  }
0x204: {  	[tilespmem:s30], [sflag:$0x7] =	stream.linear.gather [spmem:s2], $0x1000, $0x38;
	[tilespmem:$0x1F6F8] =	vst v63  }
.Ltmp31:
0x205: {  	_ = 	snop;
	(pc) =	sbr.rel .LBB2_41-.Ltmp31, $4  }
0x206: {  	_ =	swait.ge [sflag:s0], $0x1020  }
0x207: {  	[sflag:s0] =	ssyncset.done $0x0  }
0x208: {  	s31 =	simm.s32 $0x8;
	[sflag:s0] =	ssyncadd.s32 $0xFFFFEFE0  }
0x209: {  	s3 =	simm.s32 $0x0;
	[sflag:s31] =	ssyncpa.u1 $0x0  }
.LBB2_47:
0x20a: {  	p1 =	slt.u32 s4, $0x270F1  }
0x20b: {  	s0 =	sand.u32 @p1 $0x3FFF8, s4  }
0x20c: {  	s4 =	sand.u32 @p1 $0x7, s4;
	s5 =	simm.s32 @p1 $0xF188;
	s0 =	sadd.s32 @p1 s1, s0  }
0x20d: {  	[tilespmem:s5], [sflag:$0x8] =	stream.linear.gather @p1 [hbm4b:s0+s4], $0x80, $0x38;
	[tilespmem:$0x1F6F8] =	vst v63  }
0x20e: {  	s0 =	simm.s32 @p1 $0x8  }
0x20f: {  	_ =	swait.ge @p1 [sflag:s0], $0x80  }
0x210: {  	[sflag:s0] =	ssyncset.done @p1 $0x0  }
0x211: {  	[sflag:s0] =	ssyncadd.s32 @p1 $0xFFFFFF80  }
0x212: {  	v1 =	vld @p1 [tilespmem:$0xF188];
	_ =	sdelay $0x2  }
0x213: {  	s0 =	sshll.u32 @p1 s3, $0x9  }
0x214: {  	s4 =	sshrl.u32 @p1 s0, $0x2  }
0x215: {  	[tilespmem:s4+$0xF238] =	vst.add.f32.msk @p1 $0xffff, v1  }
0x216: {  	v1 =	vld @p1 [tilespmem:$0xF198];
	_ =	sdelay $0x4  }
0x217: {  	[tilespmem:s4+$0xF248] =	vst.add.f32.msk @p1 $0xffff, v1  }
0x218: {  	v1 =	vld @p1 [tilespmem:$0xF1A8];
	_ =	sdelay $0x4  }
0x219: {  	[tilespmem:s4+$0xF258] =	vst.add.f32.msk @p1 $0xffff, v1  }
0x21a: {  	v1 =	vld @p1 [tilespmem:$0xF1B8];
	_ =	sdelay $0x4  }
0x21b: {  	[tilespmem:s4+$0xF268] =	vst.add.f32.msk @p1 $0xffff, v1  }
0x21c: {  	v1 =	vld @p1 [tilespmem:$0xF1C8];
	_ =	sdelay $0x4  }
0x21d: {  	[tilespmem:s4+$0xF278] =	vst.add.f32.msk @p1 $0xffff, v1  }
0x21e: {  	v1 =	vld @p1 [tilespmem:$0xF1D8];
	_ =	sdelay $0x4  }
0x21f: {  	[tilespmem:s4+$0xF288] =	vst.add.f32.msk @p1 $0xffff, v1  }
0x220: {  	v1 =	vld @p1 [tilespmem:$0xF1E8];
	_ =	sdelay $0x4  }
0x221: {  	[tilespmem:s4+$0xF298] =	vst.add.f32.msk @p1 $0xffff, v1  }
0x222: {  	v1 =	vld @p1 [tilespmem:$0xF1F8];
	_ =	sdelay $0x3  }
0x223: {  	s5 =	sshll.u32 @!p1 s3, $0x9  }
0x224: {  	s5 =	smov.u32 @p1 s0;
	[tilespmem:s4+$0xF2A8] =	vst.add.f32.msk @p1 $0xffff, v1  }
0x225: {  	s0 =	sshrl.u32 s5, $0x2;
	[tilespmem:s2+$0xF218] =	vst.msk $0x1, v0  }
0x226: {  	v0 =	vld [tilespmem:s0+$0xF238];
	_ =	sdelay $0x2  }
0x227: {  	s31 =	sshll.u32 s2, $0x9  }
0x228: {  	s4 =	sshra.s32 s31, $0x2  }
0x229: {  	[tilespmem:s4+$0xF238] =	vst v0  }
0x22a: {  	v0 =	vld [tilespmem:s0+$0xF248];
	_ =	sdelay $0x4  }
0x22b: {  	[tilespmem:s4+$0xF248] =	vst v0  }
0x22c: {  	v0 =	vld [tilespmem:s0+$0xF258];
	_ =	sdelay $0x4  }
0x22d: {  	[tilespmem:s4+$0xF258] =	vst v0  }
0x22e: {  	v0 =	vld [tilespmem:s0+$0xF268];
	_ =	sdelay $0x4  }
0x22f: {  	[tilespmem:s4+$0xF268] =	vst v0  }
0x230: {  	v0 =	vld [tilespmem:s0+$0xF278];
	_ =	sdelay $0x4  }
0x231: {  	[tilespmem:s4+$0xF278] =	vst v0  }
0x232: {  	v0 =	vld [tilespmem:s0+$0xF288];
	_ =	sdelay $0x4  }
0x233: {  	[tilespmem:s4+$0xF288] =	vst v0  }
0x234: {  	v0 =	vld [tilespmem:s0+$0xF298];
	_ =	sdelay $0x4  }
0x235: {  	[tilespmem:s4+$0xF298] =	vst v0  }
0x236: {  	v0 =	vld [tilespmem:s0+$0xF2A8];
	_ =	sdelay $0x4  }
0x237: {  	s2 =	sadd.s32 $0x1, s2;
	[tilespmem:s4+$0xF2A8] =	vst v0  }
.LBB2_48:
0x238: {  	s3 =	sadd.s32 $0x1, s3  }
0x239: {  	p1 =	sne.s32 s3, $0x20  }
.Ltmp32:
0x23a: {  	_ = 	snop;
	(pc) =	sbr.rel @!p1 .LBB2_49-.Ltmp32, $1  }
0x23b: {  	_ =	sdelay $0x3  }
.LBB2_41:
0x23c: {  	v0 =	vld.msk [tilespmem:s3+$0xF218], $0x1;
	_ =	sdelay $0x4  }
0x23d: {  	(v2sf) =	vpush v0, $0x0;
	_ =	sdelay $0xe  }
0x23e: {  	s4 =	spop (v2sf)  }
0x23f: {  	p1 =	seq.s32 s4, $0xFFFFFFFF  }
.Ltmp33:
0x240: {  	_ = 	snop;
	(pc) =	sbr.rel @p1 .LBB2_48-.Ltmp33, $1  }
0x241: {  	_ =	sdelay $0x3  }
0x242: {  	p1 =	slt.s32 s2, $0x1  }
.Ltmp34:
0x243: {  	_ = 	snop;
	(pc) =	sbr.rel @p1 .LBB2_47-.Ltmp34, $1  }
0x244: {  	_ =	sdelay $0x3  }
0x245: {  	s5 =	simm.s32 $0xF218;
	p1 =	por $0x0, $0x0  }
0x246: {  	v1 =	vld.msk @!p1 [tilespmem:s5+$0x0], $0x1;
	_ =	sdelay $0x4  }
0x247: {  	(v2sf) =	vpush @!p1 v1, $0x0;
	_ =	sdelay $0xd  }
0x248: {  	p3 =	sne.s32 s2, $0x1  }
.Ltmp35:
0x249: {  	s0 =	spop @!p1 (v2sf);
	(pc) =	sbr.rel @!p3 .LBB2_45-.Ltmp35, $4  }
0x24a: {  	p2 =	seq.s32 @!p1 s4, s0  }
0x24b: {  	s6 =	simm.s32 $0x0;
	p2 =	por !p2, p1  }
0x24c: {  	s7 =	simm.s32 $0xFFFFFFFF;
	s6 =	simm.s32 @p2 $0xFFFFFFFF  }
0x24d: {  	s0 =	simm.s32 $0x1;
	s6 =	smov.u32 @p1 s7  }
.LBB2_44:
0x24e: {  	s7 =	smov.u32 s6;
	p1 =	sne.s32 s6, $0xFFFFFFFF  }
0x24f: {  	s5 =	sadd.s32 $0x1, s5;
	s6 =	smov.u32 s0;
	s0 =	sadd.s32 $0x1, s0  }
0x250: {  	p2 =	sne.s32 s2, s0;
	v1 =	vld.msk @!p1 [tilespmem:s5+$0x0], $0x1;
	_ =	sdelay $0x4  }
0x251: {  	(v2sf) =	vpush @!p1 v1, $0x0;
	_ =	sdelay $0xe  }
.Ltmp36:
0x252: {  	s8 =	spop @!p1 (v2sf);
	(pc) =	sbr.rel @p2 .LBB2_44-.Ltmp36, $4  }
0x253: {  	p3 =	seq.s32 @!p1 s4, s8  }
0x254: {  	p3 =	por !p3, p1  }
0x255: {  	s6 =	simm.s32 @p3 $0xFFFFFFFF  }
0x256: {  	s6 =	smov.u32 @p1 s7  }
.LBB2_45:
0x257: {  	p1 =	seq.s32 s6, $0xFFFFFFFF  }
.Ltmp37:
0x258: {  	_ = 	snop;
	(pc) =	sbr.rel @p1 .LBB2_47-.Ltmp37, $1  }
0x259: {  	_ =	sdelay $0x3  }
0x25a: {  	s0 =	sshll.u32 s3, $0x7  }
0x25b: {  	s0 =	sand.u32 $0x3FFFFF80, s0  }
0x25c: {  	v0 =	vld [tilespmem:s0+$0xF238];
	_ =	sdelay $0x2  }
0x25d: {  	s4 =	sshll.u32 s6, $0x9  }
0x25e: {  	s4 =	sshra.s32 s4, $0x2  }
0x25f: {  	[tilespmem:s4+$0xF238] =	vst.add.f32.msk $0xffff, v0  }
0x260: {  	v0 =	vld [tilespmem:s0+$0xF248];
	_ =	sdelay $0x4  }
0x261: {  	[tilespmem:s4+$0xF248] =	vst.add.f32.msk $0xffff, v0  }
0x262: {  	v0 =	vld [tilespmem:s0+$0xF258];
	_ =	sdelay $0x4  }
0x263: {  	[tilespmem:s4+$0xF258] =	vst.add.f32.msk $0xffff, v0  }
0x264: {  	v0 =	vld [tilespmem:s0+$0xF268];
	_ =	sdelay $0x4  }
0x265: {  	[tilespmem:s4+$0xF268] =	vst.add.f32.msk $0xffff, v0  }
0x266: {  	v0 =	vld [tilespmem:s0+$0xF278];
	_ =	sdelay $0x4  }
0x267: {  	[tilespmem:s4+$0xF278] =	vst.add.f32.msk $0xffff, v0  }
0x268: {  	v0 =	vld [tilespmem:s0+$0xF288];
	_ =	sdelay $0x4  }
0x269: {  	[tilespmem:s4+$0xF288] =	vst.add.f32.msk $0xffff, v0  }
0x26a: {  	v0 =	vld [tilespmem:s0+$0xF298];
	_ =	sdelay $0x4  }
0x26b: {  	[tilespmem:s4+$0xF298] =	vst.add.f32.msk $0xffff, v0  }
0x26c: {  	v0 =	vld [tilespmem:s0+$0xF2A8]  }
.Ltmp38:
0x26d: {  	_ = 	snop;
	(pc) =	sbr.rel .LBB2_48-.Ltmp38, $2  }
0x26e: {  	_ =	sdelay $0x2  }
0x26f: {  	[tilespmem:s4+$0xF2A8] =	vst.add.f32.msk $0xffff, v0  }
.LBB2_49:
0x270: {  	p1 =	slt.s32 s2, $0x1  }
.Ltmp39:
0x271: {  	_ = 	snop;
	(pc) =	sbr.rel @p1 .LBB2_53-.Ltmp39, $3  }
0x272: {  	_ =	sdelay $0x1  }
0x273: {  	s0 =	simm.s32 $0x8  }
0x274: {  	s3 =	simm.s32 $0x0;
	[sflag:s0] =	ssyncpa.u1 $0x1  }
0x275: {  	s0 =	simm.s32 $0xF218  }
0x276: {  	v0 =	vld.msk [tilespmem:s0+$0x0], $0x1;
	_ =	sdelay $0x4  }
0x277: {  	(v2sf) =	vpush v0, $0x0;
	_ =	sdelay $0xe  }
0x278: {  	s0 =	sadd.s32 $0xFFFFFFFF, s2;
	s5 =	spop (v2sf)  }
0x279: {  	p2 =	sne.s32 s0, $0x0;
	p1 =	sgt.u32 s5, $0x270F0  }
.Ltmp40:
0x27a: {  	s6 =	sand.u32 @!p1 $0x3FFF8, s5;
	(pc) =	sbr.rel @!p2 .LBB2_52-.Ltmp40, $4  }
0x27b: {  	s4 =	simm.s32 $0xF238;
	s5 =	sand.u32 @!p1 $0x7, s5;
	s2 =	sadd.s32 @!p1 s1, s6  }
0x27c: {  	[hbm4b:s2+s5] =	stream.linear.scatter @!p1 [tilespmem:s4], [sflag:$0x7], $0x80, $0x38;
	[tilespmem:$0x1F6F8] =	vst v63  }
0x27d: {  	s5 =	simm.s32 $0x0  }
0x27e: {  	s2 =	simm.s32 $0xF219;
	s5 =	simm.s32 @!p1 $0x200  }
.LBB2_51:
0x27f: {  	v0 =	vld.msk [tilespmem:s2+$0x0], $0x1;
	s0 =	sadd.s32 $0xFFFFFFFF, s0;
	s3 =	sadd.s32 s3, s5  }
0x280: {  	p1 =	sne.s32 s0, $0x0;
	_ =	sdelay $0x3  }
0x281: {  	(v2sf) =	vpush v0, $0x0;
	_ =	sdelay $0xe  }
.Ltmp41:
0x282: {  	s6 =	spop (v2sf);
	(pc) =	sbr.rel @p1 .LBB2_51-.Ltmp41, $4  }
0x283: {  	s5 =	simm.s32 $0x0;
	p2 =	sgt.u32 s6, $0x270F0  }
0x284: {  	s4 =	sadd.s32 $0x80, s4;
	s5 =	simm.s32 @!p2 $0x200;
	s7 =	sand.u32 @!p2 $0x3FFF8, s6  }
0x285: {  	s2 =	sadd.s32 $0x1, s2;
	s6 =	sand.u32 @!p2 $0x7, s6;
	s7 =	sadd.s32 @!p2 s1, s7  }
0x286: {  	[hbm4b:s7+s6] =	stream.linear.scatter @!p2 [tilespmem:s4], [sflag:$0x7], $0x80, $0x38;
	[tilespmem:$0x1F6F8] =	vst v63  }
.LBB2_52:
0x287: {  	s0 =	sadd.s32 s3, s5  }
0x288: {  	s3 =	sshrl.u32 s0, $0x2  }
.LBB2_53:
0x289: {  	s0 =	simm.s32 $0x7  }
0x28a: {  	_ =	swait.ge [sflag:s0], s3  }
0x28b: {  	s1 =	ssub.s32 $0x0, s3;
	[sflag:s0] =	ssyncset.done $0x0  }
0x28c: {  	[sflag:s0] =	ssyncadd.s32 s1  }
0x28d: {  	[sflag:s0] =	ssyncpa.u1 $0x1  }
.LBB2_54:
0x28e: {  	_ =	sfence;
	s0 =	simm.s32 $0x1  }
0x28f: {  	[sflag:s0] =	ssyncpa.u1 $0x1  }
0x290: {  	_ =	strace $0x9000004A  }
0x291: {  	[bflag:$0x2] =	sbarrier.arrive $0xFFFF  }
0x292: {  	s0 =	rddreg [dreg:$0x3]  }
0x293: {  	s0 =	sadd.s32 @!p0 $0x100000, s0  }
0x294: {  	[sflag:s0] =	ssyncadd.tile.s32 @!p0 $0x1;
	_ =	shalt  }
.Lfunc_end2:
_tile_overlayer_lowered:
.L_overlay_start_2:
0x295: {  	(tag) =	ssettag $0x2  }
0x296: {  	s0 =	rddreg [dreg:$0x0];
	s2 =	stileid.u32  }
0x297: {  	s1 =	rddreg [dreg:$0x1];
	p0 =	sne.s32 s2, $0x0  }
0x298: {  	s3 =	rddreg [dreg:$0x2];
	[bflag:$0x3] =	sbarrier.arrive $0xFFFF;
	s2 =	simm.s32 @!p0 $0x1C01  }
0x299: {  	[timem:s3], [sflag:s2] =	dma.local @!p0 [hbm:s0], s1  }
0x29a: {  	s0 =	simm.s32 @!p0 $0x1  }
0x29b: {  	_ =	swait.ge @!p0 [sflag:s0], s1  }
0x29c: {  	s1 =	ssub.s32 @!p0 $0x0, s1;
	[sflag:s0] =	ssyncset.done @!p0 $0x0  }
0x29d: {  	[sflag:s0] =	ssyncadd.s32 @!p0 s1  }
0x29e: {  	[bflag:$0x3] =	sbarrier.arrive $0xFFFF  }
0x29f: {  	_ =	shalt  }

// kernel: scatter_offload_async_start.2
scs
__scs_entry_jumppad:
0x0: {  	(pc) =	sbr.rel $0x88, $3  }
0x1: {  	(tag) =	ssettag $0x0;
	lr =	simm.s32 $0x1  }
0x2: {  	[smem:$0x3F97] =	sst lr;
	_ =	strace $0xD0000000  }
0x3: {  	_ = 	snop  }
0x4: {  	_ = 	snop  }
0x5: {  	_ = 	snop  }
0x6: {  	_ = 	snop  }
0x7: {  	_ = 	snop  }
__scs_overlays_trampoline_lowered:
0x8: {  	[smem:$0x3FA6] =	sst s0  }
0x9: {  	[smem:$0x3FA7] =	sst s1  }
0xa: {  	[smem:$0x3FA8] =	sst s2  }
0xb: {  	[smem:$0x3FA9] =	sst s3  }
0xc: {  	[smem:$0x3FAA] =	sst s4  }
0xd: {  	[smem:$0x3FAB] =	sst s5  }
0xe: {  	[smem:$0x3FAC] =	sst s6  }
0xf: {  	[smem:$0x3FAD] =	sst s7  }
0x10: {  	[smem:$0x3FAE] =	sst s8  }
0x11: {  	[smem:$0x3FAF] =	sst s9;
	s0 =	simm.s32 @!p0 $0x0  }
0x12: {  	s1 =	sld [smem:$0x3F95];
	s0 =	simm.s32 @p0 $0x1  }
0x13: {  	[smem:$0x3FB0] =	sst s0;
	s0 =	simm.s32 @!p1 $0x0  }
0x14: {  	s2 =	sld [smem:$0x3F94];
	s0 =	simm.s32 @p1 $0x1  }
0x15: {  	[smem:$0x3FB1] =	sst s0;
	s0 =	simm.s32 @!p2 $0x0  }
0x16: {  	s3 =	sld [smem:$0x3FDB];
	s0 =	simm.s32 @p2 $0x1  }
0x17: {  	s4 =	simm.s32 $0x1BF5;
	[smem:$0x3FB3] =	sst s0  }
0x18: {  	s0 =	sld [smem:$0x3F96];
	_ =	swait.ge [sflag:s4], $0x0  }
0x19: {  	s7 =	sld [smem:$0x3F97]  }
0x1a: {  	s8 =	sadd.s32 $0xFFFFE003, lr  }
0x1b: {  	s9 =	sadd.s32 $0xFFFFFEF7, lr;
	s5 =	simm.s32 $0xFFFFFFFF;
	p2 =	slt.u32 s8, $0xFFFFF086  }
0x1c: {  	p1 =	slt.u32 s9, $0xF7A;
	s5 =	simm.s32 @!p2 $0x0  }
0x1d: {  	s5 =	simm.s32 @p1 $0x1;
	p0 =	seq.s32 s7, s2  }
0x1e: {  	s7 =	smul.u32 @!p0 $0xF7A, s2;
	p2 =	seq.s32 @!p0 s5, $0x0  }
0x1f: {  	s9 =	smul.u32 $0xF7A, s1;
	s8 =	simm.s32 @!p0 $0x1BF5;
	p2 =	por !p2, p0  }
0x20: {  	[sflag:s8] =	ssyncset.s32 @!p0 $0xFFFFF086;
	s6 =	sadd.s32 @!p0 s3, s7;
	s7 =	simm.s32 @!p0 $0x108  }
0x21: {  	s3 =	sadd.s32 s3, s9;
	s6 =	sadd.s32 @!p0 $0x88, s6;
	s7 =	simm.s32 @p2 $0x1082  }
0x22: {  	[simem:s7], [sflag:s8] =	dma.local @!p0 [hbm:s6], $0xF7A  }
0x23: {  	s9 =	sor.u32 $0xD0000000, s2;
	s6 =	simm.s32 $0x108;
	_ =	swait.ge @!p0 [sflag:s8], $0x0  }
0x24: {  	s3 =	sadd.s32 $0x88, s3;
	s6 =	simm.s32 @!p1 $0x1082;
	[sflag:s4] =	ssyncset.s32 $0xFFFFF086  }
0x25: {  	[simem:s6], [sflag:s4] =	dma.local [hbm:s3], $0xF7A  }
0x26: {  	[smem:$0x3F97] =	sst s1;
	(tag) =	ssettag s2;
	_ =	strace s9  }
0x27: {  	s1 =	sld [smem:$0x3FA7]  }
0x28: {  	s2 =	sld [smem:$0x3FA8]  }
0x29: {  	s4 =	sld [smem:$0x3FAA]  }
0x2a: {  	p0 =	seq.s32 s5, $0x0;
	s5 =	sld [smem:$0x3FAB]  }
0x2b: {  	s6 =	sld [smem:$0x3FAC]  }
0x2c: {  	s7 =	sld [smem:$0x3FAD]  }
0x2d: {  	s3 =	simm.s32 $0x108;
	s8 =	sld [smem:$0x3FAE]  }
0x2e: {  	s3 =	simm.s32 @!p0 $0x1082;
	s9 =	sld [smem:$0x3FAF]  }
0x2f: {  	lr =	sadd.s32 s0, s3;
	s0 =	sld [smem:$0x3FA6]  }
0x30: {  	s3 =	sld [smem:$0x3FA9]  }
0x31: {  	[smem:$0x3FB2] =	sst s10  }
0x32: {  	s10 =	sld [smem:$0x3FB0];
	_ =	sdelay $0x3  }
0x33: {  	p0 =	seq.s32 s10, $0x1;
	s10 =	sld [smem:$0x3FB2];
	_ =	sdelay $0x3  }
0x34: {  	[smem:$0x3FB2] =	sst s10  }
0x35: {  	s10 =	sld [smem:$0x3FB1];
	_ =	sdelay $0x3  }
0x36: {  	p1 =	seq.s32 s10, $0x1;
	s10 =	sld [smem:$0x3FB2];
	_ =	sdelay $0x3  }
0x37: {  	[smem:$0x3FB2] =	sst s10  }
0x38: {  	s10 =	sld [smem:$0x3FB3]  }
0x39: {  	_ = 	snop;
	(pc) =	sbr.ind lr, $3  }
0x3a: {  	_ = 	snop  }
0x3b: {  	_ = 	snop  }
0x3c: {  	p2 =	seq.s32 s10, $0x1;
	s10 =	sld [smem:$0x3FB2]  }
0x3d: {  	_ =	shalt  }
0x3e: {  	_ =	shalt  }
0x3f: {  	_ =	shalt  }
0x40: {  	_ =	shalt  }
0x41: {  	_ =	shalt  }
0x42: {  	_ =	shalt  }
0x43: {  	_ =	shalt  }
0x44: {  	_ =	shalt  }
0x45: {  	_ =	shalt  }
0x46: {  	_ =	shalt  }
0x47: {  	_ =	shalt  }
0x48: {  	_ =	shalt  }
0x49: {  	_ =	shalt  }
0x4a: {  	_ =	shalt  }
0x4b: {  	_ =	shalt  }
0x4c: {  	_ =	shalt  }
0x4d: {  	_ =	shalt  }
0x4e: {  	_ =	shalt  }
0x4f: {  	_ =	shalt  }
0x50: {  	_ =	shalt  }
0x51: {  	_ =	shalt  }
0x52: {  	_ =	shalt  }
0x53: {  	_ =	shalt  }
0x54: {  	_ =	shalt  }
0x55: {  	_ =	shalt  }
0x56: {  	_ =	shalt  }
0x57: {  	_ =	shalt  }
0x58: {  	_ =	shalt  }
0x59: {  	_ =	shalt  }
0x5a: {  	_ =	shalt  }
0x5b: {  	_ =	shalt  }
0x5c: {  	_ =	shalt  }
0x5d: {  	_ =	shalt  }
0x5e: {  	_ =	shalt  }
0x5f: {  	_ =	shalt  }
0x60: {  	_ =	shalt  }
0x61: {  	_ =	shalt  }
0x62: {  	_ =	shalt  }
0x63: {  	_ =	shalt  }
0x64: {  	_ =	shalt  }
0x65: {  	_ =	shalt  }
0x66: {  	_ =	shalt  }
0x67: {  	_ =	shalt  }
0x68: {  	_ =	shalt  }
0x69: {  	_ =	shalt  }
0x6a: {  	_ =	shalt  }
0x6b: {  	_ =	shalt  }
0x6c: {  	_ =	shalt  }
0x6d: {  	_ =	shalt  }
0x6e: {  	_ =	shalt  }
0x6f: {  	_ =	shalt  }
0x70: {  	_ =	shalt  }
0x71: {  	_ =	shalt  }
0x72: {  	_ =	shalt  }
0x73: {  	_ =	shalt  }
0x74: {  	_ =	shalt  }
0x75: {  	_ =	shalt  }
0x76: {  	_ =	shalt  }
0x77: {  	_ =	shalt  }
0x78: {  	_ =	shalt  }
0x79: {  	_ =	shalt  }
0x7a: {  	_ =	shalt  }
0x7b: {  	_ =	shalt  }
0x7c: {  	_ =	shalt  }
0x7d: {  	_ =	shalt  }
0x7e: {  	_ =	shalt  }
0x7f: {  	_ =	shalt  }
0x80: {  	_ =	shalt  }
0x81: {  	_ =	shalt  }
0x82: {  	_ =	shalt  }
0x83: {  	_ =	shalt  }
0x84: {  	_ =	shalt  }
0x85: {  	_ =	shalt  }
0x86: {  	_ =	shalt  }
0x87: {  	_ =	shalt  }
.Lfunc_end0:
.L_simem_size_0:
called_computation.2_lowered:
.L_overlay_start_0:
0x88: {  	s2 =	sld [smem:$0x3FD9]  }
0x89: {  	s3 =	sld [smem:$0x3FFE];
	_ =	sdelay $0x1  }
0x8a: {  	s1 =	srdreg.scid  }
0x8b: {  	s0 =	sand.u32 $0x1, s1  }
0x8c: {  	s15 =	sshll.u32 s0, $0xA;
	s2 =	sadd.s32 s3, s2  }
0x8d: {  	s2 =	sadd.s32 s2, s15  }
0x8e: {  	[smem:$0x3FBE] =	sst s2  }
0x8f: {  	_ = 	snop  }
0x90: {  	(tm) =	ssettm $0x1  }
0x91: {  	s16 =	sld [smem:$0x3FFB];
	_ =	sdelay $0x3  }
0x92: {  	_ =	strace s16  }
0x93: {  	s2 =	sld [smem:$0x3FFC];
	_ =	sdelay $0x3  }
0x94: {  	_ =	strace s2  }
0x95: {  	s2 =	sld [smem:$0x3FFD];
	_ =	sdelay $0x3  }
0x96: {  	_ =	strace s2  }
0x97: {  	_ =	strace $0x8FFFFFFF  }
0x98: {  	s17 =	sld [smem:$0x3FDB];
	_ =	sdelay $0x1  }
0x99: {  	s18 =	simm.s32 $_scs_section_size  }
0x9a: {  	s4 =	simm.s32 $_size__tile_overlayer_lowered;
	s5 =	simm.s32 $_tile_overlayer_lowered  }
0x9b: {  	s21 =	simm.s32 $0x1BFF;
	s20 =	sshll.u32 s5, $0x1;
	s2 =	sadd.s32 s18, s17  }
0x9c: {  	s6 =	simm.s32 $0x0;
	s19 =	sshll.u32 s4, $0x1;
	s4 =	sadd.s32 s20, s2  }
0x9d: {  	[timem:s6], [sflag:s21] =	dma.local [hbm:s4], s19  }
0x9e: {  	_ =	swait.ge [sflag:s21], s19  }
0x9f: {  	s3 =	ssub.s32 $0x0, s19;
	[sflag:s21] =	ssyncset.done $0x0  }
0xa0: {  	[sflag:s21] =	ssyncadd.s32 s3;
	_ =	sdelay $0x1  }
0xa1: {  	s22 =	simm.s32 $0x1B8B  }
0xa2: {  	_ =	swait.ge [sflag:s22], $0x1  }
0xa3: {  	[sflag:s22] =	ssyncset.done $0x0  }
0xa4: {  	s23 =	sld [smem:$0x3FFE];
	[sflag:s22] =	ssyncadd.s32 $0xFFFFFFFF  }
0xa5: {  	s25 =	simm.s32 $0x1B8E;
	s24 =	sld [smem:$0x0]  }
0xa6: {  	s26 =	simm.s32 $execute0_lowered;
	[smem:$0x3FD2] =	sst s25  }
0xa7: {  	s5 =	sshll.u32 s26, $0x1;
	_ =	strace $0x8000004C;
	[dreg:$0x1] =	wrdreg $0xFFFFFFFF  }
0xa8: {  	s28 =	simm.s32 $_size_execute0_lowered;
	s2 =	sadd.s32 s2, s5;
	[dreg:$0x0] =	wrdreg $0x0  }
0xa9: {  	s5 =	sshll.u32 s28, $0x1;
	[dreg:$0x2] =	wrdreg s2  }
0xaa: {  	[dreg:$0x3] =	wrdreg s5  }
0xab: {  	[dreg:$0x4] =	wrdreg $0xC0  }
0xac: {  	_ =	task [dreg:s6], $0x5FFFF  }
0xad: {  	[dreg:$0x1] =	wrdreg $0xFFFFFFFF  }
0xae: {  	[dreg:$0x0] =	wrdreg $0x60  }
0xaf: {  	[dreg:$0x2] =	wrdreg s23  }
0xb0: {  	[dreg:$0x3] =	wrdreg s1  }
0xb1: {  	[dreg:$0x4] =	wrdreg s24  }
0xb2: {  	[dreg:$0x5] =	wrdreg $0x9  }
0xb3: {  	_ =	task.clear_ibuf [dreg:s6], $0x6FFFF;
	_ =	strace $0x9000004C  }
0xb4: {  	s29 =	simm.s32 $0x9;
	_ =	strace $0x8000004E  }
0xb5: {  	_ =	swait.ge [sflag:s29], $0x1  }
0xb6: {  	[sflag:s29] =	ssyncadd.s32 $0xFFFFFFFF  }
0xb7: {  	_ =	strace $0x9000004E  }
0xb8: {  	_ =	sfence  }
0xb9: {  	s30 =	sld [smem:$0x0];
	_ =	sdelay $0x2  }
0xba: {  	s31 =	sshll.u32 s1, $0xD;
	s1 =	sshrl.u32 s1, $0x2  }
0xbb: {  	s3 =	sand.u32 $0x4000, s31;
	s1 =	sadd.s32 s1, s30  }
0xbc: {  	s0 =	sor.u32 s3, s0;
	s1 =	sshll.u32 s1, $0x11  }
0xbd: {  	s0 =	sor.u32 s1, s0  }
0xbe: {  	s0 =	sadd.s32 $0x8F2B, s0  }
0xbf: {  	[sflag:s0] =	ssyncadd.remote.s32 $0x1  }
0xc0: {  	_ =	sfence.sel $0xFFFF  }
0xc1: {  	[dreg:$0x0] =	wrdreg $0xFFFFFFFF;
	(pc) =	sbr.abs _section_cstart, $3  }
0xc2: {  	[dreg:$0x1] =	wrdreg $0xFFFFFFFF  }
0xc3: {  	_ =	task.clear_ibuf [dreg:s6], $0x2FFFF;
	_ =	strace $0x9FFFFFFF  }
0xc4: {  	(tm) =	ssettm $0x7FFFFFFF  }
0xc5: {  	_ =	shalt  }
tec
execute0_lowered:
.L_overlay_start_1:
0x0: {  	(tag) =	ssettag $0x1  }
0x1: {  	s2 =	rddreg [dreg:$0x0]  }
0x2: {  	s3 =	rddreg [dreg:$0x1];
	_ =	strace $0x8000004D;
	s0 =	simm.s32 $0x1  }
0x3: {  	v0 =	vimm.s32 $0x0;
	[sflag:s0] =	ssyncpa.u1 $0x0;
	s0 =	simm.s32 $0x108  }
0x4: {  	[tilespmem:s0+$0x70] =	vst v0  }
0x5: {  	[tilespmem:s0+$0x60] =	vst v0  }
0x6: {  	[tilespmem:s0+$0x50] =	vst v0  }
0x7: {  	[tilespmem:s0+$0x40] =	vst v0  }
0x8: {  	[tilespmem:s0+$0x30] =	vst v0  }
0x9: {  	s1 =	sadd.s32 $0x20000, s2;
	s15 =	sadd.s32 $0x529200, s2;
	s6 =	sadd.s32 $0x47200, s2;
	[tilespmem:s0+$0x20] =	vst v0  }
0xa: {  	s14 =	sadd.s32 $0x533000, s2;
	s5 =	sand.u32 $0x1, s3;
	s3 =	simm.s32 $0x40;
	[tilespmem:s0+$0x10] =	vst v0  }
.LBB2_1:
0xb: {  	s3 =	sadd.s32 $0x40, s3;
	[tilespmem:s0+$0x0] =	vst v0;
	s0 =	sadd.s32 $0x80, s0  }
0xc: {  	p0 =	slt.u32 s3, $0x3C40;
	[tilespmem:s0+$0x70] =	vst v0  }
0xd: {  	[tilespmem:s0+$0x60] =	vst v0  }
.Ltmp0:
0xe: {  	[tilespmem:s0+$0x50] =	vst v0;
	(pc) =	sbr.rel @p0 .LBB2_1-.Ltmp0, $4  }
0xf: {  	[tilespmem:s0+$0x40] =	vst v0  }
0x10: {  	[tilespmem:s0+$0x30] =	vst v0  }
0x11: {  	[tilespmem:s0+$0x20] =	vst v0  }
0x12: {  	[tilespmem:s0+$0x10] =	vst v0  }
0x13: {  	s9 =	stileid.u32  }
0x14: {  	s2 =	smul.u32 $0x29, s9  }
0x15: {  	s3 =	smin.u32 s9, $0xB  }
0x16: {  	s2 =	sadd.s32 s3, s2  }
0x17: {  	p0 =	slt.u32 s9, $0xB;
	s7 =	smul.u32 $0xF0, s2;
	s2 =	simm.s32 $0x2760  }
0x18: {  	s2 =	simm.s32 @!p0 $0x2670  }
0x19: {  	s2 =	sadd.s32 s2, s7  }
0x1a: {  	s8 =	smin.u32 s2, $0x27100  }
0x1b: {  	s2 =	ssub.s32 s8, s7  }
0x1c: {  	p0 =	sgt.s32 s2, $0x0  }
0x1d: {  	s29 =	simm.s32 $0x2;
	s10 =	simm.s32 $0x9;
	s2 =	simm.s32 @!p0 $0x0  }
0x1e: {  	s4 =	simm.s32 $0xA;
	s11 =	simm.s32 $0xB;
	s28 =	smulhi.u32 $0x88888889, s2  }
0x1f: {  	[dreg:$0x4] =	wrdreg s5;
	s31 =	smul.u32 $0x4E20, s5;
	s12 =	simm.s32 $0x1  }
0x20: {  	s22 =	simm.s32 $0x0;
	s18 =	simm.s32 $0xC;
	s30 =	sshrl.u32 s28, $0x7  }
0x21: {  	s20 =	simm.s32 $0x0;
	s21 =	simm.s32 $0x0;
	s3 =	smul.u32 $0xF0, s30  }
.Ltmp1:
0x22: {  	[tilespmem:s0+$0x0] =	vst v0;
	v0 =	vimm.s32 $0xFFFFFFFF;
	[sflag:s29] =	ssyncpa.u1 $0x0;
	s16 =	sshll.u32 s9, $0x8;
	(pc) =	sbr.rel .LBB2_3-.Ltmp1, $4  }
0x23: {  	[tilespmem:$0xF208] =	vst v0;
	[sflag:s10] =	ssyncpa.u1 $0x0;
	p0 =	sne.s32 s2, s3;
	s2 =	simm.s32 $0x1  }
0x24: {  	s14 =	sadd.s32 s31, s14;
	[sflag:s4] =	ssyncpa.u1 $0x0;
	s2 =	simm.s32 @!p0 $0x0  }
0x25: {  	s15 =	sadd.s32 s31, s15;
	[sflag:s11] =	ssyncpa.u1 $0x0;
	s13 =	sadd.s32 s2, s30  }
0x26: {  	v0 =	vlaneseq.u32;
	s19 =	smov.u32 s7;
	p0 =	por $0x0, $0x0;
	s17 =	sadd.s32 $0x1, s13  }
.LBB2_18:
0x27: {  	s0 =	sshrl.u32 s31, $0x2  }
.LBB2_20:
0x28: {  	_ =	swait.ge [sflag:s18], s0  }
0x29: {  	s31 =	ssub.s32 $0x0, s0;
	v1 =	vmov s24;
	vm0 =	veq.s32 v0, $0x0;
	[sflag:s18] =	ssyncset.done $0x0  }
0x2a: {  	vm15 =	veq.s32 v0, $0x2;
	v1 =	vsel vm0, s30, v1;
	[sflag:s18] =	ssyncadd.s32 s31  }
0x2b: {  	v1 =	vsel vm15, s22, v1;
	[sflag:s18] =	ssyncpa.u1 $0x1  }
0x2c: {  	[tilespmem:$0xF208] =	vst v1  }
.LBB2_21:
0x2d: {  	s0 =	sadd.s32 $0xF0, s19  }
0x2e: {  	s2 =	smov.u32 s7;
	p1 =	slt.s32 s0, s8  }
0x2f: {  	s2 =	smov.u32 @p1 s0;
	p1 =	sne.s32 s21, s17  }
.Ltmp2:
0x30: {  	_ = 	snop;
	(pc) =	sbr.rel @!p1 .LBB2_22-.Ltmp2, $3  }
0x31: {  	_ =	sdelay $0x1  }
0x32: {  	s22 =	smov.u32 s20;
	s31 =	sadd.s32 $0x1, s21;
	s20 =	smov.u32 s19  }
0x33: {  	p0 =	por !p0, !p0;
	s21 =	smov.u32 s31;
	s19 =	smov.u32 s2  }
.LBB2_3:
0x34: {  	p1 =	sge.u32 s21, s13  }
0x35: {  	s0 =	smulhi.u32 @!p1 $0xAAAAAAAB, s21  }
0x36: {  	s2 =	smov.u32 s19;
	p2 =	sgt.s32 @!p1 s19, $0x27010  }
0x37: {  	s3 =	sshra.s32 @!p1 s19, $0x1F;
	p2 =	por !p2, p1;
	s0 =	sshrl.u32 @!p1 s0, $0x1  }
0x38: {  	s3 =	sand.u32 @!p1 s3, s19;
	s2 =	simm.s32 @p2 $0x27010;
	s0 =	smul.u32 @!p1 $0x3, s0  }
0x39: {  	s2 =	ssub.s32 @!p1 s2, s3  }
0x3a: {  	s2 =	sadd.s32 @!p1 $0xFFFD8FF0, s2;
	s0 =	ssub.s32 @!p1 s21, s0  }
0x3b: {  	s3 =	sshll.u32 @!p1 s2, $0x2;
	p2 =	sgt.s32 @!p1 s2, $0xEF;
	s0 =	smul.u32 @!p1 $0x3C0, s0  }
0x3c: {  	s4 =	sand.u32 @!p1 $0x7, s19;
	s2 =	ssub.s32 @!p1 $0x3C0, s3;
	p2 =	por !p2, p1  }
0x3d: {  	s3 =	sshrl.u32 @!p1 s19, $0x3;
	s2 =	sshrl.u32 @!p1 s2, $0x2;
	s0 =	sshrl.u32 @!p1 s0, $0x2  }
0x3e: {  	s3 =	sadd.s32 @!p1 s3, s14;
	s2 =	simm.s32 @!p2 $0x0;
	s0 =	sadd.s32 @!p1 $0x10248, s0  }
0x3f: {  	[tilespmem:s0], [sflag:$0xA] =	stream.linear.gather @!p1 [hbm4b:s3+s4], s2, $0x38;
	[tilespmem:$0x1F6F8] =	vst v63  }
0x40: {  	s0 =	sadd.s32 $0xFFFFFFFF, s21  }
0x41: {  	p1 =	sge.u32 s0, s13  }
0x42: {  	p2 =	sgt.s32 @!p1 s20, $0x27010  }
0x43: {  	s2 =	smov.u32 s20;
	s3 =	sshra.s32 @!p1 s20, $0x1F;
	p2 =	por !p2, p1  }
0x44: {  	s3 =	sand.u32 @!p1 s3, s20;
	s2 =	simm.s32 @p2 $0x27010  }
0x45: {  	s2 =	ssub.s32 @!p1 s2, s3  }
0x46: {  	s2 =	sadd.s32 @!p1 $0xFFFD8FF0, s2  }
0x47: {  	s4 =	sand.u32 @!p1 $0x1, s0;
	s3 =	sshll.u32 @!p1 s2, $0x2  }
0x48: {  	p2 =	sgt.s32 @!p1 s2, $0xEF;
	s2 =	ssub.s32 @!p1 $0x3C0, s3;
	s3 =	smulhi.u32 @!p1 $0xAAAAAAAB, s0  }
0x49: {  	s23 =	smul.u32 @!p1 $0x3C0, s4;
	p2 =	por !p2, p1;
	s2 =	sshrl.u32 @!p1 s2, $0x2  }
0x4a: {  	s5 =	simm.s32 @!p1 $0xA;
	s2 =	simm.s32 @!p2 $0x0;
	s3 =	sshrl.u32 @!p1 s3, $0x1  }
0x4b: {  	s23 =	sshrl.u32 @!p1 s23, $0x2;
	_ =	swait.ge @!p1 [sflag:s5], s2;
	s3 =	smul.u32 @!p1 $0x3, s3  }
0x4c: {  	s23 =	sadd.s32 @!p1 $0x10518, s23;
	s24 =	ssub.s32 @!p1 $0x0, s2;
	[sflag:s5] =	ssyncset.done @!p1 $0x0  }
0x4d: {  	[sflag:s5] =	ssyncadd.s32 @!p1 s24;
	s5 =	sshrl.u32 @!p1 s20, $0x3;
	s0 =	ssub.s32 @!p1 s0, s3  }
0x4e: {  	s24 =	sand.u32 @!p1 $0x7, s20;
	s5 =	sadd.s32 @!p1 s5, s15;
	s0 =	smul.u32 @!p1 $0x3C0, s0  }
0x4f: {  	[tilespmem:s23], [sflag:$0xB] =	stream.linear.gather @!p1 [hbm4b:s5+s24], s2, $0x38;
	[tilespmem:$0x1F6F8] =	vst v63  }
0x50: {  	s3 =	ssub.s32 @!p1 $0x27100, s20;
	s2 =	smul.u32 @!p1 $0x1E000, s4  }
0x51: {  	p2 =	slt.s32 @!p1 s3, $0xF0  }
0x52: {  	p2 =	por !p2, p1;
	s0 =	sshrl.u32 @!p1 s0, $0x2;
	s2 =	sshrl.u32 @!p1 s2, $0x2  }
0x53: {  	s3 =	simm.s32 @p2 $0xF0;
	s0 =	sadd.s32 @!p1 $0x10248, s0;
	s2 =	sor.u32 @!p1 $0x106F8, s2  }
0x54: {  	[tilespmem:s2], [sflag:$0x9] =	stream.indirect.gather @!p1 [hbm4b:s6+s3], $0x80, s0, s3, $0xb8;
	[tilespmem:$0x1F6F8] =	vst v63  }
0x55: {  	p1 =	slt.u32 s21, $0x2  }
.Ltmp3:
0x56: {  	_ = 	snop;
	(pc) =	sbr.rel @p1 .LBB2_21-.Ltmp3, $1  }
0x57: {  	_ =	sdelay $0x3  }
0x58: {  	p1 =	sgt.s32 s22, $0x27010  }
0x59: {  	s0 =	smov.u32 s22;
	s2 =	sshra.s32 s22, $0x1F;
	s3 =	ssub.s32 $0x27100, s22  }
0x5a: {  	s0 =	simm.s32 @!p1 $0x27010;
	s2 =	sand.u32 s2, s22;
	p1 =	slt.s32 s3, $0xF0  }
0x5b: {  	s0 =	ssub.s32 s0, s2;
	s3 =	simm.s32 @!p1 $0xF0  }
0x5c: {  	s0 =	sadd.s32 $0xFFFD8FF0, s0;
	s25 =	sshll.u32 s3, $0x7  }
0x5d: {  	s26 =	sshll.u32 s0, $0x2;
	s2 =	sand.u32 $0x3FFFFF80, s25  }
0x5e: {  	p1 =	sgt.s32 s0, $0xEF;
	s29 =	ssub.s32 $0x3C0, s26;
	_ =	swait.ge [sflag:s10], s2  }
0x5f: {  	s2 =	ssub.s32 $0x0, s2;
	[sflag:s10] =	ssyncset.done $0x0;
	s0 =	sshrl.u32 s29, $0x2  }
0x60: {  	[sflag:s10] =	ssyncadd.s32 s2;
	s0 =	simm.s32 @p1 $0x0  }
0x61: {  	_ =	swait.ge [sflag:s11], s0  }
0x62: {  	s0 =	ssub.s32 $0x0, s0;
	[sflag:s11] =	ssyncset.done $0x0  }
0x63: {  	[sflag:s11] =	ssyncadd.s32 s0  }
0x64: {  	v1 =	vld [tilespmem:$0xF208];
	_ =	sdelay $0x4  }
0x65: {  	(v2sf) =	vpush v1, $0x0  }
0x66: {  	(v2sf) =	vpush v1, $0x1  }
0x67: {  	(v2sf) =	vpush v1, $0x2;
	_ =	sdelay $0x3  }
0x68: {  	s0 =	sadd.s32 $0xF0, s22  }
0x69: {  	s2 =	ssub.s32 $0x4E200, s22;
	p1 =	slt.s32 s8, s0  }
0x6a: {  	s0 =	smov.u32 @p1 s8;
	p1 =	sgt.s32 s2, $0x0  }
0x6b: {  	s26 =	ssub.s32 s0, s22;
	s2 =	simm.s32 @!p1 $0x0  }
0x6c: {  	p1 =	slt.s32 s2, s26  }
0x6d: {  	s26 =	smov.u32 @p1 s2  }
0x6e: {  	s25 =	simm.s32 $0x1;
	p1 =	slt.s32 s26, $0x1  }
.Ltmp4:
0x6f: {  	s25 =	simm.s32 @!p0 $0x0;
	(pc) =	sbr.rel @p1 .LBB2_8-.Ltmp4, $4  }
0x70: {  	s31 =	smul.u32 $0x3C0, s25  }
0x71: {  	s28 =	spop (v2sf)  }
0x72: {  	s0 =	sshrl.u32 s31, $0x2;
	s30 =	spop (v2sf)  }
0x73: {  	s23 =	sadd.s32 $0x10518, s0;
	s22 =	spop (v2sf)  }
0x74: {  	s0 =	smin.u32 s26, $0x10  }
0x75: {  	v1 =	vmov s0  }
0x76: {  	p2 =	sgt.s32 s26, $0x10;
	vm1 =	vgt.u32 v1, v0  }
.Ltmp5:
0x77: {  	_ = 	snop;
	(pc) =	sbr.rel @!p2 .LBB2_7-.Ltmp5, $2  }
0x78: {  	_ =	sdelay $0x2  }
0x79: {  	s4 =	simm.s32 $0x10;
	s24 =	sadd.s32 $0xFFFFFFF0, s26;
	s0 =	smov.u32 s23;
	vm0 =	vmmov vm1  }
.LBB2_6:
0x7a: {  	s2 =	smin.u32 s24, $0x10;
	s4 =	sadd.s32 $0x10, s4;
	v1 =	vld.msk [tilespmem:s0+$0x0 ss:$0x1], vm1  }
0x7b: {  	v2 =	vmov s2;
	p2 =	slt.s32 s4, s26  }
0x7c: {  	vm1 =	vgt.u32 v2, v0  }
.Ltmp6:
0x7d: {  	(pc) =	sbr.rel @p2 .LBB2_6-.Ltmp6, $3  }
0x7e: {  	_ =	sdelay $0x1  }
0x7f: {  	v1 =	vshll.u32 v1, $0x4  }
0x80: {  	s24 =	sadd.s32 $0xFFFFFFF0, s24;
	[tilespmem:s0+$0x0] =	vst.msk vm0, v1;
	s0 =	sadd.s32 $0x10, s0;
	vm0 =	vmmov vm1  }
.LBB2_7:
0x81: {  	_ =	sdelay $0x4  }
0x82: {  	v1 =	vld.msk [tilespmem:s0+$0x0 ss:$0x1], vm1;
	_ =	sdelay $0x4  }
0x83: {  	v1 =	vshll.u32 v1, $0x4  }
0x84: {  	[tilespmem:s0+$0x0] =	vst.msk vm0, v1  }
.LBB2_8:
0x85: {  	s0 =	sand.u32 $0x1, s21  }
0x86: {  	s0 =	smul.u32 $0xF0, s0  }
0x87: {  	p2 =	sne.s32 s30, $0xFFFFFFFF  }
0x88: {  	v1 =	vld.msk @!p2 [tilespmem:s0+$0x10518], $0x1;
	_ =	sdelay $0x4  }
0x89: {  	(v2sf) =	vpush @!p2 v1, $0x0;
	_ =	sdelay $0xc  }
.Ltmp7:
0x8a: {  	_ = 	snop;
	(pc) =	sbr.rel @p1 .LBB2_19-.Ltmp7, $4  }
0x8b: {  	_ = 	snop  }
0x8c: {  	s29 =	spop @!p2 (v2sf)  }
0x8d: {  	s22 =	simm.s32 @!p2 $0x0;
	s24 =	smov.u32 s29  }
0x8e: {  	[sflag:s18] =	ssyncpa.u1 $0x0;
	s29 =	smov.u32 @p2 s28;
	s24 =	smov.u32 @p2 s30  }
0x8f: {  	v1 =	vld.msk [tilespmem:s23+$0x0], $0x1;
	_ =	sdelay $0x4  }
0x90: {  	(v2sf) =	vpush v1, $0x0;
	_ =	sdelay $0xe  }
0x91: {  	s2 =	smul.u32 $0x1E000, s25;
	s0 =	spop (v2sf)  }
0x92: {  	s26 =	ssub.s32 $0x0, s26;
	p1 =	seq.s32 s29, s0  }
0x93: {  	s30 =	sadd.s32 $0x1, s26;
	s2 =	sshrl.u32 s2, $0x2;
	p2 =	sgt.s32 @!p1 s29, $0x0  }
0x94: {  	s25 =	sor.u32 $0x10738, s2;
	s2 =	smov.u32 s29;
	p2 =	por !p2, p1  }
0x95: {  	s2 =	simm.s32 @p2 $0x0;
	p2 =	seq.s32 s30, $0x0  }
.Ltmp8:
0x96: {  	_ = 	snop;
	(pc) =	sbr.rel @p2 .LBB2_11-.Ltmp8, $4  }
0x97: {  	_ = 	snop  }
0x98: {  	s28 =	simm.s32 $0x0;
	s31 =	sadd.s32 $0x1, s23;
	s2 =	smin.u32 @!p1 s2, $0x270F0  }
0x99: {  	s4 =	simm.s32 @!p1 $0x1;
	s5 =	simm.s32 @!p1 $0x7988;
	s3 =	sand.u32 @!p1 $0x3FFF8, s2  }
0x9a: {  	s4 =	smov.u32 @p1 s28;
	s2 =	sand.u32 @!p1 $0x7, s2;
	s3 =	sadd.s32 @!p1 s1, s3  }
.LBB2_10:
0x9b: {  	s9 =	smov.u32 s4  }
0x9c: {  	[tilespmem:s5], [sflag:$0x2] =	stream.linear.gather @!p1 [hbm4b:s3+s2], $0x80, $0x38;
	[tilespmem:$0x1F6F8] =	vst v63  }
0x9d: {  	s30 =	sadd.s32 $0x1, s30;
	s2 =	smov.u32 s0;
	v1 =	vld.msk [tilespmem:s31+$0x0], $0x1  }
0x9e: {  	p2 =	seq.s32 s30, $0x0;
	_ =	sdelay $0x3  }
0x9f: {  	(v2sf) =	vpush v1, $0x0;
	_ =	sdelay $0xe  }
0xa0: {  	s0 =	spop (v2sf)  }
0xa1: {  	p1 =	seq.s32 s2, s0  }
0xa2: {  	p3 =	sgt.s32 @!p1 s2, $0x0;
	s3 =	sshll.u32 @!p1 s4, $0x9;
	s4 =	sadd.s32 @!p1 $0x1, s4  }
.Ltmp9:
0xa3: {  	p3 =	por !p3, p1;
	s3 =	sshra.s32 @!p1 s3, $0x2;
	(pc) =	sbr.rel @!p2 .LBB2_10-.Ltmp9, $4  }
0xa4: {  	s4 =	smov.u32 @p1 s9;
	s2 =	simm.s32 @p3 $0x0;
	s5 =	sadd.s32 @!p1 $0x7988, s3  }
0xa5: {  	s2 =	smin.u32 @!p1 s2, $0x270F0  }
0xa6: {  	s3 =	sand.u32 @!p1 $0x3FFF8, s2;
	s2 =	sand.u32 @!p1 $0x7, s2  }
0xa7: {  	s31 =	sadd.s32 $0x1, s31;
	s3 =	sadd.s32 @!p1 s1, s3  }
.LBB2_11:
0xa8: {  	[tilespmem:s5], [sflag:$0x2] =	stream.linear.gather @!p1 [hbm4b:s3+s2], $0x80, $0x38;
	[tilespmem:$0x1F6F8] =	vst v63  }
.Ltmp10:
0xa9: {  	s0 =	sshll.u32 s4, $0x7;
	(pc) =	sbr.rel .LBB2_12-.Ltmp10, $4  }
0xaa: {  	s30 =	simm.s32 $0x2;
	s0 =	sand.u32 $0x3FFFFF80, s0  }
0xab: {  	_ =	swait.ge [sflag:s30], s0  }
0xac: {  	s0 =	ssub.s32 $0x0, s0;
	[sflag:s30] =	ssyncset.done $0x0  }
0xad: {  	s31 =	simm.s32 $0x0;
	[sflag:s30] =	ssyncadd.s32 s0  }
.LBB2_13:
0xae: {  	v1 =	vld [tilespmem:s25+$0xFFFFFFC0];
	_ =	sdelay $0x3  }
0xaf: {  	s0 =	sshra.s32 s0, $0x2  }
0xb0: {  	[tilespmem:s0+$0x108] =	vst.add.f32.msk $0xffff, v1  }
0xb1: {  	v1 =	vld [tilespmem:s25+$0xFFFFFFD0];
	_ =	sdelay $0x4  }
0xb2: {  	[tilespmem:s0+$0x118] =	vst.add.f32.msk $0xffff, v1  }
0xb3: {  	v1 =	vld [tilespmem:s25+$0xFFFFFFE0];
	_ =	sdelay $0x4  }
0xb4: {  	[tilespmem:s0+$0x128] =	vst.add.f32.msk $0xffff, v1  }
0xb5: {  	v1 =	vld [tilespmem:s25+$0xFFFFFFF0];
	_ =	sdelay $0x4  }
0xb6: {  	[tilespmem:s0+$0x138] =	vst.add.f32.msk $0xffff, v1  }
0xb7: {  	v1 =	vld [tilespmem:s25+$0x0];
	_ =	sdelay $0x4  }
0xb8: {  	[tilespmem:s0+$0x148] =	vst.add.f32.msk $0xffff, v1  }
0xb9: {  	v1 =	vld [tilespmem:s25+$0x10];
	_ =	sdelay $0x4  }
0xba: {  	[tilespmem:s0+$0x158] =	vst.add.f32.msk $0xffff, v1  }
0xbb: {  	v1 =	vld [tilespmem:s25+$0x20];
	_ =	sdelay $0x4  }
0xbc: {  	[tilespmem:s0+$0x168] =	vst.add.f32.msk $0xffff, v1  }
0xbd: {  	v1 =	vld [tilespmem:s25+$0x30];
	_ =	sdelay $0x4  }
0xbe: {  	[tilespmem:s0+$0x178] =	vst.add.f32.msk $0xffff, v1  }
.LBB2_17:
0xbf: {  	s26 =	sadd.s32 $0x1, s26  }
0xc0: {  	p1 =	seq.s32 s26, $0x0  }
.Ltmp11:
0xc1: {  	_ = 	snop;
	(pc) =	sbr.rel @p1 .LBB2_18-.Ltmp11, $2  }
0xc2: {  	_ =	sdelay $0x2  }
0xc3: {  	s23 =	sadd.s32 $0x1, s23;
	s25 =	sadd.s32 $0x80, s25;
	s29 =	smov.u32 s30  }
.LBB2_12:
0xc4: {  	v1 =	vld.msk [tilespmem:s23+$0x0], $0x1;
	_ =	sdelay $0x4  }
0xc5: {  	(v2sf) =	vpush v1, $0x0;
	_ =	sdelay $0xe  }
0xc6: {  	s30 =	spop (v2sf)  }
0xc7: {  	p1 =	sne.s32 s29, s30  }
.Ltmp12:
0xc8: {  	_ = 	snop;
	(pc) =	sbr.rel @!p1 .LBB2_13-.Ltmp12, $2  }
0xc9: {  	_ =	sdelay $0x2  }
0xca: {  	s0 =	sshll.u32 s22, $0x9  }
0xcb: {  	p1 =	seq.s32 s29, s24  }
.Ltmp13:
0xcc: {  	_ = 	snop;
	(pc) =	sbr.rel @!p1 .LBB2_15-.Ltmp13, $1  }
0xcd: {  	_ =	sdelay $0x3  }
0xce: {  	s0 =	sshra.s32 s0, $0x2  }
.Ltmp14:
0xcf: {  	s0 =	sadd.s32 $0x108, s0;
	(pc) =	sbr.rel .LBB2_16-.Ltmp14, $4  }
0xd0: {  	[spmem:s16] =	stream.linear.scatter [tilespmem:s0], [sflag:$0x1], $0x80, $0x38;
	[tilespmem:$0x1F6F8] =	vst v63  }
0xd1: {  	_ =	swait.ge [sflag:s12], $0x80  }
0xd2: {  	[sflag:s12] =	ssyncset.done $0x0  }
0xd3: {  	[sflag:s12] =	ssyncadd.s32 $0xFFFFFF80  }
.LBB2_15:
0xd4: {  	s2 =	sshll.u32 s28, $0x9  }
0xd5: {  	s2 =	sshra.s32 s2, $0x2  }
0xd6: {  	v1 =	vld [tilespmem:s2+$0x7988];
	_ =	sdelay $0x3  }
0xd7: {  	s0 =	sshra.s32 s0, $0x2  }
0xd8: {  	[tilespmem:s0+$0x108] =	vst.add.f32.msk $0xffff, v1  }
0xd9: {  	v1 =	vld [tilespmem:s2+$0x7998];
	_ =	sdelay $0x4  }
0xda: {  	[tilespmem:s0+$0x118] =	vst.add.f32.msk $0xffff, v1  }
0xdb: {  	v1 =	vld [tilespmem:s2+$0x79A8];
	_ =	sdelay $0x4  }
0xdc: {  	[tilespmem:s0+$0x128] =	vst.add.f32.msk $0xffff, v1  }
0xdd: {  	v1 =	vld [tilespmem:s2+$0x79B8];
	_ =	sdelay $0x4  }
0xde: {  	[tilespmem:s0+$0x138] =	vst.add.f32.msk $0xffff, v1  }
0xdf: {  	v1 =	vld [tilespmem:s2+$0x79C8];
	_ =	sdelay $0x4  }
0xe0: {  	[tilespmem:s0+$0x148] =	vst.add.f32.msk $0xffff, v1  }
0xe1: {  	v1 =	vld [tilespmem:s2+$0x79D8];
	_ =	sdelay $0x4  }
0xe2: {  	[tilespmem:s0+$0x158] =	vst.add.f32.msk $0xffff, v1  }
0xe3: {  	v1 =	vld [tilespmem:s2+$0x79E8];
	_ =	sdelay $0x4  }
0xe4: {  	[tilespmem:s0+$0x168] =	vst.add.f32.msk $0xffff, v1  }
0xe5: {  	v1 =	vld [tilespmem:s2+$0x79F8];
	_ =	sdelay $0x2  }
0xe6: {  	p1 =	sgt.u32 s29, $0x270F0  }
0xe7: {  	s2 =	sand.u32 @!p1 $0x3FFF8, s29  }
0xe8: {  	s3 =	sadd.s32 $0x108, s0;
	[tilespmem:s0+$0x178] =	vst.add.f32.msk $0xffff, v1;
	s0 =	sadd.s32 @!p1 s1, s2;
	s2 =	sand.u32 @!p1 $0x7, s29  }
0xe9: {  	[hbm4b:s0+s2] =	stream.linear.scatter @!p1 [tilespmem:s3], [sflag:$0xC], $0x80, $0x38;
	[tilespmem:$0x1F6F8] =	vst v63  }
0xea: {  	s0 =	simm.s32 $0x0  }
0xeb: {  	s0 =	simm.s32 @!p1 $0x200  }
0xec: {  	s31 =	sadd.s32 s0, s31  }
.LBB2_16:
0xed: {  	s0 =	sadd.s32 $0x1, s22  }
0xee: {  	s2 =	smulhi.u32 $0x88888889, s0;
	_ =	sdelay $0x1  }
0xef: {  	v1 =	vld [tilespmem:s25+$0xFFFFFFC0];
	s2 =	sshrl.u32 s2, $0x7  }
0xf0: {  	s2 =	smul.u32 $0xF0, s2;
	_ =	sdelay $0x1  }
0xf1: {  	s22 =	ssub.s32 s0, s2  }
0xf2: {  	s0 =	sshll.u32 s22, $0x7  }
0xf3: {  	[tilespmem:s0+$0x108] =	vst v1  }
0xf4: {  	v1 =	vld [tilespmem:s25+$0xFFFFFFD0];
	_ =	sdelay $0x4  }
0xf5: {  	[tilespmem:s0+$0x118] =	vst v1  }
0xf6: {  	v1 =	vld [tilespmem:s25+$0xFFFFFFE0];
	_ =	sdelay $0x4  }
0xf7: {  	[tilespmem:s0+$0x128] =	vst v1  }
0xf8: {  	v1 =	vld [tilespmem:s25+$0xFFFFFFF0];
	_ =	sdelay $0x4  }
0xf9: {  	[tilespmem:s0+$0x138] =	vst v1  }
0xfa: {  	v1 =	vld [tilespmem:s25+$0x0];
	_ =	sdelay $0x4  }
0xfb: {  	[tilespmem:s0+$0x148] =	vst v1  }
0xfc: {  	v1 =	vld [tilespmem:s25+$0x10];
	_ =	sdelay $0x4  }
0xfd: {  	[tilespmem:s0+$0x158] =	vst v1  }
0xfe: {  	v1 =	vld [tilespmem:s25+$0x20];
	_ =	sdelay $0x4  }
0xff: {  	[tilespmem:s0+$0x168] =	vst v1  }
0x100: {  	v1 =	vld [tilespmem:s25+$0x30]  }
.Ltmp15:
0x101: {  	_ = 	snop;
	(pc) =	sbr.rel .LBB2_17-.Ltmp15, $2  }
0x102: {  	_ =	sdelay $0x2  }
0x103: {  	s28 =	sadd.s32 $0x1, s28;
	[tilespmem:s0+$0x178] =	vst v1  }
.LBB2_19:
.Ltmp16:
0x104: {  	(pc) =	sbr.rel .LBB2_20-.Ltmp16, $4  }
0x105: {  	_ = 	snop  }
0x106: {  	s0 =	simm.s32 $0x2  }
0x107: {  	_ =	swait.ge [sflag:s0], $0x0  }
0x108: {  	s30 =	smov.u32 s29;
	[sflag:s0] =	ssyncset.done $0x0;
	s0 =	simm.s32 $0x0  }
.LBB2_22:
0x109: {  	_ =	sfence.sel $0x180000  }
0x10a: {  	s0 =	simm.s32 $0x9;
	[bflag:$0x0] =	sbarrier.arrive $0xFFFF  }
0x10b: {  	s24 =	simm.s32 $0xA;
	[sflag:s0] =	ssyncpa.u1 $0x1  }
0x10c: {  	s25 =	simm.s32 $0xB;
	[sflag:s24] =	ssyncpa.u1 $0x1  }
0x10d: {  	s26 =	simm.s32 $0x2;
	[sflag:s25] =	ssyncpa.u1 $0x1  }
0x10e: {  	[sflag:s26] =	ssyncpa.u1 $0x1  }
0x10f: {  	v0 =	vld [tilespmem:$0xF208];
	_ =	sdelay $0x4  }
0x110: {  	(v2sf) =	vpush v0, $0x0  }
0x111: {  	(v2sf) =	vpush v0, $0x1;
	_ =	sdelay $0x1  }
0x112: {  	(v2sf) =	vpush v0, $0x2;
	_ =	sdelay $0xb  }
0x113: {  	s0 =	spop (v2sf)  }
0x114: {  	s2 =	spop (v2sf)  }
0x115: {  	s3 =	smov.u32 s0;
	p0 =	sne.s32 s0, s2  }
0x116: {  	s4 =	spop (v2sf);
	s3 =	simm.s32 @!p0 $0xFFFFFFFF  }
0x117: {  	v2 =	vimm.s32 $0x1;
	v3 =	vlaneseq.u32;
	p0 =	seq.s32 s4, $0xFFFFFFFF;
	v1 =	vmov s3  }
0x118: {  	s16 =	stileid.u32;
	v0 =	vperm.xlane v0, v2;
	p1 =	sne.s32 @!p0 s0, s2;
	v1 =	vperm.xlane v1, v3  }
0x119: {  	vm0 =	vcmask $0x3F04;
	s6 =	simm.s32 $0xF208;
	s0 =	simm.s32 @!p0 $0x1;
	p1 =	por !p1, p0  }
0x11a: {  	s3 =	sshll.u32 s16, $0x1;
	s2 =	sshll.u32 @!p0 s4, $0x9;
	s0 =	simm.s32 @p1 $0x0;
	v0 =	vsel vm0, v1, v0  }
0x11b: {  	s5 =	sor.u32 $0x1000, s3;
	s2 =	sshra.s32 @!p0 s2, $0x2;
	s0 =	sor.u32 @!p0 s0, s3;
	[tilespmem:$0xF208] =	vst v0  }
0x11c: {  	[spmem:s5] =	stream.linear.scatter [tilespmem:s6], [sflag:$0x1], $0x2, $0x38;
	[tilespmem:$0x1F6F8] =	vst v63  }
0x11d: {  	s2 =	sadd.s32 @!p0 $0x108, s2;
	s0 =	sshll.u32 @!p0 s0, $0x7  }
0x11e: {  	[spmem:s0] =	stream.linear.scatter @!p0 [tilespmem:s2], [sflag:$0x1], $0x80, $0x38;
	[tilespmem:$0x1F6F8] =	vst v63  }
0x11f: {  	s0 =	simm.s32 @!p0 $0x82  }
0x120: {  	s28 =	simm.s32 $0x1;
	s0 =	simm.s32 @p0 $0x2  }
0x121: {  	_ =	swait.ge [sflag:s28], s0  }
0x122: {  	s0 =	ssub.s32 $0x0, s0;
	[sflag:s28] =	ssyncset.done $0x0  }
0x123: {  	p0 =	sne.s32 s16, $0x0;
	[sflag:s28] =	ssyncadd.s32 s0  }
.Ltmp17:
0x124: {  	_ =	sfence.stream.spmem;
	(pc) =	sbr.rel @p0 .LBB2_39-.Ltmp17, $4  }
0x125: {  	s29 =	simm.s32 $0x3;
	[bflag:$0x0] =	sbarrier.arrive $0xFFFF  }
0x126: {  	s30 =	simm.s32 $0x4;
	[sflag:s29] =	ssyncpa.u1 $0x1  }
0x127: {  	s31 =	simm.s32 $0x3C;
	[sflag:s30] =	ssyncpa.u1 $0x1  }
0x128: {  	s15 =	rddreg [dreg:$0x4];
	[sflag:s31] =	ssyncpa.u1 $0x1  }
0x129: {  	_ =	sfence.stream.spmem;
	s0 =	simm.s32 $0x5  }
0x12a: {  	s2 =	simm.s32 $0x1000;
	s3 =	simm.s32 $0xF218;
	[sflag:s0] =	ssyncpa.u1 $0x0  }
0x12b: {  	[tilespmem:s3], [sflag:$0x5] =	stream.linear.gather [spmem:s2], $0x20, $0x38;
	[tilespmem:$0x1F6F8] =	vst v63  }
0x12c: {  	s26 =	simm.s32 $0x0;
	s28 =	simm.s32 $0xF238  }
0x12d: {  	[tilespmem:s28], [sflag:$0x5] =	stream.linear.gather [spmem:s26], $0x1000, $0x38;
	[tilespmem:$0x1F6F8] =	vst v63  }
0x12e: {  	_ =	swait.ge [sflag:s0], $0x1020  }
0x12f: {  	[sflag:s0] =	ssyncset.done $0x0  }
0x130: {  	s29 =	simm.s32 $0x0;
	[sflag:s0] =	ssyncadd.s32 $0xFFFFEFE0  }
0x131: {  	v0 =	vld.msk [tilespmem:s29+$0xF218], $0x1;
	_ =	sdelay $0x1  }
0x132: {  	s30 =	simm.s32 $0x1  }
0x133: {  	v1 =	vld.msk [tilespmem:s30+$0xF218], $0x1;
	_ =	sdelay $0x1  }
0x134: {  	(v2sf) =	vpush v0, $0x0;
	_ =	sdelay $0x2  }
0x135: {  	(v2sf) =	vpush v1, $0x0;
	_ =	sdelay $0x2  }
0x136: {  	s31 =	simm.s32 $0x2  }
0x137: {  	v0 =	vld.msk [tilespmem:s31+$0xF218], $0x1;
	_ =	sdelay $0x2  }
0x138: {  	s4 =	simm.s32 $0xFFFFFFFF;
	s5 =	simm.s32 $0xFFFFFFFF;
	s0 =	simm.s32 $0xC  }
.LBB2_24:
0x139: {  	s2 =	smov.u32 s5;
	s3 =	smov.u32 s4  }
0x13a: {  	s4 =	sshra.s32 s0, $0x2;
	p1 =	sne.s32 s0, $0x7C;
	s0 =	sadd.s32 $0x4, s0;
	(v2sf) =	vpush v0, $0x0  }
0x13b: {  	v0 =	vld.msk [tilespmem:s4+$0xF218], $0x1  }
.Ltmp18:
0x13c: {  	(pc) =	sbr.rel @p1 .LBB2_24-.Ltmp18, $4  }
0x13d: {  	s5 =	spop (v2sf)  }
0x13e: {  	p2 =	sne.s32 s3, $0xFFFFFFFF;
	s4 =	smov.u32 s5  }
0x13f: {  	p3 =	seq.s32 s5, $0xFFFFFFFF;
	s4 =	smov.u32 @p2 s3  }
0x140: {  	s5 =	smov.u32 @p3 s2;
	s4 =	smov.u32 @p3 s3  }
0x141: {  	(v2sf) =	vpush v0, $0x0;
	_ =	sdelay $0x8  }
0x142: {  	s0 =	spop (v2sf)  }
0x143: {  	p1 =	sne.s32 s4, $0xFFFFFFFF;
	s2 =	smov.u32 s0  }
0x144: {  	s9 =	simm.s32 $0x6;
	p2 =	seq.s32 s0, $0xFFFFFFFF;
	s2 =	smov.u32 @p1 s4  }
0x145: {  	s6 =	simm.s32 $0x0;
	s2 =	smov.u32 @p2 s4;
	s3 =	spop (v2sf)  }
0x146: {  	s0 =	smov.u32 @p2 s5;
	p1 =	sne.s32 s2, $0xFFFFFFFF;
	s4 =	smov.u32 s3  }
.Ltmp19:
0x147: {  	p2 =	seq.s32 s3, $0xFFFFFFFF;
	s4 =	smov.u32 @p1 s2;
	(pc) =	sbr.rel .LBB2_26-.Ltmp19, $4  }
0x148: {  	s10 =	simm.s32 $0xF188;
	s4 =	smov.u32 @p2 s2;
	s7 =	spop (v2sf)  }
0x149: {  	s11 =	simm.s32 $0x0;
	p1 =	sne.s32 s4, $0xFFFFFFFF;
	s8 =	smov.u32 s7  }
0x14a: {  	s3 =	smov.u32 @p2 s0;
	p2 =	seq.s32 s7, $0xFFFFFFFF;
	s8 =	smov.u32 @p1 s4  }
0x14b: {  	[sflag:s9] =	ssyncpa.u1 $0x0;
	s7 =	smov.u32 @p2 s3;
	s8 =	smov.u32 @p2 s4  }
.LBB2_32:
0x14c: {  	p1 =	sgt.u32 s12, $0x270F0  }
0x14d: {  	p2 =	seq.s32 @!p1 s12, s8  }
0x14e: {  	p1 =	por p1, p2  }
0x14f: {  	p2 =	sne.s32 @!p1 s12, s7  }
0x150: {  	p1 =	por p1, !p2  }
0x151: {  	s0 =	sshll.u32 @p1 s11, $0x9  }
0x152: {  	s0 =	sand.u32 @!p1 $0x3FFF8, s12  }
0x153: {  	s2 =	sand.u32 @!p1 $0x7, s12;
	s0 =	sadd.s32 @!p1 s1, s0  }
0x154: {  	[tilespmem:s10], [sflag:$0x6] =	stream.linear.gather @!p1 [hbm4b:s0+s2], $0x80, $0x38;
	[tilespmem:$0x1F6F8] =	vst v63  }
0x155: {  	_ =	swait.ge @!p1 [sflag:s9], $0x80  }
0x156: {  	[sflag:s9] =	ssyncset.done @!p1 $0x0  }
0x157: {  	[sflag:s9] =	ssyncadd.s32 @!p1 $0xFFFFFF80  }
0x158: {  	v1 =	vld @!p1 [tilespmem:$0xF188];
	_ =	sdelay $0x2  }
0x159: {  	s0 =	sshll.u32 @!p1 s11, $0x9  }
0x15a: {  	s2 =	sshrl.u32 @!p1 s0, $0x2  }
0x15b: {  	[tilespmem:s2+$0xF238] =	vst.add.f32.msk @!p1 $0xffff, v1  }
0x15c: {  	v1 =	vld @!p1 [tilespmem:$0xF198];
	_ =	sdelay $0x4  }
0x15d: {  	[tilespmem:s2+$0xF248] =	vst.add.f32.msk @!p1 $0xffff, v1  }
0x15e: {  	v1 =	vld @!p1 [tilespmem:$0xF1A8];
	_ =	sdelay $0x4  }
0x15f: {  	[tilespmem:s2+$0xF258] =	vst.add.f32.msk @!p1 $0xffff, v1  }
0x160: {  	v1 =	vld @!p1 [tilespmem:$0xF1B8];
	_ =	sdelay $0x4  }
0x161: {  	[tilespmem:s2+$0xF268] =	vst.add.f32.msk @!p1 $0xffff, v1  }
0x162: {  	v1 =	vld @!p1 [tilespmem:$0xF1C8];
	_ =	sdelay $0x4  }
0x163: {  	[tilespmem:s2+$0xF278] =	vst.add.f32.msk @!p1 $0xffff, v1  }
0x164: {  	v1 =	vld @!p1 [tilespmem:$0xF1D8];
	_ =	sdelay $0x4  }
0x165: {  	[tilespmem:s2+$0xF288] =	vst.add.f32.msk @!p1 $0xffff, v1  }
0x166: {  	v1 =	vld @!p1 [tilespmem:$0xF1E8];
	_ =	sdelay $0x4  }
0x167: {  	[tilespmem:s2+$0xF298] =	vst.add.f32.msk @!p1 $0xffff, v1  }
0x168: {  	v1 =	vld @!p1 [tilespmem:$0xF1F8];
	_ =	sdelay $0x4  }
0x169: {  	[tilespmem:s2+$0xF2A8] =	vst.add.f32.msk @!p1 $0xffff, v1  }
0x16a: {  	s0 =	sshrl.u32 s0, $0x2;
	[tilespmem:s6+$0xF218] =	vst.msk $0x1, v0  }
0x16b: {  	v0 =	vld [tilespmem:s0+$0xF238];
	_ =	sdelay $0x2  }
0x16c: {  	s31 =	sshll.u32 s6, $0x9  }
0x16d: {  	s2 =	sshra.s32 s31, $0x2  }
0x16e: {  	[tilespmem:s2+$0xF238] =	vst v0  }
0x16f: {  	v0 =	vld [tilespmem:s0+$0xF248];
	_ =	sdelay $0x4  }
0x170: {  	[tilespmem:s2+$0xF248] =	vst v0  }
0x171: {  	v0 =	vld [tilespmem:s0+$0xF258];
	_ =	sdelay $0x4  }
0x172: {  	[tilespmem:s2+$0xF258] =	vst v0  }
0x173: {  	v0 =	vld [tilespmem:s0+$0xF268];
	_ =	sdelay $0x4  }
0x174: {  	[tilespmem:s2+$0xF268] =	vst v0  }
0x175: {  	v0 =	vld [tilespmem:s0+$0xF278];
	_ =	sdelay $0x4  }
0x176: {  	[tilespmem:s2+$0xF278] =	vst v0  }
0x177: {  	v0 =	vld [tilespmem:s0+$0xF288];
	_ =	sdelay $0x4  }
0x178: {  	[tilespmem:s2+$0xF288] =	vst v0  }
0x179: {  	v0 =	vld [tilespmem:s0+$0xF298];
	_ =	sdelay $0x4  }
0x17a: {  	[tilespmem:s2+$0xF298] =	vst v0  }
0x17b: {  	v0 =	vld [tilespmem:s0+$0xF2A8];
	_ =	sdelay $0x4  }
0x17c: {  	s6 =	sadd.s32 $0x1, s6;
	[tilespmem:s2+$0xF2A8] =	vst v0  }
.LBB2_33:
0x17d: {  	s11 =	sadd.s32 $0x1, s11  }
0x17e: {  	p1 =	sne.s32 s11, $0x20  }
.Ltmp20:
0x17f: {  	_ = 	snop;
	(pc) =	sbr.rel @!p1 .LBB2_34-.Ltmp20, $1  }
0x180: {  	_ =	sdelay $0x3  }
.LBB2_26:
0x181: {  	v0 =	vld.msk [tilespmem:s11+$0xF218], $0x1;
	_ =	sdelay $0x4  }
0x182: {  	(v2sf) =	vpush v0, $0x0;
	_ =	sdelay $0xe  }
0x183: {  	s12 =	spop (v2sf)  }
0x184: {  	p1 =	seq.s32 s12, $0xFFFFFFFF  }
.Ltmp21:
0x185: {  	_ = 	snop;
	(pc) =	sbr.rel @p1 .LBB2_33-.Ltmp21, $1  }
0x186: {  	_ =	sdelay $0x3  }
0x187: {  	p1 =	slt.s32 s6, $0x1  }
.Ltmp22:
0x188: {  	_ = 	snop;
	(pc) =	sbr.rel @p1 .LBB2_32-.Ltmp22, $1  }
0x189: {  	_ =	sdelay $0x3  }
0x18a: {  	s13 =	simm.s32 $0xF218;
	p1 =	por $0x0, $0x0  }
0x18b: {  	v1 =	vld.msk @!p1 [tilespmem:s13+$0x0], $0x1;
	_ =	sdelay $0x4  }
0x18c: {  	(v2sf) =	vpush @!p1 v1, $0x0;
	_ =	sdelay $0xd  }
0x18d: {  	p3 =	sne.s32 s6, $0x1  }
.Ltmp23:
0x18e: {  	s0 =	spop @!p1 (v2sf);
	(pc) =	sbr.rel @!p3 .LBB2_30-.Ltmp23, $4  }
0x18f: {  	p2 =	seq.s32 @!p1 s12, s0  }
0x190: {  	s14 =	simm.s32 $0x0;
	p2 =	por !p2, p1  }
0x191: {  	s2 =	simm.s32 $0xFFFFFFFF;
	s14 =	simm.s32 @p2 $0xFFFFFFFF  }
0x192: {  	s0 =	simm.s32 $0x1;
	s14 =	smov.u32 @p1 s2  }
.LBB2_29:
0x193: {  	s2 =	smov.u32 s14;
	p1 =	sne.s32 s14, $0xFFFFFFFF  }
0x194: {  	s13 =	sadd.s32 $0x1, s13;
	s14 =	smov.u32 s0;
	s0 =	sadd.s32 $0x1, s0  }
0x195: {  	p2 =	sne.s32 s6, s0;
	v1 =	vld.msk @!p1 [tilespmem:s13+$0x0], $0x1;
	_ =	sdelay $0x4  }
0x196: {  	(v2sf) =	vpush @!p1 v1, $0x0;
	_ =	sdelay $0xe  }
.Ltmp24:
0x197: {  	s3 =	spop @!p1 (v2sf);
	(pc) =	sbr.rel @p2 .LBB2_29-.Ltmp24, $4  }
0x198: {  	p3 =	seq.s32 @!p1 s12, s3  }
0x199: {  	p3 =	por !p3, p1  }
0x19a: {  	s14 =	simm.s32 @p3 $0xFFFFFFFF  }
0x19b: {  	s14 =	smov.u32 @p1 s2  }
.LBB2_30:
0x19c: {  	p1 =	seq.s32 s14, $0xFFFFFFFF  }
.Ltmp25:
0x19d: {  	_ = 	snop;
	(pc) =	sbr.rel @p1 .LBB2_32-.Ltmp25, $1  }
0x19e: {  	_ =	sdelay $0x3  }
0x19f: {  	s0 =	sshll.u32 s11, $0x7  }
0x1a0: {  	s0 =	sand.u32 $0x3FFFFF80, s0  }
0x1a1: {  	v0 =	vld [tilespmem:s0+$0xF238];
	_ =	sdelay $0x2  }
0x1a2: {  	s2 =	sshll.u32 s14, $0x9  }
0x1a3: {  	s2 =	sshra.s32 s2, $0x2  }
0x1a4: {  	[tilespmem:s2+$0xF238] =	vst.add.f32.msk $0xffff, v0  }
0x1a5: {  	v0 =	vld [tilespmem:s0+$0xF248];
	_ =	sdelay $0x4  }
0x1a6: {  	[tilespmem:s2+$0xF248] =	vst.add.f32.msk $0xffff, v0  }
0x1a7: {  	v0 =	vld [tilespmem:s0+$0xF258];
	_ =	sdelay $0x4  }
0x1a8: {  	[tilespmem:s2+$0xF258] =	vst.add.f32.msk $0xffff, v0  }
0x1a9: {  	v0 =	vld [tilespmem:s0+$0xF268];
	_ =	sdelay $0x4  }
0x1aa: {  	[tilespmem:s2+$0xF268] =	vst.add.f32.msk $0xffff, v0  }
0x1ab: {  	v0 =	vld [tilespmem:s0+$0xF278];
	_ =	sdelay $0x4  }
0x1ac: {  	[tilespmem:s2+$0xF278] =	vst.add.f32.msk $0xffff, v0  }
0x1ad: {  	v0 =	vld [tilespmem:s0+$0xF288];
	_ =	sdelay $0x4  }
0x1ae: {  	[tilespmem:s2+$0xF288] =	vst.add.f32.msk $0xffff, v0  }
0x1af: {  	v0 =	vld [tilespmem:s0+$0xF298];
	_ =	sdelay $0x4  }
0x1b0: {  	[tilespmem:s2+$0xF298] =	vst.add.f32.msk $0xffff, v0  }
0x1b1: {  	v0 =	vld [tilespmem:s0+$0xF2A8]  }
.Ltmp26:
0x1b2: {  	_ = 	snop;
	(pc) =	sbr.rel .LBB2_33-.Ltmp26, $2  }
0x1b3: {  	_ =	sdelay $0x2  }
0x1b4: {  	[tilespmem:s2+$0xF2A8] =	vst.add.f32.msk $0xffff, v0  }
.LBB2_34:
0x1b5: {  	s0 =	simm.s32 $0x6;
	p1 =	seq.s32 s6, $0x0  }
0x1b6: {  	[sflag:s0] =	ssyncpa.u1 $0x1;
	v0 =	vimm.s32 @p1 $0xFFFFFFFF  }
0x1b7: {  	s9 =	sadd.s32 $0xFFFFFFFF, s6;
	[tilespmem:$0x10238] =	vst @p1 v0  }
0x1b8: {  	v0 =	vld.msk @!p1 [tilespmem:s9+$0xF218], $0x1;
	_ =	sdelay $0x1  }
0x1b9: {  	v1 =	vld.msk @!p1 [tilespmem:$0xF218], $0x1;
	_ =	sdelay $0x2  }
0x1ba: {  	p2 =	seq.s32 @!p1 s9, $0x0;
	v0 =	vbroadcast @!p1 v0, $0x0  }
0x1bb: {  	vm0 =	vmmov @!p1 $0x1;
	p2 =	por !p2, p1  }
0x1bc: {  	v1 =	vnsel @!p1 vm0, $0xFFFFFFFF, v1;
	vm0 =	vcmask @!p1 $0x308;
	v0 =	vpsel !p2, $0xFFFFFFFF, v0  }
0x1bd: {  	p2 =	sne.s32 @!p1 s8, s7;
	v0 =	vsel @!p1 vm0, v1, v0  }
0x1be: {  	s0 =	simm.s32 @!p1 $0xF238;
	s2 =	simm.s32 @!p1 $0x0;
	p3 =	por !p2, p1;
	[tilespmem:$0x10238] =	vst @!p1 v0  }
0x1bf: {  	[spmem:s2] =	stream.linear.scatter @!p1 [tilespmem:s0], [sflag:$0x1], $0x80, $0x38;
	[tilespmem:$0x1F6F8] =	vst v63  }
0x1c0: {  	s0 =	sshll.u32 @!p3 s9, $0x9  }
0x1c1: {  	s0 =	sshra.s32 @!p3 s0, $0x2  }
0x1c2: {  	s2 =	simm.s32 @!p3 $0x80;
	s0 =	sadd.s32 @!p3 $0xF238, s0  }
0x1c3: {  	[spmem:s2] =	stream.linear.scatter @!p3 [tilespmem:s0], [sflag:$0x1], $0x80, $0x38;
	[tilespmem:$0x1F6F8] =	vst v63  }
0x1c4: {  	s0 =	simm.s32 @!p3 $0x1  }
0x1c5: {  	_ =	swait.ge @!p3 [sflag:s0], $0x100  }
0x1c6: {  	p1 =	por p2, p1;
	[sflag:s0] =	ssyncset.done @!p3 $0x0  }
0x1c7: {  	[sflag:s0] =	ssyncadd.s32 @!p3 $0xFFFFFF00;
	s0 =	simm.s32 @!p1 $0x1  }
0x1c8: {  	_ =	swait.ge @!p1 [sflag:s0], $0x80  }
0x1c9: {  	s29 =	simm.s32 $0x10238;
	[sflag:s0] =	ssyncset.done @!p1 $0x0  }
0x1ca: {  	s30 =	simm.s32 $0x1000;
	s31 =	simm.s32 $0x1;
	[sflag:s0] =	ssyncadd.s32 @!p1 $0xFFFFFF80  }
0x1cb: {  	[spmem:s30] =	stream.linear.scatter [tilespmem:s29], [sflag:$0x1], $0x10, $0x38;
	[tilespmem:$0x1F6F8] =	vst v63  }
0x1cc: {  	_ =	swait.ge [sflag:s31], $0x10  }
0x1cd: {  	[sflag:s31] =	ssyncset.done $0x0  }
0x1ce: {  	p1 =	seq.s32 s15, $0x0;
	s8 =	rddreg [dreg:$0x1];
	[sflag:s31] =	ssyncadd.s32 $0xFFFFFFF0  }
0x1cf: {  	s2 =	sshll.u32 @p1 s8, $0xE;
	s7 =	rddreg [dreg:$0x2]  }
0x1d0: {  	s0 =	sadd.s32 @p1 $0x15C3C, s2;
	s2 =	sshll.u32 @p1 s7, $0x11  }
0x1d1: {  	_ =	sfence.stream.spmem;
	s0 =	sor.u32 @p1 s2, s0  }
0x1d2: {  	[sflag:s0] =	ssyncadd.remote.s32 @p1 $0x1;
	s0 =	simm.s32 @p1 $0x4  }
0x1d3: {  	s3 =	simm.s32 @!p1 $0x3C;
	s2 =	sand.u32 $0xFFFFFFFE, s8;
	_ =	swait.ge @p1 [sflag:s0], $0x22  }
0x1d4: {  	s4 =	simm.s32 @!p1 $0x0;
	s2 =	sadd.s32 @!p1 $0x4, s2;
	[sflag:s0] =	ssyncset.done @p1 $0x0  }
0x1d5: {  	s5 =	simm.s32 @!p1 $0x100;
	[sflag:s0] =	ssyncadd.s32 @p1 $0xFFFFFFDE;
	s0 =	sshll.u32 @!p1 s2, $0x1A  }
0x1d6: {  	s2 =	sshll.u32 @!p1 s2, $0xD;
	s0 =	sor.u32 @!p1 s0, s7;
	_ =	swait.eq @!p1 [sflag:s3], $0x1  }
0x1d7: {  	s2 =	sor.u32 @!p1 $0x1C04, s2;
	s3 =	simm.s32 @!p1 $0x1C03;
	s0 =	sor.u32 @!p1 $0x80004000, s0  }
0x1d8: {  	[spmem:s5], [sflag:s2] =	dma.general @!p1 [spmem:s4], [sflag:s3], length:$0x20, [dreg:$0x0], stride_count:$0x0, ici_dest:s0, dma_misc:DstOpCode:WRITE  }
0x1d9: {  	p2 =	slt.s32 s9, $0x2;
	s4 =	simm.s32 @!p1 $0x200;
	s5 =	simm.s32 @!p1 $0x202  }
0x1da: {  	[spmem:s5], [sflag:s2] =	dma.general @!p1 [spmem:s4], [sflag:s3], length:$0x2, [dreg:$0x0], stride_count:$0x0, ici_dest:s0, dma_misc:DstOpCode:WRITE  }
.Ltmp27:
0x1db: {  	s0 =	simm.s32 @!p1 $0x3;
	(pc) =	sbr.rel @p2 .LBB2_38-.Ltmp27, $4  }
0x1dc: {  	s2 =	sshll.u32 @!p1 s8, $0xE;
	_ =	swait.ge @!p1 [sflag:s0], $0x22  }
0x1dd: {  	s3 =	sshll.u32 @!p1 s7, $0x11;
	s2 =	sadd.s32 @!p1 $0x11C3C, s2;
	[sflag:s0] =	ssyncset.done @!p1 $0x0  }
0x1de: {  	[sflag:s0] =	ssyncadd.s32 @!p1 $0xFFFFFFDE;
	s0 =	sor.u32 @!p1 s3, s2  }
0x1df: {  	[sflag:s0] =	ssyncadd.remote.s32 @!p1 $0xFFFFFFFF;
	s0 =	simm.s32 $0x0  }
0x1e0: {  	s0 =	simm.s32 $0xF219  }
0x1e1: {  	v0 =	vld.msk [tilespmem:s0+$0x0], $0x1;
	_ =	sdelay $0x4  }
0x1e2: {  	(v2sf) =	vpush v0, $0x0;
	_ =	sdelay $0xb  }
0x1e3: {  	s31 =	sadd.s32 $0xFFFFFFFE, s6  }
0x1e4: {  	s0 =	sadd.s32 $0xFFFFFFFF, s31  }
0x1e5: {  	p2 =	sne.s32 s0, $0x0  }
.Ltmp28:
0x1e6: {  	s2 =	spop (v2sf);
	(pc) =	sbr.rel @!p2 .LBB2_37-.Ltmp28, $4  }
0x1e7: {  	s4 =	simm.s32 $0xF2B8;
	s7 =	simm.s32 $0x0;
	p1 =	sgt.u32 s2, $0x270F0  }
0x1e8: {  	s5 =	simm.s32 $0x0;
	s6 =	simm.s32 $0xF21A;
	s3 =	sand.u32 @!p1 $0x3FFF8, s2  }
0x1e9: {  	s2 =	sand.u32 @!p1 $0x7, s2;
	s7 =	simm.s32 @!p1 $0x200;
	s3 =	sadd.s32 @!p1 s1, s3  }
0x1ea: {  	[hbm4b:s3+s2] =	stream.linear.scatter @!p1 [tilespmem:s4], [sflag:$0x5], $0x80, $0x38;
	[tilespmem:$0x1F6F8] =	vst v63  }
.LBB2_36:
0x1eb: {  	v0 =	vld.msk [tilespmem:s6+$0x0], $0x1;
	s0 =	sadd.s32 $0xFFFFFFFF, s0;
	s5 =	sadd.s32 s5, s7  }
0x1ec: {  	p1 =	sne.s32 s0, $0x0;
	_ =	sdelay $0x3  }
0x1ed: {  	(v2sf) =	vpush v0, $0x0;
	_ =	sdelay $0xe  }
.Ltmp29:
0x1ee: {  	s2 =	spop (v2sf);
	(pc) =	sbr.rel @p1 .LBB2_36-.Ltmp29, $4  }
0x1ef: {  	s7 =	simm.s32 $0x0;
	p2 =	sgt.u32 s2, $0x270F0  }
0x1f0: {  	s4 =	sadd.s32 $0x80, s4;
	s7 =	simm.s32 @!p2 $0x200;
	s3 =	sand.u32 @!p2 $0x3FFF8, s2  }
0x1f1: {  	s6 =	sadd.s32 $0x1, s6;
	s2 =	sand.u32 @!p2 $0x7, s2;
	s3 =	sadd.s32 @!p2 s1, s3  }
0x1f2: {  	[hbm4b:s3+s2] =	stream.linear.scatter @!p2 [tilespmem:s4], [sflag:$0x5], $0x80, $0x38;
	[tilespmem:$0x1F6F8] =	vst v63  }
.LBB2_37:
0x1f3: {  	s0 =	sadd.s32 s5, s7  }
0x1f4: {  	s0 =	sshrl.u32 s0, $0x2  }
.LBB2_38:
0x1f5: {  	s2 =	simm.s32 $0x5  }
0x1f6: {  	_ =	swait.ge [sflag:s2], s0  }
0x1f7: {  	s31 =	ssub.s32 $0x0, s0;
	[sflag:s2] =	ssyncset.done $0x0  }
0x1f8: {  	[sflag:s2] =	ssyncadd.s32 s31  }
0x1f9: {  	[sflag:s2] =	ssyncpa.u1 $0x1  }
.LBB2_39:
0x1fa: {  	s0 =	sor.u32 s15, s16  }
0x1fb: {  	p1 =	sne.s32 s0, $0x0  }
.Ltmp30:
0x1fc: {  	_ = 	snop;
	(pc) =	sbr.rel @p1 .LBB2_54-.Ltmp30, $3  }
0x1fd: {  	_ =	sdelay $0x1  }
0x1fe: {  	[bflag:$0x0] =	sbarrier.arrive $0xFFFF  }
0x1ff: {  	_ =	sfence  }
0x200: {  	s0 =	simm.s32 $0x7  }
0x201: {  	s2 =	simm.s32 $0x1000;
	s3 =	simm.s32 $0xF218;
	[sflag:s0] =	ssyncpa.u1 $0x0  }
0x202: {  	[tilespmem:s3], [sflag:$0x7] =	stream.linear.gather [spmem:s2], $0x20, $0x38;
	[tilespmem:$0x1F6F8] =	vst v63  }
0x203: {  	s30 =	simm.s32 $0xF238;
	s2 =	simm.s32 $0x0  }
0x204: {  	[tilespmem:s30], [sflag:$0x7] =	stream.linear.gather [spmem:s2], $0x1000, $0x38;
	[tilespmem:$0x1F6F8] =	vst v63  }
.Ltmp31:
0x205: {  	_ = 	snop;
	(pc) =	sbr.rel .LBB2_41-.Ltmp31, $4  }
0x206: {  	_ =	swait.ge [sflag:s0], $0x1020  }
0x207: {  	[sflag:s0] =	ssyncset.done $0x0  }
0x208: {  	s31 =	simm.s32 $0x8;
	[sflag:s0] =	ssyncadd.s32 $0xFFFFEFE0  }
0x209: {  	s3 =	simm.s32 $0x0;
	[sflag:s31] =	ssyncpa.u1 $0x0  }
.LBB2_47:
0x20a: {  	p1 =	slt.u32 s4, $0x270F1  }
0x20b: {  	s0 =	sand.u32 @p1 $0x3FFF8, s4  }
0x20c: {  	s4 =	sand.u32 @p1 $0x7, s4;
	s5 =	simm.s32 @p1 $0xF188;
	s0 =	sadd.s32 @p1 s1, s0  }
0x20d: {  	[tilespmem:s5], [sflag:$0x8] =	stream.linear.gather @p1 [hbm4b:s0+s4], $0x80, $0x38;
	[tilespmem:$0x1F6F8] =	vst v63  }
0x20e: {  	s0 =	simm.s32 @p1 $0x8  }
0x20f: {  	_ =	swait.ge @p1 [sflag:s0], $0x80  }
0x210: {  	[sflag:s0] =	ssyncset.done @p1 $0x0  }
0x211: {  	[sflag:s0] =	ssyncadd.s32 @p1 $0xFFFFFF80  }
0x212: {  	v1 =	vld @p1 [tilespmem:$0xF188];
	_ =	sdelay $0x2  }
0x213: {  	s0 =	sshll.u32 @p1 s3, $0x9  }
0x214: {  	s4 =	sshrl.u32 @p1 s0, $0x2  }
0x215: {  	[tilespmem:s4+$0xF238] =	vst.add.f32.msk @p1 $0xffff, v1  }
0x216: {  	v1 =	vld @p1 [tilespmem:$0xF198];
	_ =	sdelay $0x4  }
0x217: {  	[tilespmem:s4+$0xF248] =	vst.add.f32.msk @p1 $0xffff, v1  }
0x218: {  	v1 =	vld @p1 [tilespmem:$0xF1A8];
	_ =	sdelay $0x4  }
0x219: {  	[tilespmem:s4+$0xF258] =	vst.add.f32.msk @p1 $0xffff, v1  }
0x21a: {  	v1 =	vld @p1 [tilespmem:$0xF1B8];
	_ =	sdelay $0x4  }
0x21b: {  	[tilespmem:s4+$0xF268] =	vst.add.f32.msk @p1 $0xffff, v1  }
0x21c: {  	v1 =	vld @p1 [tilespmem:$0xF1C8];
	_ =	sdelay $0x4  }
0x21d: {  	[tilespmem:s4+$0xF278] =	vst.add.f32.msk @p1 $0xffff, v1  }
0x21e: {  	v1 =	vld @p1 [tilespmem:$0xF1D8];
	_ =	sdelay $0x4  }
0x21f: {  	[tilespmem:s4+$0xF288] =	vst.add.f32.msk @p1 $0xffff, v1  }
0x220: {  	v1 =	vld @p1 [tilespmem:$0xF1E8];
	_ =	sdelay $0x4  }
0x221: {  	[tilespmem:s4+$0xF298] =	vst.add.f32.msk @p1 $0xffff, v1  }
0x222: {  	v1 =	vld @p1 [tilespmem:$0xF1F8];
	_ =	sdelay $0x3  }
0x223: {  	s5 =	sshll.u32 @!p1 s3, $0x9  }
0x224: {  	s5 =	smov.u32 @p1 s0;
	[tilespmem:s4+$0xF2A8] =	vst.add.f32.msk @p1 $0xffff, v1  }
0x225: {  	s0 =	sshrl.u32 s5, $0x2;
	[tilespmem:s2+$0xF218] =	vst.msk $0x1, v0  }
0x226: {  	v0 =	vld [tilespmem:s0+$0xF238];
	_ =	sdelay $0x2  }
0x227: {  	s31 =	sshll.u32 s2, $0x9  }
0x228: {  	s4 =	sshra.s32 s31, $0x2  }
0x229: {  	[tilespmem:s4+$0xF238] =	vst v0  }
0x22a: {  	v0 =	vld [tilespmem:s0+$0xF248];
	_ =	sdelay $0x4  }
0x22b: {  	[tilespmem:s4+$0xF248] =	vst v0  }
0x22c: {  	v0 =	vld [tilespmem:s0+$0xF258];
	_ =	sdelay $0x4  }
0x22d: {  	[tilespmem:s4+$0xF258] =	vst v0  }
0x22e: {  	v0 =	vld [tilespmem:s0+$0xF268];
	_ =	sdelay $0x4  }
0x22f: {  	[tilespmem:s4+$0xF268] =	vst v0  }
0x230: {  	v0 =	vld [tilespmem:s0+$0xF278];
	_ =	sdelay $0x4  }
0x231: {  	[tilespmem:s4+$0xF278] =	vst v0  }
0x232: {  	v0 =	vld [tilespmem:s0+$0xF288];
	_ =	sdelay $0x4  }
0x233: {  	[tilespmem:s4+$0xF288] =	vst v0  }
0x234: {  	v0 =	vld [tilespmem:s0+$0xF298];
	_ =	sdelay $0x4  }
0x235: {  	[tilespmem:s4+$0xF298] =	vst v0  }
0x236: {  	v0 =	vld [tilespmem:s0+$0xF2A8];
	_ =	sdelay $0x4  }
0x237: {  	s2 =	sadd.s32 $0x1, s2;
	[tilespmem:s4+$0xF2A8] =	vst v0  }
.LBB2_48:
0x238: {  	s3 =	sadd.s32 $0x1, s3  }
0x239: {  	p1 =	sne.s32 s3, $0x20  }
.Ltmp32:
0x23a: {  	_ = 	snop;
	(pc) =	sbr.rel @!p1 .LBB2_49-.Ltmp32, $1  }
0x23b: {  	_ =	sdelay $0x3  }
.LBB2_41:
0x23c: {  	v0 =	vld.msk [tilespmem:s3+$0xF218], $0x1;
	_ =	sdelay $0x4  }
0x23d: {  	(v2sf) =	vpush v0, $0x0;
	_ =	sdelay $0xe  }
0x23e: {  	s4 =	spop (v2sf)  }
0x23f: {  	p1 =	seq.s32 s4, $0xFFFFFFFF  }
.Ltmp33:
0x240: {  	_ = 	snop;
	(pc) =	sbr.rel @p1 .LBB2_48-.Ltmp33, $1  }
0x241: {  	_ =	sdelay $0x3  }
0x242: {  	p1 =	slt.s32 s2, $0x1  }
.Ltmp34:
0x243: {  	_ = 	snop;
	(pc) =	sbr.rel @p1 .LBB2_47-.Ltmp34, $1  }
0x244: {  	_ =	sdelay $0x3  }
0x245: {  	s5 =	simm.s32 $0xF218;
	p1 =	por $0x0, $0x0  }
0x246: {  	v1 =	vld.msk @!p1 [tilespmem:s5+$0x0], $0x1;
	_ =	sdelay $0x4  }
0x247: {  	(v2sf) =	vpush @!p1 v1, $0x0;
	_ =	sdelay $0xd  }
0x248: {  	p3 =	sne.s32 s2, $0x1  }
.Ltmp35:
0x249: {  	s0 =	spop @!p1 (v2sf);
	(pc) =	sbr.rel @!p3 .LBB2_45-.Ltmp35, $4  }
0x24a: {  	p2 =	seq.s32 @!p1 s4, s0  }
0x24b: {  	s6 =	simm.s32 $0x0;
	p2 =	por !p2, p1  }
0x24c: {  	s7 =	simm.s32 $0xFFFFFFFF;
	s6 =	simm.s32 @p2 $0xFFFFFFFF  }
0x24d: {  	s0 =	simm.s32 $0x1;
	s6 =	smov.u32 @p1 s7  }
.LBB2_44:
0x24e: {  	s7 =	smov.u32 s6;
	p1 =	sne.s32 s6, $0xFFFFFFFF  }
0x24f: {  	s5 =	sadd.s32 $0x1, s5;
	s6 =	smov.u32 s0;
	s0 =	sadd.s32 $0x1, s0  }
0x250: {  	p2 =	sne.s32 s2, s0;
	v1 =	vld.msk @!p1 [tilespmem:s5+$0x0], $0x1;
	_ =	sdelay $0x4  }
0x251: {  	(v2sf) =	vpush @!p1 v1, $0x0;
	_ =	sdelay $0xe  }
.Ltmp36:
0x252: {  	s8 =	spop @!p1 (v2sf);
	(pc) =	sbr.rel @p2 .LBB2_44-.Ltmp36, $4  }
0x253: {  	p3 =	seq.s32 @!p1 s4, s8  }
0x254: {  	p3 =	por !p3, p1  }
0x255: {  	s6 =	simm.s32 @p3 $0xFFFFFFFF  }
0x256: {  	s6 =	smov.u32 @p1 s7  }
.LBB2_45:
0x257: {  	p1 =	seq.s32 s6, $0xFFFFFFFF  }
.Ltmp37:
0x258: {  	_ = 	snop;
	(pc) =	sbr.rel @p1 .LBB2_47-.Ltmp37, $1  }
0x259: {  	_ =	sdelay $0x3  }
0x25a: {  	s0 =	sshll.u32 s3, $0x7  }
0x25b: {  	s0 =	sand.u32 $0x3FFFFF80, s0  }
0x25c: {  	v0 =	vld [tilespmem:s0+$0xF238];
	_ =	sdelay $0x2  }
0x25d: {  	s4 =	sshll.u32 s6, $0x9  }
0x25e: {  	s4 =	sshra.s32 s4, $0x2  }
0x25f: {  	[tilespmem:s4+$0xF238] =	vst.add.f32.msk $0xffff, v0  }
0x260: {  	v0 =	vld [tilespmem:s0+$0xF248];
	_ =	sdelay $0x4  }
0x261: {  	[tilespmem:s4+$0xF248] =	vst.add.f32.msk $0xffff, v0  }
0x262: {  	v0 =	vld [tilespmem:s0+$0xF258];
	_ =	sdelay $0x4  }
0x263: {  	[tilespmem:s4+$0xF258] =	vst.add.f32.msk $0xffff, v0  }
0x264: {  	v0 =	vld [tilespmem:s0+$0xF268];
	_ =	sdelay $0x4  }
0x265: {  	[tilespmem:s4+$0xF268] =	vst.add.f32.msk $0xffff, v0  }
0x266: {  	v0 =	vld [tilespmem:s0+$0xF278];
	_ =	sdelay $0x4  }
0x267: {  	[tilespmem:s4+$0xF278] =	vst.add.f32.msk $0xffff, v0  }
0x268: {  	v0 =	vld [tilespmem:s0+$0xF288];
	_ =	sdelay $0x4  }
0x269: {  	[tilespmem:s4+$0xF288] =	vst.add.f32.msk $0xffff, v0  }
0x26a: {  	v0 =	vld [tilespmem:s0+$0xF298];
	_ =	sdelay $0x4  }
0x26b: {  	[tilespmem:s4+$0xF298] =	vst.add.f32.msk $0xffff, v0  }
0x26c: {  	v0 =	vld [tilespmem:s0+$0xF2A8]  }
.Ltmp38:
0x26d: {  	_ = 	snop;
	(pc) =	sbr.rel .LBB2_48-.Ltmp38, $2  }
0x26e: {  	_ =	sdelay $0x2  }
0x26f: {  	[tilespmem:s4+$0xF2A8] =	vst.add.f32.msk $0xffff, v0  }
.LBB2_49:
0x270: {  	p1 =	slt.s32 s2, $0x1  }
.Ltmp39:
0x271: {  	_ = 	snop;
	(pc) =	sbr.rel @p1 .LBB2_53-.Ltmp39, $3  }
0x272: {  	_ =	sdelay $0x1  }
0x273: {  	s0 =	simm.s32 $0x8  }
0x274: {  	s3 =	simm.s32 $0x0;
	[sflag:s0] =	ssyncpa.u1 $0x1  }
0x275: {  	s0 =	simm.s32 $0xF218  }
0x276: {  	v0 =	vld.msk [tilespmem:s0+$0x0], $0x1;
	_ =	sdelay $0x4  }
0x277: {  	(v2sf) =	vpush v0, $0x0;
	_ =	sdelay $0xe  }
0x278: {  	s0 =	sadd.s32 $0xFFFFFFFF, s2;
	s5 =	spop (v2sf)  }
0x279: {  	p2 =	sne.s32 s0, $0x0;
	p1 =	sgt.u32 s5, $0x270F0  }
.Ltmp40:
0x27a: {  	s6 =	sand.u32 @!p1 $0x3FFF8, s5;
	(pc) =	sbr.rel @!p2 .LBB2_52-.Ltmp40, $4  }
0x27b: {  	s4 =	simm.s32 $0xF238;
	s5 =	sand.u32 @!p1 $0x7, s5;
	s2 =	sadd.s32 @!p1 s1, s6  }
0x27c: {  	[hbm4b:s2+s5] =	stream.linear.scatter @!p1 [tilespmem:s4], [sflag:$0x7], $0x80, $0x38;
	[tilespmem:$0x1F6F8] =	vst v63  }
0x27d: {  	s5 =	simm.s32 $0x0  }
0x27e: {  	s2 =	simm.s32 $0xF219;
	s5 =	simm.s32 @!p1 $0x200  }
.LBB2_51:
0x27f: {  	v0 =	vld.msk [tilespmem:s2+$0x0], $0x1;
	s0 =	sadd.s32 $0xFFFFFFFF, s0;
	s3 =	sadd.s32 s3, s5  }
0x280: {  	p1 =	sne.s32 s0, $0x0;
	_ =	sdelay $0x3  }
0x281: {  	(v2sf) =	vpush v0, $0x0;
	_ =	sdelay $0xe  }
.Ltmp41:
0x282: {  	s6 =	spop (v2sf);
	(pc) =	sbr.rel @p1 .LBB2_51-.Ltmp41, $4  }
0x283: {  	s5 =	simm.s32 $0x0;
	p2 =	sgt.u32 s6, $0x270F0  }
0x284: {  	s4 =	sadd.s32 $0x80, s4;
	s5 =	simm.s32 @!p2 $0x200;
	s7 =	sand.u32 @!p2 $0x3FFF8, s6  }
0x285: {  	s2 =	sadd.s32 $0x1, s2;
	s6 =	sand.u32 @!p2 $0x7, s6;
	s7 =	sadd.s32 @!p2 s1, s7  }
0x286: {  	[hbm4b:s7+s6] =	stream.linear.scatter @!p2 [tilespmem:s4], [sflag:$0x7], $0x80, $0x38;
	[tilespmem:$0x1F6F8] =	vst v63  }
.LBB2_52:
0x287: {  	s0 =	sadd.s32 s3, s5  }
0x288: {  	s3 =	sshrl.u32 s0, $0x2  }
.LBB2_53:
0x289: {  	s0 =	simm.s32 $0x7  }
0x28a: {  	_ =	swait.ge [sflag:s0], s3  }
0x28b: {  	s1 =	ssub.s32 $0x0, s3;
	[sflag:s0] =	ssyncset.done $0x0  }
0x28c: {  	[sflag:s0] =	ssyncadd.s32 s1  }
0x28d: {  	[sflag:s0] =	ssyncpa.u1 $0x1  }
.LBB2_54:
0x28e: {  	_ =	sfence;
	s0 =	simm.s32 $0x1  }
0x28f: {  	[sflag:s0] =	ssyncpa.u1 $0x1  }
0x290: {  	_ =	strace $0x9000004D  }
0x291: {  	[bflag:$0x2] =	sbarrier.arrive $0xFFFF  }
0x292: {  	s0 =	rddreg [dreg:$0x3]  }
0x293: {  	s0 =	sadd.s32 @!p0 $0x100000, s0  }
0x294: {  	[sflag:s0] =	ssyncadd.tile.s32 @!p0 $0x1;
	_ =	shalt  }
.Lfunc_end2:
_tile_overlayer_lowered:
.L_overlay_start_2:
0x295: {  	(tag) =	ssettag $0x2  }
0x296: {  	s0 =	rddreg [dreg:$0x0];
	s2 =	stileid.u32  }
0x297: {  	s1 =	rddreg [dreg:$0x1];
	p0 =	sne.s32 s2, $0x0  }
0x298: {  	s3 =	rddreg [dreg:$0x2];
	[bflag:$0x3] =	sbarrier.arrive $0xFFFF;
	s2 =	simm.s32 @!p0 $0x1C01  }
0x299: {  	[timem:s3], [sflag:s2] =	dma.local @!p0 [hbm:s0], s1  }
0x29a: {  	s0 =	simm.s32 @!p0 $0x1  }
0x29b: {  	_ =	swait.ge @!p0 [sflag:s0], s1  }
0x29c: {  	s1 =	ssub.s32 @!p0 $0x0, s1;
	[sflag:s0] =	ssyncset.done @!p0 $0x0  }
0x29d: {  	[sflag:s0] =	ssyncadd.s32 @!p0 s1  }
0x29e: {  	[bflag:$0x3] =	sbarrier.arrive $0xFFFF  }
0x29f: {  	_ =	shalt  }

// kernel: scatter_offload_async_start
scs
__scs_entry_jumppad:
0x0: {  	(pc) =	sbr.rel $0x88, $3  }
0x1: {  	(tag) =	ssettag $0x0;
	lr =	simm.s32 $0x1  }
0x2: {  	[smem:$0x3F97] =	sst lr;
	_ =	strace $0xD0000000  }
0x3: {  	_ = 	snop  }
0x4: {  	_ = 	snop  }
0x5: {  	_ = 	snop  }
0x6: {  	_ = 	snop  }
0x7: {  	_ = 	snop  }
__scs_overlays_trampoline_lowered:
0x8: {  	[smem:$0x3FA6] =	sst s0  }
0x9: {  	[smem:$0x3FA7] =	sst s1  }
0xa: {  	[smem:$0x3FA8] =	sst s2  }
0xb: {  	[smem:$0x3FA9] =	sst s3  }
0xc: {  	[smem:$0x3FAA] =	sst s4  }
0xd: {  	[smem:$0x3FAB] =	sst s5  }
0xe: {  	[smem:$0x3FAC] =	sst s6  }
0xf: {  	[smem:$0x3FAD] =	sst s7  }
0x10: {  	[smem:$0x3FAE] =	sst s8  }
0x11: {  	[smem:$0x3FAF] =	sst s9;
	s0 =	simm.s32 @!p0 $0x0  }
0x12: {  	s1 =	sld [smem:$0x3F95];
	s0 =	simm.s32 @p0 $0x1  }
0x13: {  	[smem:$0x3FB0] =	sst s0;
	s0 =	simm.s32 @!p1 $0x0  }
0x14: {  	s2 =	sld [smem:$0x3F94];
	s0 =	simm.s32 @p1 $0x1  }
0x15: {  	[smem:$0x3FB1] =	sst s0;
	s0 =	simm.s32 @!p2 $0x0  }
0x16: {  	s3 =	sld [smem:$0x3FDB];
	s0 =	simm.s32 @p2 $0x1  }
0x17: {  	s4 =	simm.s32 $0x1BF5;
	[smem:$0x3FB3] =	sst s0  }
0x18: {  	s0 =	sld [smem:$0x3F96];
	_ =	swait.ge [sflag:s4], $0x0  }
0x19: {  	s7 =	sld [smem:$0x3F97]  }
0x1a: {  	s8 =	sadd.s32 $0xFFFFE003, lr  }
0x1b: {  	s9 =	sadd.s32 $0xFFFFFEF7, lr;
	s5 =	simm.s32 $0xFFFFFFFF;
	p2 =	slt.u32 s8, $0xFFFFF086  }
0x1c: {  	p1 =	slt.u32 s9, $0xF7A;
	s5 =	simm.s32 @!p2 $0x0  }
0x1d: {  	s5 =	simm.s32 @p1 $0x1;
	p0 =	seq.s32 s7, s2  }
0x1e: {  	s7 =	smul.u32 @!p0 $0xF7A, s2;
	p2 =	seq.s32 @!p0 s5, $0x0  }
0x1f: {  	s9 =	smul.u32 $0xF7A, s1;
	s8 =	simm.s32 @!p0 $0x1BF5;
	p2 =	por !p2, p0  }
0x20: {  	[sflag:s8] =	ssyncset.s32 @!p0 $0xFFFFF086;
	s6 =	sadd.s32 @!p0 s3, s7;
	s7 =	simm.s32 @!p0 $0x108  }
0x21: {  	s3 =	sadd.s32 s3, s9;
	s6 =	sadd.s32 @!p0 $0x88, s6;
	s7 =	simm.s32 @p2 $0x1082  }
0x22: {  	[simem:s7], [sflag:s8] =	dma.local @!p0 [hbm:s6], $0xF7A  }
0x23: {  	s9 =	sor.u32 $0xD0000000, s2;
	s6 =	simm.s32 $0x108;
	_ =	swait.ge @!p0 [sflag:s8], $0x0  }
0x24: {  	s3 =	sadd.s32 $0x88, s3;
	s6 =	simm.s32 @!p1 $0x1082;
	[sflag:s4] =	ssyncset.s32 $0xFFFFF086  }
0x25: {  	[simem:s6], [sflag:s4] =	dma.local [hbm:s3], $0xF7A  }
0x26: {  	[smem:$0x3F97] =	sst s1;
	(tag) =	ssettag s2;
	_ =	strace s9  }
0x27: {  	s1 =	sld [smem:$0x3FA7]  }
0x28: {  	s2 =	sld [smem:$0x3FA8]  }
0x29: {  	s4 =	sld [smem:$0x3FAA]  }
0x2a: {  	p0 =	seq.s32 s5, $0x0;
	s5 =	sld [smem:$0x3FAB]  }
0x2b: {  	s6 =	sld [smem:$0x3FAC]  }
0x2c: {  	s7 =	sld [smem:$0x3FAD]  }
0x2d: {  	s3 =	simm.s32 $0x108;
	s8 =	sld [smem:$0x3FAE]  }
0x2e: {  	s3 =	simm.s32 @!p0 $0x1082;
	s9 =	sld [smem:$0x3FAF]  }
0x2f: {  	lr =	sadd.s32 s0, s3;
	s0 =	sld [smem:$0x3FA6]  }
0x30: {  	s3 =	sld [smem:$0x3FA9]  }
0x31: {  	[smem:$0x3FB2] =	sst s10  }
0x32: {  	s10 =	sld [smem:$0x3FB0];
	_ =	sdelay $0x3  }
0x33: {  	p0 =	seq.s32 s10, $0x1;
	s10 =	sld [smem:$0x3FB2];
	_ =	sdelay $0x3  }
0x34: {  	[smem:$0x3FB2] =	sst s10  }
0x35: {  	s10 =	sld [smem:$0x3FB1];
	_ =	sdelay $0x3  }
0x36: {  	p1 =	seq.s32 s10, $0x1;
	s10 =	sld [smem:$0x3FB2];
	_ =	sdelay $0x3  }
0x37: {  	[smem:$0x3FB2] =	sst s10  }
0x38: {  	s10 =	sld [smem:$0x3FB3]  }
0x39: {  	_ = 	snop;
	(pc) =	sbr.ind lr, $3  }
0x3a: {  	_ = 	snop  }
0x3b: {  	_ = 	snop  }
0x3c: {  	p2 =	seq.s32 s10, $0x1;
	s10 =	sld [smem:$0x3FB2]  }
0x3d: {  	_ =	shalt  }
0x3e: {  	_ =	shalt  }
0x3f: {  	_ =	shalt  }
0x40: {  	_ =	shalt  }
0x41: {  	_ =	shalt  }
0x42: {  	_ =	shalt  }
0x43: {  	_ =	shalt  }
0x44: {  	_ =	shalt  }
0x45: {  	_ =	shalt  }
0x46: {  	_ =	shalt  }
0x47: {  	_ =	shalt  }
0x48: {  	_ =	shalt  }
0x49: {  	_ =	shalt  }
0x4a: {  	_ =	shalt  }
0x4b: {  	_ =	shalt  }
0x4c: {  	_ =	shalt  }
0x4d: {  	_ =	shalt  }
0x4e: {  	_ =	shalt  }
0x4f: {  	_ =	shalt  }
0x50: {  	_ =	shalt  }
0x51: {  	_ =	shalt  }
0x52: {  	_ =	shalt  }
0x53: {  	_ =	shalt  }
0x54: {  	_ =	shalt  }
0x55: {  	_ =	shalt  }
0x56: {  	_ =	shalt  }
0x57: {  	_ =	shalt  }
0x58: {  	_ =	shalt  }
0x59: {  	_ =	shalt  }
0x5a: {  	_ =	shalt  }
0x5b: {  	_ =	shalt  }
0x5c: {  	_ =	shalt  }
0x5d: {  	_ =	shalt  }
0x5e: {  	_ =	shalt  }
0x5f: {  	_ =	shalt  }
0x60: {  	_ =	shalt  }
0x61: {  	_ =	shalt  }
0x62: {  	_ =	shalt  }
0x63: {  	_ =	shalt  }
0x64: {  	_ =	shalt  }
0x65: {  	_ =	shalt  }
0x66: {  	_ =	shalt  }
0x67: {  	_ =	shalt  }
0x68: {  	_ =	shalt  }
0x69: {  	_ =	shalt  }
0x6a: {  	_ =	shalt  }
0x6b: {  	_ =	shalt  }
0x6c: {  	_ =	shalt  }
0x6d: {  	_ =	shalt  }
0x6e: {  	_ =	shalt  }
0x6f: {  	_ =	shalt  }
0x70: {  	_ =	shalt  }
0x71: {  	_ =	shalt  }
0x72: {  	_ =	shalt  }
0x73: {  	_ =	shalt  }
0x74: {  	_ =	shalt  }
0x75: {  	_ =	shalt  }
0x76: {  	_ =	shalt  }
0x77: {  	_ =	shalt  }
0x78: {  	_ =	shalt  }
0x79: {  	_ =	shalt  }
0x7a: {  	_ =	shalt  }
0x7b: {  	_ =	shalt  }
0x7c: {  	_ =	shalt  }
0x7d: {  	_ =	shalt  }
0x7e: {  	_ =	shalt  }
0x7f: {  	_ =	shalt  }
0x80: {  	_ =	shalt  }
0x81: {  	_ =	shalt  }
0x82: {  	_ =	shalt  }
0x83: {  	_ =	shalt  }
0x84: {  	_ =	shalt  }
0x85: {  	_ =	shalt  }
0x86: {  	_ =	shalt  }
0x87: {  	_ =	shalt  }
.Lfunc_end0:
.L_simem_size_0:
called_computation_lowered:
.L_overlay_start_0:
0x88: {  	s2 =	sld [smem:$0x3FD9]  }
0x89: {  	s3 =	sld [smem:$0x3FFE];
	_ =	sdelay $0x1  }
0x8a: {  	s1 =	srdreg.scid  }
0x8b: {  	s0 =	sand.u32 $0x1, s1  }
0x8c: {  	s15 =	sshll.u32 s0, $0xA;
	s2 =	sadd.s32 s3, s2  }
0x8d: {  	s2 =	sadd.s32 s2, s15  }
0x8e: {  	[smem:$0x3FBE] =	sst s2  }
0x8f: {  	_ = 	snop  }
0x90: {  	(tm) =	ssettm $0x1  }
0x91: {  	s16 =	sld [smem:$0x3FFB];
	_ =	sdelay $0x3  }
0x92: {  	_ =	strace s16  }
0x93: {  	s2 =	sld [smem:$0x3FFC];
	_ =	sdelay $0x3  }
0x94: {  	_ =	strace s2  }
0x95: {  	s2 =	sld [smem:$0x3FFD];
	_ =	sdelay $0x3  }
0x96: {  	_ =	strace s2  }
0x97: {  	_ =	strace $0x8FFFFFFF  }
0x98: {  	s17 =	sld [smem:$0x3FDB];
	_ =	sdelay $0x1  }
0x99: {  	s18 =	simm.s32 $_scs_section_size  }
0x9a: {  	s4 =	simm.s32 $_size__tile_overlayer_lowered;
	s5 =	simm.s32 $_tile_overlayer_lowered  }
0x9b: {  	s21 =	simm.s32 $0x1BFF;
	s20 =	sshll.u32 s5, $0x1;
	s2 =	sadd.s32 s18, s17  }
0x9c: {  	s6 =	simm.s32 $0x0;
	s19 =	sshll.u32 s4, $0x1;
	s4 =	sadd.s32 s20, s2  }
0x9d: {  	[timem:s6], [sflag:s21] =	dma.local [hbm:s4], s19  }
0x9e: {  	_ =	swait.ge [sflag:s21], s19  }
0x9f: {  	s3 =	ssub.s32 $0x0, s19;
	[sflag:s21] =	ssyncset.done $0x0  }
0xa0: {  	[sflag:s21] =	ssyncadd.s32 s3;
	_ =	sdelay $0x1  }
0xa1: {  	s22 =	simm.s32 $0x1B8B  }
0xa2: {  	_ =	swait.ge [sflag:s22], $0x1  }
0xa3: {  	[sflag:s22] =	ssyncset.done $0x0  }
0xa4: {  	s23 =	sld [smem:$0x3FFE];
	[sflag:s22] =	ssyncadd.s32 $0xFFFFFFFF  }
0xa5: {  	s25 =	simm.s32 $0x1B8E;
	s24 =	sld [smem:$0x0]  }
0xa6: {  	s26 =	simm.s32 $execute0_lowered;
	[smem:$0x3FD2] =	sst s25  }
0xa7: {  	s5 =	sshll.u32 s26, $0x1;
	_ =	strace $0x80000046;
	[dreg:$0x1] =	wrdreg $0xFFFFFFFF  }
0xa8: {  	s28 =	simm.s32 $_size_execute0_lowered;
	s2 =	sadd.s32 s2, s5;
	[dreg:$0x0] =	wrdreg $0x0  }
0xa9: {  	s5 =	sshll.u32 s28, $0x1;
	[dreg:$0x2] =	wrdreg s2  }
0xaa: {  	[dreg:$0x3] =	wrdreg s5  }
0xab: {  	[dreg:$0x4] =	wrdreg $0xC0  }
0xac: {  	_ =	task [dreg:s6], $0x5FFFF  }
0xad: {  	[dreg:$0x1] =	wrdreg $0xFFFFFFFF  }
0xae: {  	[dreg:$0x0] =	wrdreg $0x60  }
0xaf: {  	[dreg:$0x2] =	wrdreg s23  }
0xb0: {  	[dreg:$0x3] =	wrdreg s1  }
0xb1: {  	[dreg:$0x4] =	wrdreg s24  }
0xb2: {  	[dreg:$0x5] =	wrdreg $0x9  }
0xb3: {  	_ =	task.clear_ibuf [dreg:s6], $0x6FFFF;
	_ =	strace $0x90000046  }
0xb4: {  	s29 =	simm.s32 $0x9;
	_ =	strace $0x80000048  }
0xb5: {  	_ =	swait.ge [sflag:s29], $0x1  }
0xb6: {  	[sflag:s29] =	ssyncadd.s32 $0xFFFFFFFF  }
0xb7: {  	_ =	strace $0x90000048  }
0xb8: {  	_ =	sfence  }
0xb9: {  	s30 =	sld [smem:$0x0];
	_ =	sdelay $0x2  }
0xba: {  	s31 =	sshll.u32 s1, $0xD;
	s1 =	sshrl.u32 s1, $0x2  }
0xbb: {  	s3 =	sand.u32 $0x4000, s31;
	s1 =	sadd.s32 s1, s30  }
0xbc: {  	s0 =	sor.u32 s3, s0;
	s1 =	sshll.u32 s1, $0x11  }
0xbd: {  	s0 =	sor.u32 s1, s0  }
0xbe: {  	s0 =	sadd.s32 $0x8F2B, s0  }
0xbf: {  	[sflag:s0] =	ssyncadd.remote.s32 $0x1  }
0xc0: {  	_ =	sfence.sel $0xFFFF  }
0xc1: {  	[dreg:$0x0] =	wrdreg $0xFFFFFFFF;
	(pc) =	sbr.abs _section_cstart, $3  }
0xc2: {  	[dreg:$0x1] =	wrdreg $0xFFFFFFFF  }
0xc3: {  	_ =	task.clear_ibuf [dreg:s6], $0x2FFFF;
	_ =	strace $0x9FFFFFFF  }
0xc4: {  	(tm) =	ssettm $0x7FFFFFFF  }
0xc5: {  	_ =	shalt  }
tec
execute0_lowered:
.L_overlay_start_1:
0x0: {  	(tag) =	ssettag $0x1  }
0x1: {  	s2 =	rddreg [dreg:$0x0]  }
0x2: {  	s3 =	rddreg [dreg:$0x1];
	_ =	strace $0x80000047;
	s0 =	simm.s32 $0x1  }
0x3: {  	v0 =	vimm.s32 $0x0;
	[sflag:s0] =	ssyncpa.u1 $0x0;
	s0 =	simm.s32 $0x108  }
0x4: {  	[tilespmem:s0+$0x70] =	vst v0  }
0x5: {  	[tilespmem:s0+$0x60] =	vst v0  }
0x6: {  	[tilespmem:s0+$0x50] =	vst v0  }
0x7: {  	[tilespmem:s0+$0x40] =	vst v0  }
0x8: {  	[tilespmem:s0+$0x30] =	vst v0  }
0x9: {  	s1 =	sadd.s32 $0x20000, s2;
	s15 =	sadd.s32 $0x529200, s2;
	s6 =	sadd.s32 $0x47200, s2;
	[tilespmem:s0+$0x20] =	vst v0  }
0xa: {  	s14 =	sadd.s32 $0x533000, s2;
	s5 =	sand.u32 $0x1, s3;
	s3 =	simm.s32 $0x40;
	[tilespmem:s0+$0x10] =	vst v0  }
.LBB2_1:
0xb: {  	s3 =	sadd.s32 $0x40, s3;
	[tilespmem:s0+$0x0] =	vst v0;
	s0 =	sadd.s32 $0x80, s0  }
0xc: {  	p0 =	slt.u32 s3, $0x3C40;
	[tilespmem:s0+$0x70] =	vst v0  }
0xd: {  	[tilespmem:s0+$0x60] =	vst v0  }
.Ltmp0:
0xe: {  	[tilespmem:s0+$0x50] =	vst v0;
	(pc) =	sbr.rel @p0 .LBB2_1-.Ltmp0, $4  }
0xf: {  	[tilespmem:s0+$0x40] =	vst v0  }
0x10: {  	[tilespmem:s0+$0x30] =	vst v0  }
0x11: {  	[tilespmem:s0+$0x20] =	vst v0  }
0x12: {  	[tilespmem:s0+$0x10] =	vst v0  }
0x13: {  	s9 =	stileid.u32  }
0x14: {  	s2 =	smul.u32 $0x29, s9  }
0x15: {  	s3 =	smin.u32 s9, $0xB  }
0x16: {  	s2 =	sadd.s32 s3, s2  }
0x17: {  	p0 =	slt.u32 s9, $0xB;
	s7 =	smul.u32 $0xF0, s2;
	s2 =	simm.s32 $0x2760  }
0x18: {  	s2 =	simm.s32 @!p0 $0x2670  }
0x19: {  	s2 =	sadd.s32 s2, s7  }
0x1a: {  	s8 =	smin.u32 s2, $0x27100  }
0x1b: {  	s2 =	ssub.s32 s8, s7  }
0x1c: {  	p0 =	sgt.s32 s2, $0x0  }
0x1d: {  	s29 =	simm.s32 $0x2;
	s10 =	simm.s32 $0x9;
	s2 =	simm.s32 @!p0 $0x0  }
0x1e: {  	s4 =	simm.s32 $0xA;
	s11 =	simm.s32 $0xB;
	s28 =	smulhi.u32 $0x88888889, s2  }
0x1f: {  	[dreg:$0x4] =	wrdreg s5;
	s31 =	smul.u32 $0x4E20, s5;
	s12 =	simm.s32 $0x1  }
0x20: {  	s22 =	simm.s32 $0x0;
	s18 =	simm.s32 $0xC;
	s30 =	sshrl.u32 s28, $0x7  }
0x21: {  	s20 =	simm.s32 $0x0;
	s21 =	simm.s32 $0x0;
	s3 =	smul.u32 $0xF0, s30  }
.Ltmp1:
0x22: {  	[tilespmem:s0+$0x0] =	vst v0;
	v0 =	vimm.s32 $0xFFFFFFFF;
	[sflag:s29] =	ssyncpa.u1 $0x0;
	s16 =	sshll.u32 s9, $0x8;
	(pc) =	sbr.rel .LBB2_3-.Ltmp1, $4  }
0x23: {  	[tilespmem:$0xF208] =	vst v0;
	[sflag:s10] =	ssyncpa.u1 $0x0;
	p0 =	sne.s32 s2, s3;
	s2 =	simm.s32 $0x1  }
0x24: {  	s14 =	sadd.s32 s31, s14;
	[sflag:s4] =	ssyncpa.u1 $0x0;
	s2 =	simm.s32 @!p0 $0x0  }
0x25: {  	s15 =	sadd.s32 s31, s15;
	[sflag:s11] =	ssyncpa.u1 $0x0;
	s13 =	sadd.s32 s2, s30  }
0x26: {  	v0 =	vlaneseq.u32;
	s19 =	smov.u32 s7;
	p0 =	por $0x0, $0x0;
	s17 =	sadd.s32 $0x1, s13  }
.LBB2_18:
0x27: {  	s0 =	sshrl.u32 s31, $0x2  }
.LBB2_20:
0x28: {  	_ =	swait.ge [sflag:s18], s0  }
0x29: {  	s31 =	ssub.s32 $0x0, s0;
	v1 =	vmov s24;
	vm0 =	veq.s32 v0, $0x0;
	[sflag:s18] =	ssyncset.done $0x0  }
0x2a: {  	vm15 =	veq.s32 v0, $0x2;
	v1 =	vsel vm0, s30, v1;
	[sflag:s18] =	ssyncadd.s32 s31  }
0x2b: {  	v1 =	vsel vm15, s22, v1;
	[sflag:s18] =	ssyncpa.u1 $0x1  }
0x2c: {  	[tilespmem:$0xF208] =	vst v1  }
.LBB2_21:
0x2d: {  	s0 =	sadd.s32 $0xF0, s19  }
0x2e: {  	s2 =	smov.u32 s7;
	p1 =	slt.s32 s0, s8  }
0x2f: {  	s2 =	smov.u32 @p1 s0;
	p1 =	sne.s32 s21, s17  }
.Ltmp2:
0x30: {  	_ = 	snop;
	(pc) =	sbr.rel @!p1 .LBB2_22-.Ltmp2, $3  }
0x31: {  	_ =	sdelay $0x1  }
0x32: {  	s22 =	smov.u32 s20;
	s31 =	sadd.s32 $0x1, s21;
	s20 =	smov.u32 s19  }
0x33: {  	p0 =	por !p0, !p0;
	s21 =	smov.u32 s31;
	s19 =	smov.u32 s2  }
.LBB2_3:
0x34: {  	p1 =	sge.u32 s21, s13  }
0x35: {  	s0 =	smulhi.u32 @!p1 $0xAAAAAAAB, s21  }
0x36: {  	s2 =	smov.u32 s19;
	p2 =	sgt.s32 @!p1 s19, $0x27010  }
0x37: {  	s3 =	sshra.s32 @!p1 s19, $0x1F;
	p2 =	por !p2, p1;
	s0 =	sshrl.u32 @!p1 s0, $0x1  }
0x38: {  	s3 =	sand.u32 @!p1 s3, s19;
	s2 =	simm.s32 @p2 $0x27010;
	s0 =	smul.u32 @!p1 $0x3, s0  }
0x39: {  	s2 =	ssub.s32 @!p1 s2, s3  }
0x3a: {  	s2 =	sadd.s32 @!p1 $0xFFFD8FF0, s2;
	s0 =	ssub.s32 @!p1 s21, s0  }
0x3b: {  	s3 =	sshll.u32 @!p1 s2, $0x2;
	p2 =	sgt.s32 @!p1 s2, $0xEF;
	s0 =	smul.u32 @!p1 $0x3C0, s0  }
0x3c: {  	s4 =	sand.u32 @!p1 $0x7, s19;
	s2 =	ssub.s32 @!p1 $0x3C0, s3;
	p2 =	por !p2, p1  }
0x3d: {  	s3 =	sshrl.u32 @!p1 s19, $0x3;
	s2 =	sshrl.u32 @!p1 s2, $0x2;
	s0 =	sshrl.u32 @!p1 s0, $0x2  }
0x3e: {  	s3 =	sadd.s32 @!p1 s3, s14;
	s2 =	simm.s32 @!p2 $0x0;
	s0 =	sadd.s32 @!p1 $0x10248, s0  }
0x3f: {  	[tilespmem:s0], [sflag:$0xA] =	stream.linear.gather @!p1 [hbm4b:s3+s4], s2, $0x38;
	[tilespmem:$0x1F6F8] =	vst v63  }
0x40: {  	s0 =	sadd.s32 $0xFFFFFFFF, s21  }
0x41: {  	p1 =	sge.u32 s0, s13  }
0x42: {  	p2 =	sgt.s32 @!p1 s20, $0x27010  }
0x43: {  	s2 =	smov.u32 s20;
	s3 =	sshra.s32 @!p1 s20, $0x1F;
	p2 =	por !p2, p1  }
0x44: {  	s3 =	sand.u32 @!p1 s3, s20;
	s2 =	simm.s32 @p2 $0x27010  }
0x45: {  	s2 =	ssub.s32 @!p1 s2, s3  }
0x46: {  	s2 =	sadd.s32 @!p1 $0xFFFD8FF0, s2  }
0x47: {  	s4 =	sand.u32 @!p1 $0x1, s0;
	s3 =	sshll.u32 @!p1 s2, $0x2  }
0x48: {  	p2 =	sgt.s32 @!p1 s2, $0xEF;
	s2 =	ssub.s32 @!p1 $0x3C0, s3;
	s3 =	smulhi.u32 @!p1 $0xAAAAAAAB, s0  }
0x49: {  	s23 =	smul.u32 @!p1 $0x3C0, s4;
	p2 =	por !p2, p1;
	s2 =	sshrl.u32 @!p1 s2, $0x2  }
0x4a: {  	s5 =	simm.s32 @!p1 $0xA;
	s2 =	simm.s32 @!p2 $0x0;
	s3 =	sshrl.u32 @!p1 s3, $0x1  }
0x4b: {  	s23 =	sshrl.u32 @!p1 s23, $0x2;
	_ =	swait.ge @!p1 [sflag:s5], s2;
	s3 =	smul.u32 @!p1 $0x3, s3  }
0x4c: {  	s23 =	sadd.s32 @!p1 $0x10518, s23;
	s24 =	ssub.s32 @!p1 $0x0, s2;
	[sflag:s5] =	ssyncset.done @!p1 $0x0  }
0x4d: {  	[sflag:s5] =	ssyncadd.s32 @!p1 s24;
	s5 =	sshrl.u32 @!p1 s20, $0x3;
	s0 =	ssub.s32 @!p1 s0, s3  }
0x4e: {  	s24 =	sand.u32 @!p1 $0x7, s20;
	s5 =	sadd.s32 @!p1 s5, s15;
	s0 =	smul.u32 @!p1 $0x3C0, s0  }
0x4f: {  	[tilespmem:s23], [sflag:$0xB] =	stream.linear.gather @!p1 [hbm4b:s5+s24], s2, $0x38;
	[tilespmem:$0x1F6F8] =	vst v63  }
0x50: {  	s3 =	ssub.s32 @!p1 $0x27100, s20;
	s2 =	smul.u32 @!p1 $0x1E000, s4  }
0x51: {  	p2 =	slt.s32 @!p1 s3, $0xF0  }
0x52: {  	p2 =	por !p2, p1;
	s0 =	sshrl.u32 @!p1 s0, $0x2;
	s2 =	sshrl.u32 @!p1 s2, $0x2  }
0x53: {  	s3 =	simm.s32 @p2 $0xF0;
	s0 =	sadd.s32 @!p1 $0x10248, s0;
	s2 =	sor.u32 @!p1 $0x106F8, s2  }
0x54: {  	[tilespmem:s2], [sflag:$0x9] =	stream.indirect.gather @!p1 [hbm4b:s6+s3], $0x80, s0, s3, $0xb8;
	[tilespmem:$0x1F6F8] =	vst v63  }
0x55: {  	p1 =	slt.u32 s21, $0x2  }
.Ltmp3:
0x56: {  	_ = 	snop;
	(pc) =	sbr.rel @p1 .LBB2_21-.Ltmp3, $1  }
0x57: {  	_ =	sdelay $0x3  }
0x58: {  	p1 =	sgt.s32 s22, $0x27010  }
0x59: {  	s0 =	smov.u32 s22;
	s2 =	sshra.s32 s22, $0x1F;
	s3 =	ssub.s32 $0x27100, s22  }
0x5a: {  	s0 =	simm.s32 @!p1 $0x27010;
	s2 =	sand.u32 s2, s22;
	p1 =	slt.s32 s3, $0xF0  }
0x5b: {  	s0 =	ssub.s32 s0, s2;
	s3 =	simm.s32 @!p1 $0xF0  }
0x5c: {  	s0 =	sadd.s32 $0xFFFD8FF0, s0;
	s25 =	sshll.u32 s3, $0x7  }
0x5d: {  	s26 =	sshll.u32 s0, $0x2;
	s2 =	sand.u32 $0x3FFFFF80, s25  }
0x5e: {  	p1 =	sgt.s32 s0, $0xEF;
	s29 =	ssub.s32 $0x3C0, s26;
	_ =	swait.ge [sflag:s10], s2  }
0x5f: {  	s2 =	ssub.s32 $0x0, s2;
	[sflag:s10] =	ssyncset.done $0x0;
	s0 =	sshrl.u32 s29, $0x2  }
0x60: {  	[sflag:s10] =	ssyncadd.s32 s2;
	s0 =	simm.s32 @p1 $0x0  }
0x61: {  	_ =	swait.ge [sflag:s11], s0  }
0x62: {  	s0 =	ssub.s32 $0x0, s0;
	[sflag:s11] =	ssyncset.done $0x0  }
0x63: {  	[sflag:s11] =	ssyncadd.s32 s0  }
0x64: {  	v1 =	vld [tilespmem:$0xF208];
	_ =	sdelay $0x4  }
0x65: {  	(v2sf) =	vpush v1, $0x0  }
0x66: {  	(v2sf) =	vpush v1, $0x1  }
0x67: {  	(v2sf) =	vpush v1, $0x2;
	_ =	sdelay $0x3  }
0x68: {  	s0 =	sadd.s32 $0xF0, s22  }
0x69: {  	s2 =	ssub.s32 $0x4E200, s22;
	p1 =	slt.s32 s8, s0  }
0x6a: {  	s0 =	smov.u32 @p1 s8;
	p1 =	sgt.s32 s2, $0x0  }
0x6b: {  	s26 =	ssub.s32 s0, s22;
	s2 =	simm.s32 @!p1 $0x0  }
0x6c: {  	p1 =	slt.s32 s2, s26  }
0x6d: {  	s26 =	smov.u32 @p1 s2  }
0x6e: {  	s25 =	simm.s32 $0x1;
	p1 =	slt.s32 s26, $0x1  }
.Ltmp4:
0x6f: {  	s25 =	simm.s32 @!p0 $0x0;
	(pc) =	sbr.rel @p1 .LBB2_8-.Ltmp4, $4  }
0x70: {  	s31 =	smul.u32 $0x3C0, s25  }
0x71: {  	s28 =	spop (v2sf)  }
0x72: {  	s0 =	sshrl.u32 s31, $0x2;
	s30 =	spop (v2sf)  }
0x73: {  	s23 =	sadd.s32 $0x10518, s0;
	s22 =	spop (v2sf)  }
0x74: {  	s0 =	smin.u32 s26, $0x10  }
0x75: {  	v1 =	vmov s0  }
0x76: {  	p2 =	sgt.s32 s26, $0x10;
	vm1 =	vgt.u32 v1, v0  }
.Ltmp5:
0x77: {  	_ = 	snop;
	(pc) =	sbr.rel @!p2 .LBB2_7-.Ltmp5, $2  }
0x78: {  	_ =	sdelay $0x2  }
0x79: {  	s4 =	simm.s32 $0x10;
	s24 =	sadd.s32 $0xFFFFFFF0, s26;
	s0 =	smov.u32 s23;
	vm0 =	vmmov vm1  }
.LBB2_6:
0x7a: {  	s2 =	smin.u32 s24, $0x10;
	s4 =	sadd.s32 $0x10, s4;
	v1 =	vld.msk [tilespmem:s0+$0x0 ss:$0x1], vm1  }
0x7b: {  	v2 =	vmov s2;
	p2 =	slt.s32 s4, s26  }
0x7c: {  	vm1 =	vgt.u32 v2, v0  }
.Ltmp6:
0x7d: {  	(pc) =	sbr.rel @p2 .LBB2_6-.Ltmp6, $3  }
0x7e: {  	_ =	sdelay $0x1  }
0x7f: {  	v1 =	vshll.u32 v1, $0x4  }
0x80: {  	s24 =	sadd.s32 $0xFFFFFFF0, s24;
	[tilespmem:s0+$0x0] =	vst.msk vm0, v1;
	s0 =	sadd.s32 $0x10, s0;
	vm0 =	vmmov vm1  }
.LBB2_7:
0x81: {  	_ =	sdelay $0x4  }
0x82: {  	v1 =	vld.msk [tilespmem:s0+$0x0 ss:$0x1], vm1;
	_ =	sdelay $0x4  }
0x83: {  	v1 =	vshll.u32 v1, $0x4  }
0x84: {  	[tilespmem:s0+$0x0] =	vst.msk vm0, v1  }
.LBB2_8:
0x85: {  	s0 =	sand.u32 $0x1, s21  }
0x86: {  	s0 =	smul.u32 $0xF0, s0  }
0x87: {  	p2 =	sne.s32 s30, $0xFFFFFFFF  }
0x88: {  	v1 =	vld.msk @!p2 [tilespmem:s0+$0x10518], $0x1;
	_ =	sdelay $0x4  }
0x89: {  	(v2sf) =	vpush @!p2 v1, $0x0;
	_ =	sdelay $0xc  }
.Ltmp7:
0x8a: {  	_ = 	snop;
	(pc) =	sbr.rel @p1 .LBB2_19-.Ltmp7, $4  }
0x8b: {  	_ = 	snop  }
0x8c: {  	s29 =	spop @!p2 (v2sf)  }
0x8d: {  	s22 =	simm.s32 @!p2 $0x0;
	s24 =	smov.u32 s29  }
0x8e: {  	[sflag:s18] =	ssyncpa.u1 $0x0;
	s29 =	smov.u32 @p2 s28;
	s24 =	smov.u32 @p2 s30  }
0x8f: {  	v1 =	vld.msk [tilespmem:s23+$0x0], $0x1;
	_ =	sdelay $0x4  }
0x90: {  	(v2sf) =	vpush v1, $0x0;
	_ =	sdelay $0xe  }
0x91: {  	s2 =	smul.u32 $0x1E000, s25;
	s0 =	spop (v2sf)  }
0x92: {  	s26 =	ssub.s32 $0x0, s26;
	p1 =	seq.s32 s29, s0  }
0x93: {  	s30 =	sadd.s32 $0x1, s26;
	s2 =	sshrl.u32 s2, $0x2;
	p2 =	sgt.s32 @!p1 s29, $0x0  }
0x94: {  	s25 =	sor.u32 $0x10738, s2;
	s2 =	smov.u32 s29;
	p2 =	por !p2, p1  }
0x95: {  	s2 =	simm.s32 @p2 $0x0;
	p2 =	seq.s32 s30, $0x0  }
.Ltmp8:
0x96: {  	_ = 	snop;
	(pc) =	sbr.rel @p2 .LBB2_11-.Ltmp8, $4  }
0x97: {  	_ = 	snop  }
0x98: {  	s28 =	simm.s32 $0x0;
	s31 =	sadd.s32 $0x1, s23;
	s2 =	smin.u32 @!p1 s2, $0x270F0  }
0x99: {  	s4 =	simm.s32 @!p1 $0x1;
	s5 =	simm.s32 @!p1 $0x7988;
	s3 =	sand.u32 @!p1 $0x3FFF8, s2  }
0x9a: {  	s4 =	smov.u32 @p1 s28;
	s2 =	sand.u32 @!p1 $0x7, s2;
	s3 =	sadd.s32 @!p1 s1, s3  }
.LBB2_10:
0x9b: {  	s9 =	smov.u32 s4  }
0x9c: {  	[tilespmem:s5], [sflag:$0x2] =	stream.linear.gather @!p1 [hbm4b:s3+s2], $0x80, $0x38;
	[tilespmem:$0x1F6F8] =	vst v63  }
0x9d: {  	s30 =	sadd.s32 $0x1, s30;
	s2 =	smov.u32 s0;
	v1 =	vld.msk [tilespmem:s31+$0x0], $0x1  }
0x9e: {  	p2 =	seq.s32 s30, $0x0;
	_ =	sdelay $0x3  }
0x9f: {  	(v2sf) =	vpush v1, $0x0;
	_ =	sdelay $0xe  }
0xa0: {  	s0 =	spop (v2sf)  }
0xa1: {  	p1 =	seq.s32 s2, s0  }
0xa2: {  	p3 =	sgt.s32 @!p1 s2, $0x0;
	s3 =	sshll.u32 @!p1 s4, $0x9;
	s4 =	sadd.s32 @!p1 $0x1, s4  }
.Ltmp9:
0xa3: {  	p3 =	por !p3, p1;
	s3 =	sshra.s32 @!p1 s3, $0x2;
	(pc) =	sbr.rel @!p2 .LBB2_10-.Ltmp9, $4  }
0xa4: {  	s4 =	smov.u32 @p1 s9;
	s2 =	simm.s32 @p3 $0x0;
	s5 =	sadd.s32 @!p1 $0x7988, s3  }
0xa5: {  	s2 =	smin.u32 @!p1 s2, $0x270F0  }
0xa6: {  	s3 =	sand.u32 @!p1 $0x3FFF8, s2;
	s2 =	sand.u32 @!p1 $0x7, s2  }
0xa7: {  	s31 =	sadd.s32 $0x1, s31;
	s3 =	sadd.s32 @!p1 s1, s3  }
.LBB2_11:
0xa8: {  	[tilespmem:s5], [sflag:$0x2] =	stream.linear.gather @!p1 [hbm4b:s3+s2], $0x80, $0x38;
	[tilespmem:$0x1F6F8] =	vst v63  }
.Ltmp10:
0xa9: {  	s0 =	sshll.u32 s4, $0x7;
	(pc) =	sbr.rel .LBB2_12-.Ltmp10, $4  }
0xaa: {  	s30 =	simm.s32 $0x2;
	s0 =	sand.u32 $0x3FFFFF80, s0  }
0xab: {  	_ =	swait.ge [sflag:s30], s0  }
0xac: {  	s0 =	ssub.s32 $0x0, s0;
	[sflag:s30] =	ssyncset.done $0x0  }
0xad: {  	s31 =	simm.s32 $0x0;
	[sflag:s30] =	ssyncadd.s32 s0  }
.LBB2_13:
0xae: {  	v1 =	vld [tilespmem:s25+$0xFFFFFFC0];
	_ =	sdelay $0x3  }
0xaf: {  	s0 =	sshra.s32 s0, $0x2  }
0xb0: {  	[tilespmem:s0+$0x108] =	vst.add.f32.msk $0xffff, v1  }
0xb1: {  	v1 =	vld [tilespmem:s25+$0xFFFFFFD0];
	_ =	sdelay $0x4  }
0xb2: {  	[tilespmem:s0+$0x118] =	vst.add.f32.msk $0xffff, v1  }
0xb3: {  	v1 =	vld [tilespmem:s25+$0xFFFFFFE0];
	_ =	sdelay $0x4  }
0xb4: {  	[tilespmem:s0+$0x128] =	vst.add.f32.msk $0xffff, v1  }
0xb5: {  	v1 =	vld [tilespmem:s25+$0xFFFFFFF0];
	_ =	sdelay $0x4  }
0xb6: {  	[tilespmem:s0+$0x138] =	vst.add.f32.msk $0xffff, v1  }
0xb7: {  	v1 =	vld [tilespmem:s25+$0x0];
	_ =	sdelay $0x4  }
0xb8: {  	[tilespmem:s0+$0x148] =	vst.add.f32.msk $0xffff, v1  }
0xb9: {  	v1 =	vld [tilespmem:s25+$0x10];
	_ =	sdelay $0x4  }
0xba: {  	[tilespmem:s0+$0x158] =	vst.add.f32.msk $0xffff, v1  }
0xbb: {  	v1 =	vld [tilespmem:s25+$0x20];
	_ =	sdelay $0x4  }
0xbc: {  	[tilespmem:s0+$0x168] =	vst.add.f32.msk $0xffff, v1  }
0xbd: {  	v1 =	vld [tilespmem:s25+$0x30];
	_ =	sdelay $0x4  }
0xbe: {  	[tilespmem:s0+$0x178] =	vst.add.f32.msk $0xffff, v1  }
.LBB2_17:
0xbf: {  	s26 =	sadd.s32 $0x1, s26  }
0xc0: {  	p1 =	seq.s32 s26, $0x0  }
.Ltmp11:
0xc1: {  	_ = 	snop;
	(pc) =	sbr.rel @p1 .LBB2_18-.Ltmp11, $2  }
0xc2: {  	_ =	sdelay $0x2  }
0xc3: {  	s23 =	sadd.s32 $0x1, s23;
	s25 =	sadd.s32 $0x80, s25;
	s29 =	smov.u32 s30  }
.LBB2_12:
0xc4: {  	v1 =	vld.msk [tilespmem:s23+$0x0], $0x1;
	_ =	sdelay $0x4  }
0xc5: {  	(v2sf) =	vpush v1, $0x0;
	_ =	sdelay $0xe  }
0xc6: {  	s30 =	spop (v2sf)  }
0xc7: {  	p1 =	sne.s32 s29, s30  }
.Ltmp12:
0xc8: {  	_ = 	snop;
	(pc) =	sbr.rel @!p1 .LBB2_13-.Ltmp12, $2  }
0xc9: {  	_ =	sdelay $0x2  }
0xca: {  	s0 =	sshll.u32 s22, $0x9  }
0xcb: {  	p1 =	seq.s32 s29, s24  }
.Ltmp13:
0xcc: {  	_ = 	snop;
	(pc) =	sbr.rel @!p1 .LBB2_15-.Ltmp13, $1  }
0xcd: {  	_ =	sdelay $0x3  }
0xce: {  	s0 =	sshra.s32 s0, $0x2  }
.Ltmp14:
0xcf: {  	s0 =	sadd.s32 $0x108, s0;
	(pc) =	sbr.rel .LBB2_16-.Ltmp14, $4  }
0xd0: {  	[spmem:s16] =	stream.linear.scatter [tilespmem:s0], [sflag:$0x1], $0x80, $0x38;
	[tilespmem:$0x1F6F8] =	vst v63  }
0xd1: {  	_ =	swait.ge [sflag:s12], $0x80  }
0xd2: {  	[sflag:s12] =	ssyncset.done $0x0  }
0xd3: {  	[sflag:s12] =	ssyncadd.s32 $0xFFFFFF80  }
.LBB2_15:
0xd4: {  	s2 =	sshll.u32 s28, $0x9  }
0xd5: {  	s2 =	sshra.s32 s2, $0x2  }
0xd6: {  	v1 =	vld [tilespmem:s2+$0x7988];
	_ =	sdelay $0x3  }
0xd7: {  	s0 =	sshra.s32 s0, $0x2  }
0xd8: {  	[tilespmem:s0+$0x108] =	vst.add.f32.msk $0xffff, v1  }
0xd9: {  	v1 =	vld [tilespmem:s2+$0x7998];
	_ =	sdelay $0x4  }
0xda: {  	[tilespmem:s0+$0x118] =	vst.add.f32.msk $0xffff, v1  }
0xdb: {  	v1 =	vld [tilespmem:s2+$0x79A8];
	_ =	sdelay $0x4  }
0xdc: {  	[tilespmem:s0+$0x128] =	vst.add.f32.msk $0xffff, v1  }
0xdd: {  	v1 =	vld [tilespmem:s2+$0x79B8];
	_ =	sdelay $0x4  }
0xde: {  	[tilespmem:s0+$0x138] =	vst.add.f32.msk $0xffff, v1  }
0xdf: {  	v1 =	vld [tilespmem:s2+$0x79C8];
	_ =	sdelay $0x4  }
0xe0: {  	[tilespmem:s0+$0x148] =	vst.add.f32.msk $0xffff, v1  }
0xe1: {  	v1 =	vld [tilespmem:s2+$0x79D8];
	_ =	sdelay $0x4  }
0xe2: {  	[tilespmem:s0+$0x158] =	vst.add.f32.msk $0xffff, v1  }
0xe3: {  	v1 =	vld [tilespmem:s2+$0x79E8];
	_ =	sdelay $0x4  }
0xe4: {  	[tilespmem:s0+$0x168] =	vst.add.f32.msk $0xffff, v1  }
0xe5: {  	v1 =	vld [tilespmem:s2+$0x79F8];
	_ =	sdelay $0x2  }
0xe6: {  	p1 =	sgt.u32 s29, $0x270F0  }
0xe7: {  	s2 =	sand.u32 @!p1 $0x3FFF8, s29  }
0xe8: {  	s3 =	sadd.s32 $0x108, s0;
	[tilespmem:s0+$0x178] =	vst.add.f32.msk $0xffff, v1;
	s0 =	sadd.s32 @!p1 s1, s2;
	s2 =	sand.u32 @!p1 $0x7, s29  }
0xe9: {  	[hbm4b:s0+s2] =	stream.linear.scatter @!p1 [tilespmem:s3], [sflag:$0xC], $0x80, $0x38;
	[tilespmem:$0x1F6F8] =	vst v63  }
0xea: {  	s0 =	simm.s32 $0x0  }
0xeb: {  	s0 =	simm.s32 @!p1 $0x200  }
0xec: {  	s31 =	sadd.s32 s0, s31  }
.LBB2_16:
0xed: {  	s0 =	sadd.s32 $0x1, s22  }
0xee: {  	s2 =	smulhi.u32 $0x88888889, s0;
	_ =	sdelay $0x1  }
0xef: {  	v1 =	vld [tilespmem:s25+$0xFFFFFFC0];
	s2 =	sshrl.u32 s2, $0x7  }
0xf0: {  	s2 =	smul.u32 $0xF0, s2;
	_ =	sdelay $0x1  }
0xf1: {  	s22 =	ssub.s32 s0, s2  }
0xf2: {  	s0 =	sshll.u32 s22, $0x7  }
0xf3: {  	[tilespmem:s0+$0x108] =	vst v1  }
0xf4: {  	v1 =	vld [tilespmem:s25+$0xFFFFFFD0];
	_ =	sdelay $0x4  }
0xf5: {  	[tilespmem:s0+$0x118] =	vst v1  }
0xf6: {  	v1 =	vld [tilespmem:s25+$0xFFFFFFE0];
	_ =	sdelay $0x4  }
0xf7: {  	[tilespmem:s0+$0x128] =	vst v1  }
0xf8: {  	v1 =	vld [tilespmem:s25+$0xFFFFFFF0];
	_ =	sdelay $0x4  }
0xf9: {  	[tilespmem:s0+$0x138] =	vst v1  }
0xfa: {  	v1 =	vld [tilespmem:s25+$0x0];
	_ =	sdelay $0x4  }
0xfb: {  	[tilespmem:s0+$0x148] =	vst v1  }
0xfc: {  	v1 =	vld [tilespmem:s25+$0x10];
	_ =	sdelay $0x4  }
0xfd: {  	[tilespmem:s0+$0x158] =	vst v1  }
0xfe: {  	v1 =	vld [tilespmem:s25+$0x20];
	_ =	sdelay $0x4  }
0xff: {  	[tilespmem:s0+$0x168] =	vst v1  }
0x100: {  	v1 =	vld [tilespmem:s25+$0x30]  }
.Ltmp15:
0x101: {  	_ = 	snop;
	(pc) =	sbr.rel .LBB2_17-.Ltmp15, $2  }
0x102: {  	_ =	sdelay $0x2  }
0x103: {  	s28 =	sadd.s32 $0x1, s28;
	[tilespmem:s0+$0x178] =	vst v1  }
.LBB2_19:
.Ltmp16:
0x104: {  	(pc) =	sbr.rel .LBB2_20-.Ltmp16, $4  }
0x105: {  	_ = 	snop  }
0x106: {  	s0 =	simm.s32 $0x2  }
0x107: {  	_ =	swait.ge [sflag:s0], $0x0  }
0x108: {  	s30 =	smov.u32 s29;
	[sflag:s0] =	ssyncset.done $0x0;
	s0 =	simm.s32 $0x0  }
.LBB2_22:
0x109: {  	_ =	sfence.sel $0x180000  }
0x10a: {  	s0 =	simm.s32 $0x9;
	[bflag:$0x0] =	sbarrier.arrive $0xFFFF  }
0x10b: {  	s24 =	simm.s32 $0xA;
	[sflag:s0] =	ssyncpa.u1 $0x1  }
0x10c: {  	s25 =	simm.s32 $0xB;
	[sflag:s24] =	ssyncpa.u1 $0x1  }
0x10d: {  	s26 =	simm.s32 $0x2;
	[sflag:s25] =	ssyncpa.u1 $0x1  }
0x10e: {  	[sflag:s26] =	ssyncpa.u1 $0x1  }
0x10f: {  	v0 =	vld [tilespmem:$0xF208];
	_ =	sdelay $0x4  }
0x110: {  	(v2sf) =	vpush v0, $0x0  }
0x111: {  	(v2sf) =	vpush v0, $0x1;
	_ =	sdelay $0x1  }
0x112: {  	(v2sf) =	vpush v0, $0x2;
	_ =	sdelay $0xb  }
0x113: {  	s0 =	spop (v2sf)  }
0x114: {  	s2 =	spop (v2sf)  }
0x115: {  	s3 =	smov.u32 s0;
	p0 =	sne.s32 s0, s2  }
0x116: {  	s4 =	spop (v2sf);
	s3 =	simm.s32 @!p0 $0xFFFFFFFF  }
0x117: {  	v2 =	vimm.s32 $0x1;
	v3 =	vlaneseq.u32;
	p0 =	seq.s32 s4, $0xFFFFFFFF;
	v1 =	vmov s3  }
0x118: {  	s16 =	stileid.u32;
	v0 =	vperm.xlane v0, v2;
	p1 =	sne.s32 @!p0 s0, s2;
	v1 =	vperm.xlane v1, v3  }
0x119: {  	vm0 =	vcmask $0x3F04;
	s6 =	simm.s32 $0xF208;
	s0 =	simm.s32 @!p0 $0x1;
	p1 =	por !p1, p0  }
0x11a: {  	s3 =	sshll.u32 s16, $0x1;
	s2 =	sshll.u32 @!p0 s4, $0x9;
	s0 =	simm.s32 @p1 $0x0;
	v0 =	vsel vm0, v1, v0  }
0x11b: {  	s5 =	sor.u32 $0x1000, s3;
	s2 =	sshra.s32 @!p0 s2, $0x2;
	s0 =	sor.u32 @!p0 s0, s3;
	[tilespmem:$0xF208] =	vst v0  }
0x11c: {  	[spmem:s5] =	stream.linear.scatter [tilespmem:s6], [sflag:$0x1], $0x2, $0x38;
	[tilespmem:$0x1F6F8] =	vst v63  }
0x11d: {  	s2 =	sadd.s32 @!p0 $0x108, s2;
	s0 =	sshll.u32 @!p0 s0, $0x7  }
0x11e: {  	[spmem:s0] =	stream.linear.scatter @!p0 [tilespmem:s2], [sflag:$0x1], $0x80, $0x38;
	[tilespmem:$0x1F6F8] =	vst v63  }
0x11f: {  	s0 =	simm.s32 @!p0 $0x82  }
0x120: {  	s28 =	simm.s32 $0x1;
	s0 =	simm.s32 @p0 $0x2  }
0x121: {  	_ =	swait.ge [sflag:s28], s0  }
0x122: {  	s0 =	ssub.s32 $0x0, s0;
	[sflag:s28] =	ssyncset.done $0x0  }
0x123: {  	p0 =	sne.s32 s16, $0x0;
	[sflag:s28] =	ssyncadd.s32 s0  }
.Ltmp17:
0x124: {  	_ =	sfence.stream.spmem;
	(pc) =	sbr.rel @p0 .LBB2_39-.Ltmp17, $4  }
0x125: {  	s29 =	simm.s32 $0x3;
	[bflag:$0x0] =	sbarrier.arrive $0xFFFF  }
0x126: {  	s30 =	simm.s32 $0x4;
	[sflag:s29] =	ssyncpa.u1 $0x1  }
0x127: {  	s31 =	simm.s32 $0x3C;
	[sflag:s30] =	ssyncpa.u1 $0x1  }
0x128: {  	s15 =	rddreg [dreg:$0x4];
	[sflag:s31] =	ssyncpa.u1 $0x1  }
0x129: {  	_ =	sfence.stream.spmem;
	s0 =	simm.s32 $0x5  }
0x12a: {  	s2 =	simm.s32 $0x1000;
	s3 =	simm.s32 $0xF218;
	[sflag:s0] =	ssyncpa.u1 $0x0  }
0x12b: {  	[tilespmem:s3], [sflag:$0x5] =	stream.linear.gather [spmem:s2], $0x20, $0x38;
	[tilespmem:$0x1F6F8] =	vst v63  }
0x12c: {  	s26 =	simm.s32 $0x0;
	s28 =	simm.s32 $0xF238  }
0x12d: {  	[tilespmem:s28], [sflag:$0x5] =	stream.linear.gather [spmem:s26], $0x1000, $0x38;
	[tilespmem:$0x1F6F8] =	vst v63  }
0x12e: {  	_ =	swait.ge [sflag:s0], $0x1020  }
0x12f: {  	[sflag:s0] =	ssyncset.done $0x0  }
0x130: {  	s29 =	simm.s32 $0x0;
	[sflag:s0] =	ssyncadd.s32 $0xFFFFEFE0  }
0x131: {  	v0 =	vld.msk [tilespmem:s29+$0xF218], $0x1;
	_ =	sdelay $0x1  }
0x132: {  	s30 =	simm.s32 $0x1  }
0x133: {  	v1 =	vld.msk [tilespmem:s30+$0xF218], $0x1;
	_ =	sdelay $0x1  }
0x134: {  	(v2sf) =	vpush v0, $0x0;
	_ =	sdelay $0x2  }
0x135: {  	(v2sf) =	vpush v1, $0x0;
	_ =	sdelay $0x2  }
0x136: {  	s31 =	simm.s32 $0x2  }
0x137: {  	v0 =	vld.msk [tilespmem:s31+$0xF218], $0x1;
	_ =	sdelay $0x2  }
0x138: {  	s4 =	simm.s32 $0xFFFFFFFF;
	s5 =	simm.s32 $0xFFFFFFFF;
	s0 =	simm.s32 $0xC  }
.LBB2_24:
0x139: {  	s2 =	smov.u32 s5;
	s3 =	smov.u32 s4  }
0x13a: {  	s4 =	sshra.s32 s0, $0x2;
	p1 =	sne.s32 s0, $0x7C;
	s0 =	sadd.s32 $0x4, s0;
	(v2sf) =	vpush v0, $0x0  }
0x13b: {  	v0 =	vld.msk [tilespmem:s4+$0xF218], $0x1  }
.Ltmp18:
0x13c: {  	(pc) =	sbr.rel @p1 .LBB2_24-.Ltmp18, $4  }
0x13d: {  	s5 =	spop (v2sf)  }
0x13e: {  	p2 =	sne.s32 s3, $0xFFFFFFFF;
	s4 =	smov.u32 s5  }
0x13f: {  	p3 =	seq.s32 s5, $0xFFFFFFFF;
	s4 =	smov.u32 @p2 s3  }
0x140: {  	s5 =	smov.u32 @p3 s2;
	s4 =	smov.u32 @p3 s3  }
0x141: {  	(v2sf) =	vpush v0, $0x0;
	_ =	sdelay $0x8  }
0x142: {  	s0 =	spop (v2sf)  }
0x143: {  	p1 =	sne.s32 s4, $0xFFFFFFFF;
	s2 =	smov.u32 s0  }
0x144: {  	s9 =	simm.s32 $0x6;
	p2 =	seq.s32 s0, $0xFFFFFFFF;
	s2 =	smov.u32 @p1 s4  }
0x145: {  	s6 =	simm.s32 $0x0;
	s2 =	smov.u32 @p2 s4;
	s3 =	spop (v2sf)  }
0x146: {  	s0 =	smov.u32 @p2 s5;
	p1 =	sne.s32 s2, $0xFFFFFFFF;
	s4 =	smov.u32 s3  }
.Ltmp19:
0x147: {  	p2 =	seq.s32 s3, $0xFFFFFFFF;
	s4 =	smov.u32 @p1 s2;
	(pc) =	sbr.rel .LBB2_26-.Ltmp19, $4  }
0x148: {  	s10 =	simm.s32 $0xF188;
	s4 =	smov.u32 @p2 s2;
	s7 =	spop (v2sf)  }
0x149: {  	s11 =	simm.s32 $0x0;
	p1 =	sne.s32 s4, $0xFFFFFFFF;
	s8 =	smov.u32 s7  }
0x14a: {  	s3 =	smov.u32 @p2 s0;
	p2 =	seq.s32 s7, $0xFFFFFFFF;
	s8 =	smov.u32 @p1 s4  }
0x14b: {  	[sflag:s9] =	ssyncpa.u1 $0x0;
	s7 =	smov.u32 @p2 s3;
	s8 =	smov.u32 @p2 s4  }
.LBB2_32:
0x14c: {  	p1 =	sgt.u32 s12, $0x270F0  }
0x14d: {  	p2 =	seq.s32 @!p1 s12, s8  }
0x14e: {  	p1 =	por p1, p2  }
0x14f: {  	p2 =	sne.s32 @!p1 s12, s7  }
0x150: {  	p1 =	por p1, !p2  }
0x151: {  	s0 =	sshll.u32 @p1 s11, $0x9  }
0x152: {  	s0 =	sand.u32 @!p1 $0x3FFF8, s12  }
0x153: {  	s2 =	sand.u32 @!p1 $0x7, s12;
	s0 =	sadd.s32 @!p1 s1, s0  }
0x154: {  	[tilespmem:s10], [sflag:$0x6] =	stream.linear.gather @!p1 [hbm4b:s0+s2], $0x80, $0x38;
	[tilespmem:$0x1F6F8] =	vst v63  }
0x155: {  	_ =	swait.ge @!p1 [sflag:s9], $0x80  }
0x156: {  	[sflag:s9] =	ssyncset.done @!p1 $0x0  }
0x157: {  	[sflag:s9] =	ssyncadd.s32 @!p1 $0xFFFFFF80  }
0x158: {  	v1 =	vld @!p1 [tilespmem:$0xF188];
	_ =	sdelay $0x2  }
0x159: {  	s0 =	sshll.u32 @!p1 s11, $0x9  }
0x15a: {  	s2 =	sshrl.u32 @!p1 s0, $0x2  }
0x15b: {  	[tilespmem:s2+$0xF238] =	vst.add.f32.msk @!p1 $0xffff, v1  }
0x15c: {  	v1 =	vld @!p1 [tilespmem:$0xF198];
	_ =	sdelay $0x4  }
0x15d: {  	[tilespmem:s2+$0xF248] =	vst.add.f32.msk @!p1 $0xffff, v1  }
0x15e: {  	v1 =	vld @!p1 [tilespmem:$0xF1A8];
	_ =	sdelay $0x4  }
0x15f: {  	[tilespmem:s2+$0xF258] =	vst.add.f32.msk @!p1 $0xffff, v1  }
0x160: {  	v1 =	vld @!p1 [tilespmem:$0xF1B8];
	_ =	sdelay $0x4  }
0x161: {  	[tilespmem:s2+$0xF268] =	vst.add.f32.msk @!p1 $0xffff, v1  }
0x162: {  	v1 =	vld @!p1 [tilespmem:$0xF1C8];
	_ =	sdelay $0x4  }
0x163: {  	[tilespmem:s2+$0xF278] =	vst.add.f32.msk @!p1 $0xffff, v1  }
0x164: {  	v1 =	vld @!p1 [tilespmem:$0xF1D8];
	_ =	sdelay $0x4  }
0x165: {  	[tilespmem:s2+$0xF288] =	vst.add.f32.msk @!p1 $0xffff, v1  }
0x166: {  	v1 =	vld @!p1 [tilespmem:$0xF1E8];
	_ =	sdelay $0x4  }
0x167: {  	[tilespmem:s2+$0xF298] =	vst.add.f32.msk @!p1 $0xffff, v1  }
0x168: {  	v1 =	vld @!p1 [tilespmem:$0xF1F8];
	_ =	sdelay $0x4  }
0x169: {  	[tilespmem:s2+$0xF2A8] =	vst.add.f32.msk @!p1 $0xffff, v1  }
0x16a: {  	s0 =	sshrl.u32 s0, $0x2;
	[tilespmem:s6+$0xF218] =	vst.msk $0x1, v0  }
0x16b: {  	v0 =	vld [tilespmem:s0+$0xF238];
	_ =	sdelay $0x2  }
0x16c: {  	s31 =	sshll.u32 s6, $0x9  }
0x16d: {  	s2 =	sshra.s32 s31, $0x2  }
0x16e: {  	[tilespmem:s2+$0xF238] =	vst v0  }
0x16f: {  	v0 =	vld [tilespmem:s0+$0xF248];
	_ =	sdelay $0x4  }
0x170: {  	[tilespmem:s2+$0xF248] =	vst v0  }
0x171: {  	v0 =	vld [tilespmem:s0+$0xF258];
	_ =	sdelay $0x4  }
0x172: {  	[tilespmem:s2+$0xF258] =	vst v0  }
0x173: {  	v0 =	vld [tilespmem:s0+$0xF268];
	_ =	sdelay $0x4  }
0x174: {  	[tilespmem:s2+$0xF268] =	vst v0  }
0x175: {  	v0 =	vld [tilespmem:s0+$0xF278];
	_ =	sdelay $0x4  }
0x176: {  	[tilespmem:s2+$0xF278] =	vst v0  }
0x177: {  	v0 =	vld [tilespmem:s0+$0xF288];
	_ =	sdelay $0x4  }
0x178: {  	[tilespmem:s2+$0xF288] =	vst v0  }
0x179: {  	v0 =	vld [tilespmem:s0+$0xF298];
	_ =	sdelay $0x4  }
0x17a: {  	[tilespmem:s2+$0xF298] =	vst v0  }
0x17b: {  	v0 =	vld [tilespmem:s0+$0xF2A8];
	_ =	sdelay $0x4  }
0x17c: {  	s6 =	sadd.s32 $0x1, s6;
	[tilespmem:s2+$0xF2A8] =	vst v0  }
.LBB2_33:
0x17d: {  	s11 =	sadd.s32 $0x1, s11  }
0x17e: {  	p1 =	sne.s32 s11, $0x20  }
.Ltmp20:
0x17f: {  	_ = 	snop;
	(pc) =	sbr.rel @!p1 .LBB2_34-.Ltmp20, $1  }
0x180: {  	_ =	sdelay $0x3  }
.LBB2_26:
0x181: {  	v0 =	vld.msk [tilespmem:s11+$0xF218], $0x1;
	_ =	sdelay $0x4  }
0x182: {  	(v2sf) =	vpush v0, $0x0;
	_ =	sdelay $0xe  }
0x183: {  	s12 =	spop (v2sf)  }
0x184: {  	p1 =	seq.s32 s12, $0xFFFFFFFF  }
.Ltmp21:
0x185: {  	_ = 	snop;
	(pc) =	sbr.rel @p1 .LBB2_33-.Ltmp21, $1  }
0x186: {  	_ =	sdelay $0x3  }
0x187: {  	p1 =	slt.s32 s6, $0x1  }
.Ltmp22:
0x188: {  	_ = 	snop;
	(pc) =	sbr.rel @p1 .LBB2_32-.Ltmp22, $1  }
0x189: {  	_ =	sdelay $0x3  }
0x18a: {  	s13 =	simm.s32 $0xF218;
	p1 =	por $0x0, $0x0  }
0x18b: {  	v1 =	vld.msk @!p1 [tilespmem:s13+$0x0], $0x1;
	_ =	sdelay $0x4  }
0x18c: {  	(v2sf) =	vpush @!p1 v1, $0x0;
	_ =	sdelay $0xd  }
0x18d: {  	p3 =	sne.s32 s6, $0x1  }
.Ltmp23:
0x18e: {  	s0 =	spop @!p1 (v2sf);
	(pc) =	sbr.rel @!p3 .LBB2_30-.Ltmp23, $4  }
0x18f: {  	p2 =	seq.s32 @!p1 s12, s0  }
0x190: {  	s14 =	simm.s32 $0x0;
	p2 =	por !p2, p1  }
0x191: {  	s2 =	simm.s32 $0xFFFFFFFF;
	s14 =	simm.s32 @p2 $0xFFFFFFFF  }
0x192: {  	s0 =	simm.s32 $0x1;
	s14 =	smov.u32 @p1 s2  }
.LBB2_29:
0x193: {  	s2 =	smov.u32 s14;
	p1 =	sne.s32 s14, $0xFFFFFFFF  }
0x194: {  	s13 =	sadd.s32 $0x1, s13;
	s14 =	smov.u32 s0;
	s0 =	sadd.s32 $0x1, s0  }
0x195: {  	p2 =	sne.s32 s6, s0;
	v1 =	vld.msk @!p1 [tilespmem:s13+$0x0], $0x1;
	_ =	sdelay $0x4  }
0x196: {  	(v2sf) =	vpush @!p1 v1, $0x0;
	_ =	sdelay $0xe  }
.Ltmp24:
0x197: {  	s3 =	spop @!p1 (v2sf);
	(pc) =	sbr.rel @p2 .LBB2_29-.Ltmp24, $4  }
0x198: {  	p3 =	seq.s32 @!p1 s12, s3  }
0x199: {  	p3 =	por !p3, p1  }
0x19a: {  	s14 =	simm.s32 @p3 $0xFFFFFFFF  }
0x19b: {  	s14 =	smov.u32 @p1 s2  }
.LBB2_30:
0x19c: {  	p1 =	seq.s32 s14, $0xFFFFFFFF  }
.Ltmp25:
0x19d: {  	_ = 	snop;
	(pc) =	sbr.rel @p1 .LBB2_32-.Ltmp25, $1  }
0x19e: {  	_ =	sdelay $0x3  }
0x19f: {  	s0 =	sshll.u32 s11, $0x7  }
0x1a0: {  	s0 =	sand.u32 $0x3FFFFF80, s0  }
0x1a1: {  	v0 =	vld [tilespmem:s0+$0xF238];
	_ =	sdelay $0x2  }
0x1a2: {  	s2 =	sshll.u32 s14, $0x9  }
0x1a3: {  	s2 =	sshra.s32 s2, $0x2  }
0x1a4: {  	[tilespmem:s2+$0xF238] =	vst.add.f32.msk $0xffff, v0  }
0x1a5: {  	v0 =	vld [tilespmem:s0+$0xF248];
	_ =	sdelay $0x4  }
0x1a6: {  	[tilespmem:s2+$0xF248] =	vst.add.f32.msk $0xffff, v0  }
0x1a7: {  	v0 =	vld [tilespmem:s0+$0xF258];
	_ =	sdelay $0x4  }
0x1a8: {  	[tilespmem:s2+$0xF258] =	vst.add.f32.msk $0xffff, v0  }
0x1a9: {  	v0 =	vld [tilespmem:s0+$0xF268];
	_ =	sdelay $0x4  }
0x1aa: {  	[tilespmem:s2+$0xF268] =	vst.add.f32.msk $0xffff, v0  }
0x1ab: {  	v0 =	vld [tilespmem:s0+$0xF278];
	_ =	sdelay $0x4  }
0x1ac: {  	[tilespmem:s2+$0xF278] =	vst.add.f32.msk $0xffff, v0  }
0x1ad: {  	v0 =	vld [tilespmem:s0+$0xF288];
	_ =	sdelay $0x4  }
0x1ae: {  	[tilespmem:s2+$0xF288] =	vst.add.f32.msk $0xffff, v0  }
0x1af: {  	v0 =	vld [tilespmem:s0+$0xF298];
	_ =	sdelay $0x4  }
0x1b0: {  	[tilespmem:s2+$0xF298] =	vst.add.f32.msk $0xffff, v0  }
0x1b1: {  	v0 =	vld [tilespmem:s0+$0xF2A8]  }
.Ltmp26:
0x1b2: {  	_ = 	snop;
	(pc) =	sbr.rel .LBB2_33-.Ltmp26, $2  }
0x1b3: {  	_ =	sdelay $0x2  }
0x1b4: {  	[tilespmem:s2+$0xF2A8] =	vst.add.f32.msk $0xffff, v0  }
.LBB2_34:
0x1b5: {  	s0 =	simm.s32 $0x6;
	p1 =	seq.s32 s6, $0x0  }
0x1b6: {  	[sflag:s0] =	ssyncpa.u1 $0x1;
	v0 =	vimm.s32 @p1 $0xFFFFFFFF  }
0x1b7: {  	s9 =	sadd.s32 $0xFFFFFFFF, s6;
	[tilespmem:$0x10238] =	vst @p1 v0  }
0x1b8: {  	v0 =	vld.msk @!p1 [tilespmem:s9+$0xF218], $0x1;
	_ =	sdelay $0x1  }
0x1b9: {  	v1 =	vld.msk @!p1 [tilespmem:$0xF218], $0x1;
	_ =	sdelay $0x2  }
0x1ba: {  	p2 =	seq.s32 @!p1 s9, $0x0;
	v0 =	vbroadcast @!p1 v0, $0x0  }
0x1bb: {  	vm0 =	vmmov @!p1 $0x1;
	p2 =	por !p2, p1  }
0x1bc: {  	v1 =	vnsel @!p1 vm0, $0xFFFFFFFF, v1;
	vm0 =	vcmask @!p1 $0x308;
	v0 =	vpsel !p2, $0xFFFFFFFF, v0  }
0x1bd: {  	p2 =	sne.s32 @!p1 s8, s7;
	v0 =	vsel @!p1 vm0, v1, v0  }
0x1be: {  	s0 =	simm.s32 @!p1 $0xF238;
	s2 =	simm.s32 @!p1 $0x0;
	p3 =	por !p2, p1;
	[tilespmem:$0x10238] =	vst @!p1 v0  }
0x1bf: {  	[spmem:s2] =	stream.linear.scatter @!p1 [tilespmem:s0], [sflag:$0x1], $0x80, $0x38;
	[tilespmem:$0x1F6F8] =	vst v63  }
0x1c0: {  	s0 =	sshll.u32 @!p3 s9, $0x9  }
0x1c1: {  	s0 =	sshra.s32 @!p3 s0, $0x2  }
0x1c2: {  	s2 =	simm.s32 @!p3 $0x80;
	s0 =	sadd.s32 @!p3 $0xF238, s0  }
0x1c3: {  	[spmem:s2] =	stream.linear.scatter @!p3 [tilespmem:s0], [sflag:$0x1], $0x80, $0x38;
	[tilespmem:$0x1F6F8] =	vst v63  }
0x1c4: {  	s0 =	simm.s32 @!p3 $0x1  }
0x1c5: {  	_ =	swait.ge @!p3 [sflag:s0], $0x100  }
0x1c6: {  	p1 =	por p2, p1;
	[sflag:s0] =	ssyncset.done @!p3 $0x0  }
0x1c7: {  	[sflag:s0] =	ssyncadd.s32 @!p3 $0xFFFFFF00;
	s0 =	simm.s32 @!p1 $0x1  }
0x1c8: {  	_ =	swait.ge @!p1 [sflag:s0], $0x80  }
0x1c9: {  	s29 =	simm.s32 $0x10238;
	[sflag:s0] =	ssyncset.done @!p1 $0x0  }
0x1ca: {  	s30 =	simm.s32 $0x1000;
	s31 =	simm.s32 $0x1;
	[sflag:s0] =	ssyncadd.s32 @!p1 $0xFFFFFF80  }
0x1cb: {  	[spmem:s30] =	stream.linear.scatter [tilespmem:s29], [sflag:$0x1], $0x10, $0x38;
	[tilespmem:$0x1F6F8] =	vst v63  }
0x1cc: {  	_ =	swait.ge [sflag:s31], $0x10  }
0x1cd: {  	[sflag:s31] =	ssyncset.done $0x0  }
0x1ce: {  	p1 =	seq.s32 s15, $0x0;
	s8 =	rddreg [dreg:$0x1];
	[sflag:s31] =	ssyncadd.s32 $0xFFFFFFF0  }
0x1cf: {  	s2 =	sshll.u32 @p1 s8, $0xE;
	s7 =	rddreg [dreg:$0x2]  }
0x1d0: {  	s0 =	sadd.s32 @p1 $0x15C3C, s2;
	s2 =	sshll.u32 @p1 s7, $0x11  }
0x1d1: {  	_ =	sfence.stream.spmem;
	s0 =	sor.u32 @p1 s2, s0  }
0x1d2: {  	[sflag:s0] =	ssyncadd.remote.s32 @p1 $0x1;
	s0 =	simm.s32 @p1 $0x4  }
0x1d3: {  	s3 =	simm.s32 @!p1 $0x3C;
	s2 =	sand.u32 $0xFFFFFFFE, s8;
	_ =	swait.ge @p1 [sflag:s0], $0x22  }
0x1d4: {  	s4 =	simm.s32 @!p1 $0x0;
	s2 =	sadd.s32 @!p1 $0x4, s2;
	[sflag:s0] =	ssyncset.done @p1 $0x0  }
0x1d5: {  	s5 =	simm.s32 @!p1 $0x100;
	[sflag:s0] =	ssyncadd.s32 @p1 $0xFFFFFFDE;
	s0 =	sshll.u32 @!p1 s2, $0x1A  }
0x1d6: {  	s2 =	sshll.u32 @!p1 s2, $0xD;
	s0 =	sor.u32 @!p1 s0, s7;
	_ =	swait.eq @!p1 [sflag:s3], $0x1  }
0x1d7: {  	s2 =	sor.u32 @!p1 $0x1C04, s2;
	s3 =	simm.s32 @!p1 $0x1C03;
	s0 =	sor.u32 @!p1 $0x80004000, s0  }
0x1d8: {  	[spmem:s5], [sflag:s2] =	dma.general @!p1 [spmem:s4], [sflag:s3], length:$0x20, [dreg:$0x0], stride_count:$0x0, ici_dest:s0, dma_misc:DstOpCode:WRITE  }
0x1d9: {  	p2 =	slt.s32 s9, $0x2;
	s4 =	simm.s32 @!p1 $0x200;
	s5 =	simm.s32 @!p1 $0x202  }
0x1da: {  	[spmem:s5], [sflag:s2] =	dma.general @!p1 [spmem:s4], [sflag:s3], length:$0x2, [dreg:$0x0], stride_count:$0x0, ici_dest:s0, dma_misc:DstOpCode:WRITE  }
.Ltmp27:
0x1db: {  	s0 =	simm.s32 @!p1 $0x3;
	(pc) =	sbr.rel @p2 .LBB2_38-.Ltmp27, $4  }
0x1dc: {  	s2 =	sshll.u32 @!p1 s8, $0xE;
	_ =	swait.ge @!p1 [sflag:s0], $0x22  }
0x1dd: {  	s3 =	sshll.u32 @!p1 s7, $0x11;
	s2 =	sadd.s32 @!p1 $0x11C3C, s2;
	[sflag:s0] =	ssyncset.done @!p1 $0x0  }
0x1de: {  	[sflag:s0] =	ssyncadd.s32 @!p1 $0xFFFFFFDE;
	s0 =	sor.u32 @!p1 s3, s2  }
0x1df: {  	[sflag:s0] =	ssyncadd.remote.s32 @!p1 $0xFFFFFFFF;
	s0 =	simm.s32 $0x0  }
0x1e0: {  	s0 =	simm.s32 $0xF219  }
0x1e1: {  	v0 =	vld.msk [tilespmem:s0+$0x0], $0x1;
	_ =	sdelay $0x4  }
0x1e2: {  	(v2sf) =	vpush v0, $0x0;
	_ =	sdelay $0xb  }
0x1e3: {  	s31 =	sadd.s32 $0xFFFFFFFE, s6  }
0x1e4: {  	s0 =	sadd.s32 $0xFFFFFFFF, s31  }
0x1e5: {  	p2 =	sne.s32 s0, $0x0  }
.Ltmp28:
0x1e6: {  	s2 =	spop (v2sf);
	(pc) =	sbr.rel @!p2 .LBB2_37-.Ltmp28, $4  }
0x1e7: {  	s4 =	simm.s32 $0xF2B8;
	s7 =	simm.s32 $0x0;
	p1 =	sgt.u32 s2, $0x270F0  }
0x1e8: {  	s5 =	simm.s32 $0x0;
	s6 =	simm.s32 $0xF21A;
	s3 =	sand.u32 @!p1 $0x3FFF8, s2  }
0x1e9: {  	s2 =	sand.u32 @!p1 $0x7, s2;
	s7 =	simm.s32 @!p1 $0x200;
	s3 =	sadd.s32 @!p1 s1, s3  }
0x1ea: {  	[hbm4b:s3+s2] =	stream.linear.scatter @!p1 [tilespmem:s4], [sflag:$0x5], $0x80, $0x38;
	[tilespmem:$0x1F6F8] =	vst v63  }
.LBB2_36:
0x1eb: {  	v0 =	vld.msk [tilespmem:s6+$0x0], $0x1;
	s0 =	sadd.s32 $0xFFFFFFFF, s0;
	s5 =	sadd.s32 s5, s7  }
0x1ec: {  	p1 =	sne.s32 s0, $0x0;
	_ =	sdelay $0x3  }
0x1ed: {  	(v2sf) =	vpush v0, $0x0;
	_ =	sdelay $0xe  }
.Ltmp29:
0x1ee: {  	s2 =	spop (v2sf);
	(pc) =	sbr.rel @p1 .LBB2_36-.Ltmp29, $4  }
0x1ef: {  	s7 =	simm.s32 $0x0;
	p2 =	sgt.u32 s2, $0x270F0  }
0x1f0: {  	s4 =	sadd.s32 $0x80, s4;
	s7 =	simm.s32 @!p2 $0x200;
	s3 =	sand.u32 @!p2 $0x3FFF8, s2  }
0x1f1: {  	s6 =	sadd.s32 $0x1, s6;
	s2 =	sand.u32 @!p2 $0x7, s2;
	s3 =	sadd.s32 @!p2 s1, s3  }
0x1f2: {  	[hbm4b:s3+s2] =	stream.linear.scatter @!p2 [tilespmem:s4], [sflag:$0x5], $0x80, $0x38;
	[tilespmem:$0x1F6F8] =	vst v63  }
.LBB2_37:
0x1f3: {  	s0 =	sadd.s32 s5, s7  }
0x1f4: {  	s0 =	sshrl.u32 s0, $0x2  }
.LBB2_38:
0x1f5: {  	s2 =	simm.s32 $0x5  }
0x1f6: {  	_ =	swait.ge [sflag:s2], s0  }
0x1f7: {  	s31 =	ssub.s32 $0x0, s0;
	[sflag:s2] =	ssyncset.done $0x0  }
0x1f8: {  	[sflag:s2] =	ssyncadd.s32 s31  }
0x1f9: {  	[sflag:s2] =	ssyncpa.u1 $0x1  }
.LBB2_39:
0x1fa: {  	s0 =	sor.u32 s15, s16  }
0x1fb: {  	p1 =	sne.s32 s0, $0x0  }
.Ltmp30:
0x1fc: {  	_ = 	snop;
	(pc) =	sbr.rel @p1 .LBB2_54-.Ltmp30, $3  }
0x1fd: {  	_ =	sdelay $0x1  }
0x1fe: {  	[bflag:$0x0] =	sbarrier.arrive $0xFFFF  }
0x1ff: {  	_ =	sfence  }
0x200: {  	s0 =	simm.s32 $0x7  }
0x201: {  	s2 =	simm.s32 $0x1000;
	s3 =	simm.s32 $0xF218;
	[sflag:s0] =	ssyncpa.u1 $0x0  }
0x202: {  	[tilespmem:s3], [sflag:$0x7] =	stream.linear.gather [spmem:s2], $0x20, $0x38;
	[tilespmem:$0x1F6F8] =	vst v63  }
0x203: {  	s30 =	simm.s32 $0xF238;
	s2 =	simm.s32 $0x0  }
0x204: {  	[tilespmem:s30], [sflag:$0x7] =	stream.linear.gather [spmem:s2], $0x1000, $0x38;
	[tilespmem:$0x1F6F8] =	vst v63  }
.Ltmp31:
0x205: {  	_ = 	snop;
	(pc) =	sbr.rel .LBB2_41-.Ltmp31, $4  }
0x206: {  	_ =	swait.ge [sflag:s0], $0x1020  }
0x207: {  	[sflag:s0] =	ssyncset.done $0x0  }
0x208: {  	s31 =	simm.s32 $0x8;
	[sflag:s0] =	ssyncadd.s32 $0xFFFFEFE0  }
0x209: {  	s3 =	simm.s32 $0x0;
	[sflag:s31] =	ssyncpa.u1 $0x0  }
.LBB2_47:
0x20a: {  	p1 =	slt.u32 s4, $0x270F1  }
0x20b: {  	s0 =	sand.u32 @p1 $0x3FFF8, s4  }
0x20c: {  	s4 =	sand.u32 @p1 $0x7, s4;
	s5 =	simm.s32 @p1 $0xF188;
	s0 =	sadd.s32 @p1 s1, s0  }
0x20d: {  	[tilespmem:s5], [sflag:$0x8] =	stream.linear.gather @p1 [hbm4b:s0+s4], $0x80, $0x38;
	[tilespmem:$0x1F6F8] =	vst v63  }
0x20e: {  	s0 =	simm.s32 @p1 $0x8  }
0x20f: {  	_ =	swait.ge @p1 [sflag:s0], $0x80  }
0x210: {  	[sflag:s0] =	ssyncset.done @p1 $0x0  }
0x211: {  	[sflag:s0] =	ssyncadd.s32 @p1 $0xFFFFFF80  }
0x212: {  	v1 =	vld @p1 [tilespmem:$0xF188];
	_ =	sdelay $0x2  }
0x213: {  	s0 =	sshll.u32 @p1 s3, $0x9  }
0x214: {  	s4 =	sshrl.u32 @p1 s0, $0x2  }
0x215: {  	[tilespmem:s4+$0xF238] =	vst.add.f32.msk @p1 $0xffff, v1  }
0x216: {  	v1 =	vld @p1 [tilespmem:$0xF198];
	_ =	sdelay $0x4  }
0x217: {  	[tilespmem:s4+$0xF248] =	vst.add.f32.msk @p1 $0xffff, v1  }
0x218: {  	v1 =	vld @p1 [tilespmem:$0xF1A8];
	_ =	sdelay $0x4  }
0x219: {  	[tilespmem:s4+$0xF258] =	vst.add.f32.msk @p1 $0xffff, v1  }
0x21a: {  	v1 =	vld @p1 [tilespmem:$0xF1B8];
	_ =	sdelay $0x4  }
0x21b: {  	[tilespmem:s4+$0xF268] =	vst.add.f32.msk @p1 $0xffff, v1  }
0x21c: {  	v1 =	vld @p1 [tilespmem:$0xF1C8];
	_ =	sdelay $0x4  }
0x21d: {  	[tilespmem:s4+$0xF278] =	vst.add.f32.msk @p1 $0xffff, v1  }
0x21e: {  	v1 =	vld @p1 [tilespmem:$0xF1D8];
	_ =	sdelay $0x4  }
0x21f: {  	[tilespmem:s4+$0xF288] =	vst.add.f32.msk @p1 $0xffff, v1  }
0x220: {  	v1 =	vld @p1 [tilespmem:$0xF1E8];
	_ =	sdelay $0x4  }
0x221: {  	[tilespmem:s4+$0xF298] =	vst.add.f32.msk @p1 $0xffff, v1  }
0x222: {  	v1 =	vld @p1 [tilespmem:$0xF1F8];
	_ =	sdelay $0x3  }
0x223: {  	s5 =	sshll.u32 @!p1 s3, $0x9  }
0x224: {  	s5 =	smov.u32 @p1 s0;
	[tilespmem:s4+$0xF2A8] =	vst.add.f32.msk @p1 $0xffff, v1  }
0x225: {  	s0 =	sshrl.u32 s5, $0x2;
	[tilespmem:s2+$0xF218] =	vst.msk $0x1, v0  }
0x226: {  	v0 =	vld [tilespmem:s0+$0xF238];
	_ =	sdelay $0x2  }
0x227: {  	s31 =	sshll.u32 s2, $0x9  }
0x228: {  	s4 =	sshra.s32 s31, $0x2  }
0x229: {  	[tilespmem:s4+$0xF238] =	vst v0  }
0x22a: {  	v0 =	vld [tilespmem:s0+$0xF248];
	_ =	sdelay $0x4  }
0x22b: {  	[tilespmem:s4+$0xF248] =	vst v0  }
0x22c: {  	v0 =	vld [tilespmem:s0+$0xF258];
	_ =	sdelay $0x4  }
0x22d: {  	[tilespmem:s4+$0xF258] =	vst v0  }
0x22e: {  	v0 =	vld [tilespmem:s0+$0xF268];
	_ =	sdelay $0x4  }
0x22f: {  	[tilespmem:s4+$0xF268] =	vst v0  }
0x230: {  	v0 =	vld [tilespmem:s0+$0xF278];
	_ =	sdelay $0x4  }
0x231: {  	[tilespmem:s4+$0xF278] =	vst v0  }
0x232: {  	v0 =	vld [tilespmem:s0+$0xF288];
	_ =	sdelay $0x4  }
0x233: {  	[tilespmem:s4+$0xF288] =	vst v0  }
0x234: {  	v0 =	vld [tilespmem:s0+$0xF298];
	_ =	sdelay $0x4  }
0x235: {  	[tilespmem:s4+$0xF298] =	vst v0  }
0x236: {  	v0 =	vld [tilespmem:s0+$0xF2A8];
	_ =	sdelay $0x4  }
0x237: {  	s2 =	sadd.s32 $0x1, s2;
	[tilespmem:s4+$0xF2A8] =	vst v0  }
.LBB2_48:
0x238: {  	s3 =	sadd.s32 $0x1, s3  }
0x239: {  	p1 =	sne.s32 s3, $0x20  }
.Ltmp32:
0x23a: {  	_ = 	snop;
	(pc) =	sbr.rel @!p1 .LBB2_49-.Ltmp32, $1  }
0x23b: {  	_ =	sdelay $0x3  }
.LBB2_41:
0x23c: {  	v0 =	vld.msk [tilespmem:s3+$0xF218], $0x1;
	_ =	sdelay $0x4  }
0x23d: {  	(v2sf) =	vpush v0, $0x0;
	_ =	sdelay $0xe  }
0x23e: {  	s4 =	spop (v2sf)  }
0x23f: {  	p1 =	seq.s32 s4, $0xFFFFFFFF  }
.Ltmp33:
0x240: {  	_ = 	snop;
	(pc) =	sbr.rel @p1 .LBB2_48-.Ltmp33, $1  }
0x241: {  	_ =	sdelay $0x3  }
0x242: {  	p1 =	slt.s32 s2, $0x1  }
.Ltmp34:
0x243: {  	_ = 	snop;
	(pc) =	sbr.rel @p1 .LBB2_47-.Ltmp34, $1  }
0x244: {  	_ =	sdelay $0x3  }
0x245: {  	s5 =	simm.s32 $0xF218;
	p1 =	por $0x0, $0x0  }
0x246: {  	v1 =	vld.msk @!p1 [tilespmem:s5+$0x0], $0x1;
	_ =	sdelay $0x4  }
0x247: {  	(v2sf) =	vpush @!p1 v1, $0x0;
	_ =	sdelay $0xd  }
0x248: {  	p3 =	sne.s32 s2, $0x1  }
.Ltmp35:
0x249: {  	s0 =	spop @!p1 (v2sf);
	(pc) =	sbr.rel @!p3 .LBB2_45-.Ltmp35, $4  }
0x24a: {  	p2 =	seq.s32 @!p1 s4, s0  }
0x24b: {  	s6 =	simm.s32 $0x0;
	p2 =	por !p2, p1  }
0x24c: {  	s7 =	simm.s32 $0xFFFFFFFF;
	s6 =	simm.s32 @p2 $0xFFFFFFFF  }
0x24d: {  	s0 =	simm.s32 $0x1;
	s6 =	smov.u32 @p1 s7  }
.LBB2_44:
0x24e: {  	s7 =	smov.u32 s6;
	p1 =	sne.s32 s6, $0xFFFFFFFF  }
0x24f: {  	s5 =	sadd.s32 $0x1, s5;
	s6 =	smov.u32 s0;
	s0 =	sadd.s32 $0x1, s0  }
0x250: {  	p2 =	sne.s32 s2, s0;
	v1 =	vld.msk @!p1 [tilespmem:s5+$0x0], $0x1;
	_ =	sdelay $0x4  }
0x251: {  	(v2sf) =	vpush @!p1 v1, $0x0;
	_ =	sdelay $0xe  }
.Ltmp36:
0x252: {  	s8 =	spop @!p1 (v2sf);
	(pc) =	sbr.rel @p2 .LBB2_44-.Ltmp36, $4  }
0x253: {  	p3 =	seq.s32 @!p1 s4, s8  }
0x254: {  	p3 =	por !p3, p1  }
0x255: {  	s6 =	simm.s32 @p3 $0xFFFFFFFF  }
0x256: {  	s6 =	smov.u32 @p1 s7  }
.LBB2_45:
0x257: {  	p1 =	seq.s32 s6, $0xFFFFFFFF  }
.Ltmp37:
0x258: {  	_ = 	snop;
	(pc) =	sbr.rel @p1 .LBB2_47-.Ltmp37, $1  }
0x259: {  	_ =	sdelay $0x3  }
0x25a: {  	s0 =	sshll.u32 s3, $0x7  }
0x25b: {  	s0 =	sand.u32 $0x3FFFFF80, s0  }
0x25c: {  	v0 =	vld [tilespmem:s0+$0xF238];
	_ =	sdelay $0x2  }
0x25d: {  	s4 =	sshll.u32 s6, $0x9  }
0x25e: {  	s4 =	sshra.s32 s4, $0x2  }
0x25f: {  	[tilespmem:s4+$0xF238] =	vst.add.f32.msk $0xffff, v0  }
0x260: {  	v0 =	vld [tilespmem:s0+$0xF248];
	_ =	sdelay $0x4  }
0x261: {  	[tilespmem:s4+$0xF248] =	vst.add.f32.msk $0xffff, v0  }
0x262: {  	v0 =	vld [tilespmem:s0+$0xF258];
	_ =	sdelay $0x4  }
0x263: {  	[tilespmem:s4+$0xF258] =	vst.add.f32.msk $0xffff, v0  }
0x264: {  	v0 =	vld [tilespmem:s0+$0xF268];
	_ =	sdelay $0x4  }
0x265: {  	[tilespmem:s4+$0xF268] =	vst.add.f32.msk $0xffff, v0  }
0x266: {  	v0 =	vld [tilespmem:s0+$0xF278];
	_ =	sdelay $0x4  }
0x267: {  	[tilespmem:s4+$0xF278] =	vst.add.f32.msk $0xffff, v0  }
0x268: {  	v0 =	vld [tilespmem:s0+$0xF288];
	_ =	sdelay $0x4  }
0x269: {  	[tilespmem:s4+$0xF288] =	vst.add.f32.msk $0xffff, v0  }
0x26a: {  	v0 =	vld [tilespmem:s0+$0xF298];
	_ =	sdelay $0x4  }
0x26b: {  	[tilespmem:s4+$0xF298] =	vst.add.f32.msk $0xffff, v0  }
0x26c: {  	v0 =	vld [tilespmem:s0+$0xF2A8]  }
.Ltmp38:
0x26d: {  	_ = 	snop;
	(pc) =	sbr.rel .LBB2_48-.Ltmp38, $2  }
0x26e: {  	_ =	sdelay $0x2  }
0x26f: {  	[tilespmem:s4+$0xF2A8] =	vst.add.f32.msk $0xffff, v0  }
.LBB2_49:
0x270: {  	p1 =	slt.s32 s2, $0x1  }
.Ltmp39:
0x271: {  	_ = 	snop;
	(pc) =	sbr.rel @p1 .LBB2_53-.Ltmp39, $3  }
0x272: {  	_ =	sdelay $0x1  }
0x273: {  	s0 =	simm.s32 $0x8  }
0x274: {  	s3 =	simm.s32 $0x0;
	[sflag:s0] =	ssyncpa.u1 $0x1  }
0x275: {  	s0 =	simm.s32 $0xF218  }
0x276: {  	v0 =	vld.msk [tilespmem:s0+$0x0], $0x1;
	_ =	sdelay $0x4  }
0x277: {  	(v2sf) =	vpush v0, $0x0;
	_ =	sdelay $0xe  }
0x278: {  	s0 =	sadd.s32 $0xFFFFFFFF, s2;
	s5 =	spop (v2sf)  }
0x279: {  	p2 =	sne.s32 s0, $0x0;
	p1 =	sgt.u32 s5, $0x270F0  }
.Ltmp40:
0x27a: {  	s6 =	sand.u32 @!p1 $0x3FFF8, s5;
	(pc) =	sbr.rel @!p2 .LBB2_52-.Ltmp40, $4  }
0x27b: {  	s4 =	simm.s32 $0xF238;
	s5 =	sand.u32 @!p1 $0x7, s5;
	s2 =	sadd.s32 @!p1 s1, s6  }
0x27c: {  	[hbm4b:s2+s5] =	stream.linear.scatter @!p1 [tilespmem:s4], [sflag:$0x7], $0x80, $0x38;
	[tilespmem:$0x1F6F8] =	vst v63  }
0x27d: {  	s5 =	simm.s32 $0x0  }
0x27e: {  	s2 =	simm.s32 $0xF219;
	s5 =	simm.s32 @!p1 $0x200  }
.LBB2_51:
0x27f: {  	v0 =	vld.msk [tilespmem:s2+$0x0], $0x1;
	s0 =	sadd.s32 $0xFFFFFFFF, s0;
	s3 =	sadd.s32 s3, s5  }
0x280: {  	p1 =	sne.s32 s0, $0x0;
	_ =	sdelay $0x3  }
0x281: {  	(v2sf) =	vpush v0, $0x0;
	_ =	sdelay $0xe  }
.Ltmp41:
0x282: {  	s6 =	spop (v2sf);
	(pc) =	sbr.rel @p1 .LBB2_51-.Ltmp41, $4  }
0x283: {  	s5 =	simm.s32 $0x0;
	p2 =	sgt.u32 s6, $0x270F0  }
0x284: {  	s4 =	sadd.s32 $0x80, s4;
	s5 =	simm.s32 @!p2 $0x200;
	s7 =	sand.u32 @!p2 $0x3FFF8, s6  }
0x285: {  	s2 =	sadd.s32 $0x1, s2;
	s6 =	sand.u32 @!p2 $0x7, s6;
	s7 =	sadd.s32 @!p2 s1, s7  }
0x286: {  	[hbm4b:s7+s6] =	stream.linear.scatter @!p2 [tilespmem:s4], [sflag:$0x7], $0x80, $0x38;
	[tilespmem:$0x1F6F8] =	vst v63  }
.LBB2_52:
0x287: {  	s0 =	sadd.s32 s3, s5  }
0x288: {  	s3 =	sshrl.u32 s0, $0x2  }
.LBB2_53:
0x289: {  	s0 =	simm.s32 $0x7  }
0x28a: {  	_ =	swait.ge [sflag:s0], s3  }
0x28b: {  	s1 =	ssub.s32 $0x0, s3;
	[sflag:s0] =	ssyncset.done $0x0  }
0x28c: {  	[sflag:s0] =	ssyncadd.s32 s1  }
0x28d: {  	[sflag:s0] =	ssyncpa.u1 $0x1  }
.LBB2_54:
0x28e: {  	_ =	sfence;
	s0 =	simm.s32 $0x1  }
0x28f: {  	[sflag:s0] =	ssyncpa.u1 $0x1  }
0x290: {  	_ =	strace $0x90000047  }
0x291: {  	[bflag:$0x2] =	sbarrier.arrive $0xFFFF  }
0x292: {  	s0 =	rddreg [dreg:$0x3]  }
0x293: {  	s0 =	sadd.s32 @!p0 $0x100000, s0  }
0x294: {  	[sflag:s0] =	ssyncadd.tile.s32 @!p0 $0x1;
	_ =	shalt  }
.Lfunc_end2:
_tile_overlayer_lowered:
.L_overlay_start_2:
0x295: {  	(tag) =	ssettag $0x2  }
0x296: {  	s0 =	rddreg [dreg:$0x0];
	s2 =	stileid.u32  }
0x297: {  	s1 =	rddreg [dreg:$0x1];
	p0 =	sne.s32 s2, $0x0  }
0x298: {  	s3 =	rddreg [dreg:$0x2];
	[bflag:$0x3] =	sbarrier.arrive $0xFFFF;
	s2 =	simm.s32 @!p0 $0x1C01  }
0x299: {  	[timem:s3], [sflag:s2] =	dma.local @!p0 [hbm:s0], s1  }
0x29a: {  	s0 =	simm.s32 @!p0 $0x1  }
0x29b: {  	_ =	swait.ge @!p0 [sflag:s0], s1  }
0x29c: {  	s1 =	ssub.s32 @!p0 $0x0, s1;
	[sflag:s0] =	ssyncset.done @!p0 $0x0  }
0x29d: {  	[sflag:s0] =	ssyncadd.s32 @!p0 s1  }
0x29e: {  	[bflag:$0x3] =	sbarrier.arrive $0xFFFF  }
0x29f: {  	_ =	shalt  }

</sc_bundles>
